<compile_context>
chip_gen: v7x
topology: tpu7x:2x2x1
jax: 0.10.2.dev20260603
libtpu: 0.0.44.dev20260713+nightly
codegen_flags: <defaults>
</compile_context>

<pallas_src>
import functools

import jax
import jax.numpy as jnp
from jax import lax
from jax.experimental import pallas as pl
from jax.experimental.pallas import tpu as pltpu
from jax.experimental.pallas import tpu_sc as plsc

B = 4
N = 4096
D_FEAT = 32
KNN = 16
TN = 512
NT = N // TN
P = B * N
NEG_INF = float("-inf")

HB = B // 4
P_SC = HB * N

NC = 2
NS = 16
NW = NC * NS
PTS_PER_W = P_SC // NW
CH = 128
NCHUNK = PTS_PER_W // CH
IDX_PER_CH = CH * KNN
GATHER_GRAIN = 128


def _topk_linear_kernel(pts_ref, ptsT_ref, f_ref, wab_ref, wb_ref, b1_ref,
                        idx_ref, a_ref, c_ref, fr_ref):
    b = pl.program_id(0)
    t = pl.program_id(1)

    p0 = pts_ref[0, 0:1, :]
    p1 = pts_ref[0, 1:2, :]
    p2 = pts_ref[0, 2:3, :]
    xx = p0 * p0 + p1 * p1 + p2 * p2

    q0 = ptsT_ref[0, :, 0:1]
    q1 = ptsT_ref[0, :, 1:2]
    q2 = ptsT_ref[0, :, 2:3]
    xxi = q0 * q0 + q1 * q1 + q2 * q2

    msum = jnp.dot(ptsT_ref[0], pts_ref[0],
                   preferred_element_type=jnp.float32)
    score = (-xxi + 2.0 * msum) - xx

    iota = lax.broadcasted_iota(jnp.int32, (TN, N), 1)
    u = lax.bitcast_convert_type(score, jnp.int32)
    inj = jnp.where(u < 0, iota & 0xFFF, ~iota & 0xFFF)
    packed = lax.bitcast_convert_type((u & ~0xFFF) | inj, jnp.float32)

    base = b * N
    qa = packed[:, :N // 4]
    qb = packed[:, N // 4:N // 2]
    qc = packed[:, N // 2:3 * N // 4]
    qd = packed[:, 3 * N // 4:]
    h1 = jnp.maximum(qa, qb)
    l1 = jnp.minimum(qa, qb)
    h2 = jnp.maximum(qc, qd)
    l2 = jnp.minimum(qc, qd)
    t1 = jnp.maximum(h1, h2)
    t4 = jnp.minimum(l1, l2)
    u1 = jnp.minimum(h1, h2)
    u2 = jnp.maximum(l1, l2)
    t2 = jnp.maximum(u1, u2)
    t3 = jnp.minimum(u1, u2)
    m = jnp.max(t1, axis=1, keepdims=True)
    for s in range(KNN):
        cand = jnp.where(t1 < m, t1,
                         jnp.where(t2 < m, t2,
                                   jnp.where(t3 < m, t3,
                                             jnp.where(t4 < m, t4, NEG_INF))))
        m = jnp.max(cand, axis=1, keepdims=True)
        mi = lax.bitcast_convert_type(m, jnp.int32)
        tail = mi & 0xFFF
        idx_ref[0, :, s:s + 1] = jnp.where(mi < 0, tail, 0xFFF - tail) + base

    ft = jnp.transpose(f_ref[0])
    fr_ref[0] = ft
    a_ref[0] = (jnp.dot(ft, wab_ref[...], preferred_element_type=jnp.float32)
                + b1_ref[0:1, :])
    c_ref[0] = jnp.dot(ft, wb_ref[...], preferred_element_type=jnp.float32)


def _run_topk_linear(pts, ptsT, feats, wabT, wbT, b1row):
    return pl.pallas_call(
        _topk_linear_kernel,
        grid=(HB, NT),
        in_specs=[
            pl.BlockSpec((1, 3, N), lambda b, t: (b, 0, 0)),
            pl.BlockSpec((1, TN, 3), lambda b, t: (b, t, 0)),
            pl.BlockSpec((1, D_FEAT, TN), lambda b, t: (b, 0, t)),
            pl.BlockSpec((D_FEAT, D_FEAT), lambda b, t: (0, 0)),
            pl.BlockSpec((D_FEAT, D_FEAT), lambda b, t: (0, 0)),
            pl.BlockSpec((1, D_FEAT), lambda b, t: (0, 0)),
        ],
        out_specs=[
            pl.BlockSpec((1, TN, KNN), lambda b, t: (b, t, 0)),
            pl.BlockSpec((1, TN, D_FEAT), lambda b, t: (b, t, 0)),
            pl.BlockSpec((1, TN, D_FEAT), lambda b, t: (b, t, 0)),
            pl.BlockSpec((1, TN, D_FEAT), lambda b, t: (b, t, 0)),
        ],
        out_shape=[
            jax.ShapeDtypeStruct((HB, N, KNN), jnp.int32),
            jax.ShapeDtypeStruct((HB, N, D_FEAT), jnp.float32),
            jax.ShapeDtypeStruct((HB, N, D_FEAT), jnp.float32),
            jax.ShapeDtypeStruct((HB, N, D_FEAT), jnp.float32),
        ],
    )(pts, ptsT, feats, wabT, wbT, b1row)


def _sc_body(crows_hbm, arows_hbm, frows_hbm, idx_hbm, out_hbm,
             idx_v, rows_v, a_v, f_v, o_v, sem):
    wid = lax.axis_index("s") * NC + lax.axis_index("c")
    base_pt = wid * PTS_PER_W

    def chunk_body(ci, carry):
        pt0 = pl.multiple_of(base_pt + ci * CH, CH)
        row0 = pl.multiple_of(pt0 * KNN // GATHER_GRAIN, IDX_PER_CH // GATHER_GRAIN)
        pltpu.sync_copy(idx_hbm.at[pl.ds(row0, IDX_PER_CH // GATHER_GRAIN)],
                        idx_v)
        copies = []
        for g in range(IDX_PER_CH // GATHER_GRAIN):
            copies.append(pltpu.async_copy(
                crows_hbm.at[idx_v.at[g]],
                rows_v.at[pl.ds(g * GATHER_GRAIN, GATHER_GRAIN)],
                sem))
        pltpu.sync_copy(arows_hbm.at[pl.ds(pt0, CH)], a_v)
        pltpu.sync_copy(frows_hbm.at[pl.ds(pt0, CH)], f_v)
        for cp in copies:
            cp.wait()

        def pt_body(p, c2):
            for h in (0, 16):
                a = a_v[p, pl.ds(h, 16)]
                acc = jnp.zeros((16,), jnp.float32)
                for j in range(KNN):
                    crow = rows_v[p * KNN + j, pl.ds(h, 16)]
                    acc = acc + jnp.maximum(a + crow, 0.0)
                o = jnp.maximum(f_v[p, pl.ds(h, 16)] + acc * (1.0 / KNN), 0.0)
                o_v[p, pl.ds(h, 16)] = o
            return c2

        lax.fori_loop(0, CH, pt_body, 0)
        pltpu.sync_copy(o_v, out_hbm.at[pl.ds(pt0, CH)])
        return carry

    lax.fori_loop(0, NCHUNK, chunk_body, 0)


def _run_sc(crows, arows, frows, idx2d):
    mesh = plsc.VectorSubcoreMesh(core_axis_name="c", subcore_axis_name="s")
    fn = functools.partial(
        pl.kernel, _sc_body, mesh=mesh,
        compiler_params=pltpu.CompilerParams(use_tc_tiling_on_sc=False),
        out_type=jax.ShapeDtypeStruct((P_SC, D_FEAT), jnp.float32),
        scratch_types=[
            pltpu.VMEM((IDX_PER_CH // GATHER_GRAIN, GATHER_GRAIN), jnp.int32),
            pltpu.VMEM((IDX_PER_CH, D_FEAT), jnp.float32),
            pltpu.VMEM((CH, D_FEAT), jnp.float32),
            pltpu.VMEM((CH, D_FEAT), jnp.float32),
            pltpu.VMEM((CH, D_FEAT), jnp.float32),
            pltpu.SemaphoreType.DMA,
        ],
    )()
    return fn(crows, arows, frows, idx2d)


def kernel(points, features, W1, b1):
    ptsT = jnp.transpose(points, (0, 2, 1))
    wa = W1[:, :D_FEAT]
    wb = W1[:, D_FEAT:]
    wabT = jnp.transpose(wa - wb)
    wbT = jnp.transpose(wb)
    b1row = b1.reshape(1, D_FEAT)

    halves = []
    for h in range(B // HB):
        sl = slice(h * HB, (h + 1) * HB)
        idx, arows3, crows3, frows3 = _run_topk_linear(
            points[sl], ptsT[sl], features[sl], wabT, wbT, b1row)
        idx2d = idx.reshape(P_SC * KNN // GATHER_GRAIN, GATHER_GRAIN)
        halves.append(_run_sc(crows3.reshape(P_SC, D_FEAT),
                              arows3.reshape(P_SC, D_FEAT),
                              frows3.reshape(P_SC, D_FEAT),
                              idx2d))
    out_rows = jnp.concatenate(halves, axis=0)
    return jnp.transpose(out_rows.reshape(B, N, D_FEAT), (0, 2, 1))

# --- scband reference (transcript-rebuilt; emitter-appended) ---
"""Pipeline reference for scband-edge-conv-block-43696997269579 (READ-ONLY COPY).

The authoritative reference and input builder live on the scoring server;
editing this copy changes nothing except your own understanding.
"""

import jax, jax.numpy as jnp
import numpy as np

K = 16
IN_FEAT = 32

def knn(x, k):
    # x: [B, d, N]
    inner = -2.0 * jnp.matmul(jnp.transpose(x, (0, 2, 1)), x)
    xx = jnp.sum(x ** 2, axis=1, keepdims=True)
    pairwise_distance = -xx - inner - jnp.transpose(xx, (0, 2, 1))
    _, idx = jax.lax.top_k(pairwise_distance, k + 1)
    return idx[:, :, 1:]

def get_graph_feature_v1(x, k, idx):
    # x: [B, d, N], idx: [B, N, k]
    B, d, N = x.shape
    idx_base = jnp.arange(B).reshape(-1, 1, 1) * N
    idxf = (idx + idx_base).reshape(-1)
    fts = jnp.transpose(x, (0, 2, 1)).reshape(-1, d)
    fts = fts[idxf, :].reshape(B, N, k, d)
    fts = jnp.transpose(fts, (0, 3, 1, 2))
    xe = jnp.repeat(x[:, :, :, None], k, axis=3)
    return jnp.concatenate([xe, fts - xe], axis=1)  # [B, 2d, N, k]

def setup_inputs(seed: int = 0) -> dict:
    key = jax.random.key(seed)
    k1, k2, k3, k4 = jax.random.split(key, 4)
    points = jax.random.normal(k1, (4, 3, 4096), dtype=jnp.float32)
    features = jax.random.normal(k2, (4, 32, 4096), dtype=jnp.float32)
    # Conv2d(2*in_feat -> 32, kernel 1, bias=True since batch_norm=False)
    W1 = jax.random.normal(k3, (32, 64), dtype=jnp.float32) * (1.0 / np.sqrt(64.0))
    b1 = jax.random.normal(k4, (32,), dtype=jnp.float32) * 0.01
    return {"points": points, "features": features, "W1": W1, "b1": b1}

def reference(points, features, W1, b1):
    idx = knn(points, K)
    x = get_graph_feature_v1(features, K, idx)
    # 1x1 Conv2d + ReLU (batch_norm=False -> bn is Identity)
    x = jnp.einsum('oc,bcnk->bonk', W1, x) + b1[None, :, None, None]
    x = jax.nn.relu(x)
    fts = jnp.mean(x, axis=-1)
    # in_feat == out_feats[-1] -> shortcut is Identity (no sc conv / bn)
    sc = features
    return jax.nn.relu(sc + fts)

if __name__ == "__main__":
    import jax
    _d = setup_inputs()
    print(jax.jit(kernel)(*tuple(_d.values())))

</pallas_src>

<mosaic_0001>
#map = affine_map<(d0, d1) -> (0, 0)>
module attributes {stable_mosaic.version = 14 : i64} {
  func.func @_sc_body(%arg0: i32, %arg1: i32, %arg2: memref<4096x32xf32, #tpu.memory_space<hbm>>, %arg3: memref<4096x32xf32, #tpu.memory_space<hbm>>, %arg4: memref<4096x32xf32, #tpu.memory_space<hbm>>, %arg5: memref<512x128xi32, #tpu.memory_space<hbm>>, %arg6: memref<4096x32xf32, #tpu.memory_space<hbm>>, %arg7: memref<16x128xi32, #tpu.memory_space<vmem>>, %arg8: memref<2048x32xf32, #tpu.memory_space<vmem>>, %arg9: memref<128x32xf32, #tpu.memory_space<vmem>>, %arg10: memref<128x32xf32, #tpu.memory_space<vmem>>, %arg11: memref<128x32xf32, #tpu.memory_space<vmem>>, %arg12: memref<!tpu.dma_semaphore, #tpu.memory_space<semaphore_mem>>) attributes {dimension_semantics = [#tpu.dimension_semantics<core_parallel>, #tpu.dimension_semantics<subcore_parallel>], iteration_bounds = array<i64: 2, 16>, scalar_prefetch = 0 : i64, scratch_operands = 6 : i64, tpu.core_type = #tpu.core_type<sc_vector_subcore>, window_params = [{transform_indices = #map}, {transform_indices = #map}, {transform_indices = #map}, {transform_indices = #map}, {transform_indices = #map}]} {
    %mul3A = arith.constant 2 : i32
    %mul3A_0 = arith.muli %arg1, %mul3A : i32
    %add3A = arith.addi %mul3A_0, %arg0 : i32
    %mul3A_1 = arith.constant 128 : i32
    %mul3A_2 = arith.muli %add3A, %mul3A_1 : i32
    %scan3A = arith.constant 0 : i32
    %scan3A_3 = arith.constant 0 : i32
    %mul3A_4 = arith.constant 128 : i32
    %mul3A_5 = arith.muli %scan3A_3, %mul3A_4 : i32
    %add3A_6 = arith.addi %mul3A_2, %mul3A_5 : i32
    %multiple_of3A = tpu.assume_multiple %add3A_6, 128 : i32
    %mul3A_7 = arith.constant 16 : i32
    %mul3A_8 = arith.muli %multiple_of3A, %mul3A_7 : i32
    %jit3A = arith.constant 128 : i32
    %div3A = arith.divsi %mul3A_8, %jit3A : i32
    %sign3A = arith.constant 0 : i32
    %sign3A_9 = arith.cmpi sgt, %mul3A_8, %sign3A : i32
    %sign3A_10 = arith.extui %sign3A_9 : i1 to i32
    %sign3A_11 = arith.constant 0 : i32
    %sign3A_12 = arith.cmpi slt, %mul3A_8, %sign3A_11 : i32
    %sign3A_13 = arith.extui %sign3A_12 : i1 to i32
    %sign3A_14 = arith.subi %sign3A_10, %sign3A_13 : i32
    %sign3A_15 = arith.constant 0 : i32
    %sign3A_16 = arith.cmpi sgt, %jit3A, %sign3A_15 : i32
    %sign3A_17 = arith.extui %sign3A_16 : i1 to i32
    %sign3A_18 = arith.constant 0 : i32
    %sign3A_19 = arith.cmpi slt, %jit3A, %sign3A_18 : i32
    %sign3A_20 = arith.extui %sign3A_19 : i1 to i32
    %sign3A_21 = arith.subi %sign3A_17, %sign3A_20 : i32
    %ne3A = arith.cmpi ne, %sign3A_14, %sign3A_21 : i32
    %rem3A = arith.remsi %mul3A_8, %jit3A : i32
    %ne3A_22 = arith.constant 0 : i32
    %ne3A_23 = arith.cmpi ne, %rem3A, %ne3A_22 : i32
    %and3A = arith.andi %ne3A, %ne3A_23 : i1
    %sub3A = arith.constant 1 : i32
    %sub3A_24 = arith.subi %div3A, %sub3A : i32
    %select_n3A = arith.select %and3A, %sub3A_24, %div3A : i32
    %multiple_of3A_25 = tpu.assume_multiple %select_n3A, 16 : i32
    "tpu.region"() ({
      %run_scoped3A = tpu.sem_alloc : memref<!tpu.dma_semaphore, #tpu.memory_space<semaphore_mem>>
      %dma_start3A_351 = arith.constant 0 : i32
      %dma_start3A_352 = tpu.memref_slice %arg5[%multiple_of3A_25, %dma_start3A_351] : memref<512x128xi32, #tpu.memory_space<hbm>> -> memref<16x128xi32, #tpu.memory_space<hbm>>
      %dma_start3A_353 = arith.constant 0 : i32
      %dma_start3A_354 = tpu.memref_slice %arg5[%multiple_of3A_25, %dma_start3A_353] : memref<512x128xi32, #tpu.memory_space<hbm>> -> memref<16x128xi32, #tpu.memory_space<hbm>>
      tpu.enqueue_dma source(%dma_start3A_354 : memref<16x128xi32, #tpu.memory_space<hbm>>) target(%arg7 : memref<16x128xi32, #tpu.memory_space<vmem>>) target_semaphore(%run_scoped3A : memref<!tpu.dma_semaphore, #tpu.memory_space<semaphore_mem>>)
      %dma_wait3A_355 = arith.constant 0 : i32
      %dma_wait3A_356 = tpu.memref_slice %arg5[%multiple_of3A_25, %dma_wait3A_355] : memref<512x128xi32, #tpu.memory_space<hbm>> -> memref<16x128xi32, #tpu.memory_space<hbm>>
      %dma_wait3A_357 = arith.constant 0 : i32
      %dma_wait3A_358 = tpu.memref_slice %arg5[%multiple_of3A_25, %dma_wait3A_357] : memref<512x128xi32, #tpu.memory_space<hbm>> -> memref<16x128xi32, #tpu.memory_space<hbm>>
      tpu.wait_dma2 semaphore(%run_scoped3A : memref<!tpu.dma_semaphore, #tpu.memory_space<semaphore_mem>>) src(%dma_wait3A_358 : memref<16x128xi32, #tpu.memory_space<hbm>>) dst(%arg7 : memref<16x128xi32, #tpu.memory_space<vmem>>)
      tpu.yield
    }) : () -> ()
    %dma_start3A = arith.constant 0 : i32
    %dma_start3A_26 = arith.constant 0 : i32
    %dma_start3A_27 = arith.constant 0 : i32
    %dma_start3A_28 = tpu.memref_slice %arg8[%dma_start3A_26, %dma_start3A_27] : memref<2048x32xf32, #tpu.memory_space<vmem>> -> memref<128x32xf32, #tpu.memory_space<vmem>>
    %dma_start3A_29 = arith.constant 0 : i32
    %dma_start3A_30 = tpu.memref_slice %arg7[%dma_start3A, %dma_start3A_29] : memref<16x128xi32, #tpu.memory_space<vmem>> -> memref<1x128xi32, #tpu.memory_space<vmem>>
    %dma_start3A_31 = tpu.memref_squeeze %dma_start3A_30 : memref<1x128xi32, #tpu.memory_space<vmem>> -> memref<128xi32, #tpu.memory_space<vmem>>
    %dma_start3A_32 = arith.constant 0 : i32
    %dma_start3A_33 = arith.constant 0 : i32
    %dma_start3A_34 = tpu.memref_slice %arg2[%dma_start3A_32, %dma_start3A_33] : memref<4096x32xf32, #tpu.memory_space<hbm>> -> memref<4096x32xf32, #tpu.memory_space<hbm>>
    tpu.enqueue_indirect_dma source(%dma_start3A_34 : memref<4096x32xf32, #tpu.memory_space<hbm>>) target(%dma_start3A_28 : memref<128x32xf32, #tpu.memory_space<vmem>>) offsets(%dma_start3A_31 : memref<128xi32, #tpu.memory_space<vmem>>) semaphore(%arg12 : memref<!tpu.dma_semaphore, #tpu.memory_space<semaphore_mem>>)
    %dma_start3A_35 = arith.constant 1 : i32
    %dma_start3A_36 = arith.constant 128 : i32
    %dma_start3A_37 = arith.constant 0 : i32
    %dma_start3A_38 = tpu.memref_slice %arg8[%dma_start3A_36, %dma_start3A_37] : memref<2048x32xf32, #tpu.memory_space<vmem>> -> memref<128x32xf32, #tpu.memory_space<vmem>>
    %dma_start3A_39 = arith.constant 0 : i32
    %dma_start3A_40 = tpu.memref_slice %arg7[%dma_start3A_35, %dma_start3A_39] : memref<16x128xi32, #tpu.memory_space<vmem>> -> memref<1x128xi32, #tpu.memory_space<vmem>>
    %dma_start3A_41 = tpu.memref_squeeze %dma_start3A_40 : memref<1x128xi32, #tpu.memory_space<vmem>> -> memref<128xi32, #tpu.memory_space<vmem>>
    %dma_start3A_42 = arith.constant 0 : i32
    %dma_start3A_43 = arith.constant 0 : i32
    %dma_start3A_44 = tpu.memref_slice %arg2[%dma_start3A_42, %dma_start3A_43] : memref<4096x32xf32, #tpu.memory_space<hbm>> -> memref<4096x32xf32, #tpu.memory_space<hbm>>
    tpu.enqueue_indirect_dma source(%dma_start3A_44 : memref<4096x32xf32, #tpu.memory_space<hbm>>) target(%dma_start3A_38 : memref<128x32xf32, #tpu.memory_space<vmem>>) offsets(%dma_start3A_41 : memref<128xi32, #tpu.memory_space<vmem>>) semaphore(%arg12 : memref<!tpu.dma_semaphore, #tpu.memory_space<semaphore_mem>>)
    %dma_start3A_45 = arith.constant 2 : i32
    %dma_start3A_46 = arith.constant 256 : i32
    %dma_start3A_47 = arith.constant 0 : i32
    %dma_start3A_48 = tpu.memref_slice %arg8[%dma_start3A_46, %dma_start3A_47] : memref<2048x32xf32, #tpu.memory_space<vmem>> -> memref<128x32xf32, #tpu.memory_space<vmem>>
    %dma_start3A_49 = arith.constant 0 : i32
    %dma_start3A_50 = tpu.memref_slice %arg7[%dma_start3A_45, %dma_start3A_49] : memref<16x128xi32, #tpu.memory_space<vmem>> -> memref<1x128xi32, #tpu.memory_space<vmem>>
    %dma_start3A_51 = tpu.memref_squeeze %dma_start3A_50 : memref<1x128xi32, #tpu.memory_space<vmem>> -> memref<128xi32, #tpu.memory_space<vmem>>
    %dma_start3A_52 = arith.constant 0 : i32
    %dma_start3A_53 = arith.constant 0 : i32
    %dma_start3A_54 = tpu.memref_slice %arg2[%dma_start3A_52, %dma_start3A_53] : memref<4096x32xf32, #tpu.memory_space<hbm>> -> memref<4096x32xf32, #tpu.memory_space<hbm>>
    tpu.enqueue_indirect_dma source(%dma_start3A_54 : memref<4096x32xf32, #tpu.memory_space<hbm>>) target(%dma_start3A_48 : memref<128x32xf32, #tpu.memory_space<vmem>>) offsets(%dma_start3A_51 : memref<128xi32, #tpu.memory_space<vmem>>) semaphore(%arg12 : memref<!tpu.dma_semaphore, #tpu.memory_space<semaphore_mem>>)
    %dma_start3A_55 = arith.constant 3 : i32
    %dma_start3A_56 = arith.constant 384 : i32
    %dma_start3A_57 = arith.constant 0 : i32
    %dma_start3A_58 = tpu.memref_slice %arg8[%dma_start3A_56, %dma_start3A_57] : memref<2048x32xf32, #tpu.memory_space<vmem>> -> memref<128x32xf32, #tpu.memory_space<vmem>>
    %dma_start3A_59 = arith.constant 0 : i32
    %dma_start3A_60 = tpu.memref_slice %arg7[%dma_start3A_55, %dma_start3A_59] : memref<16x128xi32, #tpu.memory_space<vmem>> -> memref<1x128xi32, #tpu.memory_space<vmem>>
    %dma_start3A_61 = tpu.memref_squeeze %dma_start3A_60 : memref<1x128xi32, #tpu.memory_space<vmem>> -> memref<128xi32, #tpu.memory_space<vmem>>
    %dma_start3A_62 = arith.constant 0 : i32
    %dma_start3A_63 = arith.constant 0 : i32
    %dma_start3A_64 = tpu.memref_slice %arg2[%dma_start3A_62, %dma_start3A_63] : memref<4096x32xf32, #tpu.memory_space<hbm>> -> memref<4096x32xf32, #tpu.memory_space<hbm>>
    tpu.enqueue_indirect_dma source(%dma_start3A_64 : memref<4096x32xf32, #tpu.memory_space<hbm>>) target(%dma_start3A_58 : memref<128x32xf32, #tpu.memory_space<vmem>>) offsets(%dma_start3A_61 : memref<128xi32, #tpu.memory_space<vmem>>) semaphore(%arg12 : memref<!tpu.dma_semaphore, #tpu.memory_space<semaphore_mem>>)
    %dma_start3A_65 = arith.constant 4 : i32
    %dma_start3A_66 = arith.constant 512 : i32
    %dma_start3A_67 = arith.constant 0 : i32
    %dma_start3A_68 = tpu.memref_slice %arg8[%dma_start3A_66, %dma_start3A_67] : memref<2048x32xf32, #tpu.memory_space<vmem>> -> memref<128x32xf32, #tpu.memory_space<vmem>>
    %dma_start3A_69 = arith.constant 0 : i32
    %dma_start3A_70 = tpu.memref_slice %arg7[%dma_start3A_65, %dma_start3A_69] : memref<16x128xi32, #tpu.memory_space<vmem>> -> memref<1x128xi32, #tpu.memory_space<vmem>>
    %dma_start3A_71 = tpu.memref_squeeze %dma_start3A_70 : memref<1x128xi32, #tpu.memory_space<vmem>> -> memref<128xi32, #tpu.memory_space<vmem>>
    %dma_start3A_72 = arith.constant 0 : i32
    %dma_start3A_73 = arith.constant 0 : i32
    %dma_start3A_74 = tpu.memref_slice %arg2[%dma_start3A_72, %dma_start3A_73] : memref<4096x32xf32, #tpu.memory_space<hbm>> -> memref<4096x32xf32, #tpu.memory_space<hbm>>
    tpu.enqueue_indirect_dma source(%dma_start3A_74 : memref<4096x32xf32, #tpu.memory_space<hbm>>) target(%dma_start3A_68 : memref<128x32xf32, #tpu.memory_space<vmem>>) offsets(%dma_start3A_71 : memref<128xi32, #tpu.memory_space<vmem>>) semaphore(%arg12 : memref<!tpu.dma_semaphore, #tpu.memory_space<semaphore_mem>>)
    %dma_start3A_75 = arith.constant 5 : i32
    %dma_start3A_76 = arith.constant 640 : i32
    %dma_start3A_77 = arith.constant 0 : i32
    %dma_start3A_78 = tpu.memref_slice %arg8[%dma_start3A_76, %dma_start3A_77] : memref<2048x32xf32, #tpu.memory_space<vmem>> -> memref<128x32xf32, #tpu.memory_space<vmem>>
    %dma_start3A_79 = arith.constant 0 : i32
    %dma_start3A_80 = tpu.memref_slice %arg7[%dma_start3A_75, %dma_start3A_79] : memref<16x128xi32, #tpu.memory_space<vmem>> -> memref<1x128xi32, #tpu.memory_space<vmem>>
    %dma_start3A_81 = tpu.memref_squeeze %dma_start3A_80 : memref<1x128xi32, #tpu.memory_space<vmem>> -> memref<128xi32, #tpu.memory_space<vmem>>
    %dma_start3A_82 = arith.constant 0 : i32
    %dma_start3A_83 = arith.constant 0 : i32
    %dma_start3A_84 = tpu.memref_slice %arg2[%dma_start3A_82, %dma_start3A_83] : memref<4096x32xf32, #tpu.memory_space<hbm>> -> memref<4096x32xf32, #tpu.memory_space<hbm>>
    tpu.enqueue_indirect_dma source(%dma_start3A_84 : memref<4096x32xf32, #tpu.memory_space<hbm>>) target(%dma_start3A_78 : memref<128x32xf32, #tpu.memory_space<vmem>>) offsets(%dma_start3A_81 : memref<128xi32, #tpu.memory_space<vmem>>) semaphore(%arg12 : memref<!tpu.dma_semaphore, #tpu.memory_space<semaphore_mem>>)
    %dma_start3A_85 = arith.constant 6 : i32
    %dma_start3A_86 = arith.constant 768 : i32
    %dma_start3A_87 = arith.constant 0 : i32
    %dma_start3A_88 = tpu.memref_slice %arg8[%dma_start3A_86, %dma_start3A_87] : memref<2048x32xf32, #tpu.memory_space<vmem>> -> memref<128x32xf32, #tpu.memory_space<vmem>>
    %dma_start3A_89 = arith.constant 0 : i32
    %dma_start3A_90 = tpu.memref_slice %arg7[%dma_start3A_85, %dma_start3A_89] : memref<16x128xi32, #tpu.memory_space<vmem>> -> memref<1x128xi32, #tpu.memory_space<vmem>>
    %dma_start3A_91 = tpu.memref_squeeze %dma_start3A_90 : memref<1x128xi32, #tpu.memory_space<vmem>> -> memref<128xi32, #tpu.memory_space<vmem>>
    %dma_start3A_92 = arith.constant 0 : i32
    %dma_start3A_93 = arith.constant 0 : i32
    %dma_start3A_94 = tpu.memref_slice %arg2[%dma_start3A_92, %dma_start3A_93] : memref<4096x32xf32, #tpu.memory_space<hbm>> -> memref<4096x32xf32, #tpu.memory_space<hbm>>
    tpu.enqueue_indirect_dma source(%dma_start3A_94 : memref<4096x32xf32, #tpu.memory_space<hbm>>) target(%dma_start3A_88 : memref<128x32xf32, #tpu.memory_space<vmem>>) offsets(%dma_start3A_91 : memref<128xi32, #tpu.memory_space<vmem>>) semaphore(%arg12 : memref<!tpu.dma_semaphore, #tpu.memory_space<semaphore_mem>>)
    %dma_start3A_95 = arith.constant 7 : i32
    %dma_start3A_96 = arith.constant 896 : i32
    %dma_start3A_97 = arith.constant 0 : i32
    %dma_start3A_98 = tpu.memref_slice %arg8[%dma_start3A_96, %dma_start3A_97] : memref<2048x32xf32, #tpu.memory_space<vmem>> -> memref<128x32xf32, #tpu.memory_space<vmem>>
    %dma_start3A_99 = arith.constant 0 : i32
    %dma_start3A_100 = tpu.memref_slice %arg7[%dma_start3A_95, %dma_start3A_99] : memref<16x128xi32, #tpu.memory_space<vmem>> -> memref<1x128xi32, #tpu.memory_space<vmem>>
    %dma_start3A_101 = tpu.memref_squeeze %dma_start3A_100 : memref<1x128xi32, #tpu.memory_space<vmem>> -> memref<128xi32, #tpu.memory_space<vmem>>
    %dma_start3A_102 = arith.constant 0 : i32
    %dma_start3A_103 = arith.constant 0 : i32
    %dma_start3A_104 = tpu.memref_slice %arg2[%dma_start3A_102, %dma_start3A_103] : memref<4096x32xf32, #tpu.memory_space<hbm>> -> memref<4096x32xf32, #tpu.memory_space<hbm>>
    tpu.enqueue_indirect_dma source(%dma_start3A_104 : memref<4096x32xf32, #tpu.memory_space<hbm>>) target(%dma_start3A_98 : memref<128x32xf32, #tpu.memory_space<vmem>>) offsets(%dma_start3A_101 : memref<128xi32, #tpu.memory_space<vmem>>) semaphore(%arg12 : memref<!tpu.dma_semaphore, #tpu.memory_space<semaphore_mem>>)
    %dma_start3A_105 = arith.constant 8 : i32
    %dma_start3A_106 = arith.constant 1024 : i32
    %dma_start3A_107 = arith.constant 0 : i32
    %dma_start3A_108 = tpu.memref_slice %arg8[%dma_start3A_106, %dma_start3A_107] : memref<2048x32xf32, #tpu.memory_space<vmem>> -> memref<128x32xf32, #tpu.memory_space<vmem>>
    %dma_start3A_109 = arith.constant 0 : i32
    %dma_start3A_110 = tpu.memref_slice %arg7[%dma_start3A_105, %dma_start3A_109] : memref<16x128xi32, #tpu.memory_space<vmem>> -> memref<1x128xi32, #tpu.memory_space<vmem>>
    %dma_start3A_111 = tpu.memref_squeeze %dma_start3A_110 : memref<1x128xi32, #tpu.memory_space<vmem>> -> memref<128xi32, #tpu.memory_space<vmem>>
    %dma_start3A_112 = arith.constant 0 : i32
    %dma_start3A_113 = arith.constant 0 : i32
    %dma_start3A_114 = tpu.memref_slice %arg2[%dma_start3A_112, %dma_start3A_113] : memref<4096x32xf32, #tpu.memory_space<hbm>> -> memref<4096x32xf32, #tpu.memory_space<hbm>>
    tpu.enqueue_indirect_dma source(%dma_start3A_114 : memref<4096x32xf32, #tpu.memory_space<hbm>>) target(%dma_start3A_108 : memref<128x32xf32, #tpu.memory_space<vmem>>) offsets(%dma_start3A_111 : memref<128xi32, #tpu.memory_space<vmem>>) semaphore(%arg12 : memref<!tpu.dma_semaphore, #tpu.memory_space<semaphore_mem>>)
    %dma_start3A_115 = arith.constant 9 : i32
    %dma_start3A_116 = arith.constant 1152 : i32
    %dma_start3A_117 = arith.constant 0 : i32
    %dma_start3A_118 = tpu.memref_slice %arg8[%dma_start3A_116, %dma_start3A_117] : memref<2048x32xf32, #tpu.memory_space<vmem>> -> memref<128x32xf32, #tpu.memory_space<vmem>>
    %dma_start3A_119 = arith.constant 0 : i32
    %dma_start3A_120 = tpu.memref_slice %arg7[%dma_start3A_115, %dma_start3A_119] : memref<16x128xi32, #tpu.memory_space<vmem>> -> memref<1x128xi32, #tpu.memory_space<vmem>>
    %dma_start3A_121 = tpu.memref_squeeze %dma_start3A_120 : memref<1x128xi32, #tpu.memory_space<vmem>> -> memref<128xi32, #tpu.memory_space<vmem>>
    %dma_start3A_122 = arith.constant 0 : i32
    %dma_start3A_123 = arith.constant 0 : i32
    %dma_start3A_124 = tpu.memref_slice %arg2[%dma_start3A_122, %dma_start3A_123] : memref<4096x32xf32, #tpu.memory_space<hbm>> -> memref<4096x32xf32, #tpu.memory_space<hbm>>
    tpu.enqueue_indirect_dma source(%dma_start3A_124 : memref<4096x32xf32, #tpu.memory_space<hbm>>) target(%dma_start3A_118 : memref<128x32xf32, #tpu.memory_space<vmem>>) offsets(%dma_start3A_121 : memref<128xi32, #tpu.memory_space<vmem>>) semaphore(%arg12 : memref<!tpu.dma_semaphore, #tpu.memory_space<semaphore_mem>>)
    %dma_start3A_125 = arith.constant 10 : i32
    %dma_start3A_126 = arith.constant 1280 : i32
    %dma_start3A_127 = arith.constant 0 : i32
    %dma_start3A_128 = tpu.memref_slice %arg8[%dma_start3A_126, %dma_start3A_127] : memref<2048x32xf32, #tpu.memory_space<vmem>> -> memref<128x32xf32, #tpu.memory_space<vmem>>
    %dma_start3A_129 = arith.constant 0 : i32
    %dma_start3A_130 = tpu.memref_slice %arg7[%dma_start3A_125, %dma_start3A_129] : memref<16x128xi32, #tpu.memory_space<vmem>> -> memref<1x128xi32, #tpu.memory_space<vmem>>
    %dma_start3A_131 = tpu.memref_squeeze %dma_start3A_130 : memref<1x128xi32, #tpu.memory_space<vmem>> -> memref<128xi32, #tpu.memory_space<vmem>>
    %dma_start3A_132 = arith.constant 0 : i32
    %dma_start3A_133 = arith.constant 0 : i32
    %dma_start3A_134 = tpu.memref_slice %arg2[%dma_start3A_132, %dma_start3A_133] : memref<4096x32xf32, #tpu.memory_space<hbm>> -> memref<4096x32xf32, #tpu.memory_space<hbm>>
    tpu.enqueue_indirect_dma source(%dma_start3A_134 : memref<4096x32xf32, #tpu.memory_space<hbm>>) target(%dma_start3A_128 : memref<128x32xf32, #tpu.memory_space<vmem>>) offsets(%dma_start3A_131 : memref<128xi32, #tpu.memory_space<vmem>>) semaphore(%arg12 : memref<!tpu.dma_semaphore, #tpu.memory_space<semaphore_mem>>)
    %dma_start3A_135 = arith.constant 11 : i32
    %dma_start3A_136 = arith.constant 1408 : i32
    %dma_start3A_137 = arith.constant 0 : i32
    %dma_start3A_138 = tpu.memref_slice %arg8[%dma_start3A_136, %dma_start3A_137] : memref<2048x32xf32, #tpu.memory_space<vmem>> -> memref<128x32xf32, #tpu.memory_space<vmem>>
    %dma_start3A_139 = arith.constant 0 : i32
    %dma_start3A_140 = tpu.memref_slice %arg7[%dma_start3A_135, %dma_start3A_139] : memref<16x128xi32, #tpu.memory_space<vmem>> -> memref<1x128xi32, #tpu.memory_space<vmem>>
    %dma_start3A_141 = tpu.memref_squeeze %dma_start3A_140 : memref<1x128xi32, #tpu.memory_space<vmem>> -> memref<128xi32, #tpu.memory_space<vmem>>
    %dma_start3A_142 = arith.constant 0 : i32
    %dma_start3A_143 = arith.constant 0 : i32
    %dma_start3A_144 = tpu.memref_slice %arg2[%dma_start3A_142, %dma_start3A_143] : memref<4096x32xf32, #tpu.memory_space<hbm>> -> memref<4096x32xf32, #tpu.memory_space<hbm>>
    tpu.enqueue_indirect_dma source(%dma_start3A_144 : memref<4096x32xf32, #tpu.memory_space<hbm>>) target(%dma_start3A_138 : memref<128x32xf32, #tpu.memory_space<vmem>>) offsets(%dma_start3A_141 : memref<128xi32, #tpu.memory_space<vmem>>) semaphore(%arg12 : memref<!tpu.dma_semaphore, #tpu.memory_space<semaphore_mem>>)
    %dma_start3A_145 = arith.constant 12 : i32
    %dma_start3A_146 = arith.constant 1536 : i32
    %dma_start3A_147 = arith.constant 0 : i32
    %dma_start3A_148 = tpu.memref_slice %arg8[%dma_start3A_146, %dma_start3A_147] : memref<2048x32xf32, #tpu.memory_space<vmem>> -> memref<128x32xf32, #tpu.memory_space<vmem>>
    %dma_start3A_149 = arith.constant 0 : i32
    %dma_start3A_150 = tpu.memref_slice %arg7[%dma_start3A_145, %dma_start3A_149] : memref<16x128xi32, #tpu.memory_space<vmem>> -> memref<1x128xi32, #tpu.memory_space<vmem>>
    %dma_start3A_151 = tpu.memref_squeeze %dma_start3A_150 : memref<1x128xi32, #tpu.memory_space<vmem>> -> memref<128xi32, #tpu.memory_space<vmem>>
    %dma_start3A_152 = arith.constant 0 : i32
    %dma_start3A_153 = arith.constant 0 : i32
    %dma_start3A_154 = tpu.memref_slice %arg2[%dma_start3A_152, %dma_start3A_153] : memref<4096x32xf32, #tpu.memory_space<hbm>> -> memref<4096x32xf32, #tpu.memory_space<hbm>>
    tpu.enqueue_indirect_dma source(%dma_start3A_154 : memref<4096x32xf32, #tpu.memory_space<hbm>>) target(%dma_start3A_148 : memref<128x32xf32, #tpu.memory_space<vmem>>) offsets(%dma_start3A_151 : memref<128xi32, #tpu.memory_space<vmem>>) semaphore(%arg12 : memref<!tpu.dma_semaphore, #tpu.memory_space<semaphore_mem>>)
    %dma_start3A_155 = arith.constant 13 : i32
    %dma_start3A_156 = arith.constant 1664 : i32
    %dma_start3A_157 = arith.constant 0 : i32
    %dma_start3A_158 = tpu.memref_slice %arg8[%dma_start3A_156, %dma_start3A_157] : memref<2048x32xf32, #tpu.memory_space<vmem>> -> memref<128x32xf32, #tpu.memory_space<vmem>>
    %dma_start3A_159 = arith.constant 0 : i32
    %dma_start3A_160 = tpu.memref_slice %arg7[%dma_start3A_155, %dma_start3A_159] : memref<16x128xi32, #tpu.memory_space<vmem>> -> memref<1x128xi32, #tpu.memory_space<vmem>>
    %dma_start3A_161 = tpu.memref_squeeze %dma_start3A_160 : memref<1x128xi32, #tpu.memory_space<vmem>> -> memref<128xi32, #tpu.memory_space<vmem>>
    %dma_start3A_162 = arith.constant 0 : i32
    %dma_start3A_163 = arith.constant 0 : i32
    %dma_start3A_164 = tpu.memref_slice %arg2[%dma_start3A_162, %dma_start3A_163] : memref<4096x32xf32, #tpu.memory_space<hbm>> -> memref<4096x32xf32, #tpu.memory_space<hbm>>
    tpu.enqueue_indirect_dma source(%dma_start3A_164 : memref<4096x32xf32, #tpu.memory_space<hbm>>) target(%dma_start3A_158 : memref<128x32xf32, #tpu.memory_space<vmem>>) offsets(%dma_start3A_161 : memref<128xi32, #tpu.memory_space<vmem>>) semaphore(%arg12 : memref<!tpu.dma_semaphore, #tpu.memory_space<semaphore_mem>>)
    %dma_start3A_165 = arith.constant 14 : i32
    %dma_start3A_166 = arith.constant 1792 : i32
    %dma_start3A_167 = arith.constant 0 : i32
    %dma_start3A_168 = tpu.memref_slice %arg8[%dma_start3A_166, %dma_start3A_167] : memref<2048x32xf32, #tpu.memory_space<vmem>> -> memref<128x32xf32, #tpu.memory_space<vmem>>
    %dma_start3A_169 = arith.constant 0 : i32
    %dma_start3A_170 = tpu.memref_slice %arg7[%dma_start3A_165, %dma_start3A_169] : memref<16x128xi32, #tpu.memory_space<vmem>> -> memref<1x128xi32, #tpu.memory_space<vmem>>
    %dma_start3A_171 = tpu.memref_squeeze %dma_start3A_170 : memref<1x128xi32, #tpu.memory_space<vmem>> -> memref<128xi32, #tpu.memory_space<vmem>>
    %dma_start3A_172 = arith.constant 0 : i32
    %dma_start3A_173 = arith.constant 0 : i32
    %dma_start3A_174 = tpu.memref_slice %arg2[%dma_start3A_172, %dma_start3A_173] : memref<4096x32xf32, #tpu.memory_space<hbm>> -> memref<4096x32xf32, #tpu.memory_space<hbm>>
    tpu.enqueue_indirect_dma source(%dma_start3A_174 : memref<4096x32xf32, #tpu.memory_space<hbm>>) target(%dma_start3A_168 : memref<128x32xf32, #tpu.memory_space<vmem>>) offsets(%dma_start3A_171 : memref<128xi32, #tpu.memory_space<vmem>>) semaphore(%arg12 : memref<!tpu.dma_semaphore, #tpu.memory_space<semaphore_mem>>)
    %dma_start3A_175 = arith.constant 15 : i32
    %dma_start3A_176 = arith.constant 1920 : i32
    %dma_start3A_177 = arith.constant 0 : i32
    %dma_start3A_178 = tpu.memref_slice %arg8[%dma_start3A_176, %dma_start3A_177] : memref<2048x32xf32, #tpu.memory_space<vmem>> -> memref<128x32xf32, #tpu.memory_space<vmem>>
    %dma_start3A_179 = arith.constant 0 : i32
    %dma_start3A_180 = tpu.memref_slice %arg7[%dma_start3A_175, %dma_start3A_179] : memref<16x128xi32, #tpu.memory_space<vmem>> -> memref<1x128xi32, #tpu.memory_space<vmem>>
    %dma_start3A_181 = tpu.memref_squeeze %dma_start3A_180 : memref<1x128xi32, #tpu.memory_space<vmem>> -> memref<128xi32, #tpu.memory_space<vmem>>
    %dma_start3A_182 = arith.constant 0 : i32
    %dma_start3A_183 = arith.constant 0 : i32
    %dma_start3A_184 = tpu.memref_slice %arg2[%dma_start3A_182, %dma_start3A_183] : memref<4096x32xf32, #tpu.memory_space<hbm>> -> memref<4096x32xf32, #tpu.memory_space<hbm>>
    tpu.enqueue_indirect_dma source(%dma_start3A_184 : memref<4096x32xf32, #tpu.memory_space<hbm>>) target(%dma_start3A_178 : memref<128x32xf32, #tpu.memory_space<vmem>>) offsets(%dma_start3A_181 : memref<128xi32, #tpu.memory_space<vmem>>) semaphore(%arg12 : memref<!tpu.dma_semaphore, #tpu.memory_space<semaphore_mem>>)
    "tpu.region"() ({
      %run_scoped3A = tpu.sem_alloc : memref<!tpu.dma_semaphore, #tpu.memory_space<semaphore_mem>>
      %dma_start3A_351 = arith.constant 0 : i32
      %dma_start3A_352 = tpu.memref_slice %arg3[%multiple_of3A, %dma_start3A_351] : memref<4096x32xf32, #tpu.memory_space<hbm>> -> memref<128x32xf32, #tpu.memory_space<hbm>>
      %dma_start3A_353 = arith.constant 0 : i32
      %dma_start3A_354 = tpu.memref_slice %arg3[%multiple_of3A, %dma_start3A_353] : memref<4096x32xf32, #tpu.memory_space<hbm>> -> memref<128x32xf32, #tpu.memory_space<hbm>>
      tpu.enqueue_dma source(%dma_start3A_354 : memref<128x32xf32, #tpu.memory_space<hbm>>) target(%arg9 : memref<128x32xf32, #tpu.memory_space<vmem>>) target_semaphore(%run_scoped3A : memref<!tpu.dma_semaphore, #tpu.memory_space<semaphore_mem>>)
      %dma_wait3A_355 = arith.constant 0 : i32
      %dma_wait3A_356 = tpu.memref_slice %arg3[%multiple_of3A, %dma_wait3A_355] : memref<4096x32xf32, #tpu.memory_space<hbm>> -> memref<128x32xf32, #tpu.memory_space<hbm>>
      %dma_wait3A_357 = arith.constant 0 : i32
      %dma_wait3A_358 = tpu.memref_slice %arg3[%multiple_of3A, %dma_wait3A_357] : memref<4096x32xf32, #tpu.memory_space<hbm>> -> memref<128x32xf32, #tpu.memory_space<hbm>>
      tpu.wait_dma2 semaphore(%run_scoped3A : memref<!tpu.dma_semaphore, #tpu.memory_space<semaphore_mem>>) src(%dma_wait3A_358 : memref<128x32xf32, #tpu.memory_space<hbm>>) dst(%arg9 : memref<128x32xf32, #tpu.memory_space<vmem>>)
      tpu.yield
    }) : () -> ()
    "tpu.region"() ({
      %run_scoped3A = tpu.sem_alloc : memref<!tpu.dma_semaphore, #tpu.memory_space<semaphore_mem>>
      %dma_start3A_351 = arith.constant 0 : i32
      %dma_start3A_352 = tpu.memref_slice %arg4[%multiple_of3A, %dma_start3A_351] : memref<4096x32xf32, #tpu.memory_space<hbm>> -> memref<128x32xf32, #tpu.memory_space<hbm>>
      %dma_start3A_353 = arith.constant 0 : i32
      %dma_start3A_354 = tpu.memref_slice %arg4[%multiple_of3A, %dma_start3A_353] : memref<4096x32xf32, #tpu.memory_space<hbm>> -> memref<128x32xf32, #tpu.memory_space<hbm>>
      tpu.enqueue_dma source(%dma_start3A_354 : memref<128x32xf32, #tpu.memory_space<hbm>>) target(%arg10 : memref<128x32xf32, #tpu.memory_space<vmem>>) target_semaphore(%run_scoped3A : memref<!tpu.dma_semaphore, #tpu.memory_space<semaphore_mem>>)
      %dma_wait3A_355 = arith.constant 0 : i32
      %dma_wait3A_356 = tpu.memref_slice %arg4[%multiple_of3A, %dma_wait3A_355] : memref<4096x32xf32, #tpu.memory_space<hbm>> -> memref<128x32xf32, #tpu.memory_space<hbm>>
      %dma_wait3A_357 = arith.constant 0 : i32
      %dma_wait3A_358 = tpu.memref_slice %arg4[%multiple_of3A, %dma_wait3A_357] : memref<4096x32xf32, #tpu.memory_space<hbm>> -> memref<128x32xf32, #tpu.memory_space<hbm>>
      tpu.wait_dma2 semaphore(%run_scoped3A : memref<!tpu.dma_semaphore, #tpu.memory_space<semaphore_mem>>) src(%dma_wait3A_358 : memref<128x32xf32, #tpu.memory_space<hbm>>) dst(%arg10 : memref<128x32xf32, #tpu.memory_space<vmem>>)
      tpu.yield
    }) : () -> ()
    %dma_wait3A = arith.constant 0 : i32
    %dma_wait3A_185 = arith.constant 0 : i32
    %dma_wait3A_186 = arith.constant 0 : i32
    %dma_wait3A_187 = tpu.memref_slice %arg8[%dma_wait3A_185, %dma_wait3A_186] : memref<2048x32xf32, #tpu.memory_space<vmem>> -> memref<128x32xf32, #tpu.memory_space<vmem>>
    %dma_wait3A_188 = arith.constant 0 : i32
    %dma_wait3A_189 = tpu.memref_slice %arg7[%dma_wait3A, %dma_wait3A_188] : memref<16x128xi32, #tpu.memory_space<vmem>> -> memref<1x128xi32, #tpu.memory_space<vmem>>
    %dma_wait3A_190 = tpu.memref_squeeze %dma_wait3A_189 : memref<1x128xi32, #tpu.memory_space<vmem>> -> memref<128xi32, #tpu.memory_space<vmem>>
    %dma_wait3A_191 = arith.constant 0 : i32
    %dma_wait3A_192 = arith.constant 0 : i32
    %dma_wait3A_193 = tpu.memref_slice %arg2[%dma_wait3A_191, %dma_wait3A_192] : memref<4096x32xf32, #tpu.memory_space<hbm>> -> memref<4096x32xf32, #tpu.memory_space<hbm>>
    tpu.wait_indirect_dma semaphore(%arg12 : memref<!tpu.dma_semaphore, #tpu.memory_space<semaphore_mem>>) src(%dma_wait3A_193 : memref<4096x32xf32, #tpu.memory_space<hbm>>) dst(%dma_wait3A_187 : memref<128x32xf32, #tpu.memory_space<vmem>>)
    %dma_wait3A_194 = arith.constant 1 : i32
    %dma_wait3A_195 = arith.constant 128 : i32
    %dma_wait3A_196 = arith.constant 0 : i32
    %dma_wait3A_197 = tpu.memref_slice %arg8[%dma_wait3A_195, %dma_wait3A_196] : memref<2048x32xf32, #tpu.memory_space<vmem>> -> memref<128x32xf32, #tpu.memory_space<vmem>>
    %dma_wait3A_198 = arith.constant 0 : i32
    %dma_wait3A_199 = tpu.memref_slice %arg7[%dma_wait3A_194, %dma_wait3A_198] : memref<16x128xi32, #tpu.memory_space<vmem>> -> memref<1x128xi32, #tpu.memory_space<vmem>>
    %dma_wait3A_200 = tpu.memref_squeeze %dma_wait3A_199 : memref<1x128xi32, #tpu.memory_space<vmem>> -> memref<128xi32, #tpu.memory_space<vmem>>
    %dma_wait3A_201 = arith.constant 0 : i32
    %dma_wait3A_202 = arith.constant 0 : i32
    %dma_wait3A_203 = tpu.memref_slice %arg2[%dma_wait3A_201, %dma_wait3A_202] : memref<4096x32xf32, #tpu.memory_space<hbm>> -> memref<4096x32xf32, #tpu.memory_space<hbm>>
    tpu.wait_indirect_dma semaphore(%arg12 : memref<!tpu.dma_semaphore, #tpu.memory_space<semaphore_mem>>) src(%dma_wait3A_203 : memref<4096x32xf32, #tpu.memory_space<hbm>>) dst(%dma_wait3A_197 : memref<128x32xf32, #tpu.memory_space<vmem>>)
    %dma_wait3A_204 = arith.constant 2 : i32
    %dma_wait3A_205 = arith.constant 256 : i32
    %dma_wait3A_206 = arith.constant 0 : i32
    %dma_wait3A_207 = tpu.memref_slice %arg8[%dma_wait3A_205, %dma_wait3A_206] : memref<2048x32xf32, #tpu.memory_space<vmem>> -> memref<128x32xf32, #tpu.memory_space<vmem>>
    %dma_wait3A_208 = arith.constant 0 : i32
    %dma_wait3A_209 = tpu.memref_slice %arg7[%dma_wait3A_204, %dma_wait3A_208] : memref<16x128xi32, #tpu.memory_space<vmem>> -> memref<1x128xi32, #tpu.memory_space<vmem>>
    %dma_wait3A_210 = tpu.memref_squeeze %dma_wait3A_209 : memref<1x128xi32, #tpu.memory_space<vmem>> -> memref<128xi32, #tpu.memory_space<vmem>>
    %dma_wait3A_211 = arith.constant 0 : i32
    %dma_wait3A_212 = arith.constant 0 : i32
    %dma_wait3A_213 = tpu.memref_slice %arg2[%dma_wait3A_211, %dma_wait3A_212] : memref<4096x32xf32, #tpu.memory_space<hbm>> -> memref<4096x32xf32, #tpu.memory_space<hbm>>
    tpu.wait_indirect_dma semaphore(%arg12 : memref<!tpu.dma_semaphore, #tpu.memory_space<semaphore_mem>>) src(%dma_wait3A_213 : memref<4096x32xf32, #tpu.memory_space<hbm>>) dst(%dma_wait3A_207 : memref<128x32xf32, #tpu.memory_space<vmem>>)
    %dma_wait3A_214 = arith.constant 3 : i32
    %dma_wait3A_215 = arith.constant 384 : i32
    %dma_wait3A_216 = arith.constant 0 : i32
    %dma_wait3A_217 = tpu.memref_slice %arg8[%dma_wait3A_215, %dma_wait3A_216] : memref<2048x32xf32, #tpu.memory_space<vmem>> -> memref<128x32xf32, #tpu.memory_space<vmem>>
    %dma_wait3A_218 = arith.constant 0 : i32
    %dma_wait3A_219 = tpu.memref_slice %arg7[%dma_wait3A_214, %dma_wait3A_218] : memref<16x128xi32, #tpu.memory_space<vmem>> -> memref<1x128xi32, #tpu.memory_space<vmem>>
    %dma_wait3A_220 = tpu.memref_squeeze %dma_wait3A_219 : memref<1x128xi32, #tpu.memory_space<vmem>> -> memref<128xi32, #tpu.memory_space<vmem>>
    %dma_wait3A_221 = arith.constant 0 : i32
    %dma_wait3A_222 = arith.constant 0 : i32
    %dma_wait3A_223 = tpu.memref_slice %arg2[%dma_wait3A_221, %dma_wait3A_222] : memref<4096x32xf32, #tpu.memory_space<hbm>> -> memref<4096x32xf32, #tpu.memory_space<hbm>>
    tpu.wait_indirect_dma semaphore(%arg12 : memref<!tpu.dma_semaphore, #tpu.memory_space<semaphore_mem>>) src(%dma_wait3A_223 : memref<4096x32xf32, #tpu.memory_space<hbm>>) dst(%dma_wait3A_217 : memref<128x32xf32, #tpu.memory_space<vmem>>)
    %dma_wait3A_224 = arith.constant 4 : i32
    %dma_wait3A_225 = arith.constant 512 : i32
    %dma_wait3A_226 = arith.constant 0 : i32
    %dma_wait3A_227 = tpu.memref_slice %arg8[%dma_wait3A_225, %dma_wait3A_226] : memref<2048x32xf32, #tpu.memory_space<vmem>> -> memref<128x32xf32, #tpu.memory_space<vmem>>
    %dma_wait3A_228 = arith.constant 0 : i32
    %dma_wait3A_229 = tpu.memref_slice %arg7[%dma_wait3A_224, %dma_wait3A_228] : memref<16x128xi32, #tpu.memory_space<vmem>> -> memref<1x128xi32, #tpu.memory_space<vmem>>
    %dma_wait3A_230 = tpu.memref_squeeze %dma_wait3A_229 : memref<1x128xi32, #tpu.memory_space<vmem>> -> memref<128xi32, #tpu.memory_space<vmem>>
    %dma_wait3A_231 = arith.constant 0 : i32
    %dma_wait3A_232 = arith.constant 0 : i32
    %dma_wait3A_233 = tpu.memref_slice %arg2[%dma_wait3A_231, %dma_wait3A_232] : memref<4096x32xf32, #tpu.memory_space<hbm>> -> memref<4096x32xf32, #tpu.memory_space<hbm>>
    tpu.wait_indirect_dma semaphore(%arg12 : memref<!tpu.dma_semaphore, #tpu.memory_space<semaphore_mem>>) src(%dma_wait3A_233 : memref<4096x32xf32, #tpu.memory_space<hbm>>) dst(%dma_wait3A_227 : memref<128x32xf32, #tpu.memory_space<vmem>>)
    %dma_wait3A_234 = arith.constant 5 : i32
    %dma_wait3A_235 = arith.constant 640 : i32
    %dma_wait3A_236 = arith.constant 0 : i32
    %dma_wait3A_237 = tpu.memref_slice %arg8[%dma_wait3A_235, %dma_wait3A_236] : memref<2048x32xf32, #tpu.memory_space<vmem>> -> memref<128x32xf32, #tpu.memory_space<vmem>>
    %dma_wait3A_238 = arith.constant 0 : i32
    %dma_wait3A_239 = tpu.memref_slice %arg7[%dma_wait3A_234, %dma_wait3A_238] : memref<16x128xi32, #tpu.memory_space<vmem>> -> memref<1x128xi32, #tpu.memory_space<vmem>>
    %dma_wait3A_240 = tpu.memref_squeeze %dma_wait3A_239 : memref<1x128xi32, #tpu.memory_space<vmem>> -> memref<128xi32, #tpu.memory_space<vmem>>
    %dma_wait3A_241 = arith.constant 0 : i32
    %dma_wait3A_242 = arith.constant 0 : i32
    %dma_wait3A_243 = tpu.memref_slice %arg2[%dma_wait3A_241, %dma_wait3A_242] : memref<4096x32xf32, #tpu.memory_space<hbm>> -> memref<4096x32xf32, #tpu.memory_space<hbm>>
    tpu.wait_indirect_dma semaphore(%arg12 : memref<!tpu.dma_semaphore, #tpu.memory_space<semaphore_mem>>) src(%dma_wait3A_243 : memref<4096x32xf32, #tpu.memory_space<hbm>>) dst(%dma_wait3A_237 : memref<128x32xf32, #tpu.memory_space<vmem>>)
    %dma_wait3A_244 = arith.constant 6 : i32
    %dma_wait3A_245 = arith.constant 768 : i32
    %dma_wait3A_246 = arith.constant 0 : i32
    %dma_wait3A_247 = tpu.memref_slice %arg8[%dma_wait3A_245, %dma_wait3A_246] : memref<2048x32xf32, #tpu.memory_space<vmem>> -> memref<128x32xf32, #tpu.memory_space<vmem>>
    %dma_wait3A_248 = arith.constant 0 : i32
    %dma_wait3A_249 = tpu.memref_slice %arg7[%dma_wait3A_244, %dma_wait3A_248] : memref<16x128xi32, #tpu.memory_space<vmem>> -> memref<1x128xi32, #tpu.memory_space<vmem>>
    %dma_wait3A_250 = tpu.memref_squeeze %dma_wait3A_249 : memref<1x128xi32, #tpu.memory_space<vmem>> -> memref<128xi32, #tpu.memory_space<vmem>>
    %dma_wait3A_251 = arith.constant 0 : i32
    %dma_wait3A_252 = arith.constant 0 : i32
    %dma_wait3A_253 = tpu.memref_slice %arg2[%dma_wait3A_251, %dma_wait3A_252] : memref<4096x32xf32, #tpu.memory_space<hbm>> -> memref<4096x32xf32, #tpu.memory_space<hbm>>
    tpu.wait_indirect_dma semaphore(%arg12 : memref<!tpu.dma_semaphore, #tpu.memory_space<semaphore_mem>>) src(%dma_wait3A_253 : memref<4096x32xf32, #tpu.memory_space<hbm>>) dst(%dma_wait3A_247 : memref<128x32xf32, #tpu.memory_space<vmem>>)
    %dma_wait3A_254 = arith.constant 7 : i32
    %dma_wait3A_255 = arith.constant 896 : i32
    %dma_wait3A_256 = arith.constant 0 : i32
    %dma_wait3A_257 = tpu.memref_slice %arg8[%dma_wait3A_255, %dma_wait3A_256] : memref<2048x32xf32, #tpu.memory_space<vmem>> -> memref<128x32xf32, #tpu.memory_space<vmem>>
    %dma_wait3A_258 = arith.constant 0 : i32
    %dma_wait3A_259 = tpu.memref_slice %arg7[%dma_wait3A_254, %dma_wait3A_258] : memref<16x128xi32, #tpu.memory_space<vmem>> -> memref<1x128xi32, #tpu.memory_space<vmem>>
    %dma_wait3A_260 = tpu.memref_squeeze %dma_wait3A_259 : memref<1x128xi32, #tpu.memory_space<vmem>> -> memref<128xi32, #tpu.memory_space<vmem>>
    %dma_wait3A_261 = arith.constant 0 : i32
    %dma_wait3A_262 = arith.constant 0 : i32
    %dma_wait3A_263 = tpu.memref_slice %arg2[%dma_wait3A_261, %dma_wait3A_262] : memref<4096x32xf32, #tpu.memory_space<hbm>> -> memref<4096x32xf32, #tpu.memory_space<hbm>>
    tpu.wait_indirect_dma semaphore(%arg12 : memref<!tpu.dma_semaphore, #tpu.memory_space<semaphore_mem>>) src(%dma_wait3A_263 : memref<4096x32xf32, #tpu.memory_space<hbm>>) dst(%dma_wait3A_257 : memref<128x32xf32, #tpu.memory_space<vmem>>)
    %dma_wait3A_264 = arith.constant 8 : i32
    %dma_wait3A_265 = arith.constant 1024 : i32
    %dma_wait3A_266 = arith.constant 0 : i32
    %dma_wait3A_267 = tpu.memref_slice %arg8[%dma_wait3A_265, %dma_wait3A_266] : memref<2048x32xf32, #tpu.memory_space<vmem>> -> memref<128x32xf32, #tpu.memory_space<vmem>>
    %dma_wait3A_268 = arith.constant 0 : i32
    %dma_wait3A_269 = tpu.memref_slice %arg7[%dma_wait3A_264, %dma_wait3A_268] : memref<16x128xi32, #tpu.memory_space<vmem>> -> memref<1x128xi32, #tpu.memory_space<vmem>>
    %dma_wait3A_270 = tpu.memref_squeeze %dma_wait3A_269 : memref<1x128xi32, #tpu.memory_space<vmem>> -> memref<128xi32, #tpu.memory_space<vmem>>
    %dma_wait3A_271 = arith.constant 0 : i32
    %dma_wait3A_272 = arith.constant 0 : i32
    %dma_wait3A_273 = tpu.memref_slice %arg2[%dma_wait3A_271, %dma_wait3A_272] : memref<4096x32xf32, #tpu.memory_space<hbm>> -> memref<4096x32xf32, #tpu.memory_space<hbm>>
    tpu.wait_indirect_dma semaphore(%arg12 : memref<!tpu.dma_semaphore, #tpu.memory_space<semaphore_mem>>) src(%dma_wait3A_273 : memref<4096x32xf32, #tpu.memory_space<hbm>>) dst(%dma_wait3A_267 : memref<128x32xf32, #tpu.memory_space<vmem>>)
    %dma_wait3A_274 = arith.constant 9 : i32
    %dma_wait3A_275 = arith.constant 1152 : i32
    %dma_wait3A_276 = arith.constant 0 : i32
    %dma_wait3A_277 = tpu.memref_slice %arg8[%dma_wait3A_275, %dma_wait3A_276] : memref<2048x32xf32, #tpu.memory_space<vmem>> -> memref<128x32xf32, #tpu.memory_space<vmem>>
    %dma_wait3A_278 = arith.constant 0 : i32
    %dma_wait3A_279 = tpu.memref_slice %arg7[%dma_wait3A_274, %dma_wait3A_278] : memref<16x128xi32, #tpu.memory_space<vmem>> -> memref<1x128xi32, #tpu.memory_space<vmem>>
    %dma_wait3A_280 = tpu.memref_squeeze %dma_wait3A_279 : memref<1x128xi32, #tpu.memory_space<vmem>> -> memref<128xi32, #tpu.memory_space<vmem>>
    %dma_wait3A_281 = arith.constant 0 : i32
    %dma_wait3A_282 = arith.constant 0 : i32
    %dma_wait3A_283 = tpu.memref_slice %arg2[%dma_wait3A_281, %dma_wait3A_282] : memref<4096x32xf32, #tpu.memory_space<hbm>> -> memref<4096x32xf32, #tpu.memory_space<hbm>>
    tpu.wait_indirect_dma semaphore(%arg12 : memref<!tpu.dma_semaphore, #tpu.memory_space<semaphore_mem>>) src(%dma_wait3A_283 : memref<4096x32xf32, #tpu.memory_space<hbm>>) dst(%dma_wait3A_277 : memref<128x32xf32, #tpu.memory_space<vmem>>)
    %dma_wait3A_284 = arith.constant 10 : i32
    %dma_wait3A_285 = arith.constant 1280 : i32
    %dma_wait3A_286 = arith.constant 0 : i32
    %dma_wait3A_287 = tpu.memref_slice %arg8[%dma_wait3A_285, %dma_wait3A_286] : memref<2048x32xf32, #tpu.memory_space<vmem>> -> memref<128x32xf32, #tpu.memory_space<vmem>>
    %dma_wait3A_288 = arith.constant 0 : i32
    %dma_wait3A_289 = tpu.memref_slice %arg7[%dma_wait3A_284, %dma_wait3A_288] : memref<16x128xi32, #tpu.memory_space<vmem>> -> memref<1x128xi32, #tpu.memory_space<vmem>>
    %dma_wait3A_290 = tpu.memref_squeeze %dma_wait3A_289 : memref<1x128xi32, #tpu.memory_space<vmem>> -> memref<128xi32, #tpu.memory_space<vmem>>
    %dma_wait3A_291 = arith.constant 0 : i32
    %dma_wait3A_292 = arith.constant 0 : i32
    %dma_wait3A_293 = tpu.memref_slice %arg2[%dma_wait3A_291, %dma_wait3A_292] : memref<4096x32xf32, #tpu.memory_space<hbm>> -> memref<4096x32xf32, #tpu.memory_space<hbm>>
    tpu.wait_indirect_dma semaphore(%arg12 : memref<!tpu.dma_semaphore, #tpu.memory_space<semaphore_mem>>) src(%dma_wait3A_293 : memref<4096x32xf32, #tpu.memory_space<hbm>>) dst(%dma_wait3A_287 : memref<128x32xf32, #tpu.memory_space<vmem>>)
    %dma_wait3A_294 = arith.constant 11 : i32
    %dma_wait3A_295 = arith.constant 1408 : i32
    %dma_wait3A_296 = arith.constant 0 : i32
    %dma_wait3A_297 = tpu.memref_slice %arg8[%dma_wait3A_295, %dma_wait3A_296] : memref<2048x32xf32, #tpu.memory_space<vmem>> -> memref<128x32xf32, #tpu.memory_space<vmem>>
    %dma_wait3A_298 = arith.constant 0 : i32
    %dma_wait3A_299 = tpu.memref_slice %arg7[%dma_wait3A_294, %dma_wait3A_298] : memref<16x128xi32, #tpu.memory_space<vmem>> -> memref<1x128xi32, #tpu.memory_space<vmem>>
    %dma_wait3A_300 = tpu.memref_squeeze %dma_wait3A_299 : memref<1x128xi32, #tpu.memory_space<vmem>> -> memref<128xi32, #tpu.memory_space<vmem>>
    %dma_wait3A_301 = arith.constant 0 : i32
    %dma_wait3A_302 = arith.constant 0 : i32
    %dma_wait3A_303 = tpu.memref_slice %arg2[%dma_wait3A_301, %dma_wait3A_302] : memref<4096x32xf32, #tpu.memory_space<hbm>> -> memref<4096x32xf32, #tpu.memory_space<hbm>>
    tpu.wait_indirect_dma semaphore(%arg12 : memref<!tpu.dma_semaphore, #tpu.memory_space<semaphore_mem>>) src(%dma_wait3A_303 : memref<4096x32xf32, #tpu.memory_space<hbm>>) dst(%dma_wait3A_297 : memref<128x32xf32, #tpu.memory_space<vmem>>)
    %dma_wait3A_304 = arith.constant 12 : i32
    %dma_wait3A_305 = arith.constant 1536 : i32
    %dma_wait3A_306 = arith.constant 0 : i32
    %dma_wait3A_307 = tpu.memref_slice %arg8[%dma_wait3A_305, %dma_wait3A_306] : memref<2048x32xf32, #tpu.memory_space<vmem>> -> memref<128x32xf32, #tpu.memory_space<vmem>>
    %dma_wait3A_308 = arith.constant 0 : i32
    %dma_wait3A_309 = tpu.memref_slice %arg7[%dma_wait3A_304, %dma_wait3A_308] : memref<16x128xi32, #tpu.memory_space<vmem>> -> memref<1x128xi32, #tpu.memory_space<vmem>>
    %dma_wait3A_310 = tpu.memref_squeeze %dma_wait3A_309 : memref<1x128xi32, #tpu.memory_space<vmem>> -> memref<128xi32, #tpu.memory_space<vmem>>
    %dma_wait3A_311 = arith.constant 0 : i32
    %dma_wait3A_312 = arith.constant 0 : i32
    %dma_wait3A_313 = tpu.memref_slice %arg2[%dma_wait3A_311, %dma_wait3A_312] : memref<4096x32xf32, #tpu.memory_space<hbm>> -> memref<4096x32xf32, #tpu.memory_space<hbm>>
    tpu.wait_indirect_dma semaphore(%arg12 : memref<!tpu.dma_semaphore, #tpu.memory_space<semaphore_mem>>) src(%dma_wait3A_313 : memref<4096x32xf32, #tpu.memory_space<hbm>>) dst(%dma_wait3A_307 : memref<128x32xf32, #tpu.memory_space<vmem>>)
    %dma_wait3A_314 = arith.constant 13 : i32
    %dma_wait3A_315 = arith.constant 1664 : i32
    %dma_wait3A_316 = arith.constant 0 : i32
    %dma_wait3A_317 = tpu.memref_slice %arg8[%dma_wait3A_315, %dma_wait3A_316] : memref<2048x32xf32, #tpu.memory_space<vmem>> -> memref<128x32xf32, #tpu.memory_space<vmem>>
    %dma_wait3A_318 = arith.constant 0 : i32
    %dma_wait3A_319 = tpu.memref_slice %arg7[%dma_wait3A_314, %dma_wait3A_318] : memref<16x128xi32, #tpu.memory_space<vmem>> -> memref<1x128xi32, #tpu.memory_space<vmem>>
    %dma_wait3A_320 = tpu.memref_squeeze %dma_wait3A_319 : memref<1x128xi32, #tpu.memory_space<vmem>> -> memref<128xi32, #tpu.memory_space<vmem>>
    %dma_wait3A_321 = arith.constant 0 : i32
    %dma_wait3A_322 = arith.constant 0 : i32
    %dma_wait3A_323 = tpu.memref_slice %arg2[%dma_wait3A_321, %dma_wait3A_322] : memref<4096x32xf32, #tpu.memory_space<hbm>> -> memref<4096x32xf32, #tpu.memory_space<hbm>>
    tpu.wait_indirect_dma semaphore(%arg12 : memref<!tpu.dma_semaphore, #tpu.memory_space<semaphore_mem>>) src(%dma_wait3A_323 : memref<4096x32xf32, #tpu.memory_space<hbm>>) dst(%dma_wait3A_317 : memref<128x32xf32, #tpu.memory_space<vmem>>)
    %dma_wait3A_324 = arith.constant 14 : i32
    %dma_wait3A_325 = arith.constant 1792 : i32
    %dma_wait3A_326 = arith.constant 0 : i32
    %dma_wait3A_327 = tpu.memref_slice %arg8[%dma_wait3A_325, %dma_wait3A_326] : memref<2048x32xf32, #tpu.memory_space<vmem>> -> memref<128x32xf32, #tpu.memory_space<vmem>>
    %dma_wait3A_328 = arith.constant 0 : i32
    %dma_wait3A_329 = tpu.memref_slice %arg7[%dma_wait3A_324, %dma_wait3A_328] : memref<16x128xi32, #tpu.memory_space<vmem>> -> memref<1x128xi32, #tpu.memory_space<vmem>>
    %dma_wait3A_330 = tpu.memref_squeeze %dma_wait3A_329 : memref<1x128xi32, #tpu.memory_space<vmem>> -> memref<128xi32, #tpu.memory_space<vmem>>
    %dma_wait3A_331 = arith.constant 0 : i32
    %dma_wait3A_332 = arith.constant 0 : i32
    %dma_wait3A_333 = tpu.memref_slice %arg2[%dma_wait3A_331, %dma_wait3A_332] : memref<4096x32xf32, #tpu.memory_space<hbm>> -> memref<4096x32xf32, #tpu.memory_space<hbm>>
    tpu.wait_indirect_dma semaphore(%arg12 : memref<!tpu.dma_semaphore, #tpu.memory_space<semaphore_mem>>) src(%dma_wait3A_333 : memref<4096x32xf32, #tpu.memory_space<hbm>>) dst(%dma_wait3A_327 : memref<128x32xf32, #tpu.memory_space<vmem>>)
    %dma_wait3A_334 = arith.constant 15 : i32
    %dma_wait3A_335 = arith.constant 1920 : i32
    %dma_wait3A_336 = arith.constant 0 : i32
    %dma_wait3A_337 = tpu.memref_slice %arg8[%dma_wait3A_335, %dma_wait3A_336] : memref<2048x32xf32, #tpu.memory_space<vmem>> -> memref<128x32xf32, #tpu.memory_space<vmem>>
    %dma_wait3A_338 = arith.constant 0 : i32
    %dma_wait3A_339 = tpu.memref_slice %arg7[%dma_wait3A_334, %dma_wait3A_338] : memref<16x128xi32, #tpu.memory_space<vmem>> -> memref<1x128xi32, #tpu.memory_space<vmem>>
    %dma_wait3A_340 = tpu.memref_squeeze %dma_wait3A_339 : memref<1x128xi32, #tpu.memory_space<vmem>> -> memref<128xi32, #tpu.memory_space<vmem>>
    %dma_wait3A_341 = arith.constant 0 : i32
    %dma_wait3A_342 = arith.constant 0 : i32
    %dma_wait3A_343 = tpu.memref_slice %arg2[%dma_wait3A_341, %dma_wait3A_342] : memref<4096x32xf32, #tpu.memory_space<hbm>> -> memref<4096x32xf32, #tpu.memory_space<hbm>>
    tpu.wait_indirect_dma semaphore(%arg12 : memref<!tpu.dma_semaphore, #tpu.memory_space<semaphore_mem>>) src(%dma_wait3A_343 : memref<4096x32xf32, #tpu.memory_space<hbm>>) dst(%dma_wait3A_337 : memref<128x32xf32, #tpu.memory_space<vmem>>)
    %scan3A_344 = arith.constant 0 : i32
    %scan3A_345 = arith.constant 0 : i32
    %scan3A_346 = arith.constant 128 : i32
    %scan3A_347 = arith.addi %scan3A_345, %scan3A_346 : i32
    %scan3A_348 = arith.constant 1 : i32
    scf.for %scan3A_351 = %scan3A_345 to %scan3A_347 step %scan3A_348  : i32 {
      %get3A = arith.index_cast %scan3A_351 : i32 to index
      %get3A_352 = arith.constant 0 : index
      %get3A_353 = tpu.vector_load %arg9[%get3A, %get3A_352] {strides = array<i32>} : memref<128x32xf32, #tpu.memory_space<vmem>>, vector<1x16xf32>,
      %get3A_354 = vector.shape_cast %get3A_353 : vector<1x16xf32> to vector<16xf32>
      %broadcast_in_dim3A = arith.constant 0.000000e+00 : f32
      %broadcast_in_dim3A_355 = vector.broadcast %broadcast_in_dim3A : f32 to vector<16xf32>
      %mul3A_356 = arith.constant 16 : i32
      %mul3A_357 = arith.muli %scan3A_351, %mul3A_356 : i32
      %add3A_358 = arith.constant 0 : i32
      %add3A_359 = arith.addi %mul3A_357, %add3A_358 : i32
      %get3A_360 = arith.index_cast %add3A_359 : i32 to index
      %get3A_361 = arith.constant 0 : index
      %get3A_362 = tpu.vector_load %arg8[%get3A_360, %get3A_361] {strides = array<i32>} : memref<2048x32xf32, #tpu.memory_space<vmem>>, vector<1x16xf32>,
      %get3A_363 = vector.shape_cast %get3A_362 : vector<1x16xf32> to vector<16xf32>
      %add3A_364 = arith.addf %get3A_354, %get3A_363 : vector<16xf32>
      %max3A = arith.constant 0.000000e+00 : f32
      %max3A_365 = vector.broadcast %max3A : f32 to vector<16xf32>
      %max3A_366 = arith.maximumf %add3A_364, %max3A_365 : vector<16xf32>
      %add3A_367 = arith.addf %broadcast_in_dim3A_355, %max3A_366 : vector<16xf32>
      %mul3A_368 = arith.constant 16 : i32
      %mul3A_369 = arith.muli %scan3A_351, %mul3A_368 : i32
      %add3A_370 = arith.constant 1 : i32
      %add3A_371 = arith.addi %mul3A_369, %add3A_370 : i32
      %get3A_372 = arith.index_cast %add3A_371 : i32 to index
      %get3A_373 = arith.constant 0 : index
      %get3A_374 = tpu.vector_load %arg8[%get3A_372, %get3A_373] {strides = array<i32>} : memref<2048x32xf32, #tpu.memory_space<vmem>>, vector<1x16xf32>,
      %get3A_375 = vector.shape_cast %get3A_374 : vector<1x16xf32> to vector<16xf32>
      %add3A_376 = arith.addf %get3A_354, %get3A_375 : vector<16xf32>
      %max3A_377 = arith.constant 0.000000e+00 : f32
      %max3A_378 = vector.broadcast %max3A_377 : f32 to vector<16xf32>
      %max3A_379 = arith.maximumf %add3A_376, %max3A_378 : vector<16xf32>
      %add3A_380 = arith.addf %add3A_367, %max3A_379 : vector<16xf32>
      %mul3A_381 = arith.constant 16 : i32
      %mul3A_382 = arith.muli %scan3A_351, %mul3A_381 : i32
      %add3A_383 = arith.constant 2 : i32
      %add3A_384 = arith.addi %mul3A_382, %add3A_383 : i32
      %get3A_385 = arith.index_cast %add3A_384 : i32 to index
      %get3A_386 = arith.constant 0 : index
      %get3A_387 = tpu.vector_load %arg8[%get3A_385, %get3A_386] {strides = array<i32>} : memref<2048x32xf32, #tpu.memory_space<vmem>>, vector<1x16xf32>,
      %get3A_388 = vector.shape_cast %get3A_387 : vector<1x16xf32> to vector<16xf32>
      %add3A_389 = arith.addf %get3A_354, %get3A_388 : vector<16xf32>
      %max3A_390 = arith.constant 0.000000e+00 : f32
      %max3A_391 = vector.broadcast %max3A_390 : f32 to vector<16xf32>
      %max3A_392 = arith.maximumf %add3A_389, %max3A_391 : vector<16xf32>
      %add3A_393 = arith.addf %add3A_380, %max3A_392 : vector<16xf32>
      %mul3A_394 = arith.constant 16 : i32
      %mul3A_395 = arith.muli %scan3A_351, %mul3A_394 : i32
      %add3A_396 = arith.constant 3 : i32
      %add3A_397 = arith.addi %mul3A_395, %add3A_396 : i32
      %get3A_398 = arith.index_cast %add3A_397 : i32 to index
      %get3A_399 = arith.constant 0 : index
      %get3A_400 = tpu.vector_load %arg8[%get3A_398, %get3A_399] {strides = array<i32>} : memref<2048x32xf32, #tpu.memory_space<vmem>>, vector<1x16xf32>,
      %get3A_401 = vector.shape_cast %get3A_400 : vector<1x16xf32> to vector<16xf32>
      %add3A_402 = arith.addf %get3A_354, %get3A_401 : vector<16xf32>
      %max3A_403 = arith.constant 0.000000e+00 : f32
      %max3A_404 = vector.broadcast %max3A_403 : f32 to vector<16xf32>
      %max3A_405 = arith.maximumf %add3A_402, %max3A_404 : vector<16xf32>
      %add3A_406 = arith.addf %add3A_393, %max3A_405 : vector<16xf32>
      %mul3A_407 = arith.constant 16 : i32
      %mul3A_408 = arith.muli %scan3A_351, %mul3A_407 : i32
      %add3A_409 = arith.constant 4 : i32
      %add3A_410 = arith.addi %mul3A_408, %add3A_409 : i32
      %get3A_411 = arith.index_cast %add3A_410 : i32 to index
      %get3A_412 = arith.constant 0 : index
      %get3A_413 = tpu.vector_load %arg8[%get3A_411, %get3A_412] {strides = array<i32>} : memref<2048x32xf32, #tpu.memory_space<vmem>>, vector<1x16xf32>,
      %get3A_414 = vector.shape_cast %get3A_413 : vector<1x16xf32> to vector<16xf32>
      %add3A_415 = arith.addf %get3A_354, %get3A_414 : vector<16xf32>
      %max3A_416 = arith.constant 0.000000e+00 : f32
      %max3A_417 = vector.broadcast %max3A_416 : f32 to vector<16xf32>
      %max3A_418 = arith.maximumf %add3A_415, %max3A_417 : vector<16xf32>
      %add3A_419 = arith.addf %add3A_406, %max3A_418 : vector<16xf32>
      %mul3A_420 = arith.constant 16 : i32
      %mul3A_421 = arith.muli %scan3A_351, %mul3A_420 : i32
      %add3A_422 = arith.constant 5 : i32
      %add3A_423 = arith.addi %mul3A_421, %add3A_422 : i32
      %get3A_424 = arith.index_cast %add3A_423 : i32 to index
      %get3A_425 = arith.constant 0 : index
      %get3A_426 = tpu.vector_load %arg8[%get3A_424, %get3A_425] {strides = array<i32>} : memref<2048x32xf32, #tpu.memory_space<vmem>>, vector<1x16xf32>,
      %get3A_427 = vector.shape_cast %get3A_426 : vector<1x16xf32> to vector<16xf32>
      %add3A_428 = arith.addf %get3A_354, %get3A_427 : vector<16xf32>
      %max3A_429 = arith.constant 0.000000e+00 : f32
      %max3A_430 = vector.broadcast %max3A_429 : f32 to vector<16xf32>
      %max3A_431 = arith.maximumf %add3A_428, %max3A_430 : vector<16xf32>
      %add3A_432 = arith.addf %add3A_419, %max3A_431 : vector<16xf32>
      %mul3A_433 = arith.constant 16 : i32
      %mul3A_434 = arith.muli %scan3A_351, %mul3A_433 : i32
      %add3A_435 = arith.constant 6 : i32
      %add3A_436 = arith.addi %mul3A_434, %add3A_435 : i32
      %get3A_437 = arith.index_cast %add3A_436 : i32 to index
      %get3A_438 = arith.constant 0 : index
      %get3A_439 = tpu.vector_load %arg8[%get3A_437, %get3A_438] {strides = array<i32>} : memref<2048x32xf32, #tpu.memory_space<vmem>>, vector<1x16xf32>,
      %get3A_440 = vector.shape_cast %get3A_439 : vector<1x16xf32> to vector<16xf32>
      %add3A_441 = arith.addf %get3A_354, %get3A_440 : vector<16xf32>
      %max3A_442 = arith.constant 0.000000e+00 : f32
      %max3A_443 = vector.broadcast %max3A_442 : f32 to vector<16xf32>
      %max3A_444 = arith.maximumf %add3A_441, %max3A_443 : vector<16xf32>
      %add3A_445 = arith.addf %add3A_432, %max3A_444 : vector<16xf32>
      %mul3A_446 = arith.constant 16 : i32
      %mul3A_447 = arith.muli %scan3A_351, %mul3A_446 : i32
      %add3A_448 = arith.constant 7 : i32
      %add3A_449 = arith.addi %mul3A_447, %add3A_448 : i32
      %get3A_450 = arith.index_cast %add3A_449 : i32 to index
      %get3A_451 = arith.constant 0 : index
      %get3A_452 = tpu.vector_load %arg8[%get3A_450, %get3A_451] {strides = array<i32>} : memref<2048x32xf32, #tpu.memory_space<vmem>>, vector<1x16xf32>,
      %get3A_453 = vector.shape_cast %get3A_452 : vector<1x16xf32> to vector<16xf32>
      %add3A_454 = arith.addf %get3A_354, %get3A_453 : vector<16xf32>
      %max3A_455 = arith.constant 0.000000e+00 : f32
      %max3A_456 = vector.broadcast %max3A_455 : f32 to vector<16xf32>
      %max3A_457 = arith.maximumf %add3A_454, %max3A_456 : vector<16xf32>
      %add3A_458 = arith.addf %add3A_445, %max3A_457 : vector<16xf32>
      %mul3A_459 = arith.constant 16 : i32
      %mul3A_460 = arith.muli %scan3A_351, %mul3A_459 : i32
      %add3A_461 = arith.constant 8 : i32
      %add3A_462 = arith.addi %mul3A_460, %add3A_461 : i32
      %get3A_463 = arith.index_cast %add3A_462 : i32 to index
      %get3A_464 = arith.constant 0 : index
      %get3A_465 = tpu.vector_load %arg8[%get3A_463, %get3A_464] {strides = array<i32>} : memref<2048x32xf32, #tpu.memory_space<vmem>>, vector<1x16xf32>,
      %get3A_466 = vector.shape_cast %get3A_465 : vector<1x16xf32> to vector<16xf32>
      %add3A_467 = arith.addf %get3A_354, %get3A_466 : vector<16xf32>
      %max3A_468 = arith.constant 0.000000e+00 : f32
      %max3A_469 = vector.broadcast %max3A_468 : f32 to vector<16xf32>
      %max3A_470 = arith.maximumf %add3A_467, %max3A_469 : vector<16xf32>
      %add3A_471 = arith.addf %add3A_458, %max3A_470 : vector<16xf32>
      %mul3A_472 = arith.constant 16 : i32
      %mul3A_473 = arith.muli %scan3A_351, %mul3A_472 : i32
      %add3A_474 = arith.constant 9 : i32
      %add3A_475 = arith.addi %mul3A_473, %add3A_474 : i32
      %get3A_476 = arith.index_cast %add3A_475 : i32 to index
      %get3A_477 = arith.constant 0 : index
      %get3A_478 = tpu.vector_load %arg8[%get3A_476, %get3A_477] {strides = array<i32>} : memref<2048x32xf32, #tpu.memory_space<vmem>>, vector<1x16xf32>,
      %get3A_479 = vector.shape_cast %get3A_478 : vector<1x16xf32> to vector<16xf32>
      %add3A_480 = arith.addf %get3A_354, %get3A_479 : vector<16xf32>
      %max3A_481 = arith.constant 0.000000e+00 : f32
      %max3A_482 = vector.broadcast %max3A_481 : f32 to vector<16xf32>
      %max3A_483 = arith.maximumf %add3A_480, %max3A_482 : vector<16xf32>
      %add3A_484 = arith.addf %add3A_471, %max3A_483 : vector<16xf32>
      %mul3A_485 = arith.constant 16 : i32
      %mul3A_486 = arith.muli %scan3A_351, %mul3A_485 : i32
      %add3A_487 = arith.constant 10 : i32
      %add3A_488 = arith.addi %mul3A_486, %add3A_487 : i32
      %get3A_489 = arith.index_cast %add3A_488 : i32 to index
      %get3A_490 = arith.constant 0 : index
      %get3A_491 = tpu.vector_load %arg8[%get3A_489, %get3A_490] {strides = array<i32>} : memref<2048x32xf32, #tpu.memory_space<vmem>>, vector<1x16xf32>,
      %get3A_492 = vector.shape_cast %get3A_491 : vector<1x16xf32> to vector<16xf32>
      %add3A_493 = arith.addf %get3A_354, %get3A_492 : vector<16xf32>
      %max3A_494 = arith.constant 0.000000e+00 : f32
      %max3A_495 = vector.broadcast %max3A_494 : f32 to vector<16xf32>
      %max3A_496 = arith.maximumf %add3A_493, %max3A_495 : vector<16xf32>
      %add3A_497 = arith.addf %add3A_484, %max3A_496 : vector<16xf32>
      %mul3A_498 = arith.constant 16 : i32
      %mul3A_499 = arith.muli %scan3A_351, %mul3A_498 : i32
      %add3A_500 = arith.constant 11 : i32
      %add3A_501 = arith.addi %mul3A_499, %add3A_500 : i32
      %get3A_502 = arith.index_cast %add3A_501 : i32 to index
      %get3A_503 = arith.constant 0 : index
      %get3A_504 = tpu.vector_load %arg8[%get3A_502, %get3A_503] {strides = array<i32>} : memref<2048x32xf32, #tpu.memory_space<vmem>>, vector<1x16xf32>,
      %get3A_505 = vector.shape_cast %get3A_504 : vector<1x16xf32> to vector<16xf32>
      %add3A_506 = arith.addf %get3A_354, %get3A_505 : vector<16xf32>
      %max3A_507 = arith.constant 0.000000e+00 : f32
      %max3A_508 = vector.broadcast %max3A_507 : f32 to vector<16xf32>
      %max3A_509 = arith.maximumf %add3A_506, %max3A_508 : vector<16xf32>
      %add3A_510 = arith.addf %add3A_497, %max3A_509 : vector<16xf32>
      %mul3A_511 = arith.constant 16 : i32
      %mul3A_512 = arith.muli %scan3A_351, %mul3A_511 : i32
      %add3A_513 = arith.constant 12 : i32
      %add3A_514 = arith.addi %mul3A_512, %add3A_513 : i32
      %get3A_515 = arith.index_cast %add3A_514 : i32 to index
      %get3A_516 = arith.constant 0 : index
      %get3A_517 = tpu.vector_load %arg8[%get3A_515, %get3A_516] {strides = array<i32>} : memref<2048x32xf32, #tpu.memory_space<vmem>>, vector<1x16xf32>,
      %get3A_518 = vector.shape_cast %get3A_517 : vector<1x16xf32> to vector<16xf32>
      %add3A_519 = arith.addf %get3A_354, %get3A_518 : vector<16xf32>
      %max3A_520 = arith.constant 0.000000e+00 : f32
      %max3A_521 = vector.broadcast %max3A_520 : f32 to vector<16xf32>
      %max3A_522 = arith.maximumf %add3A_519, %max3A_521 : vector<16xf32>
      %add3A_523 = arith.addf %add3A_510, %max3A_522 : vector<16xf32>
      %mul3A_524 = arith.constant 16 : i32
      %mul3A_525 = arith.muli %scan3A_351, %mul3A_524 : i32
      %add3A_526 = arith.constant 13 : i32
      %add3A_527 = arith.addi %mul3A_525, %add3A_526 : i32
      %get3A_528 = arith.index_cast %add3A_527 : i32 to index
      %get3A_529 = arith.constant 0 : index
      %get3A_530 = tpu.vector_load %arg8[%get3A_528, %get3A_529] {strides = array<i32>} : memref<2048x32xf32, #tpu.memory_space<vmem>>, vector<1x16xf32>,
      %get3A_531 = vector.shape_cast %get3A_530 : vector<1x16xf32> to vector<16xf32>
      %add3A_532 = arith.addf %get3A_354, %get3A_531 : vector<16xf32>
      %max3A_533 = arith.constant 0.000000e+00 : f32
      %max3A_534 = vector.broadcast %max3A_533 : f32 to vector<16xf32>
      %max3A_535 = arith.maximumf %add3A_532, %max3A_534 : vector<16xf32>
      %add3A_536 = arith.addf %add3A_523, %max3A_535 : vector<16xf32>
      %mul3A_537 = arith.constant 16 : i32
      %mul3A_538 = arith.muli %scan3A_351, %mul3A_537 : i32
      %add3A_539 = arith.constant 14 : i32
      %add3A_540 = arith.addi %mul3A_538, %add3A_539 : i32
      %get3A_541 = arith.index_cast %add3A_540 : i32 to index
      %get3A_542 = arith.constant 0 : index
      %get3A_543 = tpu.vector_load %arg8[%get3A_541, %get3A_542] {strides = array<i32>} : memref<2048x32xf32, #tpu.memory_space<vmem>>, vector<1x16xf32>,
      %get3A_544 = vector.shape_cast %get3A_543 : vector<1x16xf32> to vector<16xf32>
      %add3A_545 = arith.addf %get3A_354, %get3A_544 : vector<16xf32>
      %max3A_546 = arith.constant 0.000000e+00 : f32
      %max3A_547 = vector.broadcast %max3A_546 : f32 to vector<16xf32>
      %max3A_548 = arith.maximumf %add3A_545, %max3A_547 : vector<16xf32>
      %add3A_549 = arith.addf %add3A_536, %max3A_548 : vector<16xf32>
      %mul3A_550 = arith.constant 16 : i32
      %mul3A_551 = arith.muli %scan3A_351, %mul3A_550 : i32
      %add3A_552 = arith.constant 15 : i32
      %add3A_553 = arith.addi %mul3A_551, %add3A_552 : i32
      %get3A_554 = arith.index_cast %add3A_553 : i32 to index
      %get3A_555 = arith.constant 0 : index
      %get3A_556 = tpu.vector_load %arg8[%get3A_554, %get3A_555] {strides = array<i32>} : memref<2048x32xf32, #tpu.memory_space<vmem>>, vector<1x16xf32>,
      %get3A_557 = vector.shape_cast %get3A_556 : vector<1x16xf32> to vector<16xf32>
      %add3A_558 = arith.addf %get3A_354, %get3A_557 : vector<16xf32>
      %max3A_559 = arith.constant 0.000000e+00 : f32
      %max3A_560 = vector.broadcast %max3A_559 : f32 to vector<16xf32>
      %max3A_561 = arith.maximumf %add3A_558, %max3A_560 : vector<16xf32>
      %add3A_562 = arith.addf %add3A_549, %max3A_561 : vector<16xf32>
      %get3A_563 = arith.index_cast %scan3A_351 : i32 to index
      %get3A_564 = arith.constant 0 : index
      %get3A_565 = tpu.vector_load %arg10[%get3A_563, %get3A_564] {strides = array<i32>} : memref<128x32xf32, #tpu.memory_space<vmem>>, vector<1x16xf32>,
      %get3A_566 = vector.shape_cast %get3A_565 : vector<1x16xf32> to vector<16xf32>
      %mul3A_567 = arith.constant 6.250000e-02 : f32
      %mul3A_568 = vector.broadcast %mul3A_567 : f32 to vector<16xf32>
      %mul3A_569 = arith.mulf %add3A_562, %mul3A_568 : vector<16xf32>
      %add3A_570 = arith.addf %get3A_566, %mul3A_569 : vector<16xf32>
      %max3A_571 = arith.constant 0.000000e+00 : f32
      %max3A_572 = vector.broadcast %max3A_571 : f32 to vector<16xf32>
      %max3A_573 = arith.maximumf %add3A_570, %max3A_572 : vector<16xf32>
      %swap3A = arith.index_cast %scan3A_351 : i32 to index
      %swap3A_574 = arith.constant 0 : index
      %swap3A_575 = tpu.vector_load %arg11[%swap3A, %swap3A_574] {strides = array<i32>} : memref<128x32xf32, #tpu.memory_space<vmem>>, vector<1x16xf32>,
      %swap3A_576 = vector.shape_cast %swap3A_575 : vector<1x16xf32> to vector<16xf32>
      %swap3A_577 = vector.shape_cast %max3A_573 : vector<16xf32> to vector<1x16xf32>
      tpu.vector_store %arg11[%swap3A, %swap3A_574], %swap3A_577 {strides = array<i32>} : memref<128x32xf32, #tpu.memory_space<vmem>>, vector<1x16xf32>,
      %get3A_578 = arith.index_cast %scan3A_351 : i32 to index
      %get3A_579 = arith.constant 16 : index
      %get3A_580 = tpu.vector_load %arg9[%get3A_578, %get3A_579] {strides = array<i32>} : memref<128x32xf32, #tpu.memory_space<vmem>>, vector<1x16xf32>,
      %get3A_581 = vector.shape_cast %get3A_580 : vector<1x16xf32> to vector<16xf32>
      %broadcast_in_dim3A_582 = arith.constant 0.000000e+00 : f32
      %broadcast_in_dim3A_583 = vector.broadcast %broadcast_in_dim3A_582 : f32 to vector<16xf32>
      %mul3A_584 = arith.constant 16 : i32
      %mul3A_585 = arith.muli %scan3A_351, %mul3A_584 : i32
      %add3A_586 = arith.constant 0 : i32
      %add3A_587 = arith.addi %mul3A_585, %add3A_586 : i32
      %get3A_588 = arith.index_cast %add3A_587 : i32 to index
      %get3A_589 = arith.constant 16 : index
      %get3A_590 = tpu.vector_load %arg8[%get3A_588, %get3A_589] {strides = array<i32>} : memref<2048x32xf32, #tpu.memory_space<vmem>>, vector<1x16xf32>,
      %get3A_591 = vector.shape_cast %get3A_590 : vector<1x16xf32> to vector<16xf32>
      %add3A_592 = arith.addf %get3A_581, %get3A_591 : vector<16xf32>
      %max3A_593 = arith.constant 0.000000e+00 : f32
      %max3A_594 = vector.broadcast %max3A_593 : f32 to vector<16xf32>
      %max3A_595 = arith.maximumf %add3A_592, %max3A_594 : vector<16xf32>
      %add3A_596 = arith.addf %broadcast_in_dim3A_583, %max3A_595 : vector<16xf32>
      %mul3A_597 = arith.constant 16 : i32
      %mul3A_598 = arith.muli %scan3A_351, %mul3A_597 : i32
      %add3A_599 = arith.constant 1 : i32
      %add3A_600 = arith.addi %mul3A_598, %add3A_599 : i32
      %get3A_601 = arith.index_cast %add3A_600 : i32 to index
      %get3A_602 = arith.constant 16 : index
      %get3A_603 = tpu.vector_load %arg8[%get3A_601, %get3A_602] {strides = array<i32>} : memref<2048x32xf32, #tpu.memory_space<vmem>>, vector<1x16xf32>,
      %get3A_604 = vector.shape_cast %get3A_603 : vector<1x16xf32> to vector<16xf32>
      %add3A_605 = arith.addf %get3A_581, %get3A_604 : vector<16xf32>
      %max3A_606 = arith.constant 0.000000e+00 : f32
      %max3A_607 = vector.broadcast %max3A_606 : f32 to vector<16xf32>
      %max3A_608 = arith.maximumf %add3A_605, %max3A_607 : vector<16xf32>
      %add3A_609 = arith.addf %add3A_596, %max3A_608 : vector<16xf32>
      %mul3A_610 = arith.constant 16 : i32
      %mul3A_611 = arith.muli %scan3A_351, %mul3A_610 : i32
      %add3A_612 = arith.constant 2 : i32
      %add3A_613 = arith.addi %mul3A_611, %add3A_612 : i32
      %get3A_614 = arith.index_cast %add3A_613 : i32 to index
      %get3A_615 = arith.constant 16 : index
      %get3A_616 = tpu.vector_load %arg8[%get3A_614, %get3A_615] {strides = array<i32>} : memref<2048x32xf32, #tpu.memory_space<vmem>>, vector<1x16xf32>,
      %get3A_617 = vector.shape_cast %get3A_616 : vector<1x16xf32> to vector<16xf32>
      %add3A_618 = arith.addf %get3A_581, %get3A_617 : vector<16xf32>
      %max3A_619 = arith.constant 0.000000e+00 : f32
      %max3A_620 = vector.broadcast %max3A_619 : f32 to vector<16xf32>
      %max3A_621 = arith.maximumf %add3A_618, %max3A_620 : vector<16xf32>
      %add3A_622 = arith.addf %add3A_609, %max3A_621 : vector<16xf32>
      %mul3A_623 = arith.constant 16 : i32
      %mul3A_624 = arith.muli %scan3A_351, %mul3A_623 : i32
      %add3A_625 = arith.constant 3 : i32
      %add3A_626 = arith.addi %mul3A_624, %add3A_625 : i32
      %get3A_627 = arith.index_cast %add3A_626 : i32 to index
      %get3A_628 = arith.constant 16 : index
      %get3A_629 = tpu.vector_load %arg8[%get3A_627, %get3A_628] {strides = array<i32>} : memref<2048x32xf32, #tpu.memory_space<vmem>>, vector<1x16xf32>,
      %get3A_630 = vector.shape_cast %get3A_629 : vector<1x16xf32> to vector<16xf32>
      %add3A_631 = arith.addf %get3A_581, %get3A_630 : vector<16xf32>
      %max3A_632 = arith.constant 0.000000e+00 : f32
      %max3A_633 = vector.broadcast %max3A_632 : f32 to vector<16xf32>
      %max3A_634 = arith.maximumf %add3A_631, %max3A_633 : vector<16xf32>
      %add3A_635 = arith.addf %add3A_622, %max3A_634 : vector<16xf32>
      %mul3A_636 = arith.constant 16 : i32
      %mul3A_637 = arith.muli %scan3A_351, %mul3A_636 : i32
      %add3A_638 = arith.constant 4 : i32
      %add3A_639 = arith.addi %mul3A_637, %add3A_638 : i32
      %get3A_640 = arith.index_cast %add3A_639 : i32 to index
      %get3A_641 = arith.constant 16 : index
      %get3A_642 = tpu.vector_load %arg8[%get3A_640, %get3A_641] {strides = array<i32>} : memref<2048x32xf32, #tpu.memory_space<vmem>>, vector<1x16xf32>,
      %get3A_643 = vector.shape_cast %get3A_642 : vector<1x16xf32> to vector<16xf32>
      %add3A_644 = arith.addf %get3A_581, %get3A_643 : vector<16xf32>
      %max3A_645 = arith.constant 0.000000e+00 : f32
      %max3A_646 = vector.broadcast %max3A_645 : f32 to vector<16xf32>
      %max3A_647 = arith.maximumf %add3A_644, %max3A_646 : vector<16xf32>
      %add3A_648 = arith.addf %add3A_635, %max3A_647 : vector<16xf32>
      %mul3A_649 = arith.constant 16 : i32
      %mul3A_650 = arith.muli %scan3A_351, %mul3A_649 : i32
      %add3A_651 = arith.constant 5 : i32
      %add3A_652 = arith.addi %mul3A_650, %add3A_651 : i32
      %get3A_653 = arith.index_cast %add3A_652 : i32 to index
      %get3A_654 = arith.constant 16 : index
      %get3A_655 = tpu.vector_load %arg8[%get3A_653, %get3A_654] {strides = array<i32>} : memref<2048x32xf32, #tpu.memory_space<vmem>>, vector<1x16xf32>,
      %get3A_656 = vector.shape_cast %get3A_655 : vector<1x16xf32> to vector<16xf32>
      %add3A_657 = arith.addf %get3A_581, %get3A_656 : vector<16xf32>
      %max3A_658 = arith.constant 0.000000e+00 : f32
      %max3A_659 = vector.broadcast %max3A_658 : f32 to vector<16xf32>
      %max3A_660 = arith.maximumf %add3A_657, %max3A_659 : vector<16xf32>
      %add3A_661 = arith.addf %add3A_648, %max3A_660 : vector<16xf32>
      %mul3A_662 = arith.constant 16 : i32
      %mul3A_663 = arith.muli %scan3A_351, %mul3A_662 : i32
      %add3A_664 = arith.constant 6 : i32
      %add3A_665 = arith.addi %mul3A_663, %add3A_664 : i32
      %get3A_666 = arith.index_cast %add3A_665 : i32 to index
      %get3A_667 = arith.constant 16 : index
      %get3A_668 = tpu.vector_load %arg8[%get3A_666, %get3A_667] {strides = array<i32>} : memref<2048x32xf32, #tpu.memory_space<vmem>>, vector<1x16xf32>,
      %get3A_669 = vector.shape_cast %get3A_668 : vector<1x16xf32> to vector<16xf32>
      %add3A_670 = arith.addf %get3A_581, %get3A_669 : vector<16xf32>
      %max3A_671 = arith.constant 0.000000e+00 : f32
      %max3A_672 = vector.broadcast %max3A_671 : f32 to vector<16xf32>
      %max3A_673 = arith.maximumf %add3A_670, %max3A_672 : vector<16xf32>
      %add3A_674 = arith.addf %add3A_661, %max3A_673 : vector<16xf32>
      %mul3A_675 = arith.constant 16 : i32
      %mul3A_676 = arith.muli %scan3A_351, %mul3A_675 : i32
      %add3A_677 = arith.constant 7 : i32
      %add3A_678 = arith.addi %mul3A_676, %add3A_677 : i32
      %get3A_679 = arith.index_cast %add3A_678 : i32 to index
      %get3A_680 = arith.constant 16 : index
      %get3A_681 = tpu.vector_load %arg8[%get3A_679, %get3A_680] {strides = array<i32>} : memref<2048x32xf32, #tpu.memory_space<vmem>>, vector<1x16xf32>,
      %get3A_682 = vector.shape_cast %get3A_681 : vector<1x16xf32> to vector<16xf32>
      %add3A_683 = arith.addf %get3A_581, %get3A_682 : vector<16xf32>
      %max3A_684 = arith.constant 0.000000e+00 : f32
      %max3A_685 = vector.broadcast %max3A_684 : f32 to vector<16xf32>
      %max3A_686 = arith.maximumf %add3A_683, %max3A_685 : vector<16xf32>
      %add3A_687 = arith.addf %add3A_674, %max3A_686 : vector<16xf32>
      %mul3A_688 = arith.constant 16 : i32
      %mul3A_689 = arith.muli %scan3A_351, %mul3A_688 : i32
      %add3A_690 = arith.constant 8 : i32
      %add3A_691 = arith.addi %mul3A_689, %add3A_690 : i32
      %get3A_692 = arith.index_cast %add3A_691 : i32 to index
      %get3A_693 = arith.constant 16 : index
      %get3A_694 = tpu.vector_load %arg8[%get3A_692, %get3A_693] {strides = array<i32>} : memref<2048x32xf32, #tpu.memory_space<vmem>>, vector<1x16xf32>,
      %get3A_695 = vector.shape_cast %get3A_694 : vector<1x16xf32> to vector<16xf32>
      %add3A_696 = arith.addf %get3A_581, %get3A_695 : vector<16xf32>
      %max3A_697 = arith.constant 0.000000e+00 : f32
      %max3A_698 = vector.broadcast %max3A_697 : f32 to vector<16xf32>
      %max3A_699 = arith.maximumf %add3A_696, %max3A_698 : vector<16xf32>
      %add3A_700 = arith.addf %add3A_687, %max3A_699 : vector<16xf32>
      %mul3A_701 = arith.constant 16 : i32
      %mul3A_702 = arith.muli %scan3A_351, %mul3A_701 : i32
      %add3A_703 = arith.constant 9 : i32
      %add3A_704 = arith.addi %mul3A_702, %add3A_703 : i32
      %get3A_705 = arith.index_cast %add3A_704 : i32 to index
      %get3A_706 = arith.constant 16 : index
      %get3A_707 = tpu.vector_load %arg8[%get3A_705, %get3A_706] {strides = array<i32>} : memref<2048x32xf32, #tpu.memory_space<vmem>>, vector<1x16xf32>,
      %get3A_708 = vector.shape_cast %get3A_707 : vector<1x16xf32> to vector<16xf32>
      %add3A_709 = arith.addf %get3A_581, %get3A_708 : vector<16xf32>
      %max3A_710 = arith.constant 0.000000e+00 : f32
      %max3A_711 = vector.broadcast %max3A_710 : f32 to vector<16xf32>
      %max3A_712 = arith.maximumf %add3A_709, %max3A_711 : vector<16xf32>
      %add3A_713 = arith.addf %add3A_700, %max3A_712 : vector<16xf32>
      %mul3A_714 = arith.constant 16 : i32
      %mul3A_715 = arith.muli %scan3A_351, %mul3A_714 : i32
      %add3A_716 = arith.constant 10 : i32
      %add3A_717 = arith.addi %mul3A_715, %add3A_716 : i32
      %get3A_718 = arith.index_cast %add3A_717 : i32 to index
      %get3A_719 = arith.constant 16 : index
      %get3A_720 = tpu.vector_load %arg8[%get3A_718, %get3A_719] {strides = array<i32>} : memref<2048x32xf32, #tpu.memory_space<vmem>>, vector<1x16xf32>,
      %get3A_721 = vector.shape_cast %get3A_720 : vector<1x16xf32> to vector<16xf32>
      %add3A_722 = arith.addf %get3A_581, %get3A_721 : vector<16xf32>
      %max3A_723 = arith.constant 0.000000e+00 : f32
      %max3A_724 = vector.broadcast %max3A_723 : f32 to vector<16xf32>
      %max3A_725 = arith.maximumf %add3A_722, %max3A_724 : vector<16xf32>
      %add3A_726 = arith.addf %add3A_713, %max3A_725 : vector<16xf32>
      %mul3A_727 = arith.constant 16 : i32
      %mul3A_728 = arith.muli %scan3A_351, %mul3A_727 : i32
      %add3A_729 = arith.constant 11 : i32
      %add3A_730 = arith.addi %mul3A_728, %add3A_729 : i32
      %get3A_731 = arith.index_cast %add3A_730 : i32 to index
      %get3A_732 = arith.constant 16 : index
      %get3A_733 = tpu.vector_load %arg8[%get3A_731, %get3A_732] {strides = array<i32>} : memref<2048x32xf32, #tpu.memory_space<vmem>>, vector<1x16xf32>,
      %get3A_734 = vector.shape_cast %get3A_733 : vector<1x16xf32> to vector<16xf32>
      %add3A_735 = arith.addf %get3A_581, %get3A_734 : vector<16xf32>
      %max3A_736 = arith.constant 0.000000e+00 : f32
      %max3A_737 = vector.broadcast %max3A_736 : f32 to vector<16xf32>
      %max3A_738 = arith.maximumf %add3A_735, %max3A_737 : vector<16xf32>
      %add3A_739 = arith.addf %add3A_726, %max3A_738 : vector<16xf32>
      %mul3A_740 = arith.constant 16 : i32
      %mul3A_741 = arith.muli %scan3A_351, %mul3A_740 : i32
      %add3A_742 = arith.constant 12 : i32
      %add3A_743 = arith.addi %mul3A_741, %add3A_742 : i32
      %get3A_744 = arith.index_cast %add3A_743 : i32 to index
      %get3A_745 = arith.constant 16 : index
      %get3A_746 = tpu.vector_load %arg8[%get3A_744, %get3A_745] {strides = array<i32>} : memref<2048x32xf32, #tpu.memory_space<vmem>>, vector<1x16xf32>,
      %get3A_747 = vector.shape_cast %get3A_746 : vector<1x16xf32> to vector<16xf32>
      %add3A_748 = arith.addf %get3A_581, %get3A_747 : vector<16xf32>
      %max3A_749 = arith.constant 0.000000e+00 : f32
      %max3A_750 = vector.broadcast %max3A_749 : f32 to vector<16xf32>
      %max3A_751 = arith.maximumf %add3A_748, %max3A_750 : vector<16xf32>
      %add3A_752 = arith.addf %add3A_739, %max3A_751 : vector<16xf32>
      %mul3A_753 = arith.constant 16 : i32
      %mul3A_754 = arith.muli %scan3A_351, %mul3A_753 : i32
      %add3A_755 = arith.constant 13 : i32
      %add3A_756 = arith.addi %mul3A_754, %add3A_755 : i32
      %get3A_757 = arith.index_cast %add3A_756 : i32 to index
      %get3A_758 = arith.constant 16 : index
      %get3A_759 = tpu.vector_load %arg8[%get3A_757, %get3A_758] {strides = array<i32>} : memref<2048x32xf32, #tpu.memory_space<vmem>>, vector<1x16xf32>,
      %get3A_760 = vector.shape_cast %get3A_759 : vector<1x16xf32> to vector<16xf32>
      %add3A_761 = arith.addf %get3A_581, %get3A_760 : vector<16xf32>
      %max3A_762 = arith.constant 0.000000e+00 : f32
      %max3A_763 = vector.broadcast %max3A_762 : f32 to vector<16xf32>
      %max3A_764 = arith.maximumf %add3A_761, %max3A_763 : vector<16xf32>
      %add3A_765 = arith.addf %add3A_752, %max3A_764 : vector<16xf32>
      %mul3A_766 = arith.constant 16 : i32
      %mul3A_767 = arith.muli %scan3A_351, %mul3A_766 : i32
      %add3A_768 = arith.constant 14 : i32
      %add3A_769 = arith.addi %mul3A_767, %add3A_768 : i32
      %get3A_770 = arith.index_cast %add3A_769 : i32 to index
      %get3A_771 = arith.constant 16 : index
      %get3A_772 = tpu.vector_load %arg8[%get3A_770, %get3A_771] {strides = array<i32>} : memref<2048x32xf32, #tpu.memory_space<vmem>>, vector<1x16xf32>,
      %get3A_773 = vector.shape_cast %get3A_772 : vector<1x16xf32> to vector<16xf32>
      %add3A_774 = arith.addf %get3A_581, %get3A_773 : vector<16xf32>
      %max3A_775 = arith.constant 0.000000e+00 : f32
      %max3A_776 = vector.broadcast %max3A_775 : f32 to vector<16xf32>
      %max3A_777 = arith.maximumf %add3A_774, %max3A_776 : vector<16xf32>
      %add3A_778 = arith.addf %add3A_765, %max3A_777 : vector<16xf32>
      %mul3A_779 = arith.constant 16 : i32
      %mul3A_780 = arith.muli %scan3A_351, %mul3A_779 : i32
      %add3A_781 = arith.constant 15 : i32
      %add3A_782 = arith.addi %mul3A_780, %add3A_781 : i32
      %get3A_783 = arith.index_cast %add3A_782 : i32 to index
      %get3A_784 = arith.constant 16 : index
      %get3A_785 = tpu.vector_load %arg8[%get3A_783, %get3A_784] {strides = array<i32>} : memref<2048x32xf32, #tpu.memory_space<vmem>>, vector<1x16xf32>,
      %get3A_786 = vector.shape_cast %get3A_785 : vector<1x16xf32> to vector<16xf32>
      %add3A_787 = arith.addf %get3A_581, %get3A_786 : vector<16xf32>
      %max3A_788 = arith.constant 0.000000e+00 : f32
      %max3A_789 = vector.broadcast %max3A_788 : f32 to vector<16xf32>
      %max3A_790 = arith.maximumf %add3A_787, %max3A_789 : vector<16xf32>
      %add3A_791 = arith.addf %add3A_778, %max3A_790 : vector<16xf32>
      %get3A_792 = arith.index_cast %scan3A_351 : i32 to index
      %get3A_793 = arith.constant 16 : index
      %get3A_794 = tpu.vector_load %arg10[%get3A_792, %get3A_793] {strides = array<i32>} : memref<128x32xf32, #tpu.memory_space<vmem>>, vector<1x16xf32>,
      %get3A_795 = vector.shape_cast %get3A_794 : vector<1x16xf32> to vector<16xf32>
      %mul3A_796 = arith.constant 6.250000e-02 : f32
      %mul3A_797 = vector.broadcast %mul3A_796 : f32 to vector<16xf32>
      %mul3A_798 = arith.mulf %add3A_791, %mul3A_797 : vector<16xf32>
      %add3A_799 = arith.addf %get3A_795, %mul3A_798 : vector<16xf32>
      %max3A_800 = arith.constant 0.000000e+00 : f32
      %max3A_801 = vector.broadcast %max3A_800 : f32 to vector<16xf32>
      %max3A_802 = arith.maximumf %add3A_799, %max3A_801 : vector<16xf32>
      %swap3A_803 = arith.index_cast %scan3A_351 : i32 to index
      %swap3A_804 = arith.constant 16 : index
      %swap3A_805 = tpu.vector_load %arg11[%swap3A_803, %swap3A_804] {strides = array<i32>} : memref<128x32xf32, #tpu.memory_space<vmem>>, vector<1x16xf32>,
      %swap3A_806 = vector.shape_cast %swap3A_805 : vector<1x16xf32> to vector<16xf32>
      %swap3A_807 = vector.shape_cast %max3A_802 : vector<16xf32> to vector<1x16xf32>
      tpu.vector_store %arg11[%swap3A_803, %swap3A_804], %swap3A_807 {strides = array<i32>} : memref<128x32xf32, #tpu.memory_space<vmem>>, vector<1x16xf32>,
    }
    %scan3A_349 = arith.constant 128 : i32
    "tpu.region"() ({
      %run_scoped3A = tpu.sem_alloc : memref<!tpu.dma_semaphore, #tpu.memory_space<semaphore_mem>>
      %dma_start3A_351 = arith.constant 0 : i32
      %dma_start3A_352 = tpu.memref_slice %arg6[%multiple_of3A, %dma_start3A_351] : memref<4096x32xf32, #tpu.memory_space<hbm>> -> memref<128x32xf32, #tpu.memory_space<hbm>>
      %dma_start3A_353 = arith.constant 0 : i32
      %dma_start3A_354 = tpu.memref_slice %arg6[%multiple_of3A, %dma_start3A_353] : memref<4096x32xf32, #tpu.memory_space<hbm>> -> memref<128x32xf32, #tpu.memory_space<hbm>>
      tpu.enqueue_dma source(%arg11 : memref<128x32xf32, #tpu.memory_space<vmem>>) target(%dma_start3A_354 : memref<128x32xf32, #tpu.memory_space<hbm>>) target_semaphore(%run_scoped3A : memref<!tpu.dma_semaphore, #tpu.memory_space<semaphore_mem>>)
      %dma_wait3A_355 = arith.constant 0 : i32
      %dma_wait3A_356 = tpu.memref_slice %arg6[%multiple_of3A, %dma_wait3A_355] : memref<4096x32xf32, #tpu.memory_space<hbm>> -> memref<128x32xf32, #tpu.memory_space<hbm>>
      %dma_wait3A_357 = arith.constant 0 : i32
      %dma_wait3A_358 = tpu.memref_slice %arg6[%multiple_of3A, %dma_wait3A_357] : memref<4096x32xf32, #tpu.memory_space<hbm>> -> memref<128x32xf32, #tpu.memory_space<hbm>>
      tpu.wait_dma2 semaphore(%run_scoped3A : memref<!tpu.dma_semaphore, #tpu.memory_space<semaphore_mem>>) src(%arg11 : memref<128x32xf32, #tpu.memory_space<vmem>>) dst(%dma_wait3A_358 : memref<128x32xf32, #tpu.memory_space<hbm>>)
      tpu.yield
    }) : () -> ()
    %scan3A_350 = arith.constant 1 : i32
    return
  }
}

#map = affine_map<(d0, d1) -> (0, 0)>
module attributes {stable_mosaic.version = 14 : i64} {
  func.func @_sc_body(%arg0: i32, %arg1: i32, %arg2: memref<4096x32xf32, #tpu.memory_space<hbm>>, %arg3: memref<4096x32xf32, #tpu.memory_space<hbm>>, %arg4: memref<4096x32xf32, #tpu.memory_space<hbm>>, %arg5: memref<512x128xi32, #tpu.memory_space<hbm>>, %arg6: memref<4096x32xf32, #tpu.memory_space<hbm>>, %arg7: memref<16x128xi32, #tpu.memory_space<vmem>>, %arg8: memref<2048x32xf32, #tpu.memory_space<vmem>>, %arg9: memref<128x32xf32, #tpu.memory_space<vmem>>, %arg10: memref<128x32xf32, #tpu.memory_space<vmem>>, %arg11: memref<128x32xf32, #tpu.memory_space<vmem>>, %arg12: memref<!tpu.dma_semaphore, #tpu.memory_space<semaphore_mem>>) attributes {dimension_semantics = [#tpu.dimension_semantics<core_parallel>, #tpu.dimension_semantics<subcore_parallel>], iteration_bounds = array<i64: 2, 16>, scalar_prefetch = 0 : i64, scratch_operands = 6 : i64, tpu.core_type = #tpu.core_type<sc_vector_subcore>, window_params = [{transform_indices = #map}, {transform_indices = #map}, {transform_indices = #map}, {transform_indices = #map}, {transform_indices = #map}]} {
    %mul3A = arith.constant 2 : i32
    %mul3A_0 = arith.muli %arg1, %mul3A : i32
    %add3A = arith.addi %mul3A_0, %arg0 : i32
    %mul3A_1 = arith.constant 128 : i32
    %mul3A_2 = arith.muli %add3A, %mul3A_1 : i32
    %scan3A = arith.constant 0 : i32
    %scan3A_3 = arith.constant 0 : i32
    %mul3A_4 = arith.constant 128 : i32
    %mul3A_5 = arith.muli %scan3A_3, %mul3A_4 : i32
    %add3A_6 = arith.addi %mul3A_2, %mul3A_5 : i32
    %multiple_of3A = tpu.assume_multiple %add3A_6, 128 : i32
    %mul3A_7 = arith.constant 16 : i32
    %mul3A_8 = arith.muli %multiple_of3A, %mul3A_7 : i32
    %jit3A = arith.constant 128 : i32
    %div3A = arith.divsi %mul3A_8, %jit3A : i32
    %sign3A = arith.constant 0 : i32
    %sign3A_9 = arith.cmpi sgt, %mul3A_8, %sign3A : i32
    %sign3A_10 = arith.extui %sign3A_9 : i1 to i32
    %sign3A_11 = arith.constant 0 : i32
    %sign3A_12 = arith.cmpi slt, %mul3A_8, %sign3A_11 : i32
    %sign3A_13 = arith.extui %sign3A_12 : i1 to i32
    %sign3A_14 = arith.subi %sign3A_10, %sign3A_13 : i32
    %sign3A_15 = arith.constant 0 : i32
    %sign3A_16 = arith.cmpi sgt, %jit3A, %sign3A_15 : i32
    %sign3A_17 = arith.extui %sign3A_16 : i1 to i32
    %sign3A_18 = arith.constant 0 : i32
    %sign3A_19 = arith.cmpi slt, %jit3A, %sign3A_18 : i32
    %sign3A_20 = arith.extui %sign3A_19 : i1 to i32
    %sign3A_21 = arith.subi %sign3A_17, %sign3A_20 : i32
    %ne3A = arith.cmpi ne, %sign3A_14, %sign3A_21 : i32
    %rem3A = arith.remsi %mul3A_8, %jit3A : i32
    %ne3A_22 = arith.constant 0 : i32
    %ne3A_23 = arith.cmpi ne, %rem3A, %ne3A_22 : i32
    %and3A = arith.andi %ne3A, %ne3A_23 : i1
    %sub3A = arith.constant 1 : i32
    %sub3A_24 = arith.subi %div3A, %sub3A : i32
    %select_n3A = arith.select %and3A, %sub3A_24, %div3A : i32
    %multiple_of3A_25 = tpu.assume_multiple %select_n3A, 16 : i32
    "tpu.region"() ({
      %run_scoped3A = tpu.sem_alloc : memref<!tpu.dma_semaphore, #tpu.memory_space<semaphore_mem>>
      %dma_start3A_351 = arith.constant 0 : i32
      %dma_start3A_352 = tpu.memref_slice %arg5[%multiple_of3A_25, %dma_start3A_351] : memref<512x128xi32, #tpu.memory_space<hbm>> -> memref<16x128xi32, #tpu.memory_space<hbm>>
      %dma_start3A_353 = arith.constant 0 : i32
      %dma_start3A_354 = tpu.memref_slice %arg5[%multiple_of3A_25, %dma_start3A_353] : memref<512x128xi32, #tpu.memory_space<hbm>> -> memref<16x128xi32, #tpu.memory_space<hbm>>
      tpu.enqueue_dma source(%dma_start3A_354 : memref<16x128xi32, #tpu.memory_space<hbm>>) target(%arg7 : memref<16x128xi32, #tpu.memory_space<vmem>>) target_semaphore(%run_scoped3A : memref<!tpu.dma_semaphore, #tpu.memory_space<semaphore_mem>>)
      %dma_wait3A_355 = arith.constant 0 : i32
      %dma_wait3A_356 = tpu.memref_slice %arg5[%multiple_of3A_25, %dma_wait3A_355] : memref<512x128xi32, #tpu.memory_space<hbm>> -> memref<16x128xi32, #tpu.memory_space<hbm>>
      %dma_wait3A_357 = arith.constant 0 : i32
      %dma_wait3A_358 = tpu.memref_slice %arg5[%multiple_of3A_25, %dma_wait3A_357] : memref<512x128xi32, #tpu.memory_space<hbm>> -> memref<16x128xi32, #tpu.memory_space<hbm>>
      tpu.wait_dma2 semaphore(%run_scoped3A : memref<!tpu.dma_semaphore, #tpu.memory_space<semaphore_mem>>) src(%dma_wait3A_358 : memref<16x128xi32, #tpu.memory_space<hbm>>) dst(%arg7 : memref<16x128xi32, #tpu.memory_space<vmem>>)
      tpu.yield
    }) : () -> ()
    %dma_start3A = arith.constant 0 : i32
    %dma_start3A_26 = arith.constant 0 : i32
    %dma_start3A_27 = arith.constant 0 : i32
    %dma_start3A_28 = tpu.memref_slice %arg8[%dma_start3A_26, %dma_start3A_27] : memref<2048x32xf32, #tpu.memory_space<vmem>> -> memref<128x32xf32, #tpu.memory_space<vmem>>
    %dma_start3A_29 = arith.constant 0 : i32
    %dma_start3A_30 = tpu.memref_slice %arg7[%dma_start3A, %dma_start3A_29] : memref<16x128xi32, #tpu.memory_space<vmem>> -> memref<1x128xi32, #tpu.memory_space<vmem>>
    %dma_start3A_31 = tpu.memref_squeeze %dma_start3A_30 : memref<1x128xi32, #tpu.memory_space<vmem>> -> memref<128xi32, #tpu.memory_space<vmem>>
    %dma_start3A_32 = arith.constant 0 : i32
    %dma_start3A_33 = arith.constant 0 : i32
    %dma_start3A_34 = tpu.memref_slice %arg2[%dma_start3A_32, %dma_start3A_33] : memref<4096x32xf32, #tpu.memory_space<hbm>> -> memref<4096x32xf32, #tpu.memory_space<hbm>>
    tpu.enqueue_indirect_dma source(%dma_start3A_34 : memref<4096x32xf32, #tpu.memory_space<hbm>>) target(%dma_start3A_28 : memref<128x32xf32, #tpu.memory_space<vmem>>) offsets(%dma_start3A_31 : memref<128xi32, #tpu.memory_space<vmem>>) semaphore(%arg12 : memref<!tpu.dma_semaphore, #tpu.memory_space<semaphore_mem>>)
    %dma_start3A_35 = arith.constant 1 : i32
    %dma_start3A_36 = arith.constant 128 : i32
    %dma_start3A_37 = arith.constant 0 : i32
    %dma_start3A_38 = tpu.memref_slice %arg8[%dma_start3A_36, %dma_start3A_37] : memref<2048x32xf32, #tpu.memory_space<vmem>> -> memref<128x32xf32, #tpu.memory_space<vmem>>
    %dma_start3A_39 = arith.constant 0 : i32
    %dma_start3A_40 = tpu.memref_slice %arg7[%dma_start3A_35, %dma_start3A_39] : memref<16x128xi32, #tpu.memory_space<vmem>> -> memref<1x128xi32, #tpu.memory_space<vmem>>
    %dma_start3A_41 = tpu.memref_squeeze %dma_start3A_40 : memref<1x128xi32, #tpu.memory_space<vmem>> -> memref<128xi32, #tpu.memory_space<vmem>>
    %dma_start3A_42 = arith.constant 0 : i32
    %dma_start3A_43 = arith.constant 0 : i32
    %dma_start3A_44 = tpu.memref_slice %arg2[%dma_start3A_42, %dma_start3A_43] : memref<4096x32xf32, #tpu.memory_space<hbm>> -> memref<4096x32xf32, #tpu.memory_space<hbm>>
    tpu.enqueue_indirect_dma source(%dma_start3A_44 : memref<4096x32xf32, #tpu.memory_space<hbm>>) target(%dma_start3A_38 : memref<128x32xf32, #tpu.memory_space<vmem>>) offsets(%dma_start3A_41 : memref<128xi32, #tpu.memory_space<vmem>>) semaphore(%arg12 : memref<!tpu.dma_semaphore, #tpu.memory_space<semaphore_mem>>)
    %dma_start3A_45 = arith.constant 2 : i32
    %dma_start3A_46 = arith.constant 256 : i32
    %dma_start3A_47 = arith.constant 0 : i32
    %dma_start3A_48 = tpu.memref_slice %arg8[%dma_start3A_46, %dma_start3A_47] : memref<2048x32xf32, #tpu.memory_space<vmem>> -> memref<128x32xf32, #tpu.memory_space<vmem>>
    %dma_start3A_49 = arith.constant 0 : i32
    %dma_start3A_50 = tpu.memref_slice %arg7[%dma_start3A_45, %dma_start3A_49] : memref<16x128xi32, #tpu.memory_space<vmem>> -> memref<1x128xi32, #tpu.memory_space<vmem>>
    %dma_start3A_51 = tpu.memref_squeeze %dma_start3A_50 : memref<1x128xi32, #tpu.memory_space<vmem>> -> memref<128xi32, #tpu.memory_space<vmem>>
    %dma_start3A_52 = arith.constant 0 : i32
    %dma_start3A_53 = arith.constant 0 : i32
    %dma_start3A_54 = tpu.memref_slice %arg2[%dma_start3A_52, %dma_start3A_53] : memref<4096x32xf32, #tpu.memory_space<hbm>> -> memref<4096x32xf32, #tpu.memory_space<hbm>>
    tpu.enqueue_indirect_dma source(%dma_start3A_54 : memref<4096x32xf32, #tpu.memory_space<hbm>>) target(%dma_start3A_48 : memref<128x32xf32, #tpu.memory_space<vmem>>) offsets(%dma_start3A_51 : memref<128xi32, #tpu.memory_space<vmem>>) semaphore(%arg12 : memref<!tpu.dma_semaphore, #tpu.memory_space<semaphore_mem>>)
    %dma_start3A_55 = arith.constant 3 : i32
    %dma_start3A_56 = arith.constant 384 : i32
    %dma_start3A_57 = arith.constant 0 : i32
    %dma_start3A_58 = tpu.memref_slice %arg8[%dma_start3A_56, %dma_start3A_57] : memref<2048x32xf32, #tpu.memory_space<vmem>> -> memref<128x32xf32, #tpu.memory_space<vmem>>
    %dma_start3A_59 = arith.constant 0 : i32
    %dma_start3A_60 = tpu.memref_slice %arg7[%dma_start3A_55, %dma_start3A_59] : memref<16x128xi32, #tpu.memory_space<vmem>> -> memref<1x128xi32, #tpu.memory_space<vmem>>
    %dma_start3A_61 = tpu.memref_squeeze %dma_start3A_60 : memref<1x128xi32, #tpu.memory_space<vmem>> -> memref<128xi32, #tpu.memory_space<vmem>>
    %dma_start3A_62 = arith.constant 0 : i32
    %dma_start3A_63 = arith.constant 0 : i32
    %dma_start3A_64 = tpu.memref_slice %arg2[%dma_start3A_62, %dma_start3A_63] : memref<4096x32xf32, #tpu.memory_space<hbm>> -> memref<4096x32xf32, #tpu.memory_space<hbm>>
    tpu.enqueue_indirect_dma source(%dma_start3A_64 : memref<4096x32xf32, #tpu.memory_space<hbm>>) target(%dma_start3A_58 : memref<128x32xf32, #tpu.memory_space<vmem>>) offsets(%dma_start3A_61 : memref<128xi32, #tpu.memory_space<vmem>>) semaphore(%arg12 : memref<!tpu.dma_semaphore, #tpu.memory_space<semaphore_mem>>)
    %dma_start3A_65 = arith.constant 4 : i32
    %dma_start3A_66 = arith.constant 512 : i32
    %dma_start3A_67 = arith.constant 0 : i32
    %dma_start3A_68 = tpu.memref_slice %arg8[%dma_start3A_66, %dma_start3A_67] : memref<2048x32xf32, #tpu.memory_space<vmem>> -> memref<128x32xf32, #tpu.memory_space<vmem>>
    %dma_start3A_69 = arith.constant 0 : i32
    %dma_start3A_70 = tpu.memref_slice %arg7[%dma_start3A_65, %dma_start3A_69] : memref<16x128xi32, #tpu.memory_space<vmem>> -> memref<1x128xi32, #tpu.memory_space<vmem>>
    %dma_start3A_71 = tpu.memref_squeeze %dma_start3A_70 : memref<1x128xi32, #tpu.memory_space<vmem>> -> memref<128xi32, #tpu.memory_space<vmem>>
    %dma_start3A_72 = arith.constant 0 : i32
    %dma_start3A_73 = arith.constant 0 : i32
    %dma_start3A_74 = tpu.memref_slice %arg2[%dma_start3A_72, %dma_start3A_73] : memref<4096x32xf32, #tpu.memory_space<hbm>> -> memref<4096x32xf32, #tpu.memory_space<hbm>>
    tpu.enqueue_indirect_dma source(%dma_start3A_74 : memref<4096x32xf32, #tpu.memory_space<hbm>>) target(%dma_start3A_68 : memref<128x32xf32, #tpu.memory_space<vmem>>) offsets(%dma_start3A_71 : memref<128xi32, #tpu.memory_space<vmem>>) semaphore(%arg12 : memref<!tpu.dma_semaphore, #tpu.memory_space<semaphore_mem>>)
    %dma_start3A_75 = arith.constant 5 : i32
    %dma_start3A_76 = arith.constant 640 : i32
    %dma_start3A_77 = arith.constant 0 : i32
    %dma_start3A_78 = tpu.memref_slice %arg8[%dma_start3A_76, %dma_start3A_77] : memref<2048x32xf32, #tpu.memory_space<vmem>> -> memref<128x32xf32, #tpu.memory_space<vmem>>
    %dma_start3A_79 = arith.constant 0 : i32
    %dma_start3A_80 = tpu.memref_slice %arg7[%dma_start3A_75, %dma_start3A_79] : memref<16x128xi32, #tpu.memory_space<vmem>> -> memref<1x128xi32, #tpu.memory_space<vmem>>
    %dma_start3A_81 = tpu.memref_squeeze %dma_start3A_80 : memref<1x128xi32, #tpu.memory_space<vmem>> -> memref<128xi32, #tpu.memory_space<vmem>>
    %dma_start3A_82 = arith.constant 0 : i32
    %dma_start3A_83 = arith.constant 0 : i32
    %dma_start3A_84 = tpu.memref_slice %arg2[%dma_start3A_82, %dma_start3A_83] : memref<4096x32xf32, #tpu.memory_space<hbm>> -> memref<4096x32xf32, #tpu.memory_space<hbm>>
    tpu.enqueue_indirect_dma source(%dma_start3A_84 : memref<4096x32xf32, #tpu.memory_space<hbm>>) target(%dma_start3A_78 : memref<128x32xf32, #tpu.memory_space<vmem>>) offsets(%dma_start3A_81 : memref<128xi32, #tpu.memory_space<vmem>>) semaphore(%arg12 : memref<!tpu.dma_semaphore, #tpu.memory_space<semaphore_mem>>)
    %dma_start3A_85 = arith.constant 6 : i32
    %dma_start3A_86 = arith.constant 768 : i32
    %dma_start3A_87 = arith.constant 0 : i32
    %dma_start3A_88 = tpu.memref_slice %arg8[%dma_start3A_86, %dma_start3A_87] : memref<2048x32xf32, #tpu.memory_space<vmem>> -> memref<128x32xf32, #tpu.memory_space<vmem>>
    %dma_start3A_89 = arith.constant 0 : i32
    %dma_start3A_90 = tpu.memref_slice %arg7[%dma_start3A_85, %dma_start3A_89] : memref<16x128xi32, #tpu.memory_space<vmem>> -> memref<1x128xi32, #tpu.memory_space<vmem>>
    %dma_start3A_91 = tpu.memref_squeeze %dma_start3A_90 : memref<1x128xi32, #tpu.memory_space<vmem>> -> memref<128xi32, #tpu.memory_space<vmem>>
    %dma_start3A_92 = arith.constant 0 : i32
    %dma_start3A_93 = arith.constant 0 : i32
    %dma_start3A_94 = tpu.memref_slice %arg2[%dma_start3A_92, %dma_start3A_93] : memref<4096x32xf32, #tpu.memory_space<hbm>> -> memref<4096x32xf32, #tpu.memory_space<hbm>>
    tpu.enqueue_indirect_dma source(%dma_start3A_94 : memref<4096x32xf32, #tpu.memory_space<hbm>>) target(%dma_start3A_88 : memref<128x32xf32, #tpu.memory_space<vmem>>) offsets(%dma_start3A_91 : memref<128xi32, #tpu.memory_space<vmem>>) semaphore(%arg12 : memref<!tpu.dma_semaphore, #tpu.memory_space<semaphore_mem>>)
    %dma_start3A_95 = arith.constant 7 : i32
    %dma_start3A_96 = arith.constant 896 : i32
    %dma_start3A_97 = arith.constant 0 : i32
    %dma_start3A_98 = tpu.memref_slice %arg8[%dma_start3A_96, %dma_start3A_97] : memref<2048x32xf32, #tpu.memory_space<vmem>> -> memref<128x32xf32, #tpu.memory_space<vmem>>
    %dma_start3A_99 = arith.constant 0 : i32
    %dma_start3A_100 = tpu.memref_slice %arg7[%dma_start3A_95, %dma_start3A_99] : memref<16x128xi32, #tpu.memory_space<vmem>> -> memref<1x128xi32, #tpu.memory_space<vmem>>
    %dma_start3A_101 = tpu.memref_squeeze %dma_start3A_100 : memref<1x128xi32, #tpu.memory_space<vmem>> -> memref<128xi32, #tpu.memory_space<vmem>>
    %dma_start3A_102 = arith.constant 0 : i32
    %dma_start3A_103 = arith.constant 0 : i32
    %dma_start3A_104 = tpu.memref_slice %arg2[%dma_start3A_102, %dma_start3A_103] : memref<4096x32xf32, #tpu.memory_space<hbm>> -> memref<4096x32xf32, #tpu.memory_space<hbm>>
    tpu.enqueue_indirect_dma source(%dma_start3A_104 : memref<4096x32xf32, #tpu.memory_space<hbm>>) target(%dma_start3A_98 : memref<128x32xf32, #tpu.memory_space<vmem>>) offsets(%dma_start3A_101 : memref<128xi32, #tpu.memory_space<vmem>>) semaphore(%arg12 : memref<!tpu.dma_semaphore, #tpu.memory_space<semaphore_mem>>)
    %dma_start3A_105 = arith.constant 8 : i32
    %dma_start3A_106 = arith.constant 1024 : i32
    %dma_start3A_107 = arith.constant 0 : i32
    %dma_start3A_108 = tpu.memref_slice %arg8[%dma_start3A_106, %dma_start3A_107] : memref<2048x32xf32, #tpu.memory_space<vmem>> -> memref<128x32xf32, #tpu.memory_space<vmem>>
    %dma_start3A_109 = arith.constant 0 : i32
    %dma_start3A_110 = tpu.memref_slice %arg7[%dma_start3A_105, %dma_start3A_109] : memref<16x128xi32, #tpu.memory_space<vmem>> -> memref<1x128xi32, #tpu.memory_space<vmem>>
    %dma_start3A_111 = tpu.memref_squeeze %dma_start3A_110 : memref<1x128xi32, #tpu.memory_space<vmem>> -> memref<128xi32, #tpu.memory_space<vmem>>
    %dma_start3A_112 = arith.constant 0 : i32
    %dma_start3A_113 = arith.constant 0 : i32
    %dma_start3A_114 = tpu.memref_slice %arg2[%dma_start3A_112, %dma_start3A_113] : memref<4096x32xf32, #tpu.memory_space<hbm>> -> memref<4096x32xf32, #tpu.memory_space<hbm>>
    tpu.enqueue_indirect_dma source(%dma_start3A_114 : memref<4096x32xf32, #tpu.memory_space<hbm>>) target(%dma_start3A_108 : memref<128x32xf32, #tpu.memory_space<vmem>>) offsets(%dma_start3A_111 : memref<128xi32, #tpu.memory_space<vmem>>) semaphore(%arg12 : memref<!tpu.dma_semaphore, #tpu.memory_space<semaphore_mem>>)
    %dma_start3A_115 = arith.constant 9 : i32
    %dma_start3A_116 = arith.constant 1152 : i32
    %dma_start3A_117 = arith.constant 0 : i32
    %dma_start3A_118 = tpu.memref_slice %arg8[%dma_start3A_116, %dma_start3A_117] : memref<2048x32xf32, #tpu.memory_space<vmem>> -> memref<128x32xf32, #tpu.memory_space<vmem>>
    %dma_start3A_119 = arith.constant 0 : i32
    %dma_start3A_120 = tpu.memref_slice %arg7[%dma_start3A_115, %dma_start3A_119] : memref<16x128xi32, #tpu.memory_space<vmem>> -> memref<1x128xi32, #tpu.memory_space<vmem>>
    %dma_start3A_121 = tpu.memref_squeeze %dma_start3A_120 : memref<1x128xi32, #tpu.memory_space<vmem>> -> memref<128xi32, #tpu.memory_space<vmem>>
    %dma_start3A_122 = arith.constant 0 : i32
    %dma_start3A_123 = arith.constant 0 : i32
    %dma_start3A_124 = tpu.memref_slice %arg2[%dma_start3A_122, %dma_start3A_123] : memref<4096x32xf32, #tpu.memory_space<hbm>> -> memref<4096x32xf32, #tpu.memory_space<hbm>>
    tpu.enqueue_indirect_dma source(%dma_start3A_124 : memref<4096x32xf32, #tpu.memory_space<hbm>>) target(%dma_start3A_118 : memref<128x32xf32, #tpu.memory_space<vmem>>) offsets(%dma_start3A_121 : memref<128xi32, #tpu.memory_space<vmem>>) semaphore(%arg12 : memref<!tpu.dma_semaphore, #tpu.memory_space<semaphore_mem>>)
    %dma_start3A_125 = arith.constant 10 : i32
    %dma_start3A_126 = arith.constant 1280 : i32
    %dma_start3A_127 = arith.constant 0 : i32
    %dma_start3A_128 = tpu.memref_slice %arg8[%dma_start3A_126, %dma_start3A_127] : memref<2048x32xf32, #tpu.memory_space<vmem>> -> memref<128x32xf32, #tpu.memory_space<vmem>>
    %dma_start3A_129 = arith.constant 0 : i32
    %dma_start3A_130 = tpu.memref_slice %arg7[%dma_start3A_125, %dma_start3A_129] : memref<16x128xi32, #tpu.memory_space<vmem>> -> memref<1x128xi32, #tpu.memory_space<vmem>>
    %dma_start3A_131 = tpu.memref_squeeze %dma_start3A_130 : memref<1x128xi32, #tpu.memory_space<vmem>> -> memref<128xi32, #tpu.memory_space<vmem>>
    %dma_start3A_132 = arith.constant 0 : i32
    %dma_start3A_133 = arith.constant 0 : i32
    %dma_start3A_134 = tpu.memref_slice %arg2[%dma_start3A_132, %dma_start3A_133] : memref<4096x32xf32, #tpu.memory_space<hbm>> -> memref<4096x32xf32, #tpu.memory_space<hbm>>
    tpu.enqueue_indirect_dma source(%dma_start3A_134 : memref<4096x32xf32, #tpu.memory_space<hbm>>) target(%dma_start3A_128 : memref<128x32xf32, #tpu.memory_space<vmem>>) offsets(%dma_start3A_131 : memref<128xi32, #tpu.memory_space<vmem>>) semaphore(%arg12 : memref<!tpu.dma_semaphore, #tpu.memory_space<semaphore_mem>>)
    %dma_start3A_135 = arith.constant 11 : i32
    %dma_start3A_136 = arith.constant 1408 : i32
    %dma_start3A_137 = arith.constant 0 : i32
    %dma_start3A_138 = tpu.memref_slice %arg8[%dma_start3A_136, %dma_start3A_137] : memref<2048x32xf32, #tpu.memory_space<vmem>> -> memref<128x32xf32, #tpu.memory_space<vmem>>
    %dma_start3A_139 = arith.constant 0 : i32
    %dma_start3A_140 = tpu.memref_slice %arg7[%dma_start3A_135, %dma_start3A_139] : memref<16x128xi32, #tpu.memory_space<vmem>> -> memref<1x128xi32, #tpu.memory_space<vmem>>
    %dma_start3A_141 = tpu.memref_squeeze %dma_start3A_140 : memref<1x128xi32, #tpu.memory_space<vmem>> -> memref<128xi32, #tpu.memory_space<vmem>>
    %dma_start3A_142 = arith.constant 0 : i32
    %dma_start3A_143 = arith.constant 0 : i32
    %dma_start3A_144 = tpu.memref_slice %arg2[%dma_start3A_142, %dma_start3A_143] : memref<4096x32xf32, #tpu.memory_space<hbm>> -> memref<4096x32xf32, #tpu.memory_space<hbm>>
    tpu.enqueue_indirect_dma source(%dma_start3A_144 : memref<4096x32xf32, #tpu.memory_space<hbm>>) target(%dma_start3A_138 : memref<128x32xf32, #tpu.memory_space<vmem>>) offsets(%dma_start3A_141 : memref<128xi32, #tpu.memory_space<vmem>>) semaphore(%arg12 : memref<!tpu.dma_semaphore, #tpu.memory_space<semaphore_mem>>)
    %dma_start3A_145 = arith.constant 12 : i32
    %dma_start3A_146 = arith.constant 1536 : i32
    %dma_start3A_147 = arith.constant 0 : i32
    %dma_start3A_148 = tpu.memref_slice %arg8[%dma_start3A_146, %dma_start3A_147] : memref<2048x32xf32, #tpu.memory_space<vmem>> -> memref<128x32xf32, #tpu.memory_space<vmem>>
    %dma_start3A_149 = arith.constant 0 : i32
    %dma_start3A_150 = tpu.memref_slice %arg7[%dma_start3A_145, %dma_start3A_149] : memref<16x128xi32, #tpu.memory_space<vmem>> -> memref<1x128xi32, #tpu.memory_space<vmem>>
    %dma_start3A_151 = tpu.memref_squeeze %dma_start3A_150 : memref<1x128xi32, #tpu.memory_space<vmem>> -> memref<128xi32, #tpu.memory_space<vmem>>
    %dma_start3A_152 = arith.constant 0 : i32
    %dma_start3A_153 = arith.constant 0 : i32
    %dma_start3A_154 = tpu.memref_slice %arg2[%dma_start3A_152, %dma_start3A_153] : memref<4096x32xf32, #tpu.memory_space<hbm>> -> memref<4096x32xf32, #tpu.memory_space<hbm>>
    tpu.enqueue_indirect_dma source(%dma_start3A_154 : memref<4096x32xf32, #tpu.memory_space<hbm>>) target(%dma_start3A_148 : memref<128x32xf32, #tpu.memory_space<vmem>>) offsets(%dma_start3A_151 : memref<128xi32, #tpu.memory_space<vmem>>) semaphore(%arg12 : memref<!tpu.dma_semaphore, #tpu.memory_space<semaphore_mem>>)
    %dma_start3A_155 = arith.constant 13 : i32
    %dma_start3A_156 = arith.constant 1664 : i32
    %dma_start3A_157 = arith.constant 0 : i32
    %dma_start3A_158 = tpu.memref_slice %arg8[%dma_start3A_156, %dma_start3A_157] : memref<2048x32xf32, #tpu.memory_space<vmem>> -> memref<128x32xf32, #tpu.memory_space<vmem>>
    %dma_start3A_159 = arith.constant 0 : i32
    %dma_start3A_160 = tpu.memref_slice %arg7[%dma_start3A_155, %dma_start3A_159] : memref<16x128xi32, #tpu.memory_space<vmem>> -> memref<1x128xi32, #tpu.memory_space<vmem>>
    %dma_start3A_161 = tpu.memref_squeeze %dma_start3A_160 : memref<1x128xi32, #tpu.memory_space<vmem>> -> memref<128xi32, #tpu.memory_space<vmem>>
    %dma_start3A_162 = arith.constant 0 : i32
    %dma_start3A_163 = arith.constant 0 : i32
    %dma_start3A_164 = tpu.memref_slice %arg2[%dma_start3A_162, %dma_start3A_163] : memref<4096x32xf32, #tpu.memory_space<hbm>> -> memref<4096x32xf32, #tpu.memory_space<hbm>>
    tpu.enqueue_indirect_dma source(%dma_start3A_164 : memref<4096x32xf32, #tpu.memory_space<hbm>>) target(%dma_start3A_158 : memref<128x32xf32, #tpu.memory_space<vmem>>) offsets(%dma_start3A_161 : memref<128xi32, #tpu.memory_space<vmem>>) semaphore(%arg12 : memref<!tpu.dma_semaphore, #tpu.memory_space<semaphore_mem>>)
    %dma_start3A_165 = arith.constant 14 : i32
    %dma_start3A_166 = arith.constant 1792 : i32
    %dma_start3A_167 = arith.constant 0 : i32
    %dma_start3A_168 = tpu.memref_slice %arg8[%dma_start3A_166, %dma_start3A_167] : memref<2048x32xf32, #tpu.memory_space<vmem>> -> memref<128x32xf32, #tpu.memory_space<vmem>>
    %dma_start3A_169 = arith.constant 0 : i32
    %dma_start3A_170 = tpu.memref_slice %arg7[%dma_start3A_165, %dma_start3A_169] : memref<16x128xi32, #tpu.memory_space<vmem>> -> memref<1x128xi32, #tpu.memory_space<vmem>>
    %dma_start3A_171 = tpu.memref_squeeze %dma_start3A_170 : memref<1x128xi32, #tpu.memory_space<vmem>> -> memref<128xi32, #tpu.memory_space<vmem>>
    %dma_start3A_172 = arith.constant 0 : i32
    %dma_start3A_173 = arith.constant 0 : i32
    %dma_start3A_174 = tpu.memref_slice %arg2[%dma_start3A_172, %dma_start3A_173] : memref<4096x32xf32, #tpu.memory_space<hbm>> -> memref<4096x32xf32, #tpu.memory_space<hbm>>
    tpu.enqueue_indirect_dma source(%dma_start3A_174 : memref<4096x32xf32, #tpu.memory_space<hbm>>) target(%dma_start3A_168 : memref<128x32xf32, #tpu.memory_space<vmem>>) offsets(%dma_start3A_171 : memref<128xi32, #tpu.memory_space<vmem>>) semaphore(%arg12 : memref<!tpu.dma_semaphore, #tpu.memory_space<semaphore_mem>>)
    %dma_start3A_175 = arith.constant 15 : i32
    %dma_start3A_176 = arith.constant 1920 : i32
    %dma_start3A_177 = arith.constant 0 : i32
    %dma_start3A_178 = tpu.memref_slice %arg8[%dma_start3A_176, %dma_start3A_177] : memref<2048x32xf32, #tpu.memory_space<vmem>> -> memref<128x32xf32, #tpu.memory_space<vmem>>
    %dma_start3A_179 = arith.constant 0 : i32
    %dma_start3A_180 = tpu.memref_slice %arg7[%dma_start3A_175, %dma_start3A_179] : memref<16x128xi32, #tpu.memory_space<vmem>> -> memref<1x128xi32, #tpu.memory_space<vmem>>
    %dma_start3A_181 = tpu.memref_squeeze %dma_start3A_180 : memref<1x128xi32, #tpu.memory_space<vmem>> -> memref<128xi32, #tpu.memory_space<vmem>>
    %dma_start3A_182 = arith.constant 0 : i32
    %dma_start3A_183 = arith.constant 0 : i32
    %dma_start3A_184 = tpu.memref_slice %arg2[%dma_start3A_182, %dma_start3A_183] : memref<4096x32xf32, #tpu.memory_space<hbm>> -> memref<4096x32xf32, #tpu.memory_space<hbm>>
    tpu.enqueue_indirect_dma source(%dma_start3A_184 : memref<4096x32xf32, #tpu.memory_space<hbm>>) target(%dma_start3A_178 : memref<128x32xf32, #tpu.memory_space<vmem>>) offsets(%dma_start3A_181 : memref<128xi32, #tpu.memory_space<vmem>>) semaphore(%arg12 : memref<!tpu.dma_semaphore, #tpu.memory_space<semaphore_mem>>)
    "tpu.region"() ({
      %run_scoped3A = tpu.sem_alloc : memref<!tpu.dma_semaphore, #tpu.memory_space<semaphore_mem>>
      %dma_start3A_351 = arith.constant 0 : i32
      %dma_start3A_352 = tpu.memref_slice %arg3[%multiple_of3A, %dma_start3A_351] : memref<4096x32xf32, #tpu.memory_space<hbm>> -> memref<128x32xf32, #tpu.memory_space<hbm>>
      %dma_start3A_353 = arith.constant 0 : i32
      %dma_start3A_354 = tpu.memref_slice %arg3[%multiple_of3A, %dma_start3A_353] : memref<4096x32xf32, #tpu.memory_space<hbm>> -> memref<128x32xf32, #tpu.memory_space<hbm>>
      tpu.enqueue_dma source(%dma_start3A_354 : memref<128x32xf32, #tpu.memory_space<hbm>>) target(%arg9 : memref<128x32xf32, #tpu.memory_space<vmem>>) target_semaphore(%run_scoped3A : memref<!tpu.dma_semaphore, #tpu.memory_space<semaphore_mem>>)
      %dma_wait3A_355 = arith.constant 0 : i32
      %dma_wait3A_356 = tpu.memref_slice %arg3[%multiple_of3A, %dma_wait3A_355] : memref<4096x32xf32, #tpu.memory_space<hbm>> -> memref<128x32xf32, #tpu.memory_space<hbm>>
      %dma_wait3A_357 = arith.constant 0 : i32
      %dma_wait3A_358 = tpu.memref_slice %arg3[%multiple_of3A, %dma_wait3A_357] : memref<4096x32xf32, #tpu.memory_space<hbm>> -> memref<128x32xf32, #tpu.memory_space<hbm>>
      tpu.wait_dma2 semaphore(%run_scoped3A : memref<!tpu.dma_semaphore, #tpu.memory_space<semaphore_mem>>) src(%dma_wait3A_358 : memref<128x32xf32, #tpu.memory_space<hbm>>) dst(%arg9 : memref<128x32xf32, #tpu.memory_space<vmem>>)
      tpu.yield
    }) : () -> ()
    "tpu.region"() ({
      %run_scoped3A = tpu.sem_alloc : memref<!tpu.dma_semaphore, #tpu.memory_space<semaphore_mem>>
      %dma_start3A_351 = arith.constant 0 : i32
      %dma_start3A_352 = tpu.memref_slice %arg4[%multiple_of3A, %dma_start3A_351] : memref<4096x32xf32, #tpu.memory_space<hbm>> -> memref<128x32xf32, #tpu.memory_space<hbm>>
      %dma_start3A_353 = arith.constant 0 : i32
      %dma_start3A_354 = tpu.memref_slice %arg4[%multiple_of3A, %dma_start3A_353] : memref<4096x32xf32, #tpu.memory_space<hbm>> -> memref<128x32xf32, #tpu.memory_space<hbm>>
      tpu.enqueue_dma source(%dma_start3A_354 : memref<128x32xf32, #tpu.memory_space<hbm>>) target(%arg10 : memref<128x32xf32, #tpu.memory_space<vmem>>) target_semaphore(%run_scoped3A : memref<!tpu.dma_semaphore, #tpu.memory_space<semaphore_mem>>)
      %dma_wait3A_355 = arith.constant 0 : i32
      %dma_wait3A_356 = tpu.memref_slice %arg4[%multiple_of3A, %dma_wait3A_355] : memref<4096x32xf32, #tpu.memory_space<hbm>> -> memref<128x32xf32, #tpu.memory_space<hbm>>
      %dma_wait3A_357 = arith.constant 0 : i32
      %dma_wait3A_358 = tpu.memref_slice %arg4[%multiple_of3A, %dma_wait3A_357] : memref<4096x32xf32, #tpu.memory_space<hbm>> -> memref<128x32xf32, #tpu.memory_space<hbm>>
      tpu.wait_dma2 semaphore(%run_scoped3A : memref<!tpu.dma_semaphore, #tpu.memory_space<semaphore_mem>>) src(%dma_wait3A_358 : memref<128x32xf32, #tpu.memory_space<hbm>>) dst(%arg10 : memref<128x32xf32, #tpu.memory_space<vmem>>)
      tpu.yield
    }) : () -> ()
    %dma_wait3A = arith.constant 0 : i32
    %dma_wait3A_185 = arith.constant 0 : i32
    %dma_wait3A_186 = arith.constant 0 : i32
    %dma_wait3A_187 = tpu.memref_slice %arg8[%dma_wait3A_185, %dma_wait3A_186] : memref<2048x32xf32, #tpu.memory_space<vmem>> -> memref<128x32xf32, #tpu.memory_space<vmem>>
    %dma_wait3A_188 = arith.constant 0 : i32
    %dma_wait3A_189 = tpu.memref_slice %arg7[%dma_wait3A, %dma_wait3A_188] : memref<16x128xi32, #tpu.memory_space<vmem>> -> memref<1x128xi32, #tpu.memory_space<vmem>>
    %dma_wait3A_190 = tpu.memref_squeeze %dma_wait3A_189 : memref<1x128xi32, #tpu.memory_space<vmem>> -> memref<128xi32, #tpu.memory_space<vmem>>
    %dma_wait3A_191 = arith.constant 0 : i32
    %dma_wait3A_192 = arith.constant 0 : i32
    %dma_wait3A_193 = tpu.memref_slice %arg2[%dma_wait3A_191, %dma_wait3A_192] : memref<4096x32xf32, #tpu.memory_space<hbm>> -> memref<4096x32xf32, #tpu.memory_space<hbm>>
    tpu.wait_indirect_dma semaphore(%arg12 : memref<!tpu.dma_semaphore, #tpu.memory_space<semaphore_mem>>) src(%dma_wait3A_193 : memref<4096x32xf32, #tpu.memory_space<hbm>>) dst(%dma_wait3A_187 : memref<128x32xf32, #tpu.memory_space<vmem>>)
    %dma_wait3A_194 = arith.constant 1 : i32
    %dma_wait3A_195 = arith.constant 128 : i32
    %dma_wait3A_196 = arith.constant 0 : i32
    %dma_wait3A_197 = tpu.memref_slice %arg8[%dma_wait3A_195, %dma_wait3A_196] : memref<2048x32xf32, #tpu.memory_space<vmem>> -> memref<128x32xf32, #tpu.memory_space<vmem>>
    %dma_wait3A_198 = arith.constant 0 : i32
    %dma_wait3A_199 = tpu.memref_slice %arg7[%dma_wait3A_194, %dma_wait3A_198] : memref<16x128xi32, #tpu.memory_space<vmem>> -> memref<1x128xi32, #tpu.memory_space<vmem>>
    %dma_wait3A_200 = tpu.memref_squeeze %dma_wait3A_199 : memref<1x128xi32, #tpu.memory_space<vmem>> -> memref<128xi32, #tpu.memory_space<vmem>>
    %dma_wait3A_201 = arith.constant 0 : i32
    %dma_wait3A_202 = arith.constant 0 : i32
    %dma_wait3A_203 = tpu.memref_slice %arg2[%dma_wait3A_201, %dma_wait3A_202] : memref<4096x32xf32, #tpu.memory_space<hbm>> -> memref<4096x32xf32, #tpu.memory_space<hbm>>
    tpu.wait_indirect_dma semaphore(%arg12 : memref<!tpu.dma_semaphore, #tpu.memory_space<semaphore_mem>>) src(%dma_wait3A_203 : memref<4096x32xf32, #tpu.memory_space<hbm>>) dst(%dma_wait3A_197 : memref<128x32xf32, #tpu.memory_space<vmem>>)
    %dma_wait3A_204 = arith.constant 2 : i32
    %dma_wait3A_205 = arith.constant 256 : i32
    %dma_wait3A_206 = arith.constant 0 : i32
    %dma_wait3A_207 = tpu.memref_slice %arg8[%dma_wait3A_205, %dma_wait3A_206] : memref<2048x32xf32, #tpu.memory_space<vmem>> -> memref<128x32xf32, #tpu.memory_space<vmem>>
    %dma_wait3A_208 = arith.constant 0 : i32
    %dma_wait3A_209 = tpu.memref_slice %arg7[%dma_wait3A_204, %dma_wait3A_208] : memref<16x128xi32, #tpu.memory_space<vmem>> -> memref<1x128xi32, #tpu.memory_space<vmem>>
    %dma_wait3A_210 = tpu.memref_squeeze %dma_wait3A_209 : memref<1x128xi32, #tpu.memory_space<vmem>> -> memref<128xi32, #tpu.memory_space<vmem>>
    %dma_wait3A_211 = arith.constant 0 : i32
    %dma_wait3A_212 = arith.constant 0 : i32
    %dma_wait3A_213 = tpu.memref_slice %arg2[%dma_wait3A_211, %dma_wait3A_212] : memref<4096x32xf32, #tpu.memory_space<hbm>> -> memref<4096x32xf32, #tpu.memory_space<hbm>>
    tpu.wait_indirect_dma semaphore(%arg12 : memref<!tpu.dma_semaphore, #tpu.memory_space<semaphore_mem>>) src(%dma_wait3A_213 : memref<4096x32xf32, #tpu.memory_space<hbm>>) dst(%dma_wait3A_207 : memref<128x32xf32, #tpu.memory_space<vmem>>)
    %dma_wait3A_214 = arith.constant 3 : i32
    %dma_wait3A_215 = arith.constant 384 : i32
    %dma_wait3A_216 = arith.constant 0 : i32
    %dma_wait3A_217 = tpu.memref_slice %arg8[%dma_wait3A_215, %dma_wait3A_216] : memref<2048x32xf32, #tpu.memory_space<vmem>> -> memref<128x32xf32, #tpu.memory_space<vmem>>
    %dma_wait3A_218 = arith.constant 0 : i32
    %dma_wait3A_219 = tpu.memref_slice %arg7[%dma_wait3A_214, %dma_wait3A_218] : memref<16x128xi32, #tpu.memory_space<vmem>> -> memref<1x128xi32, #tpu.memory_space<vmem>>
    %dma_wait3A_220 = tpu.memref_squeeze %dma_wait3A_219 : memref<1x128xi32, #tpu.memory_space<vmem>> -> memref<128xi32, #tpu.memory_space<vmem>>
    %dma_wait3A_221 = arith.constant 0 : i32
    %dma_wait3A_222 = arith.constant 0 : i32
    %dma_wait3A_223 = tpu.memref_slice %arg2[%dma_wait3A_221, %dma_wait3A_222] : memref<4096x32xf32, #tpu.memory_space<hbm>> -> memref<4096x32xf32, #tpu.memory_space<hbm>>
    tpu.wait_indirect_dma semaphore(%arg12 : memref<!tpu.dma_semaphore, #tpu.memory_space<semaphore_mem>>) src(%dma_wait3A_223 : memref<4096x32xf32, #tpu.memory_space<hbm>>) dst(%dma_wait3A_217 : memref<128x32xf32, #tpu.memory_space<vmem>>)
    %dma_wait3A_224 = arith.constant 4 : i32
    %dma_wait3A_225 = arith.constant 512 : i32
    %dma_wait3A_226 = arith.constant 0 : i32
    %dma_wait3A_227 = tpu.memref_slice %arg8[%dma_wait3A_225, %dma_wait3A_226] : memref<2048x32xf32, #tpu.memory_space<vmem>> -> memref<128x32xf32, #tpu.memory_space<vmem>>
    %dma_wait3A_228 = arith.constant 0 : i32
    %dma_wait3A_229 = tpu.memref_slice %arg7[%dma_wait3A_224, %dma_wait3A_228] : memref<16x128xi32, #tpu.memory_space<vmem>> -> memref<1x128xi32, #tpu.memory_space<vmem>>
    %dma_wait3A_230 = tpu.memref_squeeze %dma_wait3A_229 : memref<1x128xi32, #tpu.memory_space<vmem>> -> memref<128xi32, #tpu.memory_space<vmem>>
    %dma_wait3A_231 = arith.constant 0 : i32
    %dma_wait3A_232 = arith.constant 0 : i32
    %dma_wait3A_233 = tpu.memref_slice %arg2[%dma_wait3A_231, %dma_wait3A_232] : memref<4096x32xf32, #tpu.memory_space<hbm>> -> memref<4096x32xf32, #tpu.memory_space<hbm>>
    tpu.wait_indirect_dma semaphore(%arg12 : memref<!tpu.dma_semaphore, #tpu.memory_space<semaphore_mem>>) src(%dma_wait3A_233 : memref<4096x32xf32, #tpu.memory_space<hbm>>) dst(%dma_wait3A_227 : memref<128x32xf32, #tpu.memory_space<vmem>>)
    %dma_wait3A_234 = arith.constant 5 : i32
    %dma_wait3A_235 = arith.constant 640 : i32
    %dma_wait3A_236 = arith.constant 0 : i32
    %dma_wait3A_237 = tpu.memref_slice %arg8[%dma_wait3A_235, %dma_wait3A_236] : memref<2048x32xf32, #tpu.memory_space<vmem>> -> memref<128x32xf32, #tpu.memory_space<vmem>>
    %dma_wait3A_238 = arith.constant 0 : i32
    %dma_wait3A_239 = tpu.memref_slice %arg7[%dma_wait3A_234, %dma_wait3A_238] : memref<16x128xi32, #tpu.memory_space<vmem>> -> memref<1x128xi32, #tpu.memory_space<vmem>>
    %dma_wait3A_240 = tpu.memref_squeeze %dma_wait3A_239 : memref<1x128xi32, #tpu.memory_space<vmem>> -> memref<128xi32, #tpu.memory_space<vmem>>
    %dma_wait3A_241 = arith.constant 0 : i32
    %dma_wait3A_242 = arith.constant 0 : i32
    %dma_wait3A_243 = tpu.memref_slice %arg2[%dma_wait3A_241, %dma_wait3A_242] : memref<4096x32xf32, #tpu.memory_space<hbm>> -> memref<4096x32xf32, #tpu.memory_space<hbm>>
    tpu.wait_indirect_dma semaphore(%arg12 : memref<!tpu.dma_semaphore, #tpu.memory_space<semaphore_mem>>) src(%dma_wait3A_243 : memref<4096x32xf32, #tpu.memory_space<hbm>>) dst(%dma_wait3A_237 : memref<128x32xf32, #tpu.memory_space<vmem>>)
    %dma_wait3A_244 = arith.constant 6 : i32
    %dma_wait3A_245 = arith.constant 768 : i32
    %dma_wait3A_246 = arith.constant 0 : i32
    %dma_wait3A_247 = tpu.memref_slice %arg8[%dma_wait3A_245, %dma_wait3A_246] : memref<2048x32xf32, #tpu.memory_space<vmem>> -> memref<128x32xf32, #tpu.memory_space<vmem>>
    %dma_wait3A_248 = arith.constant 0 : i32
    %dma_wait3A_249 = tpu.memref_slice %arg7[%dma_wait3A_244, %dma_wait3A_248] : memref<16x128xi32, #tpu.memory_space<vmem>> -> memref<1x128xi32, #tpu.memory_space<vmem>>
    %dma_wait3A_250 = tpu.memref_squeeze %dma_wait3A_249 : memref<1x128xi32, #tpu.memory_space<vmem>> -> memref<128xi32, #tpu.memory_space<vmem>>
    %dma_wait3A_251 = arith.constant 0 : i32
    %dma_wait3A_252 = arith.constant 0 : i32
    %dma_wait3A_253 = tpu.memref_slice %arg2[%dma_wait3A_251, %dma_wait3A_252] : memref<4096x32xf32, #tpu.memory_space<hbm>> -> memref<4096x32xf32, #tpu.memory_space<hbm>>
    tpu.wait_indirect_dma semaphore(%arg12 : memref<!tpu.dma_semaphore, #tpu.memory_space<semaphore_mem>>) src(%dma_wait3A_253 : memref<4096x32xf32, #tpu.memory_space<hbm>>) dst(%dma_wait3A_247 : memref<128x32xf32, #tpu.memory_space<vmem>>)
    %dma_wait3A_254 = arith.constant 7 : i32
    %dma_wait3A_255 = arith.constant 896 : i32
    %dma_wait3A_256 = arith.constant 0 : i32
    %dma_wait3A_257 = tpu.memref_slice %arg8[%dma_wait3A_255, %dma_wait3A_256] : memref<2048x32xf32, #tpu.memory_space<vmem>> -> memref<128x32xf32, #tpu.memory_space<vmem>>
    %dma_wait3A_258 = arith.constant 0 : i32
    %dma_wait3A_259 = tpu.memref_slice %arg7[%dma_wait3A_254, %dma_wait3A_258] : memref<16x128xi32, #tpu.memory_space<vmem>> -> memref<1x128xi32, #tpu.memory_space<vmem>>
    %dma_wait3A_260 = tpu.memref_squeeze %dma_wait3A_259 : memref<1x128xi32, #tpu.memory_space<vmem>> -> memref<128xi32, #tpu.memory_space<vmem>>
    %dma_wait3A_261 = arith.constant 0 : i32
    %dma_wait3A_262 = arith.constant 0 : i32
    %dma_wait3A_263 = tpu.memref_slice %arg2[%dma_wait3A_261, %dma_wait3A_262] : memref<4096x32xf32, #tpu.memory_space<hbm>> -> memref<4096x32xf32, #tpu.memory_space<hbm>>
    tpu.wait_indirect_dma semaphore(%arg12 : memref<!tpu.dma_semaphore, #tpu.memory_space<semaphore_mem>>) src(%dma_wait3A_263 : memref<4096x32xf32, #tpu.memory_space<hbm>>) dst(%dma_wait3A_257 : memref<128x32xf32, #tpu.memory_space<vmem>>)
    %dma_wait3A_264 = arith.constant 8 : i32
    %dma_wait3A_265 = arith.constant 1024 : i32
    %dma_wait3A_266 = arith.constant 0 : i32
    %dma_wait3A_267 = tpu.memref_slice %arg8[%dma_wait3A_265, %dma_wait3A_266] : memref<2048x32xf32, #tpu.memory_space<vmem>> -> memref<128x32xf32, #tpu.memory_space<vmem>>
    %dma_wait3A_268 = arith.constant 0 : i32
    %dma_wait3A_269 = tpu.memref_slice %arg7[%dma_wait3A_264, %dma_wait3A_268] : memref<16x128xi32, #tpu.memory_space<vmem>> -> memref<1x128xi32, #tpu.memory_space<vmem>>
    %dma_wait3A_270 = tpu.memref_squeeze %dma_wait3A_269 : memref<1x128xi32, #tpu.memory_space<vmem>> -> memref<128xi32, #tpu.memory_space<vmem>>
    %dma_wait3A_271 = arith.constant 0 : i32
    %dma_wait3A_272 = arith.constant 0 : i32
    %dma_wait3A_273 = tpu.memref_slice %arg2[%dma_wait3A_271, %dma_wait3A_272] : memref<4096x32xf32, #tpu.memory_space<hbm>> -> memref<4096x32xf32, #tpu.memory_space<hbm>>
    tpu.wait_indirect_dma semaphore(%arg12 : memref<!tpu.dma_semaphore, #tpu.memory_space<semaphore_mem>>) src(%dma_wait3A_273 : memref<4096x32xf32, #tpu.memory_space<hbm>>) dst(%dma_wait3A_267 : memref<128x32xf32, #tpu.memory_space<vmem>>)
    %dma_wait3A_274 = arith.constant 9 : i32
    %dma_wait3A_275 = arith.constant 1152 : i32
    %dma_wait3A_276 = arith.constant 0 : i32
    %dma_wait3A_277 = tpu.memref_slice %arg8[%dma_wait3A_275, %dma_wait3A_276] : memref<2048x32xf32, #tpu.memory_space<vmem>> -> memref<128x32xf32, #tpu.memory_space<vmem>>
    %dma_wait3A_278 = arith.constant 0 : i32
    %dma_wait3A_279 = tpu.memref_slice %arg7[%dma_wait3A_274, %dma_wait3A_278] : memref<16x128xi32, #tpu.memory_space<vmem>> -> memref<1x128xi32, #tpu.memory_space<vmem>>
    %dma_wait3A_280 = tpu.memref_squeeze %dma_wait3A_279 : memref<1x128xi32, #tpu.memory_space<vmem>> -> memref<128xi32, #tpu.memory_space<vmem>>
    %dma_wait3A_281 = arith.constant 0 : i32
    %dma_wait3A_282 = arith.constant 0 : i32
    %dma_wait3A_283 = tpu.memref_slice %arg2[%dma_wait3A_281, %dma_wait3A_282] : memref<4096x32xf32, #tpu.memory_space<hbm>> -> memref<4096x32xf32, #tpu.memory_space<hbm>>
    tpu.wait_indirect_dma semaphore(%arg12 : memref<!tpu.dma_semaphore, #tpu.memory_space<semaphore_mem>>) src(%dma_wait3A_283 : memref<4096x32xf32, #tpu.memory_space<hbm>>) dst(%dma_wait3A_277 : memref<128x32xf32, #tpu.memory_space<vmem>>)
    %dma_wait3A_284 = arith.constant 10 : i32
    %dma_wait3A_285 = arith.constant 1280 : i32
    %dma_wait3A_286 = arith.constant 0 : i32
    %dma_wait3A_287 = tpu.memref_slice %arg8[%dma_wait3A_285, %dma_wait3A_286] : memref<2048x32xf32, #tpu.memory_space<vmem>> -> memref<128x32xf32, #tpu.memory_space<vmem>>
    %dma_wait3A_288 = arith.constant 0 : i32
    %dma_wait3A_289 = tpu.memref_slice %arg7[%dma_wait3A_284, %dma_wait3A_288] : memref<16x128xi32, #tpu.memory_space<vmem>> -> memref<1x128xi32, #tpu.memory_space<vmem>>
    %dma_wait3A_290 = tpu.memref_squeeze %dma_wait3A_289 : memref<1x128xi32, #tpu.memory_space<vmem>> -> memref<128xi32, #tpu.memory_space<vmem>>
    %dma_wait3A_291 = arith.constant 0 : i32
    %dma_wait3A_292 = arith.constant 0 : i32
    %dma_wait3A_293 = tpu.memref_slice %arg2[%dma_wait3A_291, %dma_wait3A_292] : memref<4096x32xf32, #tpu.memory_space<hbm>> -> memref<4096x32xf32, #tpu.memory_space<hbm>>
    tpu.wait_indirect_dma semaphore(%arg12 : memref<!tpu.dma_semaphore, #tpu.memory_space<semaphore_mem>>) src(%dma_wait3A_293 : memref<4096x32xf32, #tpu.memory_space<hbm>>) dst(%dma_wait3A_287 : memref<128x32xf32, #tpu.memory_space<vmem>>)
    %dma_wait3A_294 = arith.constant 11 : i32
    %dma_wait3A_295 = arith.constant 1408 : i32
    %dma_wait3A_296 = arith.constant 0 : i32
    %dma_wait3A_297 = tpu.memref_slice %arg8[%dma_wait3A_295, %dma_wait3A_296] : memref<2048x32xf32, #tpu.memory_space<vmem>> -> memref<128x32xf32, #tpu.memory_space<vmem>>
    %dma_wait3A_298 = arith.constant 0 : i32
    %dma_wait3A_299 = tpu.memref_slice %arg7[%dma_wait3A_294, %dma_wait3A_298] : memref<16x128xi32, #tpu.memory_space<vmem>> -> memref<1x128xi32, #tpu.memory_space<vmem>>
    %dma_wait3A_300 = tpu.memref_squeeze %dma_wait3A_299 : memref<1x128xi32, #tpu.memory_space<vmem>> -> memref<128xi32, #tpu.memory_space<vmem>>
    %dma_wait3A_301 = arith.constant 0 : i32
    %dma_wait3A_302 = arith.constant 0 : i32
    %dma_wait3A_303 = tpu.memref_slice %arg2[%dma_wait3A_301, %dma_wait3A_302] : memref<4096x32xf32, #tpu.memory_space<hbm>> -> memref<4096x32xf32, #tpu.memory_space<hbm>>
    tpu.wait_indirect_dma semaphore(%arg12 : memref<!tpu.dma_semaphore, #tpu.memory_space<semaphore_mem>>) src(%dma_wait3A_303 : memref<4096x32xf32, #tpu.memory_space<hbm>>) dst(%dma_wait3A_297 : memref<128x32xf32, #tpu.memory_space<vmem>>)
    %dma_wait3A_304 = arith.constant 12 : i32
    %dma_wait3A_305 = arith.constant 1536 : i32
    %dma_wait3A_306 = arith.constant 0 : i32
    %dma_wait3A_307 = tpu.memref_slice %arg8[%dma_wait3A_305, %dma_wait3A_306] : memref<2048x32xf32, #tpu.memory_space<vmem>> -> memref<128x32xf32, #tpu.memory_space<vmem>>
    %dma_wait3A_308 = arith.constant 0 : i32
    %dma_wait3A_309 = tpu.memref_slice %arg7[%dma_wait3A_304, %dma_wait3A_308] : memref<16x128xi32, #tpu.memory_space<vmem>> -> memref<1x128xi32, #tpu.memory_space<vmem>>
    %dma_wait3A_310 = tpu.memref_squeeze %dma_wait3A_309 : memref<1x128xi32, #tpu.memory_space<vmem>> -> memref<128xi32, #tpu.memory_space<vmem>>
    %dma_wait3A_311 = arith.constant 0 : i32
    %dma_wait3A_312 = arith.constant 0 : i32
    %dma_wait3A_313 = tpu.memref_slice %arg2[%dma_wait3A_311, %dma_wait3A_312] : memref<4096x32xf32, #tpu.memory_space<hbm>> -> memref<4096x32xf32, #tpu.memory_space<hbm>>
    tpu.wait_indirect_dma semaphore(%arg12 : memref<!tpu.dma_semaphore, #tpu.memory_space<semaphore_mem>>) src(%dma_wait3A_313 : memref<4096x32xf32, #tpu.memory_space<hbm>>) dst(%dma_wait3A_307 : memref<128x32xf32, #tpu.memory_space<vmem>>)
    %dma_wait3A_314 = arith.constant 13 : i32
    %dma_wait3A_315 = arith.constant 1664 : i32
    %dma_wait3A_316 = arith.constant 0 : i32
    %dma_wait3A_317 = tpu.memref_slice %arg8[%dma_wait3A_315, %dma_wait3A_316] : memref<2048x32xf32, #tpu.memory_space<vmem>> -> memref<128x32xf32, #tpu.memory_space<vmem>>
    %dma_wait3A_318 = arith.constant 0 : i32
    %dma_wait3A_319 = tpu.memref_slice %arg7[%dma_wait3A_314, %dma_wait3A_318] : memref<16x128xi32, #tpu.memory_space<vmem>> -> memref<1x128xi32, #tpu.memory_space<vmem>>
    %dma_wait3A_320 = tpu.memref_squeeze %dma_wait3A_319 : memref<1x128xi32, #tpu.memory_space<vmem>> -> memref<128xi32, #tpu.memory_space<vmem>>
    %dma_wait3A_321 = arith.constant 0 : i32
    %dma_wait3A_322 = arith.constant 0 : i32
    %dma_wait3A_323 = tpu.memref_slice %arg2[%dma_wait3A_321, %dma_wait3A_322] : memref<4096x32xf32, #tpu.memory_space<hbm>> -> memref<4096x32xf32, #tpu.memory_space<hbm>>
    tpu.wait_indirect_dma semaphore(%arg12 : memref<!tpu.dma_semaphore, #tpu.memory_space<semaphore_mem>>) src(%dma_wait3A_323 : memref<4096x32xf32, #tpu.memory_space<hbm>>) dst(%dma_wait3A_317 : memref<128x32xf32, #tpu.memory_space<vmem>>)
    %dma_wait3A_324 = arith.constant 14 : i32
    %dma_wait3A_325 = arith.constant 1792 : i32
    %dma_wait3A_326 = arith.constant 0 : i32
    %dma_wait3A_327 = tpu.memref_slice %arg8[%dma_wait3A_325, %dma_wait3A_326] : memref<2048x32xf32, #tpu.memory_space<vmem>> -> memref<128x32xf32, #tpu.memory_space<vmem>>
    %dma_wait3A_328 = arith.constant 0 : i32
    %dma_wait3A_329 = tpu.memref_slice %arg7[%dma_wait3A_324, %dma_wait3A_328] : memref<16x128xi32, #tpu.memory_space<vmem>> -> memref<1x128xi32, #tpu.memory_space<vmem>>
    %dma_wait3A_330 = tpu.memref_squeeze %dma_wait3A_329 : memref<1x128xi32, #tpu.memory_space<vmem>> -> memref<128xi32, #tpu.memory_space<vmem>>
    %dma_wait3A_331 = arith.constant 0 : i32
    %dma_wait3A_332 = arith.constant 0 : i32
    %dma_wait3A_333 = tpu.memref_slice %arg2[%dma_wait3A_331, %dma_wait3A_332] : memref<4096x32xf32, #tpu.memory_space<hbm>> -> memref<4096x32xf32, #tpu.memory_space<hbm>>
    tpu.wait_indirect_dma semaphore(%arg12 : memref<!tpu.dma_semaphore, #tpu.memory_space<semaphore_mem>>) src(%dma_wait3A_333 : memref<4096x32xf32, #tpu.memory_space<hbm>>) dst(%dma_wait3A_327 : memref<128x32xf32, #tpu.memory_space<vmem>>)
    %dma_wait3A_334 = arith.constant 15 : i32
    %dma_wait3A_335 = arith.constant 1920 : i32
    %dma_wait3A_336 = arith.constant 0 : i32
    %dma_wait3A_337 = tpu.memref_slice %arg8[%dma_wait3A_335, %dma_wait3A_336] : memref<2048x32xf32, #tpu.memory_space<vmem>> -> memref<128x32xf32, #tpu.memory_space<vmem>>
    %dma_wait3A_338 = arith.constant 0 : i32
    %dma_wait3A_339 = tpu.memref_slice %arg7[%dma_wait3A_334, %dma_wait3A_338] : memref<16x128xi32, #tpu.memory_space<vmem>> -> memref<1x128xi32, #tpu.memory_space<vmem>>
    %dma_wait3A_340 = tpu.memref_squeeze %dma_wait3A_339 : memref<1x128xi32, #tpu.memory_space<vmem>> -> memref<128xi32, #tpu.memory_space<vmem>>
    %dma_wait3A_341 = arith.constant 0 : i32
    %dma_wait3A_342 = arith.constant 0 : i32
    %dma_wait3A_343 = tpu.memref_slice %arg2[%dma_wait3A_341, %dma_wait3A_342] : memref<4096x32xf32, #tpu.memory_space<hbm>> -> memref<4096x32xf32, #tpu.memory_space<hbm>>
    tpu.wait_indirect_dma semaphore(%arg12 : memref<!tpu.dma_semaphore, #tpu.memory_space<semaphore_mem>>) src(%dma_wait3A_343 : memref<4096x32xf32, #tpu.memory_space<hbm>>) dst(%dma_wait3A_337 : memref<128x32xf32, #tpu.memory_space<vmem>>)
    %scan3A_344 = arith.constant 0 : i32
    %scan3A_345 = arith.constant 0 : i32
    %scan3A_346 = arith.constant 128 : i32
    %scan3A_347 = arith.addi %scan3A_345, %scan3A_346 : i32
    %scan3A_348 = arith.constant 1 : i32
    scf.for %scan3A_351 = %scan3A_345 to %scan3A_347 step %scan3A_348  : i32 {
      %get3A = arith.index_cast %scan3A_351 : i32 to index
      %get3A_352 = arith.constant 0 : index
      %get3A_353 = tpu.vector_load %arg9[%get3A, %get3A_352] {strides = array<i32>} : memref<128x32xf32, #tpu.memory_space<vmem>>, vector<1x16xf32>,
      %get3A_354 = vector.shape_cast %get3A_353 : vector<1x16xf32> to vector<16xf32>
      %broadcast_in_dim3A = arith.constant 0.000000e+00 : f32
      %broadcast_in_dim3A_355 = vector.broadcast %broadcast_in_dim3A : f32 to vector<16xf32>
      %mul3A_356 = arith.constant 16 : i32
      %mul3A_357 = arith.muli %scan3A_351, %mul3A_356 : i32
      %add3A_358 = arith.constant 0 : i32
      %add3A_359 = arith.addi %mul3A_357, %add3A_358 : i32
      %get3A_360 = arith.index_cast %add3A_359 : i32 to index
      %get3A_361 = arith.constant 0 : index
      %get3A_362 = tpu.vector_load %arg8[%get3A_360, %get3A_361] {strides = array<i32>} : memref<2048x32xf32, #tpu.memory_space<vmem>>, vector<1x16xf32>,
      %get3A_363 = vector.shape_cast %get3A_362 : vector<1x16xf32> to vector<16xf32>
      %add3A_364 = arith.addf %get3A_354, %get3A_363 : vector<16xf32>
      %max3A = arith.constant 0.000000e+00 : f32
      %max3A_365 = vector.broadcast %max3A : f32 to vector<16xf32>
      %max3A_366 = arith.maximumf %add3A_364, %max3A_365 : vector<16xf32>
      %add3A_367 = arith.addf %broadcast_in_dim3A_355, %max3A_366 : vector<16xf32>
      %mul3A_368 = arith.constant 16 : i32
      %mul3A_369 = arith.muli %scan3A_351, %mul3A_368 : i32
      %add3A_370 = arith.constant 1 : i32
      %add3A_371 = arith.addi %mul3A_369, %add3A_370 : i32
      %get3A_372 = arith.index_cast %add3A_371 : i32 to index
      %get3A_373 = arith.constant 0 : index
      %get3A_374 = tpu.vector_load %arg8[%get3A_372, %get3A_373] {strides = array<i32>} : memref<2048x32xf32, #tpu.memory_space<vmem>>, vector<1x16xf32>,
      %get3A_375 = vector.shape_cast %get3A_374 : vector<1x16xf32> to vector<16xf32>
      %add3A_376 = arith.addf %get3A_354, %get3A_375 : vector<16xf32>
      %max3A_377 = arith.constant 0.000000e+00 : f32
      %max3A_378 = vector.broadcast %max3A_377 : f32 to vector<16xf32>
      %max3A_379 = arith.maximumf %add3A_376, %max3A_378 : vector<16xf32>
      %add3A_380 = arith.addf %add3A_367, %max3A_379 : vector<16xf32>
      %mul3A_381 = arith.constant 16 : i32
      %mul3A_382 = arith.muli %scan3A_351, %mul3A_381 : i32
      %add3A_383 = arith.constant 2 : i32
      %add3A_384 = arith.addi %mul3A_382, %add3A_383 : i32
      %get3A_385 = arith.index_cast %add3A_384 : i32 to index
      %get3A_386 = arith.constant 0 : index
      %get3A_387 = tpu.vector_load %arg8[%get3A_385, %get3A_386] {strides = array<i32>} : memref<2048x32xf32, #tpu.memory_space<vmem>>, vector<1x16xf32>,
      %get3A_388 = vector.shape_cast %get3A_387 : vector<1x16xf32> to vector<16xf32>
      %add3A_389 = arith.addf %get3A_354, %get3A_388 : vector<16xf32>
      %max3A_390 = arith.constant 0.000000e+00 : f32
      %max3A_391 = vector.broadcast %max3A_390 : f32 to vector<16xf32>
      %max3A_392 = arith.maximumf %add3A_389, %max3A_391 : vector<16xf32>
      %add3A_393 = arith.addf %add3A_380, %max3A_392 : vector<16xf32>
      %mul3A_394 = arith.constant 16 : i32
      %mul3A_395 = arith.muli %scan3A_351, %mul3A_394 : i32
      %add3A_396 = arith.constant 3 : i32
      %add3A_397 = arith.addi %mul3A_395, %add3A_396 : i32
      %get3A_398 = arith.index_cast %add3A_397 : i32 to index
      %get3A_399 = arith.constant 0 : index
      %get3A_400 = tpu.vector_load %arg8[%get3A_398, %get3A_399] {strides = array<i32>} : memref<2048x32xf32, #tpu.memory_space<vmem>>, vector<1x16xf32>,
      %get3A_401 = vector.shape_cast %get3A_400 : vector<1x16xf32> to vector<16xf32>
      %add3A_402 = arith.addf %get3A_354, %get3A_401 : vector<16xf32>
      %max3A_403 = arith.constant 0.000000e+00 : f32
      %max3A_404 = vector.broadcast %max3A_403 : f32 to vector<16xf32>
      %max3A_405 = arith.maximumf %add3A_402, %max3A_404 : vector<16xf32>
      %add3A_406 = arith.addf %add3A_393, %max3A_405 : vector<16xf32>
      %mul3A_407 = arith.constant 16 : i32
      %mul3A_408 = arith.muli %scan3A_351, %mul3A_407 : i32
      %add3A_409 = arith.constant 4 : i32
      %add3A_410 = arith.addi %mul3A_408, %add3A_409 : i32
      %get3A_411 = arith.index_cast %add3A_410 : i32 to index
      %get3A_412 = arith.constant 0 : index
      %get3A_413 = tpu.vector_load %arg8[%get3A_411, %get3A_412] {strides = array<i32>} : memref<2048x32xf32, #tpu.memory_space<vmem>>, vector<1x16xf32>,
      %get3A_414 = vector.shape_cast %get3A_413 : vector<1x16xf32> to vector<16xf32>
      %add3A_415 = arith.addf %get3A_354, %get3A_414 : vector<16xf32>
      %max3A_416 = arith.constant 0.000000e+00 : f32
      %max3A_417 = vector.broadcast %max3A_416 : f32 to vector<16xf32>
      %max3A_418 = arith.maximumf %add3A_415, %max3A_417 : vector<16xf32>
      %add3A_419 = arith.addf %add3A_406, %max3A_418 : vector<16xf32>
      %mul3A_420 = arith.constant 16 : i32
      %mul3A_421 = arith.muli %scan3A_351, %mul3A_420 : i32
      %add3A_422 = arith.constant 5 : i32
      %add3A_423 = arith.addi %mul3A_421, %add3A_422 : i32
      %get3A_424 = arith.index_cast %add3A_423 : i32 to index
      %get3A_425 = arith.constant 0 : index
      %get3A_426 = tpu.vector_load %arg8[%get3A_424, %get3A_425] {strides = array<i32>} : memref<2048x32xf32, #tpu.memory_space<vmem>>, vector<1x16xf32>,
      %get3A_427 = vector.shape_cast %get3A_426 : vector<1x16xf32> to vector<16xf32>
      %add3A_428 = arith.addf %get3A_354, %get3A_427 : vector<16xf32>
      %max3A_429 = arith.constant 0.000000e+00 : f32
      %max3A_430 = vector.broadcast %max3A_429 : f32 to vector<16xf32>
      %max3A_431 = arith.maximumf %add3A_428, %max3A_430 : vector<16xf32>
      %add3A_432 = arith.addf %add3A_419, %max3A_431 : vector<16xf32>
      %mul3A_433 = arith.constant 16 : i32
      %mul3A_434 = arith.muli %scan3A_351, %mul3A_433 : i32
      %add3A_435 = arith.constant 6 : i32
      %add3A_436 = arith.addi %mul3A_434, %add3A_435 : i32
      %get3A_437 = arith.index_cast %add3A_436 : i32 to index
      %get3A_438 = arith.constant 0 : index
      %get3A_439 = tpu.vector_load %arg8[%get3A_437, %get3A_438] {strides = array<i32>} : memref<2048x32xf32, #tpu.memory_space<vmem>>, vector<1x16xf32>,
      %get3A_440 = vector.shape_cast %get3A_439 : vector<1x16xf32> to vector<16xf32>
      %add3A_441 = arith.addf %get3A_354, %get3A_440 : vector<16xf32>
      %max3A_442 = arith.constant 0.000000e+00 : f32
      %max3A_443 = vector.broadcast %max3A_442 : f32 to vector<16xf32>
      %max3A_444 = arith.maximumf %add3A_441, %max3A_443 : vector<16xf32>
      %add3A_445 = arith.addf %add3A_432, %max3A_444 : vector<16xf32>
      %mul3A_446 = arith.constant 16 : i32
      %mul3A_447 = arith.muli %scan3A_351, %mul3A_446 : i32
      %add3A_448 = arith.constant 7 : i32
      %add3A_449 = arith.addi %mul3A_447, %add3A_448 : i32
      %get3A_450 = arith.index_cast %add3A_449 : i32 to index
      %get3A_451 = arith.constant 0 : index
      %get3A_452 = tpu.vector_load %arg8[%get3A_450, %get3A_451] {strides = array<i32>} : memref<2048x32xf32, #tpu.memory_space<vmem>>, vector<1x16xf32>,
      %get3A_453 = vector.shape_cast %get3A_452 : vector<1x16xf32> to vector<16xf32>
      %add3A_454 = arith.addf %get3A_354, %get3A_453 : vector<16xf32>
      %max3A_455 = arith.constant 0.000000e+00 : f32
      %max3A_456 = vector.broadcast %max3A_455 : f32 to vector<16xf32>
      %max3A_457 = arith.maximumf %add3A_454, %max3A_456 : vector<16xf32>
      %add3A_458 = arith.addf %add3A_445, %max3A_457 : vector<16xf32>
      %mul3A_459 = arith.constant 16 : i32
      %mul3A_460 = arith.muli %scan3A_351, %mul3A_459 : i32
      %add3A_461 = arith.constant 8 : i32
      %add3A_462 = arith.addi %mul3A_460, %add3A_461 : i32
      %get3A_463 = arith.index_cast %add3A_462 : i32 to index
      %get3A_464 = arith.constant 0 : index
      %get3A_465 = tpu.vector_load %arg8[%get3A_463, %get3A_464] {strides = array<i32>} : memref<2048x32xf32, #tpu.memory_space<vmem>>, vector<1x16xf32>,
      %get3A_466 = vector.shape_cast %get3A_465 : vector<1x16xf32> to vector<16xf32>
      %add3A_467 = arith.addf %get3A_354, %get3A_466 : vector<16xf32>
      %max3A_468 = arith.constant 0.000000e+00 : f32
      %max3A_469 = vector.broadcast %max3A_468 : f32 to vector<16xf32>
      %max3A_470 = arith.maximumf %add3A_467, %max3A_469 : vector<16xf32>
      %add3A_471 = arith.addf %add3A_458, %max3A_470 : vector<16xf32>
      %mul3A_472 = arith.constant 16 : i32
      %mul3A_473 = arith.muli %scan3A_351, %mul3A_472 : i32
      %add3A_474 = arith.constant 9 : i32
      %add3A_475 = arith.addi %mul3A_473, %add3A_474 : i32
      %get3A_476 = arith.index_cast %add3A_475 : i32 to index
      %get3A_477 = arith.constant 0 : index
      %get3A_478 = tpu.vector_load %arg8[%get3A_476, %get3A_477] {strides = array<i32>} : memref<2048x32xf32, #tpu.memory_space<vmem>>, vector<1x16xf32>,
      %get3A_479 = vector.shape_cast %get3A_478 : vector<1x16xf32> to vector<16xf32>
      %add3A_480 = arith.addf %get3A_354, %get3A_479 : vector<16xf32>
      %max3A_481 = arith.constant 0.000000e+00 : f32
      %max3A_482 = vector.broadcast %max3A_481 : f32 to vector<16xf32>
      %max3A_483 = arith.maximumf %add3A_480, %max3A_482 : vector<16xf32>
      %add3A_484 = arith.addf %add3A_471, %max3A_483 : vector<16xf32>
      %mul3A_485 = arith.constant 16 : i32
      %mul3A_486 = arith.muli %scan3A_351, %mul3A_485 : i32
      %add3A_487 = arith.constant 10 : i32
      %add3A_488 = arith.addi %mul3A_486, %add3A_487 : i32
      %get3A_489 = arith.index_cast %add3A_488 : i32 to index
      %get3A_490 = arith.constant 0 : index
      %get3A_491 = tpu.vector_load %arg8[%get3A_489, %get3A_490] {strides = array<i32>} : memref<2048x32xf32, #tpu.memory_space<vmem>>, vector<1x16xf32>,
      %get3A_492 = vector.shape_cast %get3A_491 : vector<1x16xf32> to vector<16xf32>
      %add3A_493 = arith.addf %get3A_354, %get3A_492 : vector<16xf32>
      %max3A_494 = arith.constant 0.000000e+00 : f32
      %max3A_495 = vector.broadcast %max3A_494 : f32 to vector<16xf32>
      %max3A_496 = arith.maximumf %add3A_493, %max3A_495 : vector<16xf32>
      %add3A_497 = arith.addf %add3A_484, %max3A_496 : vector<16xf32>
      %mul3A_498 = arith.constant 16 : i32
      %mul3A_499 = arith.muli %scan3A_351, %mul3A_498 : i32
      %add3A_500 = arith.constant 11 : i32
      %add3A_501 = arith.addi %mul3A_499, %add3A_500 : i32
      %get3A_502 = arith.index_cast %add3A_501 : i32 to index
      %get3A_503 = arith.constant 0 : index
      %get3A_504 = tpu.vector_load %arg8[%get3A_502, %get3A_503] {strides = array<i32>} : memref<2048x32xf32, #tpu.memory_space<vmem>>, vector<1x16xf32>,
      %get3A_505 = vector.shape_cast %get3A_504 : vector<1x16xf32> to vector<16xf32>
      %add3A_506 = arith.addf %get3A_354, %get3A_505 : vector<16xf32>
      %max3A_507 = arith.constant 0.000000e+00 : f32
      %max3A_508 = vector.broadcast %max3A_507 : f32 to vector<16xf32>
      %max3A_509 = arith.maximumf %add3A_506, %max3A_508 : vector<16xf32>
      %add3A_510 = arith.addf %add3A_497, %max3A_509 : vector<16xf32>
      %mul3A_511 = arith.constant 16 : i32
      %mul3A_512 = arith.muli %scan3A_351, %mul3A_511 : i32
      %add3A_513 = arith.constant 12 : i32
      %add3A_514 = arith.addi %mul3A_512, %add3A_513 : i32
      %get3A_515 = arith.index_cast %add3A_514 : i32 to index
      %get3A_516 = arith.constant 0 : index
      %get3A_517 = tpu.vector_load %arg8[%get3A_515, %get3A_516] {strides = array<i32>} : memref<2048x32xf32, #tpu.memory_space<vmem>>, vector<1x16xf32>,
      %get3A_518 = vector.shape_cast %get3A_517 : vector<1x16xf32> to vector<16xf32>
      %add3A_519 = arith.addf %get3A_354, %get3A_518 : vector<16xf32>
      %max3A_520 = arith.constant 0.000000e+00 : f32
      %max3A_521 = vector.broadcast %max3A_520 : f32 to vector<16xf32>
      %max3A_522 = arith.maximumf %add3A_519, %max3A_521 : vector<16xf32>
      %add3A_523 = arith.addf %add3A_510, %max3A_522 : vector<16xf32>
      %mul3A_524 = arith.constant 16 : i32
      %mul3A_525 = arith.muli %scan3A_351, %mul3A_524 : i32
      %add3A_526 = arith.constant 13 : i32
      %add3A_527 = arith.addi %mul3A_525, %add3A_526 : i32
      %get3A_528 = arith.index_cast %add3A_527 : i32 to index
      %get3A_529 = arith.constant 0 : index
      %get3A_530 = tpu.vector_load %arg8[%get3A_528, %get3A_529] {strides = array<i32>} : memref<2048x32xf32, #tpu.memory_space<vmem>>, vector<1x16xf32>,
      %get3A_531 = vector.shape_cast %get3A_530 : vector<1x16xf32> to vector<16xf32>
      %add3A_532 = arith.addf %get3A_354, %get3A_531 : vector<16xf32>
      %max3A_533 = arith.constant 0.000000e+00 : f32
      %max3A_534 = vector.broadcast %max3A_533 : f32 to vector<16xf32>
      %max3A_535 = arith.maximumf %add3A_532, %max3A_534 : vector<16xf32>
      %add3A_536 = arith.addf %add3A_523, %max3A_535 : vector<16xf32>
      %mul3A_537 = arith.constant 16 : i32
      %mul3A_538 = arith.muli %scan3A_351, %mul3A_537 : i32
      %add3A_539 = arith.constant 14 : i32
      %add3A_540 = arith.addi %mul3A_538, %add3A_539 : i32
      %get3A_541 = arith.index_cast %add3A_540 : i32 to index
      %get3A_542 = arith.constant 0 : index
      %get3A_543 = tpu.vector_load %arg8[%get3A_541, %get3A_542] {strides = array<i32>} : memref<2048x32xf32, #tpu.memory_space<vmem>>, vector<1x16xf32>,
      %get3A_544 = vector.shape_cast %get3A_543 : vector<1x16xf32> to vector<16xf32>
      %add3A_545 = arith.addf %get3A_354, %get3A_544 : vector<16xf32>
      %max3A_546 = arith.constant 0.000000e+00 : f32
      %max3A_547 = vector.broadcast %max3A_546 : f32 to vector<16xf32>
      %max3A_548 = arith.maximumf %add3A_545, %max3A_547 : vector<16xf32>
      %add3A_549 = arith.addf %add3A_536, %max3A_548 : vector<16xf32>
      %mul3A_550 = arith.constant 16 : i32
      %mul3A_551 = arith.muli %scan3A_351, %mul3A_550 : i32
      %add3A_552 = arith.constant 15 : i32
      %add3A_553 = arith.addi %mul3A_551, %add3A_552 : i32
      %get3A_554 = arith.index_cast %add3A_553 : i32 to index
      %get3A_555 = arith.constant 0 : index
      %get3A_556 = tpu.vector_load %arg8[%get3A_554, %get3A_555] {strides = array<i32>} : memref<2048x32xf32, #tpu.memory_space<vmem>>, vector<1x16xf32>,
      %get3A_557 = vector.shape_cast %get3A_556 : vector<1x16xf32> to vector<16xf32>
      %add3A_558 = arith.addf %get3A_354, %get3A_557 : vector<16xf32>
      %max3A_559 = arith.constant 0.000000e+00 : f32
      %max3A_560 = vector.broadcast %max3A_559 : f32 to vector<16xf32>
      %max3A_561 = arith.maximumf %add3A_558, %max3A_560 : vector<16xf32>
      %add3A_562 = arith.addf %add3A_549, %max3A_561 : vector<16xf32>
      %get3A_563 = arith.index_cast %scan3A_351 : i32 to index
      %get3A_564 = arith.constant 0 : index
      %get3A_565 = tpu.vector_load %arg10[%get3A_563, %get3A_564] {strides = array<i32>} : memref<128x32xf32, #tpu.memory_space<vmem>>, vector<1x16xf32>,
      %get3A_566 = vector.shape_cast %get3A_565 : vector<1x16xf32> to vector<16xf32>
      %mul3A_567 = arith.constant 6.250000e-02 : f32
      %mul3A_568 = vector.broadcast %mul3A_567 : f32 to vector<16xf32>
      %mul3A_569 = arith.mulf %add3A_562, %mul3A_568 : vector<16xf32>
      %add3A_570 = arith.addf %get3A_566, %mul3A_569 : vector<16xf32>
      %max3A_571 = arith.constant 0.000000e+00 : f32
      %max3A_572 = vector.broadcast %max3A_571 : f32 to vector<16xf32>
      %max3A_573 = arith.maximumf %add3A_570, %max3A_572 : vector<16xf32>
      %swap3A = arith.index_cast %scan3A_351 : i32 to index
      %swap3A_574 = arith.constant 0 : index
      %swap3A_575 = tpu.vector_load %arg11[%swap3A, %swap3A_574] {strides = array<i32>} : memref<128x32xf32, #tpu.memory_space<vmem>>, vector<1x16xf32>,
      %swap3A_576 = vector.shape_cast %swap3A_575 : vector<1x16xf32> to vector<16xf32>
      %swap3A_577 = vector.shape_cast %max3A_573 : vector<16xf32> to vector<1x16xf32>
      tpu.vector_store %arg11[%swap3A, %swap3A_574], %swap3A_577 {strides = array<i32>} : memref<128x32xf32, #tpu.memory_space<vmem>>, vector<1x16xf32>,
      %get3A_578 = arith.index_cast %scan3A_351 : i32 to index
      %get3A_579 = arith.constant 16 : index
      %get3A_580 = tpu.vector_load %arg9[%get3A_578, %get3A_579] {strides = array<i32>} : memref<128x32xf32, #tpu.memory_space<vmem>>, vector<1x16xf32>,
      %get3A_581 = vector.shape_cast %get3A_580 : vector<1x16xf32> to vector<16xf32>
      %broadcast_in_dim3A_582 = arith.constant 0.000000e+00 : f32
      %broadcast_in_dim3A_583 = vector.broadcast %broadcast_in_dim3A_582 : f32 to vector<16xf32>
      %mul3A_584 = arith.constant 16 : i32
      %mul3A_585 = arith.muli %scan3A_351, %mul3A_584 : i32
      %add3A_586 = arith.constant 0 : i32
      %add3A_587 = arith.addi %mul3A_585, %add3A_586 : i32
      %get3A_588 = arith.index_cast %add3A_587 : i32 to index
      %get3A_589 = arith.constant 16 : index
      %get3A_590 = tpu.vector_load %arg8[%get3A_588, %get3A_589] {strides = array<i32>} : memref<2048x32xf32, #tpu.memory_space<vmem>>, vector<1x16xf32>,
      %get3A_591 = vector.shape_cast %get3A_590 : vector<1x16xf32> to vector<16xf32>
      %add3A_592 = arith.addf %get3A_581, %get3A_591 : vector<16xf32>
      %max3A_593 = arith.constant 0.000000e+00 : f32
      %max3A_594 = vector.broadcast %max3A_593 : f32 to vector<16xf32>
      %max3A_595 = arith.maximumf %add3A_592, %max3A_594 : vector<16xf32>
      %add3A_596 = arith.addf %broadcast_in_dim3A_583, %max3A_595 : vector<16xf32>
      %mul3A_597 = arith.constant 16 : i32
      %mul3A_598 = arith.muli %scan3A_351, %mul3A_597 : i32
      %add3A_599 = arith.constant 1 : i32
      %add3A_600 = arith.addi %mul3A_598, %add3A_599 : i32
      %get3A_601 = arith.index_cast %add3A_600 : i32 to index
      %get3A_602 = arith.constant 16 : index
      %get3A_603 = tpu.vector_load %arg8[%get3A_601, %get3A_602] {strides = array<i32>} : memref<2048x32xf32, #tpu.memory_space<vmem>>, vector<1x16xf32>,
      %get3A_604 = vector.shape_cast %get3A_603 : vector<1x16xf32> to vector<16xf32>
      %add3A_605 = arith.addf %get3A_581, %get3A_604 : vector<16xf32>
      %max3A_606 = arith.constant 0.000000e+00 : f32
      %max3A_607 = vector.broadcast %max3A_606 : f32 to vector<16xf32>
      %max3A_608 = arith.maximumf %add3A_605, %max3A_607 : vector<16xf32>
      %add3A_609 = arith.addf %add3A_596, %max3A_608 : vector<16xf32>
      %mul3A_610 = arith.constant 16 : i32
      %mul3A_611 = arith.muli %scan3A_351, %mul3A_610 : i32
      %add3A_612 = arith.constant 2 : i32
      %add3A_613 = arith.addi %mul3A_611, %add3A_612 : i32
      %get3A_614 = arith.index_cast %add3A_613 : i32 to index
      %get3A_615 = arith.constant 16 : index
      %get3A_616 = tpu.vector_load %arg8[%get3A_614, %get3A_615] {strides = array<i32>} : memref<2048x32xf32, #tpu.memory_space<vmem>>, vector<1x16xf32>,
      %get3A_617 = vector.shape_cast %get3A_616 : vector<1x16xf32> to vector<16xf32>
      %add3A_618 = arith.addf %get3A_581, %get3A_617 : vector<16xf32>
      %max3A_619 = arith.constant 0.000000e+00 : f32
      %max3A_620 = vector.broadcast %max3A_619 : f32 to vector<16xf32>
      %max3A_621 = arith.maximumf %add3A_618, %max3A_620 : vector<16xf32>
      %add3A_622 = arith.addf %add3A_609, %max3A_621 : vector<16xf32>
      %mul3A_623 = arith.constant 16 : i32
      %mul3A_624 = arith.muli %scan3A_351, %mul3A_623 : i32
      %add3A_625 = arith.constant 3 : i32
      %add3A_626 = arith.addi %mul3A_624, %add3A_625 : i32
      %get3A_627 = arith.index_cast %add3A_626 : i32 to index
      %get3A_628 = arith.constant 16 : index
      %get3A_629 = tpu.vector_load %arg8[%get3A_627, %get3A_628] {strides = array<i32>} : memref<2048x32xf32, #tpu.memory_space<vmem>>, vector<1x16xf32>,
      %get3A_630 = vector.shape_cast %get3A_629 : vector<1x16xf32> to vector<16xf32>
      %add3A_631 = arith.addf %get3A_581, %get3A_630 : vector<16xf32>
      %max3A_632 = arith.constant 0.000000e+00 : f32
      %max3A_633 = vector.broadcast %max3A_632 : f32 to vector<16xf32>
      %max3A_634 = arith.maximumf %add3A_631, %max3A_633 : vector<16xf32>
      %add3A_635 = arith.addf %add3A_622, %max3A_634 : vector<16xf32>
      %mul3A_636 = arith.constant 16 : i32
      %mul3A_637 = arith.muli %scan3A_351, %mul3A_636 : i32
      %add3A_638 = arith.constant 4 : i32
      %add3A_639 = arith.addi %mul3A_637, %add3A_638 : i32
      %get3A_640 = arith.index_cast %add3A_639 : i32 to index
      %get3A_641 = arith.constant 16 : index
      %get3A_642 = tpu.vector_load %arg8[%get3A_640, %get3A_641] {strides = array<i32>} : memref<2048x32xf32, #tpu.memory_space<vmem>>, vector<1x16xf32>,
      %get3A_643 = vector.shape_cast %get3A_642 : vector<1x16xf32> to vector<16xf32>
      %add3A_644 = arith.addf %get3A_581, %get3A_643 : vector<16xf32>
      %max3A_645 = arith.constant 0.000000e+00 : f32
      %max3A_646 = vector.broadcast %max3A_645 : f32 to vector<16xf32>
      %max3A_647 = arith.maximumf %add3A_644, %max3A_646 : vector<16xf32>
      %add3A_648 = arith.addf %add3A_635, %max3A_647 : vector<16xf32>
      %mul3A_649 = arith.constant 16 : i32
      %mul3A_650 = arith.muli %scan3A_351, %mul3A_649 : i32
      %add3A_651 = arith.constant 5 : i32
      %add3A_652 = arith.addi %mul3A_650, %add3A_651 : i32
      %get3A_653 = arith.index_cast %add3A_652 : i32 to index
      %get3A_654 = arith.constant 16 : index
      %get3A_655 = tpu.vector_load %arg8[%get3A_653, %get3A_654] {strides = array<i32>} : memref<2048x32xf32, #tpu.memory_space<vmem>>, vector<1x16xf32>,
      %get3A_656 = vector.shape_cast %get3A_655 : vector<1x16xf32> to vector<16xf32>
      %add3A_657 = arith.addf %get3A_581, %get3A_656 : vector<16xf32>
      %max3A_658 = arith.constant 0.000000e+00 : f32
      %max3A_659 = vector.broadcast %max3A_658 : f32 to vector<16xf32>
      %max3A_660 = arith.maximumf %add3A_657, %max3A_659 : vector<16xf32>
      %add3A_661 = arith.addf %add3A_648, %max3A_660 : vector<16xf32>
      %mul3A_662 = arith.constant 16 : i32
      %mul3A_663 = arith.muli %scan3A_351, %mul3A_662 : i32
      %add3A_664 = arith.constant 6 : i32
      %add3A_665 = arith.addi %mul3A_663, %add3A_664 : i32
      %get3A_666 = arith.index_cast %add3A_665 : i32 to index
      %get3A_667 = arith.constant 16 : index
      %get3A_668 = tpu.vector_load %arg8[%get3A_666, %get3A_667] {strides = array<i32>} : memref<2048x32xf32, #tpu.memory_space<vmem>>, vector<1x16xf32>,
      %get3A_669 = vector.shape_cast %get3A_668 : vector<1x16xf32> to vector<16xf32>
      %add3A_670 = arith.addf %get3A_581, %get3A_669 : vector<16xf32>
      %max3A_671 = arith.constant 0.000000e+00 : f32
      %max3A_672 = vector.broadcast %max3A_671 : f32 to vector<16xf32>
      %max3A_673 = arith.maximumf %add3A_670, %max3A_672 : vector<16xf32>
      %add3A_674 = arith.addf %add3A_661, %max3A_673 : vector<16xf32>
      %mul3A_675 = arith.constant 16 : i32
      %mul3A_676 = arith.muli %scan3A_351, %mul3A_675 : i32
      %add3A_677 = arith.constant 7 : i32
      %add3A_678 = arith.addi %mul3A_676, %add3A_677 : i32
      %get3A_679 = arith.index_cast %add3A_678 : i32 to index
      %get3A_680 = arith.constant 16 : index
      %get3A_681 = tpu.vector_load %arg8[%get3A_679, %get3A_680] {strides = array<i32>} : memref<2048x32xf32, #tpu.memory_space<vmem>>, vector<1x16xf32>,
      %get3A_682 = vector.shape_cast %get3A_681 : vector<1x16xf32> to vector<16xf32>
      %add3A_683 = arith.addf %get3A_581, %get3A_682 : vector<16xf32>
      %max3A_684 = arith.constant 0.000000e+00 : f32
      %max3A_685 = vector.broadcast %max3A_684 : f32 to vector<16xf32>
      %max3A_686 = arith.maximumf %add3A_683, %max3A_685 : vector<16xf32>
      %add3A_687 = arith.addf %add3A_674, %max3A_686 : vector<16xf32>
      %mul3A_688 = arith.constant 16 : i32
      %mul3A_689 = arith.muli %scan3A_351, %mul3A_688 : i32
      %add3A_690 = arith.constant 8 : i32
      %add3A_691 = arith.addi %mul3A_689, %add3A_690 : i32
      %get3A_692 = arith.index_cast %add3A_691 : i32 to index
      %get3A_693 = arith.constant 16 : index
      %get3A_694 = tpu.vector_load %arg8[%get3A_692, %get3A_693] {strides = array<i32>} : memref<2048x32xf32, #tpu.memory_space<vmem>>, vector<1x16xf32>,
      %get3A_695 = vector.shape_cast %get3A_694 : vector<1x16xf32> to vector<16xf32>
      %add3A_696 = arith.addf %get3A_581, %get3A_695 : vector<16xf32>
      %max3A_697 = arith.constant 0.000000e+00 : f32
      %max3A_698 = vector.broadcast %max3A_697 : f32 to vector<16xf32>
      %max3A_699 = arith.maximumf %add3A_696, %max3A_698 : vector<16xf32>
      %add3A_700 = arith.addf %add3A_687, %max3A_699 : vector<16xf32>
      %mul3A_701 = arith.constant 16 : i32
      %mul3A_702 = arith.muli %scan3A_351, %mul3A_701 : i32
      %add3A_703 = arith.constant 9 : i32
      %add3A_704 = arith.addi %mul3A_702, %add3A_703 : i32
      %get3A_705 = arith.index_cast %add3A_704 : i32 to index
      %get3A_706 = arith.constant 16 : index
      %get3A_707 = tpu.vector_load %arg8[%get3A_705, %get3A_706] {strides = array<i32>} : memref<2048x32xf32, #tpu.memory_space<vmem>>, vector<1x16xf32>,
      %get3A_708 = vector.shape_cast %get3A_707 : vector<1x16xf32> to vector<16xf32>
      %add3A_709 = arith.addf %get3A_581, %get3A_708 : vector<16xf32>
      %max3A_710 = arith.constant 0.000000e+00 : f32
      %max3A_711 = vector.broadcast %max3A_710 : f32 to vector<16xf32>
      %max3A_712 = arith.maximumf %add3A_709, %max3A_711 : vector<16xf32>
      %add3A_713 = arith.addf %add3A_700, %max3A_712 : vector<16xf32>
      %mul3A_714 = arith.constant 16 : i32
      %mul3A_715 = arith.muli %scan3A_351, %mul3A_714 : i32
      %add3A_716 = arith.constant 10 : i32
      %add3A_717 = arith.addi %mul3A_715, %add3A_716 : i32
      %get3A_718 = arith.index_cast %add3A_717 : i32 to index
      %get3A_719 = arith.constant 16 : index
      %get3A_720 = tpu.vector_load %arg8[%get3A_718, %get3A_719] {strides = array<i32>} : memref<2048x32xf32, #tpu.memory_space<vmem>>, vector<1x16xf32>,
      %get3A_721 = vector.shape_cast %get3A_720 : vector<1x16xf32> to vector<16xf32>
      %add3A_722 = arith.addf %get3A_581, %get3A_721 : vector<16xf32>
      %max3A_723 = arith.constant 0.000000e+00 : f32
      %max3A_724 = vector.broadcast %max3A_723 : f32 to vector<16xf32>
      %max3A_725 = arith.maximumf %add3A_722, %max3A_724 : vector<16xf32>
      %add3A_726 = arith.addf %add3A_713, %max3A_725 : vector<16xf32>
      %mul3A_727 = arith.constant 16 : i32
      %mul3A_728 = arith.muli %scan3A_351, %mul3A_727 : i32
      %add3A_729 = arith.constant 11 : i32
      %add3A_730 = arith.addi %mul3A_728, %add3A_729 : i32
      %get3A_731 = arith.index_cast %add3A_730 : i32 to index
      %get3A_732 = arith.constant 16 : index
      %get3A_733 = tpu.vector_load %arg8[%get3A_731, %get3A_732] {strides = array<i32>} : memref<2048x32xf32, #tpu.memory_space<vmem>>, vector<1x16xf32>,
      %get3A_734 = vector.shape_cast %get3A_733 : vector<1x16xf32> to vector<16xf32>
      %add3A_735 = arith.addf %get3A_581, %get3A_734 : vector<16xf32>
      %max3A_736 = arith.constant 0.000000e+00 : f32
      %max3A_737 = vector.broadcast %max3A_736 : f32 to vector<16xf32>
      %max3A_738 = arith.maximumf %add3A_735, %max3A_737 : vector<16xf32>
      %add3A_739 = arith.addf %add3A_726, %max3A_738 : vector<16xf32>
      %mul3A_740 = arith.constant 16 : i32
      %mul3A_741 = arith.muli %scan3A_351, %mul3A_740 : i32
      %add3A_742 = arith.constant 12 : i32
      %add3A_743 = arith.addi %mul3A_741, %add3A_742 : i32
      %get3A_744 = arith.index_cast %add3A_743 : i32 to index
      %get3A_745 = arith.constant 16 : index
      %get3A_746 = tpu.vector_load %arg8[%get3A_744, %get3A_745] {strides = array<i32>} : memref<2048x32xf32, #tpu.memory_space<vmem>>, vector<1x16xf32>,
      %get3A_747 = vector.shape_cast %get3A_746 : vector<1x16xf32> to vector<16xf32>
      %add3A_748 = arith.addf %get3A_581, %get3A_747 : vector<16xf32>
      %max3A_749 = arith.constant 0.000000e+00 : f32
      %max3A_750 = vector.broadcast %max3A_749 : f32 to vector<16xf32>
      %max3A_751 = arith.maximumf %add3A_748, %max3A_750 : vector<16xf32>
      %add3A_752 = arith.addf %add3A_739, %max3A_751 : vector<16xf32>
      %mul3A_753 = arith.constant 16 : i32
      %mul3A_754 = arith.muli %scan3A_351, %mul3A_753 : i32
      %add3A_755 = arith.constant 13 : i32
      %add3A_756 = arith.addi %mul3A_754, %add3A_755 : i32
      %get3A_757 = arith.index_cast %add3A_756 : i32 to index
      %get3A_758 = arith.constant 16 : index
      %get3A_759 = tpu.vector_load %arg8[%get3A_757, %get3A_758] {strides = array<i32>} : memref<2048x32xf32, #tpu.memory_space<vmem>>, vector<1x16xf32>,
      %get3A_760 = vector.shape_cast %get3A_759 : vector<1x16xf32> to vector<16xf32>
      %add3A_761 = arith.addf %get3A_581, %get3A_760 : vector<16xf32>
      %max3A_762 = arith.constant 0.000000e+00 : f32
      %max3A_763 = vector.broadcast %max3A_762 : f32 to vector<16xf32>
      %max3A_764 = arith.maximumf %add3A_761, %max3A_763 : vector<16xf32>
      %add3A_765 = arith.addf %add3A_752, %max3A_764 : vector<16xf32>
      %mul3A_766 = arith.constant 16 : i32
      %mul3A_767 = arith.muli %scan3A_351, %mul3A_766 : i32
      %add3A_768 = arith.constant 14 : i32
      %add3A_769 = arith.addi %mul3A_767, %add3A_768 : i32
      %get3A_770 = arith.index_cast %add3A_769 : i32 to index
      %get3A_771 = arith.constant 16 : index
      %get3A_772 = tpu.vector_load %arg8[%get3A_770, %get3A_771] {strides = array<i32>} : memref<2048x32xf32, #tpu.memory_space<vmem>>, vector<1x16xf32>,
      %get3A_773 = vector.shape_cast %get3A_772 : vector<1x16xf32> to vector<16xf32>
      %add3A_774 = arith.addf %get3A_581, %get3A_773 : vector<16xf32>
      %max3A_775 = arith.constant 0.000000e+00 : f32
      %max3A_776 = vector.broadcast %max3A_775 : f32 to vector<16xf32>
      %max3A_777 = arith.maximumf %add3A_774, %max3A_776 : vector<16xf32>
      %add3A_778 = arith.addf %add3A_765, %max3A_777 : vector<16xf32>
      %mul3A_779 = arith.constant 16 : i32
      %mul3A_780 = arith.muli %scan3A_351, %mul3A_779 : i32
      %add3A_781 = arith.constant 15 : i32
      %add3A_782 = arith.addi %mul3A_780, %add3A_781 : i32
      %get3A_783 = arith.index_cast %add3A_782 : i32 to index
      %get3A_784 = arith.constant 16 : index
      %get3A_785 = tpu.vector_load %arg8[%get3A_783, %get3A_784] {strides = array<i32>} : memref<2048x32xf32, #tpu.memory_space<vmem>>, vector<1x16xf32>,
      %get3A_786 = vector.shape_cast %get3A_785 : vector<1x16xf32> to vector<16xf32>
      %add3A_787 = arith.addf %get3A_581, %get3A_786 : vector<16xf32>
      %max3A_788 = arith.constant 0.000000e+00 : f32
      %max3A_789 = vector.broadcast %max3A_788 : f32 to vector<16xf32>
      %max3A_790 = arith.maximumf %add3A_787, %max3A_789 : vector<16xf32>
      %add3A_791 = arith.addf %add3A_778, %max3A_790 : vector<16xf32>
      %get3A_792 = arith.index_cast %scan3A_351 : i32 to index
      %get3A_793 = arith.constant 16 : index
      %get3A_794 = tpu.vector_load %arg10[%get3A_792, %get3A_793] {strides = array<i32>} : memref<128x32xf32, #tpu.memory_space<vmem>>, vector<1x16xf32>,
      %get3A_795 = vector.shape_cast %get3A_794 : vector<1x16xf32> to vector<16xf32>
      %mul3A_796 = arith.constant 6.250000e-02 : f32
      %mul3A_797 = vector.broadcast %mul3A_796 : f32 to vector<16xf32>
      %mul3A_798 = arith.mulf %add3A_791, %mul3A_797 : vector<16xf32>
      %add3A_799 = arith.addf %get3A_795, %mul3A_798 : vector<16xf32>
      %max3A_800 = arith.constant 0.000000e+00 : f32
      %max3A_801 = vector.broadcast %max3A_800 : f32 to vector<16xf32>
      %max3A_802 = arith.maximumf %add3A_799, %max3A_801 : vector<16xf32>
      %swap3A_803 = arith.index_cast %scan3A_351 : i32 to index
      %swap3A_804 = arith.constant 16 : index
      %swap3A_805 = tpu.vector_load %arg11[%swap3A_803, %swap3A_804] {strides = array<i32>} : memref<128x32xf32, #tpu.memory_space<vmem>>, vector<1x16xf32>,
      %swap3A_806 = vector.shape_cast %swap3A_805 : vector<1x16xf32> to vector<16xf32>
      %swap3A_807 = vector.shape_cast %max3A_802 : vector<16xf32> to vector<1x16xf32>
      tpu.vector_store %arg11[%swap3A_803, %swap3A_804], %swap3A_807 {strides = array<i32>} : memref<128x32xf32, #tpu.memory_space<vmem>>, vector<1x16xf32>,
    }
    %scan3A_349 = arith.constant 128 : i32
    "tpu.region"() ({
      %run_scoped3A = tpu.sem_alloc : memref<!tpu.dma_semaphore, #tpu.memory_space<semaphore_mem>>
      %dma_start3A_351 = arith.constant 0 : i32
      %dma_start3A_352 = tpu.memref_slice %arg6[%multiple_of3A, %dma_start3A_351] : memref<4096x32xf32, #tpu.memory_space<hbm>> -> memref<128x32xf32, #tpu.memory_space<hbm>>
      %dma_start3A_353 = arith.constant 0 : i32
      %dma_start3A_354 = tpu.memref_slice %arg6[%multiple_of3A, %dma_start3A_353] : memref<4096x32xf32, #tpu.memory_space<hbm>> -> memref<128x32xf32, #tpu.memory_space<hbm>>
      tpu.enqueue_dma source(%arg11 : memref<128x32xf32, #tpu.memory_space<vmem>>) target(%dma_start3A_354 : memref<128x32xf32, #tpu.memory_space<hbm>>) target_semaphore(%run_scoped3A : memref<!tpu.dma_semaphore, #tpu.memory_space<semaphore_mem>>)
      %dma_wait3A_355 = arith.constant 0 : i32
      %dma_wait3A_356 = tpu.memref_slice %arg6[%multiple_of3A, %dma_wait3A_355] : memref<4096x32xf32, #tpu.memory_space<hbm>> -> memref<128x32xf32, #tpu.memory_space<hbm>>
      %dma_wait3A_357 = arith.constant 0 : i32
      %dma_wait3A_358 = tpu.memref_slice %arg6[%multiple_of3A, %dma_wait3A_357] : memref<4096x32xf32, #tpu.memory_space<hbm>> -> memref<128x32xf32, #tpu.memory_space<hbm>>
      tpu.wait_dma2 semaphore(%run_scoped3A : memref<!tpu.dma_semaphore, #tpu.memory_space<semaphore_mem>>) src(%arg11 : memref<128x32xf32, #tpu.memory_space<vmem>>) dst(%dma_wait3A_358 : memref<128x32xf32, #tpu.memory_space<hbm>>)
      tpu.yield
    }) : () -> ()
    %scan3A_350 = arith.constant 1 : i32
    return
  }
}

#map = affine_map<(d0, d1) -> (0, 0)>
module attributes {stable_mosaic.version = 14 : i64} {
  func.func @_sc_body(%arg0: i32, %arg1: i32, %arg2: memref<4096x32xf32, #tpu.memory_space<hbm>>, %arg3: memref<4096x32xf32, #tpu.memory_space<hbm>>, %arg4: memref<4096x32xf32, #tpu.memory_space<hbm>>, %arg5: memref<512x128xi32, #tpu.memory_space<hbm>>, %arg6: memref<4096x32xf32, #tpu.memory_space<hbm>>, %arg7: memref<16x128xi32, #tpu.memory_space<vmem>>, %arg8: memref<2048x32xf32, #tpu.memory_space<vmem>>, %arg9: memref<128x32xf32, #tpu.memory_space<vmem>>, %arg10: memref<128x32xf32, #tpu.memory_space<vmem>>, %arg11: memref<128x32xf32, #tpu.memory_space<vmem>>, %arg12: memref<!tpu.dma_semaphore, #tpu.memory_space<semaphore_mem>>) attributes {dimension_semantics = [#tpu.dimension_semantics<core_parallel>, #tpu.dimension_semantics<subcore_parallel>], iteration_bounds = array<i64: 2, 16>, scalar_prefetch = 0 : i64, scratch_operands = 6 : i64, tpu.core_type = #tpu.core_type<sc_vector_subcore>, window_params = [{transform_indices = #map}, {transform_indices = #map}, {transform_indices = #map}, {transform_indices = #map}, {transform_indices = #map}]} {
    %mul3A = arith.constant 2 : i32
    %mul3A_0 = arith.muli %arg1, %mul3A : i32
    %add3A = arith.addi %mul3A_0, %arg0 : i32
    %mul3A_1 = arith.constant 128 : i32
    %mul3A_2 = arith.muli %add3A, %mul3A_1 : i32
    %scan3A = arith.constant 0 : i32
    %scan3A_3 = arith.constant 0 : i32
    %mul3A_4 = arith.constant 128 : i32
    %mul3A_5 = arith.muli %scan3A_3, %mul3A_4 : i32
    %add3A_6 = arith.addi %mul3A_2, %mul3A_5 : i32
    %multiple_of3A = tpu.assume_multiple %add3A_6, 128 : i32
    %mul3A_7 = arith.constant 16 : i32
    %mul3A_8 = arith.muli %multiple_of3A, %mul3A_7 : i32
    %jit3A = arith.constant 128 : i32
    %div3A = arith.divsi %mul3A_8, %jit3A : i32
    %sign3A = arith.constant 0 : i32
    %sign3A_9 = arith.cmpi sgt, %mul3A_8, %sign3A : i32
    %sign3A_10 = arith.extui %sign3A_9 : i1 to i32
    %sign3A_11 = arith.constant 0 : i32
    %sign3A_12 = arith.cmpi slt, %mul3A_8, %sign3A_11 : i32
    %sign3A_13 = arith.extui %sign3A_12 : i1 to i32
    %sign3A_14 = arith.subi %sign3A_10, %sign3A_13 : i32
    %sign3A_15 = arith.constant 0 : i32
    %sign3A_16 = arith.cmpi sgt, %jit3A, %sign3A_15 : i32
    %sign3A_17 = arith.extui %sign3A_16 : i1 to i32
    %sign3A_18 = arith.constant 0 : i32
    %sign3A_19 = arith.cmpi slt, %jit3A, %sign3A_18 : i32
    %sign3A_20 = arith.extui %sign3A_19 : i1 to i32
    %sign3A_21 = arith.subi %sign3A_17, %sign3A_20 : i32
    %ne3A = arith.cmpi ne, %sign3A_14, %sign3A_21 : i32
    %rem3A = arith.remsi %mul3A_8, %jit3A : i32
    %ne3A_22 = arith.constant 0 : i32
    %ne3A_23 = arith.cmpi ne, %rem3A, %ne3A_22 : i32
    %and3A = arith.andi %ne3A, %ne3A_23 : i1
    %sub3A = arith.constant 1 : i32
    %sub3A_24 = arith.subi %div3A, %sub3A : i32
    %select_n3A = arith.select %and3A, %sub3A_24, %div3A : i32
    %multiple_of3A_25 = tpu.assume_multiple %select_n3A, 16 : i32
    "tpu.region"() ({
      %run_scoped3A = tpu.sem_alloc : memref<!tpu.dma_semaphore, #tpu.memory_space<semaphore_mem>>
      %dma_start3A_351 = arith.constant 0 : i32
      %dma_start3A_352 = tpu.memref_slice %arg5[%multiple_of3A_25, %dma_start3A_351] : memref<512x128xi32, #tpu.memory_space<hbm>> -> memref<16x128xi32, #tpu.memory_space<hbm>>
      %dma_start3A_353 = arith.constant 0 : i32
      %dma_start3A_354 = tpu.memref_slice %arg5[%multiple_of3A_25, %dma_start3A_353] : memref<512x128xi32, #tpu.memory_space<hbm>> -> memref<16x128xi32, #tpu.memory_space<hbm>>
      tpu.enqueue_dma source(%dma_start3A_354 : memref<16x128xi32, #tpu.memory_space<hbm>>) target(%arg7 : memref<16x128xi32, #tpu.memory_space<vmem>>) target_semaphore(%run_scoped3A : memref<!tpu.dma_semaphore, #tpu.memory_space<semaphore_mem>>)
      %dma_wait3A_355 = arith.constant 0 : i32
      %dma_wait3A_356 = tpu.memref_slice %arg5[%multiple_of3A_25, %dma_wait3A_355] : memref<512x128xi32, #tpu.memory_space<hbm>> -> memref<16x128xi32, #tpu.memory_space<hbm>>
      %dma_wait3A_357 = arith.constant 0 : i32
      %dma_wait3A_358 = tpu.memref_slice %arg5[%multiple_of3A_25, %dma_wait3A_357] : memref<512x128xi32, #tpu.memory_space<hbm>> -> memref<16x128xi32, #tpu.memory_space<hbm>>
      tpu.wait_dma2 semaphore(%run_scoped3A : memref<!tpu.dma_semaphore, #tpu.memory_space<semaphore_mem>>) src(%dma_wait3A_358 : memref<16x128xi32, #tpu.memory_space<hbm>>) dst(%arg7 : memref<16x128xi32, #tpu.memory_space<vmem>>)
      tpu.yield
    }) : () -> ()
    %dma_start3A = arith.constant 0 : i32
    %dma_start3A_26 = arith.constant 0 : i32
    %dma_start3A_27 = arith.constant 0 : i32
    %dma_start3A_28 = tpu.memref_slice %arg8[%dma_start3A_26, %dma_start3A_27] : memref<2048x32xf32, #tpu.memory_space<vmem>> -> memref<128x32xf32, #tpu.memory_space<vmem>>
    %dma_start3A_29 = arith.constant 0 : i32
    %dma_start3A_30 = tpu.memref_slice %arg7[%dma_start3A, %dma_start3A_29] : memref<16x128xi32, #tpu.memory_space<vmem>> -> memref<1x128xi32, #tpu.memory_space<vmem>>
    %dma_start3A_31 = tpu.memref_squeeze %dma_start3A_30 : memref<1x128xi32, #tpu.memory_space<vmem>> -> memref<128xi32, #tpu.memory_space<vmem>>
    %dma_start3A_32 = arith.constant 0 : i32
    %dma_start3A_33 = arith.constant 0 : i32
    %dma_start3A_34 = tpu.memref_slice %arg2[%dma_start3A_32, %dma_start3A_33] : memref<4096x32xf32, #tpu.memory_space<hbm>> -> memref<4096x32xf32, #tpu.memory_space<hbm>>
    tpu.enqueue_indirect_dma source(%dma_start3A_34 : memref<4096x32xf32, #tpu.memory_space<hbm>>) target(%dma_start3A_28 : memref<128x32xf32, #tpu.memory_space<vmem>>) offsets(%dma_start3A_31 : memref<128xi32, #tpu.memory_space<vmem>>) semaphore(%arg12 : memref<!tpu.dma_semaphore, #tpu.memory_space<semaphore_mem>>)
    %dma_start3A_35 = arith.constant 1 : i32
    %dma_start3A_36 = arith.constant 128 : i32
    %dma_start3A_37 = arith.constant 0 : i32
    %dma_start3A_38 = tpu.memref_slice %arg8[%dma_start3A_36, %dma_start3A_37] : memref<2048x32xf32, #tpu.memory_space<vmem>> -> memref<128x32xf32, #tpu.memory_space<vmem>>
    %dma_start3A_39 = arith.constant 0 : i32
    %dma_start3A_40 = tpu.memref_slice %arg7[%dma_start3A_35, %dma_start3A_39] : memref<16x128xi32, #tpu.memory_space<vmem>> -> memref<1x128xi32, #tpu.memory_space<vmem>>
    %dma_start3A_41 = tpu.memref_squeeze %dma_start3A_40 : memref<1x128xi32, #tpu.memory_space<vmem>> -> memref<128xi32, #tpu.memory_space<vmem>>
    %dma_start3A_42 = arith.constant 0 : i32
    %dma_start3A_43 = arith.constant 0 : i32
    %dma_start3A_44 = tpu.memref_slice %arg2[%dma_start3A_42, %dma_start3A_43] : memref<4096x32xf32, #tpu.memory_space<hbm>> -> memref<4096x32xf32, #tpu.memory_space<hbm>>
    tpu.enqueue_indirect_dma source(%dma_start3A_44 : memref<4096x32xf32, #tpu.memory_space<hbm>>) target(%dma_start3A_38 : memref<128x32xf32, #tpu.memory_space<vmem>>) offsets(%dma_start3A_41 : memref<128xi32, #tpu.memory_space<vmem>>) semaphore(%arg12 : memref<!tpu.dma_semaphore, #tpu.memory_space<semaphore_mem>>)
    %dma_start3A_45 = arith.constant 2 : i32
    %dma_start3A_46 = arith.constant 256 : i32
    %dma_start3A_47 = arith.constant 0 : i32
    %dma_start3A_48 = tpu.memref_slice %arg8[%dma_start3A_46, %dma_start3A_47] : memref<2048x32xf32, #tpu.memory_space<vmem>> -> memref<128x32xf32, #tpu.memory_space<vmem>>
    %dma_start3A_49 = arith.constant 0 : i32
    %dma_start3A_50 = tpu.memref_slice %arg7[%dma_start3A_45, %dma_start3A_49] : memref<16x128xi32, #tpu.memory_space<vmem>> -> memref<1x128xi32, #tpu.memory_space<vmem>>
    %dma_start3A_51 = tpu.memref_squeeze %dma_start3A_50 : memref<1x128xi32, #tpu.memory_space<vmem>> -> memref<128xi32, #tpu.memory_space<vmem>>
    %dma_start3A_52 = arith.constant 0 : i32
    %dma_start3A_53 = arith.constant 0 : i32
    %dma_start3A_54 = tpu.memref_slice %arg2[%dma_start3A_52, %dma_start3A_53] : memref<4096x32xf32, #tpu.memory_space<hbm>> -> memref<4096x32xf32, #tpu.memory_space<hbm>>
    tpu.enqueue_indirect_dma source(%dma_start3A_54 : memref<4096x32xf32, #tpu.memory_space<hbm>>) target(%dma_start3A_48 : memref<128x32xf32, #tpu.memory_space<vmem>>) offsets(%dma_start3A_51 : memref<128xi32, #tpu.memory_space<vmem>>) semaphore(%arg12 : memref<!tpu.dma_semaphore, #tpu.memory_space<semaphore_mem>>)
    %dma_start3A_55 = arith.constant 3 : i32
    %dma_start3A_56 = arith.constant 384 : i32
    %dma_start3A_57 = arith.constant 0 : i32
    %dma_start3A_58 = tpu.memref_slice %arg8[%dma_start3A_56, %dma_start3A_57] : memref<2048x32xf32, #tpu.memory_space<vmem>> -> memref<128x32xf32, #tpu.memory_space<vmem>>
    %dma_start3A_59 = arith.constant 0 : i32
    %dma_start3A_60 = tpu.memref_slice %arg7[%dma_start3A_55, %dma_start3A_59] : memref<16x128xi32, #tpu.memory_space<vmem>> -> memref<1x128xi32, #tpu.memory_space<vmem>>
    %dma_start3A_61 = tpu.memref_squeeze %dma_start3A_60 : memref<1x128xi32, #tpu.memory_space<vmem>> -> memref<128xi32, #tpu.memory_space<vmem>>
    %dma_start3A_62 = arith.constant 0 : i32
    %dma_start3A_63 = arith.constant 0 : i32
    %dma_start3A_64 = tpu.memref_slice %arg2[%dma_start3A_62, %dma_start3A_63] : memref<4096x32xf32, #tpu.memory_space<hbm>> -> memref<4096x32xf32, #tpu.memory_space<hbm>>
    tpu.enqueue_indirect_dma source(%dma_start3A_64 : memref<4096x32xf32, #tpu.memory_space<hbm>>) target(%dma_start3A_58 : memref<128x32xf32, #tpu.memory_space<vmem>>) offsets(%dma_start3A_61 : memref<128xi32, #tpu.memory_space<vmem>>) semaphore(%arg12 : memref<!tpu.dma_semaphore, #tpu.memory_space<semaphore_mem>>)
    %dma_start3A_65 = arith.constant 4 : i32
    %dma_start3A_66 = arith.constant 512 : i32
    %dma_start3A_67 = arith.constant 0 : i32
    %dma_start3A_68 = tpu.memref_slice %arg8[%dma_start3A_66, %dma_start3A_67] : memref<2048x32xf32, #tpu.memory_space<vmem>> -> memref<128x32xf32, #tpu.memory_space<vmem>>
    %dma_start3A_69 = arith.constant 0 : i32
    %dma_start3A_70 = tpu.memref_slice %arg7[%dma_start3A_65, %dma_start3A_69] : memref<16x128xi32, #tpu.memory_space<vmem>> -> memref<1x128xi32, #tpu.memory_space<vmem>>
    %dma_start3A_71 = tpu.memref_squeeze %dma_start3A_70 : memref<1x128xi32, #tpu.memory_space<vmem>> -> memref<128xi32, #tpu.memory_space<vmem>>
    %dma_start3A_72 = arith.constant 0 : i32
    %dma_start3A_73 = arith.constant 0 : i32
    %dma_start3A_74 = tpu.memref_slice %arg2[%dma_start3A_72, %dma_start3A_73] : memref<4096x32xf32, #tpu.memory_space<hbm>> -> memref<4096x32xf32, #tpu.memory_space<hbm>>
    tpu.enqueue_indirect_dma source(%dma_start3A_74 : memref<4096x32xf32, #tpu.memory_space<hbm>>) target(%dma_start3A_68 : memref<128x32xf32, #tpu.memory_space<vmem>>) offsets(%dma_start3A_71 : memref<128xi32, #tpu.memory_space<vmem>>) semaphore(%arg12 : memref<!tpu.dma_semaphore, #tpu.memory_space<semaphore_mem>>)
    %dma_start3A_75 = arith.constant 5 : i32
    %dma_start3A_76 = arith.constant 640 : i32
    %dma_start3A_77 = arith.constant 0 : i32
    %dma_start3A_78 = tpu.memref_slice %arg8[%dma_start3A_76, %dma_start3A_77] : memref<2048x32xf32, #tpu.memory_space<vmem>> -> memref<128x32xf32, #tpu.memory_space<vmem>>
    %dma_start3A_79 = arith.constant 0 : i32
    %dma_start3A_80 = tpu.memref_slice %arg7[%dma_start3A_75, %dma_start3A_79] : memref<16x128xi32, #tpu.memory_space<vmem>> -> memref<1x128xi32, #tpu.memory_space<vmem>>
    %dma_start3A_81 = tpu.memref_squeeze %dma_start3A_80 : memref<1x128xi32, #tpu.memory_space<vmem>> -> memref<128xi32, #tpu.memory_space<vmem>>
    %dma_start3A_82 = arith.constant 0 : i32
    %dma_start3A_83 = arith.constant 0 : i32
    %dma_start3A_84 = tpu.memref_slice %arg2[%dma_start3A_82, %dma_start3A_83] : memref<4096x32xf32, #tpu.memory_space<hbm>> -> memref<4096x32xf32, #tpu.memory_space<hbm>>
    tpu.enqueue_indirect_dma source(%dma_start3A_84 : memref<4096x32xf32, #tpu.memory_space<hbm>>) target(%dma_start3A_78 : memref<128x32xf32, #tpu.memory_space<vmem>>) offsets(%dma_start3A_81 : memref<128xi32, #tpu.memory_space<vmem>>) semaphore(%arg12 : memref<!tpu.dma_semaphore, #tpu.memory_space<semaphore_mem>>)
    %dma_start3A_85 = arith.constant 6 : i32
    %dma_start3A_86 = arith.constant 768 : i32
    %dma_start3A_87 = arith.constant 0 : i32
    %dma_start3A_88 = tpu.memref_slice %arg8[%dma_start3A_86, %dma_start3A_87] : memref<2048x32xf32, #tpu.memory_space<vmem>> -> memref<128x32xf32, #tpu.memory_space<vmem>>
    %dma_start3A_89 = arith.constant 0 : i32
    %dma_start3A_90 = tpu.memref_slice %arg7[%dma_start3A_85, %dma_start3A_89] : memref<16x128xi32, #tpu.memory_space<vmem>> -> memref<1x128xi32, #tpu.memory_space<vmem>>
    %dma_start3A_91 = tpu.memref_squeeze %dma_start3A_90 : memref<1x128xi32, #tpu.memory_space<vmem>> -> memref<128xi32, #tpu.memory_space<vmem>>
    %dma_start3A_92 = arith.constant 0 : i32
    %dma_start3A_93 = arith.constant 0 : i32
    %dma_start3A_94 = tpu.memref_slice %arg2[%dma_start3A_92, %dma_start3A_93] : memref<4096x32xf32, #tpu.memory_space<hbm>> -> memref<4096x32xf32, #tpu.memory_space<hbm>>
    tpu.enqueue_indirect_dma source(%dma_start3A_94 : memref<4096x32xf32, #tpu.memory_space<hbm>>) target(%dma_start3A_88 : memref<128x32xf32, #tpu.memory_space<vmem>>) offsets(%dma_start3A_91 : memref<128xi32, #tpu.memory_space<vmem>>) semaphore(%arg12 : memref<!tpu.dma_semaphore, #tpu.memory_space<semaphore_mem>>)
    %dma_start3A_95 = arith.constant 7 : i32
    %dma_start3A_96 = arith.constant 896 : i32
    %dma_start3A_97 = arith.constant 0 : i32
    %dma_start3A_98 = tpu.memref_slice %arg8[%dma_start3A_96, %dma_start3A_97] : memref<2048x32xf32, #tpu.memory_space<vmem>> -> memref<128x32xf32, #tpu.memory_space<vmem>>
    %dma_start3A_99 = arith.constant 0 : i32
    %dma_start3A_100 = tpu.memref_slice %arg7[%dma_start3A_95, %dma_start3A_99] : memref<16x128xi32, #tpu.memory_space<vmem>> -> memref<1x128xi32, #tpu.memory_space<vmem>>
    %dma_start3A_101 = tpu.memref_squeeze %dma_start3A_100 : memref<1x128xi32, #tpu.memory_space<vmem>> -> memref<128xi32, #tpu.memory_space<vmem>>
    %dma_start3A_102 = arith.constant 0 : i32
    %dma_start3A_103 = arith.constant 0 : i32
    %dma_start3A_104 = tpu.memref_slice %arg2[%dma_start3A_102, %dma_start3A_103] : memref<4096x32xf32, #tpu.memory_space<hbm>> -> memref<4096x32xf32, #tpu.memory_space<hbm>>
    tpu.enqueue_indirect_dma source(%dma_start3A_104 : memref<4096x32xf32, #tpu.memory_space<hbm>>) target(%dma_start3A_98 : memref<128x32xf32, #tpu.memory_space<vmem>>) offsets(%dma_start3A_101 : memref<128xi32, #tpu.memory_space<vmem>>) semaphore(%arg12 : memref<!tpu.dma_semaphore, #tpu.memory_space<semaphore_mem>>)
    %dma_start3A_105 = arith.constant 8 : i32
    %dma_start3A_106 = arith.constant 1024 : i32
    %dma_start3A_107 = arith.constant 0 : i32
    %dma_start3A_108 = tpu.memref_slice %arg8[%dma_start3A_106, %dma_start3A_107] : memref<2048x32xf32, #tpu.memory_space<vmem>> -> memref<128x32xf32, #tpu.memory_space<vmem>>
    %dma_start3A_109 = arith.constant 0 : i32
    %dma_start3A_110 = tpu.memref_slice %arg7[%dma_start3A_105, %dma_start3A_109] : memref<16x128xi32, #tpu.memory_space<vmem>> -> memref<1x128xi32, #tpu.memory_space<vmem>>
    %dma_start3A_111 = tpu.memref_squeeze %dma_start3A_110 : memref<1x128xi32, #tpu.memory_space<vmem>> -> memref<128xi32, #tpu.memory_space<vmem>>
    %dma_start3A_112 = arith.constant 0 : i32
    %dma_start3A_113 = arith.constant 0 : i32
    %dma_start3A_114 = tpu.memref_slice %arg2[%dma_start3A_112, %dma_start3A_113] : memref<4096x32xf32, #tpu.memory_space<hbm>> -> memref<4096x32xf32, #tpu.memory_space<hbm>>
    tpu.enqueue_indirect_dma source(%dma_start3A_114 : memref<4096x32xf32, #tpu.memory_space<hbm>>) target(%dma_start3A_108 : memref<128x32xf32, #tpu.memory_space<vmem>>) offsets(%dma_start3A_111 : memref<128xi32, #tpu.memory_space<vmem>>) semaphore(%arg12 : memref<!tpu.dma_semaphore, #tpu.memory_space<semaphore_mem>>)
    %dma_start3A_115 = arith.constant 9 : i32
    %dma_start3A_116 = arith.constant 1152 : i32
    %dma_start3A_117 = arith.constant 0 : i32
    %dma_start3A_118 = tpu.memref_slice %arg8[%dma_start3A_116, %dma_start3A_117] : memref<2048x32xf32, #tpu.memory_space<vmem>> -> memref<128x32xf32, #tpu.memory_space<vmem>>
    %dma_start3A_119 = arith.constant 0 : i32
    %dma_start3A_120 = tpu.memref_slice %arg7[%dma_start3A_115, %dma_start3A_119] : memref<16x128xi32, #tpu.memory_space<vmem>> -> memref<1x128xi32, #tpu.memory_space<vmem>>
    %dma_start3A_121 = tpu.memref_squeeze %dma_start3A_120 : memref<1x128xi32, #tpu.memory_space<vmem>> -> memref<128xi32, #tpu.memory_space<vmem>>
    %dma_start3A_122 = arith.constant 0 : i32
    %dma_start3A_123 = arith.constant 0 : i32
    %dma_start3A_124 = tpu.memref_slice %arg2[%dma_start3A_122, %dma_start3A_123] : memref<4096x32xf32, #tpu.memory_space<hbm>> -> memref<4096x32xf32, #tpu.memory_space<hbm>>
    tpu.enqueue_indirect_dma source(%dma_start3A_124 : memref<4096x32xf32, #tpu.memory_space<hbm>>) target(%dma_start3A_118 : memref<128x32xf32, #tpu.memory_space<vmem>>) offsets(%dma_start3A_121 : memref<128xi32, #tpu.memory_space<vmem>>) semaphore(%arg12 : memref<!tpu.dma_semaphore, #tpu.memory_space<semaphore_mem>>)
    %dma_start3A_125 = arith.constant 10 : i32
    %dma_start3A_126 = arith.constant 1280 : i32
    %dma_start3A_127 = arith.constant 0 : i32
    %dma_start3A_128 = tpu.memref_slice %arg8[%dma_start3A_126, %dma_start3A_127] : memref<2048x32xf32, #tpu.memory_space<vmem>> -> memref<128x32xf32, #tpu.memory_space<vmem>>
    %dma_start3A_129 = arith.constant 0 : i32
    %dma_start3A_130 = tpu.memref_slice %arg7[%dma_start3A_125, %dma_start3A_129] : memref<16x128xi32, #tpu.memory_space<vmem>> -> memref<1x128xi32, #tpu.memory_space<vmem>>
    %dma_start3A_131 = tpu.memref_squeeze %dma_start3A_130 : memref<1x128xi32, #tpu.memory_space<vmem>> -> memref<128xi32, #tpu.memory_space<vmem>>
    %dma_start3A_132 = arith.constant 0 : i32
    %dma_start3A_133 = arith.constant 0 : i32
    %dma_start3A_134 = tpu.memref_slice %arg2[%dma_start3A_132, %dma_start3A_133] : memref<4096x32xf32, #tpu.memory_space<hbm>> -> memref<4096x32xf32, #tpu.memory_space<hbm>>
    tpu.enqueue_indirect_dma source(%dma_start3A_134 : memref<4096x32xf32, #tpu.memory_space<hbm>>) target(%dma_start3A_128 : memref<128x32xf32, #tpu.memory_space<vmem>>) offsets(%dma_start3A_131 : memref<128xi32, #tpu.memory_space<vmem>>) semaphore(%arg12 : memref<!tpu.dma_semaphore, #tpu.memory_space<semaphore_mem>>)
    %dma_start3A_135 = arith.constant 11 : i32
    %dma_start3A_136 = arith.constant 1408 : i32
    %dma_start3A_137 = arith.constant 0 : i32
    %dma_start3A_138 = tpu.memref_slice %arg8[%dma_start3A_136, %dma_start3A_137] : memref<2048x32xf32, #tpu.memory_space<vmem>> -> memref<128x32xf32, #tpu.memory_space<vmem>>
    %dma_start3A_139 = arith.constant 0 : i32
    %dma_start3A_140 = tpu.memref_slice %arg7[%dma_start3A_135, %dma_start3A_139] : memref<16x128xi32, #tpu.memory_space<vmem>> -> memref<1x128xi32, #tpu.memory_space<vmem>>
    %dma_start3A_141 = tpu.memref_squeeze %dma_start3A_140 : memref<1x128xi32, #tpu.memory_space<vmem>> -> memref<128xi32, #tpu.memory_space<vmem>>
    %dma_start3A_142 = arith.constant 0 : i32
    %dma_start3A_143 = arith.constant 0 : i32
    %dma_start3A_144 = tpu.memref_slice %arg2[%dma_start3A_142, %dma_start3A_143] : memref<4096x32xf32, #tpu.memory_space<hbm>> -> memref<4096x32xf32, #tpu.memory_space<hbm>>
    tpu.enqueue_indirect_dma source(%dma_start3A_144 : memref<4096x32xf32, #tpu.memory_space<hbm>>) target(%dma_start3A_138 : memref<128x32xf32, #tpu.memory_space<vmem>>) offsets(%dma_start3A_141 : memref<128xi32, #tpu.memory_space<vmem>>) semaphore(%arg12 : memref<!tpu.dma_semaphore, #tpu.memory_space<semaphore_mem>>)
    %dma_start3A_145 = arith.constant 12 : i32
    %dma_start3A_146 = arith.constant 1536 : i32
    %dma_start3A_147 = arith.constant 0 : i32
    %dma_start3A_148 = tpu.memref_slice %arg8[%dma_start3A_146, %dma_start3A_147] : memref<2048x32xf32, #tpu.memory_space<vmem>> -> memref<128x32xf32, #tpu.memory_space<vmem>>
    %dma_start3A_149 = arith.constant 0 : i32
    %dma_start3A_150 = tpu.memref_slice %arg7[%dma_start3A_145, %dma_start3A_149] : memref<16x128xi32, #tpu.memory_space<vmem>> -> memref<1x128xi32, #tpu.memory_space<vmem>>
    %dma_start3A_151 = tpu.memref_squeeze %dma_start3A_150 : memref<1x128xi32, #tpu.memory_space<vmem>> -> memref<128xi32, #tpu.memory_space<vmem>>
    %dma_start3A_152 = arith.constant 0 : i32
    %dma_start3A_153 = arith.constant 0 : i32
    %dma_start3A_154 = tpu.memref_slice %arg2[%dma_start3A_152, %dma_start3A_153] : memref<4096x32xf32, #tpu.memory_space<hbm>> -> memref<4096x32xf32, #tpu.memory_space<hbm>>
    tpu.enqueue_indirect_dma source(%dma_start3A_154 : memref<4096x32xf32, #tpu.memory_space<hbm>>) target(%dma_start3A_148 : memref<128x32xf32, #tpu.memory_space<vmem>>) offsets(%dma_start3A_151 : memref<128xi32, #tpu.memory_space<vmem>>) semaphore(%arg12 : memref<!tpu.dma_semaphore, #tpu.memory_space<semaphore_mem>>)
    %dma_start3A_155 = arith.constant 13 : i32
    %dma_start3A_156 = arith.constant 1664 : i32
    %dma_start3A_157 = arith.constant 0 : i32
    %dma_start3A_158 = tpu.memref_slice %arg8[%dma_start3A_156, %dma_start3A_157] : memref<2048x32xf32, #tpu.memory_space<vmem>> -> memref<128x32xf32, #tpu.memory_space<vmem>>
    %dma_start3A_159 = arith.constant 0 : i32
    %dma_start3A_160 = tpu.memref_slice %arg7[%dma_start3A_155, %dma_start3A_159] : memref<16x128xi32, #tpu.memory_space<vmem>> -> memref<1x128xi32, #tpu.memory_space<vmem>>
    %dma_start3A_161 = tpu.memref_squeeze %dma_start3A_160 : memref<1x128xi32, #tpu.memory_space<vmem>> -> memref<128xi32, #tpu.memory_space<vmem>>
    %dma_start3A_162 = arith.constant 0 : i32
    %dma_start3A_163 = arith.constant 0 : i32
    %dma_start3A_164 = tpu.memref_slice %arg2[%dma_start3A_162, %dma_start3A_163] : memref<4096x32xf32, #tpu.memory_space<hbm>> -> memref<4096x32xf32, #tpu.memory_space<hbm>>
    tpu.enqueue_indirect_dma source(%dma_start3A_164 : memref<4096x32xf32, #tpu.memory_space<hbm>>) target(%dma_start3A_158 : memref<128x32xf32, #tpu.memory_space<vmem>>) offsets(%dma_start3A_161 : memref<128xi32, #tpu.memory_space<vmem>>) semaphore(%arg12 : memref<!tpu.dma_semaphore, #tpu.memory_space<semaphore_mem>>)
    %dma_start3A_165 = arith.constant 14 : i32
    %dma_start3A_166 = arith.constant 1792 : i32
    %dma_start3A_167 = arith.constant 0 : i32
    %dma_start3A_168 = tpu.memref_slice %arg8[%dma_start3A_166, %dma_start3A_167] : memref<2048x32xf32, #tpu.memory_space<vmem>> -> memref<128x32xf32, #tpu.memory_space<vmem>>
    %dma_start3A_169 = arith.constant 0 : i32
    %dma_start3A_170 = tpu.memref_slice %arg7[%dma_start3A_165, %dma_start3A_169] : memref<16x128xi32, #tpu.memory_space<vmem>> -> memref<1x128xi32, #tpu.memory_space<vmem>>
    %dma_start3A_171 = tpu.memref_squeeze %dma_start3A_170 : memref<1x128xi32, #tpu.memory_space<vmem>> -> memref<128xi32, #tpu.memory_space<vmem>>
    %dma_start3A_172 = arith.constant 0 : i32
    %dma_start3A_173 = arith.constant 0 : i32
    %dma_start3A_174 = tpu.memref_slice %arg2[%dma_start3A_172, %dma_start3A_173] : memref<4096x32xf32, #tpu.memory_space<hbm>> -> memref<4096x32xf32, #tpu.memory_space<hbm>>
    tpu.enqueue_indirect_dma source(%dma_start3A_174 : memref<4096x32xf32, #tpu.memory_space<hbm>>) target(%dma_start3A_168 : memref<128x32xf32, #tpu.memory_space<vmem>>) offsets(%dma_start3A_171 : memref<128xi32, #tpu.memory_space<vmem>>) semaphore(%arg12 : memref<!tpu.dma_semaphore, #tpu.memory_space<semaphore_mem>>)
    %dma_start3A_175 = arith.constant 15 : i32
    %dma_start3A_176 = arith.constant 1920 : i32
    %dma_start3A_177 = arith.constant 0 : i32
    %dma_start3A_178 = tpu.memref_slice %arg8[%dma_start3A_176, %dma_start3A_177] : memref<2048x32xf32, #tpu.memory_space<vmem>> -> memref<128x32xf32, #tpu.memory_space<vmem>>
    %dma_start3A_179 = arith.constant 0 : i32
    %dma_start3A_180 = tpu.memref_slice %arg7[%dma_start3A_175, %dma_start3A_179] : memref<16x128xi32, #tpu.memory_space<vmem>> -> memref<1x128xi32, #tpu.memory_space<vmem>>
    %dma_start3A_181 = tpu.memref_squeeze %dma_start3A_180 : memref<1x128xi32, #tpu.memory_space<vmem>> -> memref<128xi32, #tpu.memory_space<vmem>>
    %dma_start3A_182 = arith.constant 0 : i32
    %dma_start3A_183 = arith.constant 0 : i32
    %dma_start3A_184 = tpu.memref_slice %arg2[%dma_start3A_182, %dma_start3A_183] : memref<4096x32xf32, #tpu.memory_space<hbm>> -> memref<4096x32xf32, #tpu.memory_space<hbm>>
    tpu.enqueue_indirect_dma source(%dma_start3A_184 : memref<4096x32xf32, #tpu.memory_space<hbm>>) target(%dma_start3A_178 : memref<128x32xf32, #tpu.memory_space<vmem>>) offsets(%dma_start3A_181 : memref<128xi32, #tpu.memory_space<vmem>>) semaphore(%arg12 : memref<!tpu.dma_semaphore, #tpu.memory_space<semaphore_mem>>)
    "tpu.region"() ({
      %run_scoped3A = tpu.sem_alloc : memref<!tpu.dma_semaphore, #tpu.memory_space<semaphore_mem>>
      %dma_start3A_351 = arith.constant 0 : i32
      %dma_start3A_352 = tpu.memref_slice %arg3[%multiple_of3A, %dma_start3A_351] : memref<4096x32xf32, #tpu.memory_space<hbm>> -> memref<128x32xf32, #tpu.memory_space<hbm>>
      %dma_start3A_353 = arith.constant 0 : i32
      %dma_start3A_354 = tpu.memref_slice %arg3[%multiple_of3A, %dma_start3A_353] : memref<4096x32xf32, #tpu.memory_space<hbm>> -> memref<128x32xf32, #tpu.memory_space<hbm>>
      tpu.enqueue_dma source(%dma_start3A_354 : memref<128x32xf32, #tpu.memory_space<hbm>>) target(%arg9 : memref<128x32xf32, #tpu.memory_space<vmem>>) target_semaphore(%run_scoped3A : memref<!tpu.dma_semaphore, #tpu.memory_space<semaphore_mem>>)
      %dma_wait3A_355 = arith.constant 0 : i32
      %dma_wait3A_356 = tpu.memref_slice %arg3[%multiple_of3A, %dma_wait3A_355] : memref<4096x32xf32, #tpu.memory_space<hbm>> -> memref<128x32xf32, #tpu.memory_space<hbm>>
      %dma_wait3A_357 = arith.constant 0 : i32
      %dma_wait3A_358 = tpu.memref_slice %arg3[%multiple_of3A, %dma_wait3A_357] : memref<4096x32xf32, #tpu.memory_space<hbm>> -> memref<128x32xf32, #tpu.memory_space<hbm>>
      tpu.wait_dma2 semaphore(%run_scoped3A : memref<!tpu.dma_semaphore, #tpu.memory_space<semaphore_mem>>) src(%dma_wait3A_358 : memref<128x32xf32, #tpu.memory_space<hbm>>) dst(%arg9 : memref<128x32xf32, #tpu.memory_space<vmem>>)
      tpu.yield
    }) : () -> ()
    "tpu.region"() ({
      %run_scoped3A = tpu.sem_alloc : memref<!tpu.dma_semaphore, #tpu.memory_space<semaphore_mem>>
      %dma_start3A_351 = arith.constant 0 : i32
      %dma_start3A_352 = tpu.memref_slice %arg4[%multiple_of3A, %dma_start3A_351] : memref<4096x32xf32, #tpu.memory_space<hbm>> -> memref<128x32xf32, #tpu.memory_space<hbm>>
      %dma_start3A_353 = arith.constant 0 : i32
      %dma_start3A_354 = tpu.memref_slice %arg4[%multiple_of3A, %dma_start3A_353] : memref<4096x32xf32, #tpu.memory_space<hbm>> -> memref<128x32xf32, #tpu.memory_space<hbm>>
      tpu.enqueue_dma source(%dma_start3A_354 : memref<128x32xf32, #tpu.memory_space<hbm>>) target(%arg10 : memref<128x32xf32, #tpu.memory_space<vmem>>) target_semaphore(%run_scoped3A : memref<!tpu.dma_semaphore, #tpu.memory_space<semaphore_mem>>)
      %dma_wait3A_355 = arith.constant 0 : i32
      %dma_wait3A_356 = tpu.memref_slice %arg4[%multiple_of3A, %dma_wait3A_355] : memref<4096x32xf32, #tpu.memory_space<hbm>> -> memref<128x32xf32, #tpu.memory_space<hbm>>
      %dma_wait3A_357 = arith.constant 0 : i32
      %dma_wait3A_358 = tpu.memref_slice %arg4[%multiple_of3A, %dma_wait3A_357] : memref<4096x32xf32, #tpu.memory_space<hbm>> -> memref<128x32xf32, #tpu.memory_space<hbm>>
      tpu.wait_dma2 semaphore(%run_scoped3A : memref<!tpu.dma_semaphore, #tpu.memory_space<semaphore_mem>>) src(%dma_wait3A_358 : memref<128x32xf32, #tpu.memory_space<hbm>>) dst(%arg10 : memref<128x32xf32, #tpu.memory_space<vmem>>)
      tpu.yield
    }) : () -> ()
    %dma_wait3A = arith.constant 0 : i32
    %dma_wait3A_185 = arith.constant 0 : i32
    %dma_wait3A_186 = arith.constant 0 : i32
    %dma_wait3A_187 = tpu.memref_slice %arg8[%dma_wait3A_185, %dma_wait3A_186] : memref<2048x32xf32, #tpu.memory_space<vmem>> -> memref<128x32xf32, #tpu.memory_space<vmem>>
    %dma_wait3A_188 = arith.constant 0 : i32
    %dma_wait3A_189 = tpu.memref_slice %arg7[%dma_wait3A, %dma_wait3A_188] : memref<16x128xi32, #tpu.memory_space<vmem>> -> memref<1x128xi32, #tpu.memory_space<vmem>>
    %dma_wait3A_190 = tpu.memref_squeeze %dma_wait3A_189 : memref<1x128xi32, #tpu.memory_space<vmem>> -> memref<128xi32, #tpu.memory_space<vmem>>
    %dma_wait3A_191 = arith.constant 0 : i32
    %dma_wait3A_192 = arith.constant 0 : i32
    %dma_wait3A_193 = tpu.memref_slice %arg2[%dma_wait3A_191, %dma_wait3A_192] : memref<4096x32xf32, #tpu.memory_space<hbm>> -> memref<4096x32xf32, #tpu.memory_space<hbm>>
    tpu.wait_indirect_dma semaphore(%arg12 : memref<!tpu.dma_semaphore, #tpu.memory_space<semaphore_mem>>) src(%dma_wait3A_193 : memref<4096x32xf32, #tpu.memory_space<hbm>>) dst(%dma_wait3A_187 : memref<128x32xf32, #tpu.memory_space<vmem>>)
    %dma_wait3A_194 = arith.constant 1 : i32
    %dma_wait3A_195 = arith.constant 128 : i32
    %dma_wait3A_196 = arith.constant 0 : i32
    %dma_wait3A_197 = tpu.memref_slice %arg8[%dma_wait3A_195, %dma_wait3A_196] : memref<2048x32xf32, #tpu.memory_space<vmem>> -> memref<128x32xf32, #tpu.memory_space<vmem>>
    %dma_wait3A_198 = arith.constant 0 : i32
    %dma_wait3A_199 = tpu.memref_slice %arg7[%dma_wait3A_194, %dma_wait3A_198] : memref<16x128xi32, #tpu.memory_space<vmem>> -> memref<1x128xi32, #tpu.memory_space<vmem>>
    %dma_wait3A_200 = tpu.memref_squeeze %dma_wait3A_199 : memref<1x128xi32, #tpu.memory_space<vmem>> -> memref<128xi32, #tpu.memory_space<vmem>>
    %dma_wait3A_201 = arith.constant 0 : i32
    %dma_wait3A_202 = arith.constant 0 : i32
    %dma_wait3A_203 = tpu.memref_slice %arg2[%dma_wait3A_201, %dma_wait3A_202] : memref<4096x32xf32, #tpu.memory_space<hbm>> -> memref<4096x32xf32, #tpu.memory_space<hbm>>
    tpu.wait_indirect_dma semaphore(%arg12 : memref<!tpu.dma_semaphore, #tpu.memory_space<semaphore_mem>>) src(%dma_wait3A_203 : memref<4096x32xf32, #tpu.memory_space<hbm>>) dst(%dma_wait3A_197 : memref<128x32xf32, #tpu.memory_space<vmem>>)
    %dma_wait3A_204 = arith.constant 2 : i32
    %dma_wait3A_205 = arith.constant 256 : i32
    %dma_wait3A_206 = arith.constant 0 : i32
    %dma_wait3A_207 = tpu.memref_slice %arg8[%dma_wait3A_205, %dma_wait3A_206] : memref<2048x32xf32, #tpu.memory_space<vmem>> -> memref<128x32xf32, #tpu.memory_space<vmem>>
    %dma_wait3A_208 = arith.constant 0 : i32
    %dma_wait3A_209 = tpu.memref_slice %arg7[%dma_wait3A_204, %dma_wait3A_208] : memref<16x128xi32, #tpu.memory_space<vmem>> -> memref<1x128xi32, #tpu.memory_space<vmem>>
    %dma_wait3A_210 = tpu.memref_squeeze %dma_wait3A_209 : memref<1x128xi32, #tpu.memory_space<vmem>> -> memref<128xi32, #tpu.memory_space<vmem>>
    %dma_wait3A_211 = arith.constant 0 : i32
    %dma_wait3A_212 = arith.constant 0 : i32
    %dma_wait3A_213 = tpu.memref_slice %arg2[%dma_wait3A_211, %dma_wait3A_212] : memref<4096x32xf32, #tpu.memory_space<hbm>> -> memref<4096x32xf32, #tpu.memory_space<hbm>>
    tpu.wait_indirect_dma semaphore(%arg12 : memref<!tpu.dma_semaphore, #tpu.memory_space<semaphore_mem>>) src(%dma_wait3A_213 : memref<4096x32xf32, #tpu.memory_space<hbm>>) dst(%dma_wait3A_207 : memref<128x32xf32, #tpu.memory_space<vmem>>)
    %dma_wait3A_214 = arith.constant 3 : i32
    %dma_wait3A_215 = arith.constant 384 : i32
    %dma_wait3A_216 = arith.constant 0 : i32
    %dma_wait3A_217 = tpu.memref_slice %arg8[%dma_wait3A_215, %dma_wait3A_216] : memref<2048x32xf32, #tpu.memory_space<vmem>> -> memref<128x32xf32, #tpu.memory_space<vmem>>
    %dma_wait3A_218 = arith.constant 0 : i32
    %dma_wait3A_219 = tpu.memref_slice %arg7[%dma_wait3A_214, %dma_wait3A_218] : memref<16x128xi32, #tpu.memory_space<vmem>> -> memref<1x128xi32, #tpu.memory_space<vmem>>
    %dma_wait3A_220 = tpu.memref_squeeze %dma_wait3A_219 : memref<1x128xi32, #tpu.memory_space<vmem>> -> memref<128xi32, #tpu.memory_space<vmem>>
    %dma_wait3A_221 = arith.constant 0 : i32
    %dma_wait3A_222 = arith.constant 0 : i32
    %dma_wait3A_223 = tpu.memref_slice %arg2[%dma_wait3A_221, %dma_wait3A_222] : memref<4096x32xf32, #tpu.memory_space<hbm>> -> memref<4096x32xf32, #tpu.memory_space<hbm>>
    tpu.wait_indirect_dma semaphore(%arg12 : memref<!tpu.dma_semaphore, #tpu.memory_space<semaphore_mem>>) src(%dma_wait3A_223 : memref<4096x32xf32, #tpu.memory_space<hbm>>) dst(%dma_wait3A_217 : memref<128x32xf32, #tpu.memory_space<vmem>>)
    %dma_wait3A_224 = arith.constant 4 : i32
    %dma_wait3A_225 = arith.constant 512 : i32
    %dma_wait3A_226 = arith.constant 0 : i32
    %dma_wait3A_227 = tpu.memref_slice %arg8[%dma_wait3A_225, %dma_wait3A_226] : memref<2048x32xf32, #tpu.memory_space<vmem>> -> memref<128x32xf32, #tpu.memory_space<vmem>>
    %dma_wait3A_228 = arith.constant 0 : i32
    %dma_wait3A_229 = tpu.memref_slice %arg7[%dma_wait3A_224, %dma_wait3A_228] : memref<16x128xi32, #tpu.memory_space<vmem>> -> memref<1x128xi32, #tpu.memory_space<vmem>>
    %dma_wait3A_230 = tpu.memref_squeeze %dma_wait3A_229 : memref<1x128xi32, #tpu.memory_space<vmem>> -> memref<128xi32, #tpu.memory_space<vmem>>
    %dma_wait3A_231 = arith.constant 0 : i32
    %dma_wait3A_232 = arith.constant 0 : i32
    %dma_wait3A_233 = tpu.memref_slice %arg2[%dma_wait3A_231, %dma_wait3A_232] : memref<4096x32xf32, #tpu.memory_space<hbm>> -> memref<4096x32xf32, #tpu.memory_space<hbm>>
    tpu.wait_indirect_dma semaphore(%arg12 : memref<!tpu.dma_semaphore, #tpu.memory_space<semaphore_mem>>) src(%dma_wait3A_233 : memref<4096x32xf32, #tpu.memory_space<hbm>>) dst(%dma_wait3A_227 : memref<128x32xf32, #tpu.memory_space<vmem>>)
    %dma_wait3A_234 = arith.constant 5 : i32
    %dma_wait3A_235 = arith.constant 640 : i32
    %dma_wait3A_236 = arith.constant 0 : i32
    %dma_wait3A_237 = tpu.memref_slice %arg8[%dma_wait3A_235, %dma_wait3A_236] : memref<2048x32xf32, #tpu.memory_space<vmem>> -> memref<128x32xf32, #tpu.memory_space<vmem>>
    %dma_wait3A_238 = arith.constant 0 : i32
    %dma_wait3A_239 = tpu.memref_slice %arg7[%dma_wait3A_234, %dma_wait3A_238] : memref<16x128xi32, #tpu.memory_space<vmem>> -> memref<1x128xi32, #tpu.memory_space<vmem>>
    %dma_wait3A_240 = tpu.memref_squeeze %dma_wait3A_239 : memref<1x128xi32, #tpu.memory_space<vmem>> -> memref<128xi32, #tpu.memory_space<vmem>>
    %dma_wait3A_241 = arith.constant 0 : i32
    %dma_wait3A_242 = arith.constant 0 : i32
    %dma_wait3A_243 = tpu.memref_slice %arg2[%dma_wait3A_241, %dma_wait3A_242] : memref<4096x32xf32, #tpu.memory_space<hbm>> -> memref<4096x32xf32, #tpu.memory_space<hbm>>
    tpu.wait_indirect_dma semaphore(%arg12 : memref<!tpu.dma_semaphore, #tpu.memory_space<semaphore_mem>>) src(%dma_wait3A_243 : memref<4096x32xf32, #tpu.memory_space<hbm>>) dst(%dma_wait3A_237 : memref<128x32xf32, #tpu.memory_space<vmem>>)
    %dma_wait3A_244 = arith.constant 6 : i32
    %dma_wait3A_245 = arith.constant 768 : i32
    %dma_wait3A_246 = arith.constant 0 : i32
    %dma_wait3A_247 = tpu.memref_slice %arg8[%dma_wait3A_245, %dma_wait3A_246] : memref<2048x32xf32, #tpu.memory_space<vmem>> -> memref<128x32xf32, #tpu.memory_space<vmem>>
    %dma_wait3A_248 = arith.constant 0 : i32
    %dma_wait3A_249 = tpu.memref_slice %arg7[%dma_wait3A_244, %dma_wait3A_248] : memref<16x128xi32, #tpu.memory_space<vmem>> -> memref<1x128xi32, #tpu.memory_space<vmem>>
    %dma_wait3A_250 = tpu.memref_squeeze %dma_wait3A_249 : memref<1x128xi32, #tpu.memory_space<vmem>> -> memref<128xi32, #tpu.memory_space<vmem>>
    %dma_wait3A_251 = arith.constant 0 : i32
    %dma_wait3A_252 = arith.constant 0 : i32
    %dma_wait3A_253 = tpu.memref_slice %arg2[%dma_wait3A_251, %dma_wait3A_252] : memref<4096x32xf32, #tpu.memory_space<hbm>> -> memref<4096x32xf32, #tpu.memory_space<hbm>>
    tpu.wait_indirect_dma semaphore(%arg12 : memref<!tpu.dma_semaphore, #tpu.memory_space<semaphore_mem>>) src(%dma_wait3A_253 : memref<4096x32xf32, #tpu.memory_space<hbm>>) dst(%dma_wait3A_247 : memref<128x32xf32, #tpu.memory_space<vmem>>)
    %dma_wait3A_254 = arith.constant 7 : i32
    %dma_wait3A_255 = arith.constant 896 : i32
    %dma_wait3A_256 = arith.constant 0 : i32
    %dma_wait3A_257 = tpu.memref_slice %arg8[%dma_wait3A_255, %dma_wait3A_256] : memref<2048x32xf32, #tpu.memory_space<vmem>> -> memref<128x32xf32, #tpu.memory_space<vmem>>
    %dma_wait3A_258 = arith.constant 0 : i32
    %dma_wait3A_259 = tpu.memref_slice %arg7[%dma_wait3A_254, %dma_wait3A_258] : memref<16x128xi32, #tpu.memory_space<vmem>> -> memref<1x128xi32, #tpu.memory_space<vmem>>
    %dma_wait3A_260 = tpu.memref_squeeze %dma_wait3A_259 : memref<1x128xi32, #tpu.memory_space<vmem>> -> memref<128xi32, #tpu.memory_space<vmem>>
    %dma_wait3A_261 = arith.constant 0 : i32
    %dma_wait3A_262 = arith.constant 0 : i32
    %dma_wait3A_263 = tpu.memref_slice %arg2[%dma_wait3A_261, %dma_wait3A_262] : memref<4096x32xf32, #tpu.memory_space<hbm>> -> memref<4096x32xf32, #tpu.memory_space<hbm>>
    tpu.wait_indirect_dma semaphore(%arg12 : memref<!tpu.dma_semaphore, #tpu.memory_space<semaphore_mem>>) src(%dma_wait3A_263 : memref<4096x32xf32, #tpu.memory_space<hbm>>) dst(%dma_wait3A_257 : memref<128x32xf32, #tpu.memory_space<vmem>>)
    %dma_wait3A_264 = arith.constant 8 : i32
    %dma_wait3A_265 = arith.constant 1024 : i32
    %dma_wait3A_266 = arith.constant 0 : i32
    %dma_wait3A_267 = tpu.memref_slice %arg8[%dma_wait3A_265, %dma_wait3A_266] : memref<2048x32xf32, #tpu.memory_space<vmem>> -> memref<128x32xf32, #tpu.memory_space<vmem>>
    %dma_wait3A_268 = arith.constant 0 : i32
    %dma_wait3A_269 = tpu.memref_slice %arg7[%dma_wait3A_264, %dma_wait3A_268] : memref<16x128xi32, #tpu.memory_space<vmem>> -> memref<1x128xi32, #tpu.memory_space<vmem>>
    %dma_wait3A_270 = tpu.memref_squeeze %dma_wait3A_269 : memref<1x128xi32, #tpu.memory_space<vmem>> -> memref<128xi32, #tpu.memory_space<vmem>>
    %dma_wait3A_271 = arith.constant 0 : i32
    %dma_wait3A_272 = arith.constant 0 : i32
    %dma_wait3A_273 = tpu.memref_slice %arg2[%dma_wait3A_271, %dma_wait3A_272] : memref<4096x32xf32, #tpu.memory_space<hbm>> -> memref<4096x32xf32, #tpu.memory_space<hbm>>
    tpu.wait_indirect_dma semaphore(%arg12 : memref<!tpu.dma_semaphore, #tpu.memory_space<semaphore_mem>>) src(%dma_wait3A_273 : memref<4096x32xf32, #tpu.memory_space<hbm>>) dst(%dma_wait3A_267 : memref<128x32xf32, #tpu.memory_space<vmem>>)
    %dma_wait3A_274 = arith.constant 9 : i32
    %dma_wait3A_275 = arith.constant 1152 : i32
    %dma_wait3A_276 = arith.constant 0 : i32
    %dma_wait3A_277 = tpu.memref_slice %arg8[%dma_wait3A_275, %dma_wait3A_276] : memref<2048x32xf32, #tpu.memory_space<vmem>> -> memref<128x32xf32, #tpu.memory_space<vmem>>
    %dma_wait3A_278 = arith.constant 0 : i32
    %dma_wait3A_279 = tpu.memref_slice %arg7[%dma_wait3A_274, %dma_wait3A_278] : memref<16x128xi32, #tpu.memory_space<vmem>> -> memref<1x128xi32, #tpu.memory_space<vmem>>
    %dma_wait3A_280 = tpu.memref_squeeze %dma_wait3A_279 : memref<1x128xi32, #tpu.memory_space<vmem>> -> memref<128xi32, #tpu.memory_space<vmem>>
    %dma_wait3A_281 = arith.constant 0 : i32
    %dma_wait3A_282 = arith.constant 0 : i32
    %dma_wait3A_283 = tpu.memref_slice %arg2[%dma_wait3A_281, %dma_wait3A_282] : memref<4096x32xf32, #tpu.memory_space<hbm>> -> memref<4096x32xf32, #tpu.memory_space<hbm>>
    tpu.wait_indirect_dma semaphore(%arg12 : memref<!tpu.dma_semaphore, #tpu.memory_space<semaphore_mem>>) src(%dma_wait3A_283 : memref<4096x32xf32, #tpu.memory_space<hbm>>) dst(%dma_wait3A_277 : memref<128x32xf32, #tpu.memory_space<vmem>>)
    %dma_wait3A_284 = arith.constant 10 : i32
    %dma_wait3A_285 = arith.constant 1280 : i32
    %dma_wait3A_286 = arith.constant 0 : i32
    %dma_wait3A_287 = tpu.memref_slice %arg8[%dma_wait3A_285, %dma_wait3A_286] : memref<2048x32xf32, #tpu.memory_space<vmem>> -> memref<128x32xf32, #tpu.memory_space<vmem>>
    %dma_wait3A_288 = arith.constant 0 : i32
    %dma_wait3A_289 = tpu.memref_slice %arg7[%dma_wait3A_284, %dma_wait3A_288] : memref<16x128xi32, #tpu.memory_space<vmem>> -> memref<1x128xi32, #tpu.memory_space<vmem>>
    %dma_wait3A_290 = tpu.memref_squeeze %dma_wait3A_289 : memref<1x128xi32, #tpu.memory_space<vmem>> -> memref<128xi32, #tpu.memory_space<vmem>>
    %dma_wait3A_291 = arith.constant 0 : i32
    %dma_wait3A_292 = arith.constant 0 : i32
    %dma_wait3A_293 = tpu.memref_slice %arg2[%dma_wait3A_291, %dma_wait3A_292] : memref<4096x32xf32, #tpu.memory_space<hbm>> -> memref<4096x32xf32, #tpu.memory_space<hbm>>
    tpu.wait_indirect_dma semaphore(%arg12 : memref<!tpu.dma_semaphore, #tpu.memory_space<semaphore_mem>>) src(%dma_wait3A_293 : memref<4096x32xf32, #tpu.memory_space<hbm>>) dst(%dma_wait3A_287 : memref<128x32xf32, #tpu.memory_space<vmem>>)
    %dma_wait3A_294 = arith.constant 11 : i32
    %dma_wait3A_295 = arith.constant 1408 : i32
    %dma_wait3A_296 = arith.constant 0 : i32
    %dma_wait3A_297 = tpu.memref_slice %arg8[%dma_wait3A_295, %dma_wait3A_296] : memref<2048x32xf32, #tpu.memory_space<vmem>> -> memref<128x32xf32, #tpu.memory_space<vmem>>
    %dma_wait3A_298 = arith.constant 0 : i32
    %dma_wait3A_299 = tpu.memref_slice %arg7[%dma_wait3A_294, %dma_wait3A_298] : memref<16x128xi32, #tpu.memory_space<vmem>> -> memref<1x128xi32, #tpu.memory_space<vmem>>
    %dma_wait3A_300 = tpu.memref_squeeze %dma_wait3A_299 : memref<1x128xi32, #tpu.memory_space<vmem>> -> memref<128xi32, #tpu.memory_space<vmem>>
    %dma_wait3A_301 = arith.constant 0 : i32
    %dma_wait3A_302 = arith.constant 0 : i32
    %dma_wait3A_303 = tpu.memref_slice %arg2[%dma_wait3A_301, %dma_wait3A_302] : memref<4096x32xf32, #tpu.memory_space<hbm>> -> memref<4096x32xf32, #tpu.memory_space<hbm>>
    tpu.wait_indirect_dma semaphore(%arg12 : memref<!tpu.dma_semaphore, #tpu.memory_space<semaphore_mem>>) src(%dma_wait3A_303 : memref<4096x32xf32, #tpu.memory_space<hbm>>) dst(%dma_wait3A_297 : memref<128x32xf32, #tpu.memory_space<vmem>>)
    %dma_wait3A_304 = arith.constant 12 : i32
    %dma_wait3A_305 = arith.constant 1536 : i32
    %dma_wait3A_306 = arith.constant 0 : i32
    %dma_wait3A_307 = tpu.memref_slice %arg8[%dma_wait3A_305, %dma_wait3A_306] : memref<2048x32xf32, #tpu.memory_space<vmem>> -> memref<128x32xf32, #tpu.memory_space<vmem>>
    %dma_wait3A_308 = arith.constant 0 : i32
    %dma_wait3A_309 = tpu.memref_slice %arg7[%dma_wait3A_304, %dma_wait3A_308] : memref<16x128xi32, #tpu.memory_space<vmem>> -> memref<1x128xi32, #tpu.memory_space<vmem>>
    %dma_wait3A_310 = tpu.memref_squeeze %dma_wait3A_309 : memref<1x128xi32, #tpu.memory_space<vmem>> -> memref<128xi32, #tpu.memory_space<vmem>>
    %dma_wait3A_311 = arith.constant 0 : i32
    %dma_wait3A_312 = arith.constant 0 : i32
    %dma_wait3A_313 = tpu.memref_slice %arg2[%dma_wait3A_311, %dma_wait3A_312] : memref<4096x32xf32, #tpu.memory_space<hbm>> -> memref<4096x32xf32, #tpu.memory_space<hbm>>
    tpu.wait_indirect_dma semaphore(%arg12 : memref<!tpu.dma_semaphore, #tpu.memory_space<semaphore_mem>>) src(%dma_wait3A_313 : memref<4096x32xf32, #tpu.memory_space<hbm>>) dst(%dma_wait3A_307 : memref<128x32xf32, #tpu.memory_space<vmem>>)
    %dma_wait3A_314 = arith.constant 13 : i32
    %dma_wait3A_315 = arith.constant 1664 : i32
    %dma_wait3A_316 = arith.constant 0 : i32
    %dma_wait3A_317 = tpu.memref_slice %arg8[%dma_wait3A_315, %dma_wait3A_316] : memref<2048x32xf32, #tpu.memory_space<vmem>> -> memref<128x32xf32, #tpu.memory_space<vmem>>
    %dma_wait3A_318 = arith.constant 0 : i32
    %dma_wait3A_319 = tpu.memref_slice %arg7[%dma_wait3A_314, %dma_wait3A_318] : memref<16x128xi32, #tpu.memory_space<vmem>> -> memref<1x128xi32, #tpu.memory_space<vmem>>
    %dma_wait3A_320 = tpu.memref_squeeze %dma_wait3A_319 : memref<1x128xi32, #tpu.memory_space<vmem>> -> memref<128xi32, #tpu.memory_space<vmem>>
    %dma_wait3A_321 = arith.constant 0 : i32
    %dma_wait3A_322 = arith.constant 0 : i32
    %dma_wait3A_323 = tpu.memref_slice %arg2[%dma_wait3A_321, %dma_wait3A_322] : memref<4096x32xf32, #tpu.memory_space<hbm>> -> memref<4096x32xf32, #tpu.memory_space<hbm>>
    tpu.wait_indirect_dma semaphore(%arg12 : memref<!tpu.dma_semaphore, #tpu.memory_space<semaphore_mem>>) src(%dma_wait3A_323 : memref<4096x32xf32, #tpu.memory_space<hbm>>) dst(%dma_wait3A_317 : memref<128x32xf32, #tpu.memory_space<vmem>>)
    %dma_wait3A_324 = arith.constant 14 : i32
    %dma_wait3A_325 = arith.constant 1792 : i32
    %dma_wait3A_326 = arith.constant 0 : i32
    %dma_wait3A_327 = tpu.memref_slice %arg8[%dma_wait3A_325, %dma_wait3A_326] : memref<2048x32xf32, #tpu.memory_space<vmem>> -> memref<128x32xf32, #tpu.memory_space<vmem>>
    %dma_wait3A_328 = arith.constant 0 : i32
    %dma_wait3A_329 = tpu.memref_slice %arg7[%dma_wait3A_324, %dma_wait3A_328] : memref<16x128xi32, #tpu.memory_space<vmem>> -> memref<1x128xi32, #tpu.memory_space<vmem>>
    %dma_wait3A_330 = tpu.memref_squeeze %dma_wait3A_329 : memref<1x128xi32, #tpu.memory_space<vmem>> -> memref<128xi32, #tpu.memory_space<vmem>>
    %dma_wait3A_331 = arith.constant 0 : i32
    %dma_wait3A_332 = arith.constant 0 : i32
    %dma_wait3A_333 = tpu.memref_slice %arg2[%dma_wait3A_331, %dma_wait3A_332] : memref<4096x32xf32, #tpu.memory_space<hbm>> -> memref<4096x32xf32, #tpu.memory_space<hbm>>
    tpu.wait_indirect_dma semaphore(%arg12 : memref<!tpu.dma_semaphore, #tpu.memory_space<semaphore_mem>>) src(%dma_wait3A_333 : memref<4096x32xf32, #tpu.memory_space<hbm>>) dst(%dma_wait3A_327 : memref<128x32xf32, #tpu.memory_space<vmem>>)
    %dma_wait3A_334 = arith.constant 15 : i32
    %dma_wait3A_335 = arith.constant 1920 : i32
    %dma_wait3A_336 = arith.constant 0 : i32
    %dma_wait3A_337 = tpu.memref_slice %arg8[%dma_wait3A_335, %dma_wait3A_336] : memref<2048x32xf32, #tpu.memory_space<vmem>> -> memref<128x32xf32, #tpu.memory_space<vmem>>
    %dma_wait3A_338 = arith.constant 0 : i32
    %dma_wait3A_339 = tpu.memref_slice %arg7[%dma_wait3A_334, %dma_wait3A_338] : memref<16x128xi32, #tpu.memory_space<vmem>> -> memref<1x128xi32, #tpu.memory_space<vmem>>
    %dma_wait3A_340 = tpu.memref_squeeze %dma_wait3A_339 : memref<1x128xi32, #tpu.memory_space<vmem>> -> memref<128xi32, #tpu.memory_space<vmem>>
    %dma_wait3A_341 = arith.constant 0 : i32
    %dma_wait3A_342 = arith.constant 0 : i32
    %dma_wait3A_343 = tpu.memref_slice %arg2[%dma_wait3A_341, %dma_wait3A_342] : memref<4096x32xf32, #tpu.memory_space<hbm>> -> memref<4096x32xf32, #tpu.memory_space<hbm>>
    tpu.wait_indirect_dma semaphore(%arg12 : memref<!tpu.dma_semaphore, #tpu.memory_space<semaphore_mem>>) src(%dma_wait3A_343 : memref<4096x32xf32, #tpu.memory_space<hbm>>) dst(%dma_wait3A_337 : memref<128x32xf32, #tpu.memory_space<vmem>>)
    %scan3A_344 = arith.constant 0 : i32
    %scan3A_345 = arith.constant 0 : i32
    %scan3A_346 = arith.constant 128 : i32
    %scan3A_347 = arith.addi %scan3A_345, %scan3A_346 : i32
    %scan3A_348 = arith.constant 1 : i32
    scf.for %scan3A_351 = %scan3A_345 to %scan3A_347 step %scan3A_348  : i32 {
      %get3A = arith.index_cast %scan3A_351 : i32 to index
      %get3A_352 = arith.constant 0 : index
      %get3A_353 = tpu.vector_load %arg9[%get3A, %get3A_352] {strides = array<i32>} : memref<128x32xf32, #tpu.memory_space<vmem>>, vector<1x16xf32>,
      %get3A_354 = vector.shape_cast %get3A_353 : vector<1x16xf32> to vector<16xf32>
      %broadcast_in_dim3A = arith.constant 0.000000e+00 : f32
      %broadcast_in_dim3A_355 = vector.broadcast %broadcast_in_dim3A : f32 to vector<16xf32>
      %mul3A_356 = arith.constant 16 : i32
      %mul3A_357 = arith.muli %scan3A_351, %mul3A_356 : i32
      %add3A_358 = arith.constant 0 : i32
      %add3A_359 = arith.addi %mul3A_357, %add3A_358 : i32
      %get3A_360 = arith.index_cast %add3A_359 : i32 to index
      %get3A_361 = arith.constant 0 : index
      %get3A_362 = tpu.vector_load %arg8[%get3A_360, %get3A_361] {strides = array<i32>} : memref<2048x32xf32, #tpu.memory_space<vmem>>, vector<1x16xf32>,
      %get3A_363 = vector.shape_cast %get3A_362 : vector<1x16xf32> to vector<16xf32>
      %add3A_364 = arith.addf %get3A_354, %get3A_363 : vector<16xf32>
      %max3A = arith.constant 0.000000e+00 : f32
      %max3A_365 = vector.broadcast %max3A : f32 to vector<16xf32>
      %max3A_366 = arith.maximumf %add3A_364, %max3A_365 : vector<16xf32>
      %add3A_367 = arith.addf %broadcast_in_dim3A_355, %max3A_366 : vector<16xf32>
      %mul3A_368 = arith.constant 16 : i32
      %mul3A_369 = arith.muli %scan3A_351, %mul3A_368 : i32
      %add3A_370 = arith.constant 1 : i32
      %add3A_371 = arith.addi %mul3A_369, %add3A_370 : i32
      %get3A_372 = arith.index_cast %add3A_371 : i32 to index
      %get3A_373 = arith.constant 0 : index
      %get3A_374 = tpu.vector_load %arg8[%get3A_372, %get3A_373] {strides = array<i32>} : memref<2048x32xf32, #tpu.memory_space<vmem>>, vector<1x16xf32>,
      %get3A_375 = vector.shape_cast %get3A_374 : vector<1x16xf32> to vector<16xf32>
      %add3A_376 = arith.addf %get3A_354, %get3A_375 : vector<16xf32>
      %max3A_377 = arith.constant 0.000000e+00 : f32
      %max3A_378 = vector.broadcast %max3A_377 : f32 to vector<16xf32>
      %max3A_379 = arith.maximumf %add3A_376, %max3A_378 : vector<16xf32>
      %add3A_380 = arith.addf %add3A_367, %max3A_379 : vector<16xf32>
      %mul3A_381 = arith.constant 16 : i32
      %mul3A_382 = arith.muli %scan3A_351, %mul3A_381 : i32
      %add3A_383 = arith.constant 2 : i32
      %add3A_384 = arith.addi %mul3A_382, %add3A_383 : i32
      %get3A_385 = arith.index_cast %add3A_384 : i32 to index
      %get3A_386 = arith.constant 0 : index
      %get3A_387 = tpu.vector_load %arg8[%get3A_385, %get3A_386] {strides = array<i32>} : memref<2048x32xf32, #tpu.memory_space<vmem>>, vector<1x16xf32>,
      %get3A_388 = vector.shape_cast %get3A_387 : vector<1x16xf32> to vector<16xf32>
      %add3A_389 = arith.addf %get3A_354, %get3A_388 : vector<16xf32>
      %max3A_390 = arith.constant 0.000000e+00 : f32
      %max3A_391 = vector.broadcast %max3A_390 : f32 to vector<16xf32>
      %max3A_392 = arith.maximumf %add3A_389, %max3A_391 : vector<16xf32>
      %add3A_393 = arith.addf %add3A_380, %max3A_392 : vector<16xf32>
      %mul3A_394 = arith.constant 16 : i32
      %mul3A_395 = arith.muli %scan3A_351, %mul3A_394 : i32
      %add3A_396 = arith.constant 3 : i32
      %add3A_397 = arith.addi %mul3A_395, %add3A_396 : i32
      %get3A_398 = arith.index_cast %add3A_397 : i32 to index
      %get3A_399 = arith.constant 0 : index
      %get3A_400 = tpu.vector_load %arg8[%get3A_398, %get3A_399] {strides = array<i32>} : memref<2048x32xf32, #tpu.memory_space<vmem>>, vector<1x16xf32>,
      %get3A_401 = vector.shape_cast %get3A_400 : vector<1x16xf32> to vector<16xf32>
      %add3A_402 = arith.addf %get3A_354, %get3A_401 : vector<16xf32>
      %max3A_403 = arith.constant 0.000000e+00 : f32
      %max3A_404 = vector.broadcast %max3A_403 : f32 to vector<16xf32>
      %max3A_405 = arith.maximumf %add3A_402, %max3A_404 : vector<16xf32>
      %add3A_406 = arith.addf %add3A_393, %max3A_405 : vector<16xf32>
      %mul3A_407 = arith.constant 16 : i32
      %mul3A_408 = arith.muli %scan3A_351, %mul3A_407 : i32
      %add3A_409 = arith.constant 4 : i32
      %add3A_410 = arith.addi %mul3A_408, %add3A_409 : i32
      %get3A_411 = arith.index_cast %add3A_410 : i32 to index
      %get3A_412 = arith.constant 0 : index
      %get3A_413 = tpu.vector_load %arg8[%get3A_411, %get3A_412] {strides = array<i32>} : memref<2048x32xf32, #tpu.memory_space<vmem>>, vector<1x16xf32>,
      %get3A_414 = vector.shape_cast %get3A_413 : vector<1x16xf32> to vector<16xf32>
      %add3A_415 = arith.addf %get3A_354, %get3A_414 : vector<16xf32>
      %max3A_416 = arith.constant 0.000000e+00 : f32
      %max3A_417 = vector.broadcast %max3A_416 : f32 to vector<16xf32>
      %max3A_418 = arith.maximumf %add3A_415, %max3A_417 : vector<16xf32>
      %add3A_419 = arith.addf %add3A_406, %max3A_418 : vector<16xf32>
      %mul3A_420 = arith.constant 16 : i32
      %mul3A_421 = arith.muli %scan3A_351, %mul3A_420 : i32
      %add3A_422 = arith.constant 5 : i32
      %add3A_423 = arith.addi %mul3A_421, %add3A_422 : i32
      %get3A_424 = arith.index_cast %add3A_423 : i32 to index
      %get3A_425 = arith.constant 0 : index
      %get3A_426 = tpu.vector_load %arg8[%get3A_424, %get3A_425] {strides = array<i32>} : memref<2048x32xf32, #tpu.memory_space<vmem>>, vector<1x16xf32>,
      %get3A_427 = vector.shape_cast %get3A_426 : vector<1x16xf32> to vector<16xf32>
      %add3A_428 = arith.addf %get3A_354, %get3A_427 : vector<16xf32>
      %max3A_429 = arith.constant 0.000000e+00 : f32
      %max3A_430 = vector.broadcast %max3A_429 : f32 to vector<16xf32>
      %max3A_431 = arith.maximumf %add3A_428, %max3A_430 : vector<16xf32>
      %add3A_432 = arith.addf %add3A_419, %max3A_431 : vector<16xf32>
      %mul3A_433 = arith.constant 16 : i32
      %mul3A_434 = arith.muli %scan3A_351, %mul3A_433 : i32
      %add3A_435 = arith.constant 6 : i32
      %add3A_436 = arith.addi %mul3A_434, %add3A_435 : i32
      %get3A_437 = arith.index_cast %add3A_436 : i32 to index
      %get3A_438 = arith.constant 0 : index
      %get3A_439 = tpu.vector_load %arg8[%get3A_437, %get3A_438] {strides = array<i32>} : memref<2048x32xf32, #tpu.memory_space<vmem>>, vector<1x16xf32>,
      %get3A_440 = vector.shape_cast %get3A_439 : vector<1x16xf32> to vector<16xf32>
      %add3A_441 = arith.addf %get3A_354, %get3A_440 : vector<16xf32>
      %max3A_442 = arith.constant 0.000000e+00 : f32
      %max3A_443 = vector.broadcast %max3A_442 : f32 to vector<16xf32>
      %max3A_444 = arith.maximumf %add3A_441, %max3A_443 : vector<16xf32>
      %add3A_445 = arith.addf %add3A_432, %max3A_444 : vector<16xf32>
      %mul3A_446 = arith.constant 16 : i32
      %mul3A_447 = arith.muli %scan3A_351, %mul3A_446 : i32
      %add3A_448 = arith.constant 7 : i32
      %add3A_449 = arith.addi %mul3A_447, %add3A_448 : i32
      %get3A_450 = arith.index_cast %add3A_449 : i32 to index
      %get3A_451 = arith.constant 0 : index
      %get3A_452 = tpu.vector_load %arg8[%get3A_450, %get3A_451] {strides = array<i32>} : memref<2048x32xf32, #tpu.memory_space<vmem>>, vector<1x16xf32>,
      %get3A_453 = vector.shape_cast %get3A_452 : vector<1x16xf32> to vector<16xf32>
      %add3A_454 = arith.addf %get3A_354, %get3A_453 : vector<16xf32>
      %max3A_455 = arith.constant 0.000000e+00 : f32
      %max3A_456 = vector.broadcast %max3A_455 : f32 to vector<16xf32>
      %max3A_457 = arith.maximumf %add3A_454, %max3A_456 : vector<16xf32>
      %add3A_458 = arith.addf %add3A_445, %max3A_457 : vector<16xf32>
      %mul3A_459 = arith.constant 16 : i32
      %mul3A_460 = arith.muli %scan3A_351, %mul3A_459 : i32
      %add3A_461 = arith.constant 8 : i32
      %add3A_462 = arith.addi %mul3A_460, %add3A_461 : i32
      %get3A_463 = arith.index_cast %add3A_462 : i32 to index
      %get3A_464 = arith.constant 0 : index
      %get3A_465 = tpu.vector_load %arg8[%get3A_463, %get3A_464] {strides = array<i32>} : memref<2048x32xf32, #tpu.memory_space<vmem>>, vector<1x16xf32>,
      %get3A_466 = vector.shape_cast %get3A_465 : vector<1x16xf32> to vector<16xf32>
      %add3A_467 = arith.addf %get3A_354, %get3A_466 : vector<16xf32>
      %max3A_468 = arith.constant 0.000000e+00 : f32
      %max3A_469 = vector.broadcast %max3A_468 : f32 to vector<16xf32>
      %max3A_470 = arith.maximumf %add3A_467, %max3A_469 : vector<16xf32>
      %add3A_471 = arith.addf %add3A_458, %max3A_470 : vector<16xf32>
      %mul3A_472 = arith.constant 16 : i32
      %mul3A_473 = arith.muli %scan3A_351, %mul3A_472 : i32
      %add3A_474 = arith.constant 9 : i32
      %add3A_475 = arith.addi %mul3A_473, %add3A_474 : i32
      %get3A_476 = arith.index_cast %add3A_475 : i32 to index
      %get3A_477 = arith.constant 0 : index
      %get3A_478 = tpu.vector_load %arg8[%get3A_476, %get3A_477] {strides = array<i32>} : memref<2048x32xf32, #tpu.memory_space<vmem>>, vector<1x16xf32>,
      %get3A_479 = vector.shape_cast %get3A_478 : vector<1x16xf32> to vector<16xf32>
      %add3A_480 = arith.addf %get3A_354, %get3A_479 : vector<16xf32>
      %max3A_481 = arith.constant 0.000000e+00 : f32
      %max3A_482 = vector.broadcast %max3A_481 : f32 to vector<16xf32>
      %max3A_483 = arith.maximumf %add3A_480, %max3A_482 : vector<16xf32>
      %add3A_484 = arith.addf %add3A_471, %max3A_483 : vector<16xf32>
      %mul3A_485 = arith.constant 16 : i32
      %mul3A_486 = arith.muli %scan3A_351, %mul3A_485 : i32
      %add3A_487 = arith.constant 10 : i32
      %add3A_488 = arith.addi %mul3A_486, %add3A_487 : i32
      %get3A_489 = arith.index_cast %add3A_488 : i32 to index
      %get3A_490 = arith.constant 0 : index
      %get3A_491 = tpu.vector_load %arg8[%get3A_489, %get3A_490] {strides = array<i32>} : memref<2048x32xf32, #tpu.memory_space<vmem>>, vector<1x16xf32>,
      %get3A_492 = vector.shape_cast %get3A_491 : vector<1x16xf32> to vector<16xf32>
      %add3A_493 = arith.addf %get3A_354, %get3A_492 : vector<16xf32>
      %max3A_494 = arith.constant 0.000000e+00 : f32
      %max3A_495 = vector.broadcast %max3A_494 : f32 to vector<16xf32>
      %max3A_496 = arith.maximumf %add3A_493, %max3A_495 : vector<16xf32>
      %add3A_497 = arith.addf %add3A_484, %max3A_496 : vector<16xf32>
      %mul3A_498 = arith.constant 16 : i32
      %mul3A_499 = arith.muli %scan3A_351, %mul3A_498 : i32
      %add3A_500 = arith.constant 11 : i32
      %add3A_501 = arith.addi %mul3A_499, %add3A_500 : i32
      %get3A_502 = arith.index_cast %add3A_501 : i32 to index
      %get3A_503 = arith.constant 0 : index
      %get3A_504 = tpu.vector_load %arg8[%get3A_502, %get3A_503] {strides = array<i32>} : memref<2048x32xf32, #tpu.memory_space<vmem>>, vector<1x16xf32>,
      %get3A_505 = vector.shape_cast %get3A_504 : vector<1x16xf32> to vector<16xf32>
      %add3A_506 = arith.addf %get3A_354, %get3A_505 : vector<16xf32>
      %max3A_507 = arith.constant 0.000000e+00 : f32
      %max3A_508 = vector.broadcast %max3A_507 : f32 to vector<16xf32>
      %max3A_509 = arith.maximumf %add3A_506, %max3A_508 : vector<16xf32>
      %add3A_510 = arith.addf %add3A_497, %max3A_509 : vector<16xf32>
      %mul3A_511 = arith.constant 16 : i32
      %mul3A_512 = arith.muli %scan3A_351, %mul3A_511 : i32
      %add3A_513 = arith.constant 12 : i32
      %add3A_514 = arith.addi %mul3A_512, %add3A_513 : i32
      %get3A_515 = arith.index_cast %add3A_514 : i32 to index
      %get3A_516 = arith.constant 0 : index
      %get3A_517 = tpu.vector_load %arg8[%get3A_515, %get3A_516] {strides = array<i32>} : memref<2048x32xf32, #tpu.memory_space<vmem>>, vector<1x16xf32>,
      %get3A_518 = vector.shape_cast %get3A_517 : vector<1x16xf32> to vector<16xf32>
      %add3A_519 = arith.addf %get3A_354, %get3A_518 : vector<16xf32>
      %max3A_520 = arith.constant 0.000000e+00 : f32
      %max3A_521 = vector.broadcast %max3A_520 : f32 to vector<16xf32>
      %max3A_522 = arith.maximumf %add3A_519, %max3A_521 : vector<16xf32>
      %add3A_523 = arith.addf %add3A_510, %max3A_522 : vector<16xf32>
      %mul3A_524 = arith.constant 16 : i32
      %mul3A_525 = arith.muli %scan3A_351, %mul3A_524 : i32
      %add3A_526 = arith.constant 13 : i32
      %add3A_527 = arith.addi %mul3A_525, %add3A_526 : i32
      %get3A_528 = arith.index_cast %add3A_527 : i32 to index
      %get3A_529 = arith.constant 0 : index
      %get3A_530 = tpu.vector_load %arg8[%get3A_528, %get3A_529] {strides = array<i32>} : memref<2048x32xf32, #tpu.memory_space<vmem>>, vector<1x16xf32>,
      %get3A_531 = vector.shape_cast %get3A_530 : vector<1x16xf32> to vector<16xf32>
      %add3A_532 = arith.addf %get3A_354, %get3A_531 : vector<16xf32>
      %max3A_533 = arith.constant 0.000000e+00 : f32
      %max3A_534 = vector.broadcast %max3A_533 : f32 to vector<16xf32>
      %max3A_535 = arith.maximumf %add3A_532, %max3A_534 : vector<16xf32>
      %add3A_536 = arith.addf %add3A_523, %max3A_535 : vector<16xf32>
      %mul3A_537 = arith.constant 16 : i32
      %mul3A_538 = arith.muli %scan3A_351, %mul3A_537 : i32
      %add3A_539 = arith.constant 14 : i32
      %add3A_540 = arith.addi %mul3A_538, %add3A_539 : i32
      %get3A_541 = arith.index_cast %add3A_540 : i32 to index
      %get3A_542 = arith.constant 0 : index
      %get3A_543 = tpu.vector_load %arg8[%get3A_541, %get3A_542] {strides = array<i32>} : memref<2048x32xf32, #tpu.memory_space<vmem>>, vector<1x16xf32>,
      %get3A_544 = vector.shape_cast %get3A_543 : vector<1x16xf32> to vector<16xf32>
      %add3A_545 = arith.addf %get3A_354, %get3A_544 : vector<16xf32>
      %max3A_546 = arith.constant 0.000000e+00 : f32
      %max3A_547 = vector.broadcast %max3A_546 : f32 to vector<16xf32>
      %max3A_548 = arith.maximumf %add3A_545, %max3A_547 : vector<16xf32>
      %add3A_549 = arith.addf %add3A_536, %max3A_548 : vector<16xf32>
      %mul3A_550 = arith.constant 16 : i32
      %mul3A_551 = arith.muli %scan3A_351, %mul3A_550 : i32
      %add3A_552 = arith.constant 15 : i32
      %add3A_553 = arith.addi %mul3A_551, %add3A_552 : i32
      %get3A_554 = arith.index_cast %add3A_553 : i32 to index
      %get3A_555 = arith.constant 0 : index
      %get3A_556 = tpu.vector_load %arg8[%get3A_554, %get3A_555] {strides = array<i32>} : memref<2048x32xf32, #tpu.memory_space<vmem>>, vector<1x16xf32>,
      %get3A_557 = vector.shape_cast %get3A_556 : vector<1x16xf32> to vector<16xf32>
      %add3A_558 = arith.addf %get3A_354, %get3A_557 : vector<16xf32>
      %max3A_559 = arith.constant 0.000000e+00 : f32
      %max3A_560 = vector.broadcast %max3A_559 : f32 to vector<16xf32>
      %max3A_561 = arith.maximumf %add3A_558, %max3A_560 : vector<16xf32>
      %add3A_562 = arith.addf %add3A_549, %max3A_561 : vector<16xf32>
      %get3A_563 = arith.index_cast %scan3A_351 : i32 to index
      %get3A_564 = arith.constant 0 : index
      %get3A_565 = tpu.vector_load %arg10[%get3A_563, %get3A_564] {strides = array<i32>} : memref<128x32xf32, #tpu.memory_space<vmem>>, vector<1x16xf32>,
      %get3A_566 = vector.shape_cast %get3A_565 : vector<1x16xf32> to vector<16xf32>
      %mul3A_567 = arith.constant 6.250000e-02 : f32
      %mul3A_568 = vector.broadcast %mul3A_567 : f32 to vector<16xf32>
      %mul3A_569 = arith.mulf %add3A_562, %mul3A_568 : vector<16xf32>
      %add3A_570 = arith.addf %get3A_566, %mul3A_569 : vector<16xf32>
      %max3A_571 = arith.constant 0.000000e+00 : f32
      %max3A_572 = vector.broadcast %max3A_571 : f32 to vector<16xf32>
      %max3A_573 = arith.maximumf %add3A_570, %max3A_572 : vector<16xf32>
      %swap3A = arith.index_cast %scan3A_351 : i32 to index
      %swap3A_574 = arith.constant 0 : index
      %swap3A_575 = tpu.vector_load %arg11[%swap3A, %swap3A_574] {strides = array<i32>} : memref<128x32xf32, #tpu.memory_space<vmem>>, vector<1x16xf32>,
      %swap3A_576 = vector.shape_cast %swap3A_575 : vector<1x16xf32> to vector<16xf32>
      %swap3A_577 = vector.shape_cast %max3A_573 : vector<16xf32> to vector<1x16xf32>
      tpu.vector_store %arg11[%swap3A, %swap3A_574], %swap3A_577 {strides = array<i32>} : memref<128x32xf32, #tpu.memory_space<vmem>>, vector<1x16xf32>,
      %get3A_578 = arith.index_cast %scan3A_351 : i32 to index
      %get3A_579 = arith.constant 16 : index
      %get3A_580 = tpu.vector_load %arg9[%get3A_578, %get3A_579] {strides = array<i32>} : memref<128x32xf32, #tpu.memory_space<vmem>>, vector<1x16xf32>,
      %get3A_581 = vector.shape_cast %get3A_580 : vector<1x16xf32> to vector<16xf32>
      %broadcast_in_dim3A_582 = arith.constant 0.000000e+00 : f32
      %broadcast_in_dim3A_583 = vector.broadcast %broadcast_in_dim3A_582 : f32 to vector<16xf32>
      %mul3A_584 = arith.constant 16 : i32
      %mul3A_585 = arith.muli %scan3A_351, %mul3A_584 : i32
      %add3A_586 = arith.constant 0 : i32
      %add3A_587 = arith.addi %mul3A_585, %add3A_586 : i32
      %get3A_588 = arith.index_cast %add3A_587 : i32 to index
      %get3A_589 = arith.constant 16 : index
      %get3A_590 = tpu.vector_load %arg8[%get3A_588, %get3A_589] {strides = array<i32>} : memref<2048x32xf32, #tpu.memory_space<vmem>>, vector<1x16xf32>,
      %get3A_591 = vector.shape_cast %get3A_590 : vector<1x16xf32> to vector<16xf32>
      %add3A_592 = arith.addf %get3A_581, %get3A_591 : vector<16xf32>
      %max3A_593 = arith.constant 0.000000e+00 : f32
      %max3A_594 = vector.broadcast %max3A_593 : f32 to vector<16xf32>
      %max3A_595 = arith.maximumf %add3A_592, %max3A_594 : vector<16xf32>
      %add3A_596 = arith.addf %broadcast_in_dim3A_583, %max3A_595 : vector<16xf32>
      %mul3A_597 = arith.constant 16 : i32
      %mul3A_598 = arith.muli %scan3A_351, %mul3A_597 : i32
      %add3A_599 = arith.constant 1 : i32
      %add3A_600 = arith.addi %mul3A_598, %add3A_599 : i32
      %get3A_601 = arith.index_cast %add3A_600 : i32 to index
      %get3A_602 = arith.constant 16 : index
      %get3A_603 = tpu.vector_load %arg8[%get3A_601, %get3A_602] {strides = array<i32>} : memref<2048x32xf32, #tpu.memory_space<vmem>>, vector<1x16xf32>,
      %get3A_604 = vector.shape_cast %get3A_603 : vector<1x16xf32> to vector<16xf32>
      %add3A_605 = arith.addf %get3A_581, %get3A_604 : vector<16xf32>
      %max3A_606 = arith.constant 0.000000e+00 : f32
      %max3A_607 = vector.broadcast %max3A_606 : f32 to vector<16xf32>
      %max3A_608 = arith.maximumf %add3A_605, %max3A_607 : vector<16xf32>
      %add3A_609 = arith.addf %add3A_596, %max3A_608 : vector<16xf32>
      %mul3A_610 = arith.constant 16 : i32
      %mul3A_611 = arith.muli %scan3A_351, %mul3A_610 : i32
      %add3A_612 = arith.constant 2 : i32
      %add3A_613 = arith.addi %mul3A_611, %add3A_612 : i32
      %get3A_614 = arith.index_cast %add3A_613 : i32 to index
      %get3A_615 = arith.constant 16 : index
      %get3A_616 = tpu.vector_load %arg8[%get3A_614, %get3A_615] {strides = array<i32>} : memref<2048x32xf32, #tpu.memory_space<vmem>>, vector<1x16xf32>,
      %get3A_617 = vector.shape_cast %get3A_616 : vector<1x16xf32> to vector<16xf32>
      %add3A_618 = arith.addf %get3A_581, %get3A_617 : vector<16xf32>
      %max3A_619 = arith.constant 0.000000e+00 : f32
      %max3A_620 = vector.broadcast %max3A_619 : f32 to vector<16xf32>
      %max3A_621 = arith.maximumf %add3A_618, %max3A_620 : vector<16xf32>
      %add3A_622 = arith.addf %add3A_609, %max3A_621 : vector<16xf32>
      %mul3A_623 = arith.constant 16 : i32
      %mul3A_624 = arith.muli %scan3A_351, %mul3A_623 : i32
      %add3A_625 = arith.constant 3 : i32
      %add3A_626 = arith.addi %mul3A_624, %add3A_625 : i32
      %get3A_627 = arith.index_cast %add3A_626 : i32 to index
      %get3A_628 = arith.constant 16 : index
      %get3A_629 = tpu.vector_load %arg8[%get3A_627, %get3A_628] {strides = array<i32>} : memref<2048x32xf32, #tpu.memory_space<vmem>>, vector<1x16xf32>,
      %get3A_630 = vector.shape_cast %get3A_629 : vector<1x16xf32> to vector<16xf32>
      %add3A_631 = arith.addf %get3A_581, %get3A_630 : vector<16xf32>
      %max3A_632 = arith.constant 0.000000e+00 : f32
      %max3A_633 = vector.broadcast %max3A_632 : f32 to vector<16xf32>
      %max3A_634 = arith.maximumf %add3A_631, %max3A_633 : vector<16xf32>
      %add3A_635 = arith.addf %add3A_622, %max3A_634 : vector<16xf32>
      %mul3A_636 = arith.constant 16 : i32
      %mul3A_637 = arith.muli %scan3A_351, %mul3A_636 : i32
      %add3A_638 = arith.constant 4 : i32
      %add3A_639 = arith.addi %mul3A_637, %add3A_638 : i32
      %get3A_640 = arith.index_cast %add3A_639 : i32 to index
      %get3A_641 = arith.constant 16 : index
      %get3A_642 = tpu.vector_load %arg8[%get3A_640, %get3A_641] {strides = array<i32>} : memref<2048x32xf32, #tpu.memory_space<vmem>>, vector<1x16xf32>,
      %get3A_643 = vector.shape_cast %get3A_642 : vector<1x16xf32> to vector<16xf32>
      %add3A_644 = arith.addf %get3A_581, %get3A_643 : vector<16xf32>
      %max3A_645 = arith.constant 0.000000e+00 : f32
      %max3A_646 = vector.broadcast %max3A_645 : f32 to vector<16xf32>
      %max3A_647 = arith.maximumf %add3A_644, %max3A_646 : vector<16xf32>
      %add3A_648 = arith.addf %add3A_635, %max3A_647 : vector<16xf32>
      %mul3A_649 = arith.constant 16 : i32
      %mul3A_650 = arith.muli %scan3A_351, %mul3A_649 : i32
      %add3A_651 = arith.constant 5 : i32
      %add3A_652 = arith.addi %mul3A_650, %add3A_651 : i32
      %get3A_653 = arith.index_cast %add3A_652 : i32 to index
      %get3A_654 = arith.constant 16 : index
      %get3A_655 = tpu.vector_load %arg8[%get3A_653, %get3A_654] {strides = array<i32>} : memref<2048x32xf32, #tpu.memory_space<vmem>>, vector<1x16xf32>,
      %get3A_656 = vector.shape_cast %get3A_655 : vector<1x16xf32> to vector<16xf32>
      %add3A_657 = arith.addf %get3A_581, %get3A_656 : vector<16xf32>
      %max3A_658 = arith.constant 0.000000e+00 : f32
      %max3A_659 = vector.broadcast %max3A_658 : f32 to vector<16xf32>
      %max3A_660 = arith.maximumf %add3A_657, %max3A_659 : vector<16xf32>
      %add3A_661 = arith.addf %add3A_648, %max3A_660 : vector<16xf32>
      %mul3A_662 = arith.constant 16 : i32
      %mul3A_663 = arith.muli %scan3A_351, %mul3A_662 : i32
      %add3A_664 = arith.constant 6 : i32
      %add3A_665 = arith.addi %mul3A_663, %add3A_664 : i32
      %get3A_666 = arith.index_cast %add3A_665 : i32 to index
      %get3A_667 = arith.constant 16 : index
      %get3A_668 = tpu.vector_load %arg8[%get3A_666, %get3A_667] {strides = array<i32>} : memref<2048x32xf32, #tpu.memory_space<vmem>>, vector<1x16xf32>,
      %get3A_669 = vector.shape_cast %get3A_668 : vector<1x16xf32> to vector<16xf32>
      %add3A_670 = arith.addf %get3A_581, %get3A_669 : vector<16xf32>
      %max3A_671 = arith.constant 0.000000e+00 : f32
      %max3A_672 = vector.broadcast %max3A_671 : f32 to vector<16xf32>
      %max3A_673 = arith.maximumf %add3A_670, %max3A_672 : vector<16xf32>
      %add3A_674 = arith.addf %add3A_661, %max3A_673 : vector<16xf32>
      %mul3A_675 = arith.constant 16 : i32
      %mul3A_676 = arith.muli %scan3A_351, %mul3A_675 : i32
      %add3A_677 = arith.constant 7 : i32
      %add3A_678 = arith.addi %mul3A_676, %add3A_677 : i32
      %get3A_679 = arith.index_cast %add3A_678 : i32 to index
      %get3A_680 = arith.constant 16 : index
      %get3A_681 = tpu.vector_load %arg8[%get3A_679, %get3A_680] {strides = array<i32>} : memref<2048x32xf32, #tpu.memory_space<vmem>>, vector<1x16xf32>,
      %get3A_682 = vector.shape_cast %get3A_681 : vector<1x16xf32> to vector<16xf32>
      %add3A_683 = arith.addf %get3A_581, %get3A_682 : vector<16xf32>
      %max3A_684 = arith.constant 0.000000e+00 : f32
      %max3A_685 = vector.broadcast %max3A_684 : f32 to vector<16xf32>
      %max3A_686 = arith.maximumf %add3A_683, %max3A_685 : vector<16xf32>
      %add3A_687 = arith.addf %add3A_674, %max3A_686 : vector<16xf32>
      %mul3A_688 = arith.constant 16 : i32
      %mul3A_689 = arith.muli %scan3A_351, %mul3A_688 : i32
      %add3A_690 = arith.constant 8 : i32
      %add3A_691 = arith.addi %mul3A_689, %add3A_690 : i32
      %get3A_692 = arith.index_cast %add3A_691 : i32 to index
      %get3A_693 = arith.constant 16 : index
      %get3A_694 = tpu.vector_load %arg8[%get3A_692, %get3A_693] {strides = array<i32>} : memref<2048x32xf32, #tpu.memory_space<vmem>>, vector<1x16xf32>,
      %get3A_695 = vector.shape_cast %get3A_694 : vector<1x16xf32> to vector<16xf32>
      %add3A_696 = arith.addf %get3A_581, %get3A_695 : vector<16xf32>
      %max3A_697 = arith.constant 0.000000e+00 : f32
      %max3A_698 = vector.broadcast %max3A_697 : f32 to vector<16xf32>
      %max3A_699 = arith.maximumf %add3A_696, %max3A_698 : vector<16xf32>
      %add3A_700 = arith.addf %add3A_687, %max3A_699 : vector<16xf32>
      %mul3A_701 = arith.constant 16 : i32
      %mul3A_702 = arith.muli %scan3A_351, %mul3A_701 : i32
      %add3A_703 = arith.constant 9 : i32
      %add3A_704 = arith.addi %mul3A_702, %add3A_703 : i32
      %get3A_705 = arith.index_cast %add3A_704 : i32 to index
      %get3A_706 = arith.constant 16 : index
      %get3A_707 = tpu.vector_load %arg8[%get3A_705, %get3A_706] {strides = array<i32>} : memref<2048x32xf32, #tpu.memory_space<vmem>>, vector<1x16xf32>,
      %get3A_708 = vector.shape_cast %get3A_707 : vector<1x16xf32> to vector<16xf32>
      %add3A_709 = arith.addf %get3A_581, %get3A_708 : vector<16xf32>
      %max3A_710 = arith.constant 0.000000e+00 : f32
      %max3A_711 = vector.broadcast %max3A_710 : f32 to vector<16xf32>
      %max3A_712 = arith.maximumf %add3A_709, %max3A_711 : vector<16xf32>
      %add3A_713 = arith.addf %add3A_700, %max3A_712 : vector<16xf32>
      %mul3A_714 = arith.constant 16 : i32
      %mul3A_715 = arith.muli %scan3A_351, %mul3A_714 : i32
      %add3A_716 = arith.constant 10 : i32
      %add3A_717 = arith.addi %mul3A_715, %add3A_716 : i32
      %get3A_718 = arith.index_cast %add3A_717 : i32 to index
      %get3A_719 = arith.constant 16 : index
      %get3A_720 = tpu.vector_load %arg8[%get3A_718, %get3A_719] {strides = array<i32>} : memref<2048x32xf32, #tpu.memory_space<vmem>>, vector<1x16xf32>,
      %get3A_721 = vector.shape_cast %get3A_720 : vector<1x16xf32> to vector<16xf32>
      %add3A_722 = arith.addf %get3A_581, %get3A_721 : vector<16xf32>
      %max3A_723 = arith.constant 0.000000e+00 : f32
      %max3A_724 = vector.broadcast %max3A_723 : f32 to vector<16xf32>
      %max3A_725 = arith.maximumf %add3A_722, %max3A_724 : vector<16xf32>
      %add3A_726 = arith.addf %add3A_713, %max3A_725 : vector<16xf32>
      %mul3A_727 = arith.constant 16 : i32
      %mul3A_728 = arith.muli %scan3A_351, %mul3A_727 : i32
      %add3A_729 = arith.constant 11 : i32
      %add3A_730 = arith.addi %mul3A_728, %add3A_729 : i32
      %get3A_731 = arith.index_cast %add3A_730 : i32 to index
      %get3A_732 = arith.constant 16 : index
      %get3A_733 = tpu.vector_load %arg8[%get3A_731, %get3A_732] {strides = array<i32>} : memref<2048x32xf32, #tpu.memory_space<vmem>>, vector<1x16xf32>,
      %get3A_734 = vector.shape_cast %get3A_733 : vector<1x16xf32> to vector<16xf32>
      %add3A_735 = arith.addf %get3A_581, %get3A_734 : vector<16xf32>
      %max3A_736 = arith.constant 0.000000e+00 : f32
      %max3A_737 = vector.broadcast %max3A_736 : f32 to vector<16xf32>
      %max3A_738 = arith.maximumf %add3A_735, %max3A_737 : vector<16xf32>
      %add3A_739 = arith.addf %add3A_726, %max3A_738 : vector<16xf32>
      %mul3A_740 = arith.constant 16 : i32
      %mul3A_741 = arith.muli %scan3A_351, %mul3A_740 : i32
      %add3A_742 = arith.constant 12 : i32
      %add3A_743 = arith.addi %mul3A_741, %add3A_742 : i32
      %get3A_744 = arith.index_cast %add3A_743 : i32 to index
      %get3A_745 = arith.constant 16 : index
      %get3A_746 = tpu.vector_load %arg8[%get3A_744, %get3A_745] {strides = array<i32>} : memref<2048x32xf32, #tpu.memory_space<vmem>>, vector<1x16xf32>,
      %get3A_747 = vector.shape_cast %get3A_746 : vector<1x16xf32> to vector<16xf32>
      %add3A_748 = arith.addf %get3A_581, %get3A_747 : vector<16xf32>
      %max3A_749 = arith.constant 0.000000e+00 : f32
      %max3A_750 = vector.broadcast %max3A_749 : f32 to vector<16xf32>
      %max3A_751 = arith.maximumf %add3A_748, %max3A_750 : vector<16xf32>
      %add3A_752 = arith.addf %add3A_739, %max3A_751 : vector<16xf32>
      %mul3A_753 = arith.constant 16 : i32
      %mul3A_754 = arith.muli %scan3A_351, %mul3A_753 : i32
      %add3A_755 = arith.constant 13 : i32
      %add3A_756 = arith.addi %mul3A_754, %add3A_755 : i32
      %get3A_757 = arith.index_cast %add3A_756 : i32 to index
      %get3A_758 = arith.constant 16 : index
      %get3A_759 = tpu.vector_load %arg8[%get3A_757, %get3A_758] {strides = array<i32>} : memref<2048x32xf32, #tpu.memory_space<vmem>>, vector<1x16xf32>,
      %get3A_760 = vector.shape_cast %get3A_759 : vector<1x16xf32> to vector<16xf32>
      %add3A_761 = arith.addf %get3A_581, %get3A_760 : vector<16xf32>
      %max3A_762 = arith.constant 0.000000e+00 : f32
      %max3A_763 = vector.broadcast %max3A_762 : f32 to vector<16xf32>
      %max3A_764 = arith.maximumf %add3A_761, %max3A_763 : vector<16xf32>
      %add3A_765 = arith.addf %add3A_752, %max3A_764 : vector<16xf32>
      %mul3A_766 = arith.constant 16 : i32
      %mul3A_767 = arith.muli %scan3A_351, %mul3A_766 : i32
      %add3A_768 = arith.constant 14 : i32
      %add3A_769 = arith.addi %mul3A_767, %add3A_768 : i32
      %get3A_770 = arith.index_cast %add3A_769 : i32 to index
      %get3A_771 = arith.constant 16 : index
      %get3A_772 = tpu.vector_load %arg8[%get3A_770, %get3A_771] {strides = array<i32>} : memref<2048x32xf32, #tpu.memory_space<vmem>>, vector<1x16xf32>,
      %get3A_773 = vector.shape_cast %get3A_772 : vector<1x16xf32> to vector<16xf32>
      %add3A_774 = arith.addf %get3A_581, %get3A_773 : vector<16xf32>
      %max3A_775 = arith.constant 0.000000e+00 : f32
      %max3A_776 = vector.broadcast %max3A_775 : f32 to vector<16xf32>
      %max3A_777 = arith.maximumf %add3A_774, %max3A_776 : vector<16xf32>
      %add3A_778 = arith.addf %add3A_765, %max3A_777 : vector<16xf32>
      %mul3A_779 = arith.constant 16 : i32
      %mul3A_780 = arith.muli %scan3A_351, %mul3A_779 : i32
      %add3A_781 = arith.constant 15 : i32
      %add3A_782 = arith.addi %mul3A_780, %add3A_781 : i32
      %get3A_783 = arith.index_cast %add3A_782 : i32 to index
      %get3A_784 = arith.constant 16 : index
      %get3A_785 = tpu.vector_load %arg8[%get3A_783, %get3A_784] {strides = array<i32>} : memref<2048x32xf32, #tpu.memory_space<vmem>>, vector<1x16xf32>,
      %get3A_786 = vector.shape_cast %get3A_785 : vector<1x16xf32> to vector<16xf32>
      %add3A_787 = arith.addf %get3A_581, %get3A_786 : vector<16xf32>
      %max3A_788 = arith.constant 0.000000e+00 : f32
      %max3A_789 = vector.broadcast %max3A_788 : f32 to vector<16xf32>
      %max3A_790 = arith.maximumf %add3A_787, %max3A_789 : vector<16xf32>
      %add3A_791 = arith.addf %add3A_778, %max3A_790 : vector<16xf32>
      %get3A_792 = arith.index_cast %scan3A_351 : i32 to index
      %get3A_793 = arith.constant 16 : index
      %get3A_794 = tpu.vector_load %arg10[%get3A_792, %get3A_793] {strides = array<i32>} : memref<128x32xf32, #tpu.memory_space<vmem>>, vector<1x16xf32>,
      %get3A_795 = vector.shape_cast %get3A_794 : vector<1x16xf32> to vector<16xf32>
      %mul3A_796 = arith.constant 6.250000e-02 : f32
      %mul3A_797 = vector.broadcast %mul3A_796 : f32 to vector<16xf32>
      %mul3A_798 = arith.mulf %add3A_791, %mul3A_797 : vector<16xf32>
      %add3A_799 = arith.addf %get3A_795, %mul3A_798 : vector<16xf32>
      %max3A_800 = arith.constant 0.000000e+00 : f32
      %max3A_801 = vector.broadcast %max3A_800 : f32 to vector<16xf32>
      %max3A_802 = arith.maximumf %add3A_799, %max3A_801 : vector<16xf32>
      %swap3A_803 = arith.index_cast %scan3A_351 : i32 to index
      %swap3A_804 = arith.constant 16 : index
      %swap3A_805 = tpu.vector_load %arg11[%swap3A_803, %swap3A_804] {strides = array<i32>} : memref<128x32xf32, #tpu.memory_space<vmem>>, vector<1x16xf32>,
      %swap3A_806 = vector.shape_cast %swap3A_805 : vector<1x16xf32> to vector<16xf32>
      %swap3A_807 = vector.shape_cast %max3A_802 : vector<16xf32> to vector<1x16xf32>
      tpu.vector_store %arg11[%swap3A_803, %swap3A_804], %swap3A_807 {strides = array<i32>} : memref<128x32xf32, #tpu.memory_space<vmem>>, vector<1x16xf32>,
    }
    %scan3A_349 = arith.constant 128 : i32
    "tpu.region"() ({
      %run_scoped3A = tpu.sem_alloc : memref<!tpu.dma_semaphore, #tpu.memory_space<semaphore_mem>>
      %dma_start3A_351 = arith.constant 0 : i32
      %dma_start3A_352 = tpu.memref_slice %arg6[%multiple_of3A, %dma_start3A_351] : memref<4096x32xf32, #tpu.memory_space<hbm>> -> memref<128x32xf32, #tpu.memory_space<hbm>>
      %dma_start3A_353 = arith.constant 0 : i32
      %dma_start3A_354 = tpu.memref_slice %arg6[%multiple_of3A, %dma_start3A_353] : memref<4096x32xf32, #tpu.memory_space<hbm>> -> memref<128x32xf32, #tpu.memory_space<hbm>>
      tpu.enqueue_dma source(%arg11 : memref<128x32xf32, #tpu.memory_space<vmem>>) target(%dma_start3A_354 : memref<128x32xf32, #tpu.memory_space<hbm>>) target_semaphore(%run_scoped3A : memref<!tpu.dma_semaphore, #tpu.memory_space<semaphore_mem>>)
      %dma_wait3A_355 = arith.constant 0 : i32
      %dma_wait3A_356 = tpu.memref_slice %arg6[%multiple_of3A, %dma_wait3A_355] : memref<4096x32xf32, #tpu.memory_space<hbm>> -> memref<128x32xf32, #tpu.memory_space<hbm>>
      %dma_wait3A_357 = arith.constant 0 : i32
      %dma_wait3A_358 = tpu.memref_slice %arg6[%multiple_of3A, %dma_wait3A_357] : memref<4096x32xf32, #tpu.memory_space<hbm>> -> memref<128x32xf32, #tpu.memory_space<hbm>>
      tpu.wait_dma2 semaphore(%run_scoped3A : memref<!tpu.dma_semaphore, #tpu.memory_space<semaphore_mem>>) src(%arg11 : memref<128x32xf32, #tpu.memory_space<vmem>>) dst(%dma_wait3A_358 : memref<128x32xf32, #tpu.memory_space<hbm>>)
      tpu.yield
    }) : () -> ()
    %scan3A_350 = arith.constant 1 : i32
    return
  }
}

#map = affine_map<(d0, d1) -> (0, 0)>
module attributes {stable_mosaic.version = 14 : i64} {
  func.func @_sc_body(%arg0: i32, %arg1: i32, %arg2: memref<4096x32xf32, #tpu.memory_space<hbm>>, %arg3: memref<4096x32xf32, #tpu.memory_space<hbm>>, %arg4: memref<4096x32xf32, #tpu.memory_space<hbm>>, %arg5: memref<512x128xi32, #tpu.memory_space<hbm>>, %arg6: memref<4096x32xf32, #tpu.memory_space<hbm>>, %arg7: memref<16x128xi32, #tpu.memory_space<vmem>>, %arg8: memref<2048x32xf32, #tpu.memory_space<vmem>>, %arg9: memref<128x32xf32, #tpu.memory_space<vmem>>, %arg10: memref<128x32xf32, #tpu.memory_space<vmem>>, %arg11: memref<128x32xf32, #tpu.memory_space<vmem>>, %arg12: memref<!tpu.dma_semaphore, #tpu.memory_space<semaphore_mem>>) attributes {dimension_semantics = [#tpu.dimension_semantics<core_parallel>, #tpu.dimension_semantics<subcore_parallel>], iteration_bounds = array<i64: 2, 16>, scalar_prefetch = 0 : i64, scratch_operands = 6 : i64, tpu.core_type = #tpu.core_type<sc_vector_subcore>, window_params = [{transform_indices = #map}, {transform_indices = #map}, {transform_indices = #map}, {transform_indices = #map}, {transform_indices = #map}]} {
    %mul3A = arith.constant 2 : i32
    %mul3A_0 = arith.muli %arg1, %mul3A : i32
    %add3A = arith.addi %mul3A_0, %arg0 : i32
    %mul3A_1 = arith.constant 128 : i32
    %mul3A_2 = arith.muli %add3A, %mul3A_1 : i32
    %scan3A = arith.constant 0 : i32
    %scan3A_3 = arith.constant 0 : i32
    %mul3A_4 = arith.constant 128 : i32
    %mul3A_5 = arith.muli %scan3A_3, %mul3A_4 : i32
    %add3A_6 = arith.addi %mul3A_2, %mul3A_5 : i32
    %multiple_of3A = tpu.assume_multiple %add3A_6, 128 : i32
    %mul3A_7 = arith.constant 16 : i32
    %mul3A_8 = arith.muli %multiple_of3A, %mul3A_7 : i32
    %jit3A = arith.constant 128 : i32
    %div3A = arith.divsi %mul3A_8, %jit3A : i32
    %sign3A = arith.constant 0 : i32
    %sign3A_9 = arith.cmpi sgt, %mul3A_8, %sign3A : i32
    %sign3A_10 = arith.extui %sign3A_9 : i1 to i32
    %sign3A_11 = arith.constant 0 : i32
    %sign3A_12 = arith.cmpi slt, %mul3A_8, %sign3A_11 : i32
    %sign3A_13 = arith.extui %sign3A_12 : i1 to i32
    %sign3A_14 = arith.subi %sign3A_10, %sign3A_13 : i32
    %sign3A_15 = arith.constant 0 : i32
    %sign3A_16 = arith.cmpi sgt, %jit3A, %sign3A_15 : i32
    %sign3A_17 = arith.extui %sign3A_16 : i1 to i32
    %sign3A_18 = arith.constant 0 : i32
    %sign3A_19 = arith.cmpi slt, %jit3A, %sign3A_18 : i32
    %sign3A_20 = arith.extui %sign3A_19 : i1 to i32
    %sign3A_21 = arith.subi %sign3A_17, %sign3A_20 : i32
    %ne3A = arith.cmpi ne, %sign3A_14, %sign3A_21 : i32
    %rem3A = arith.remsi %mul3A_8, %jit3A : i32
    %ne3A_22 = arith.constant 0 : i32
    %ne3A_23 = arith.cmpi ne, %rem3A, %ne3A_22 : i32
    %and3A = arith.andi %ne3A, %ne3A_23 : i1
    %sub3A = arith.constant 1 : i32
    %sub3A_24 = arith.subi %div3A, %sub3A : i32
    %select_n3A = arith.select %and3A, %sub3A_24, %div3A : i32
    %multiple_of3A_25 = tpu.assume_multiple %select_n3A, 16 : i32
    "tpu.region"() ({
      %run_scoped3A = tpu.sem_alloc : memref<!tpu.dma_semaphore, #tpu.memory_space<semaphore_mem>>
      %dma_start3A_351 = arith.constant 0 : i32
      %dma_start3A_352 = tpu.memref_slice %arg5[%multiple_of3A_25, %dma_start3A_351] : memref<512x128xi32, #tpu.memory_space<hbm>> -> memref<16x128xi32, #tpu.memory_space<hbm>>
      %dma_start3A_353 = arith.constant 0 : i32
      %dma_start3A_354 = tpu.memref_slice %arg5[%multiple_of3A_25, %dma_start3A_353] : memref<512x128xi32, #tpu.memory_space<hbm>> -> memref<16x128xi32, #tpu.memory_space<hbm>>
      tpu.enqueue_dma source(%dma_start3A_354 : memref<16x128xi32, #tpu.memory_space<hbm>>) target(%arg7 : memref<16x128xi32, #tpu.memory_space<vmem>>) target_semaphore(%run_scoped3A : memref<!tpu.dma_semaphore, #tpu.memory_space<semaphore_mem>>)
      %dma_wait3A_355 = arith.constant 0 : i32
      %dma_wait3A_356 = tpu.memref_slice %arg5[%multiple_of3A_25, %dma_wait3A_355] : memref<512x128xi32, #tpu.memory_space<hbm>> -> memref<16x128xi32, #tpu.memory_space<hbm>>
      %dma_wait3A_357 = arith.constant 0 : i32
      %dma_wait3A_358 = tpu.memref_slice %arg5[%multiple_of3A_25, %dma_wait3A_357] : memref<512x128xi32, #tpu.memory_space<hbm>> -> memref<16x128xi32, #tpu.memory_space<hbm>>
      tpu.wait_dma2 semaphore(%run_scoped3A : memref<!tpu.dma_semaphore, #tpu.memory_space<semaphore_mem>>) src(%dma_wait3A_358 : memref<16x128xi32, #tpu.memory_space<hbm>>) dst(%arg7 : memref<16x128xi32, #tpu.memory_space<vmem>>)
      tpu.yield
    }) : () -> ()
    %dma_start3A = arith.constant 0 : i32
    %dma_start3A_26 = arith.constant 0 : i32
    %dma_start3A_27 = arith.constant 0 : i32
    %dma_start3A_28 = tpu.memref_slice %arg8[%dma_start3A_26, %dma_start3A_27] : memref<2048x32xf32, #tpu.memory_space<vmem>> -> memref<128x32xf32, #tpu.memory_space<vmem>>
    %dma_start3A_29 = arith.constant 0 : i32
    %dma_start3A_30 = tpu.memref_slice %arg7[%dma_start3A, %dma_start3A_29] : memref<16x128xi32, #tpu.memory_space<vmem>> -> memref<1x128xi32, #tpu.memory_space<vmem>>
    %dma_start3A_31 = tpu.memref_squeeze %dma_start3A_30 : memref<1x128xi32, #tpu.memory_space<vmem>> -> memref<128xi32, #tpu.memory_space<vmem>>
    %dma_start3A_32 = arith.constant 0 : i32
    %dma_start3A_33 = arith.constant 0 : i32
    %dma_start3A_34 = tpu.memref_slice %arg2[%dma_start3A_32, %dma_start3A_33] : memref<4096x32xf32, #tpu.memory_space<hbm>> -> memref<4096x32xf32, #tpu.memory_space<hbm>>
    tpu.enqueue_indirect_dma source(%dma_start3A_34 : memref<4096x32xf32, #tpu.memory_space<hbm>>) target(%dma_start3A_28 : memref<128x32xf32, #tpu.memory_space<vmem>>) offsets(%dma_start3A_31 : memref<128xi32, #tpu.memory_space<vmem>>) semaphore(%arg12 : memref<!tpu.dma_semaphore, #tpu.memory_space<semaphore_mem>>)
    %dma_start3A_35 = arith.constant 1 : i32
    %dma_start3A_36 = arith.constant 128 : i32
    %dma_start3A_37 = arith.constant 0 : i32
    %dma_start3A_38 = tpu.memref_slice %arg8[%dma_start3A_36, %dma_start3A_37] : memref<2048x32xf32, #tpu.memory_space<vmem>> -> memref<128x32xf32, #tpu.memory_space<vmem>>
    %dma_start3A_39 = arith.constant 0 : i32
    %dma_start3A_40 = tpu.memref_slice %arg7[%dma_start3A_35, %dma_start3A_39] : memref<16x128xi32, #tpu.memory_space<vmem>> -> memref<1x128xi32, #tpu.memory_space<vmem>>
    %dma_start3A_41 = tpu.memref_squeeze %dma_start3A_40 : memref<1x128xi32, #tpu.memory_space<vmem>> -> memref<128xi32, #tpu.memory_space<vmem>>
    %dma_start3A_42 = arith.constant 0 : i32
    %dma_start3A_43 = arith.constant 0 : i32
    %dma_start3A_44 = tpu.memref_slice %arg2[%dma_start3A_42, %dma_start3A_43] : memref<4096x32xf32, #tpu.memory_space<hbm>> -> memref<4096x32xf32, #tpu.memory_space<hbm>>
    tpu.enqueue_indirect_dma source(%dma_start3A_44 : memref<4096x32xf32, #tpu.memory_space<hbm>>) target(%dma_start3A_38 : memref<128x32xf32, #tpu.memory_space<vmem>>) offsets(%dma_start3A_41 : memref<128xi32, #tpu.memory_space<vmem>>) semaphore(%arg12 : memref<!tpu.dma_semaphore, #tpu.memory_space<semaphore_mem>>)
    %dma_start3A_45 = arith.constant 2 : i32
    %dma_start3A_46 = arith.constant 256 : i32
    %dma_start3A_47 = arith.constant 0 : i32
    %dma_start3A_48 = tpu.memref_slice %arg8[%dma_start3A_46, %dma_start3A_47] : memref<2048x32xf32, #tpu.memory_space<vmem>> -> memref<128x32xf32, #tpu.memory_space<vmem>>
    %dma_start3A_49 = arith.constant 0 : i32
    %dma_start3A_50 = tpu.memref_slice %arg7[%dma_start3A_45, %dma_start3A_49] : memref<16x128xi32, #tpu.memory_space<vmem>> -> memref<1x128xi32, #tpu.memory_space<vmem>>
    %dma_start3A_51 = tpu.memref_squeeze %dma_start3A_50 : memref<1x128xi32, #tpu.memory_space<vmem>> -> memref<128xi32, #tpu.memory_space<vmem>>
    %dma_start3A_52 = arith.constant 0 : i32
    %dma_start3A_53 = arith.constant 0 : i32
    %dma_start3A_54 = tpu.memref_slice %arg2[%dma_start3A_52, %dma_start3A_53] : memref<4096x32xf32, #tpu.memory_space<hbm>> -> memref<4096x32xf32, #tpu.memory_space<hbm>>
    tpu.enqueue_indirect_dma source(%dma_start3A_54 : memref<4096x32xf32, #tpu.memory_space<hbm>>) target(%dma_start3A_48 : memref<128x32xf32, #tpu.memory_space<vmem>>) offsets(%dma_start3A_51 : memref<128xi32, #tpu.memory_space<vmem>>) semaphore(%arg12 : memref<!tpu.dma_semaphore, #tpu.memory_space<semaphore_mem>>)
    %dma_start3A_55 = arith.constant 3 : i32
    %dma_start3A_56 = arith.constant 384 : i32
    %dma_start3A_57 = arith.constant 0 : i32
    %dma_start3A_58 = tpu.memref_slice %arg8[%dma_start3A_56, %dma_start3A_57] : memref<2048x32xf32, #tpu.memory_space<vmem>> -> memref<128x32xf32, #tpu.memory_space<vmem>>
    %dma_start3A_59 = arith.constant 0 : i32
    %dma_start3A_60 = tpu.memref_slice %arg7[%dma_start3A_55, %dma_start3A_59] : memref<16x128xi32, #tpu.memory_space<vmem>> -> memref<1x128xi32, #tpu.memory_space<vmem>>
    %dma_start3A_61 = tpu.memref_squeeze %dma_start3A_60 : memref<1x128xi32, #tpu.memory_space<vmem>> -> memref<128xi32, #tpu.memory_space<vmem>>
    %dma_start3A_62 = arith.constant 0 : i32
    %dma_start3A_63 = arith.constant 0 : i32
    %dma_start3A_64 = tpu.memref_slice %arg2[%dma_start3A_62, %dma_start3A_63] : memref<4096x32xf32, #tpu.memory_space<hbm>> -> memref<4096x32xf32, #tpu.memory_space<hbm>>
    tpu.enqueue_indirect_dma source(%dma_start3A_64 : memref<4096x32xf32, #tpu.memory_space<hbm>>) target(%dma_start3A_58 : memref<128x32xf32, #tpu.memory_space<vmem>>) offsets(%dma_start3A_61 : memref<128xi32, #tpu.memory_space<vmem>>) semaphore(%arg12 : memref<!tpu.dma_semaphore, #tpu.memory_space<semaphore_mem>>)
    %dma_start3A_65 = arith.constant 4 : i32
    %dma_start3A_66 = arith.constant 512 : i32
    %dma_start3A_67 = arith.constant 0 : i32
    %dma_start3A_68 = tpu.memref_slice %arg8[%dma_start3A_66, %dma_start3A_67] : memref<2048x32xf32, #tpu.memory_space<vmem>> -> memref<128x32xf32, #tpu.memory_space<vmem>>
    %dma_start3A_69 = arith.constant 0 : i32
    %dma_start3A_70 = tpu.memref_slice %arg7[%dma_start3A_65, %dma_start3A_69] : memref<16x128xi32, #tpu.memory_space<vmem>> -> memref<1x128xi32, #tpu.memory_space<vmem>>
    %dma_start3A_71 = tpu.memref_squeeze %dma_start3A_70 : memref<1x128xi32, #tpu.memory_space<vmem>> -> memref<128xi32, #tpu.memory_space<vmem>>
    %dma_start3A_72 = arith.constant 0 : i32
    %dma_start3A_73 = arith.constant 0 : i32
    %dma_start3A_74 = tpu.memref_slice %arg2[%dma_start3A_72, %dma_start3A_73] : memref<4096x32xf32, #tpu.memory_space<hbm>> -> memref<4096x32xf32, #tpu.memory_space<hbm>>
    tpu.enqueue_indirect_dma source(%dma_start3A_74 : memref<4096x32xf32, #tpu.memory_space<hbm>>) target(%dma_start3A_68 : memref<128x32xf32, #tpu.memory_space<vmem>>) offsets(%dma_start3A_71 : memref<128xi32, #tpu.memory_space<vmem>>) semaphore(%arg12 : memref<!tpu.dma_semaphore, #tpu.memory_space<semaphore_mem>>)
    %dma_start3A_75 = arith.constant 5 : i32
    %dma_start3A_76 = arith.constant 640 : i32
    %dma_start3A_77 = arith.constant 0 : i32
    %dma_start3A_78 = tpu.memref_slice %arg8[%dma_start3A_76, %dma_start3A_77] : memref<2048x32xf32, #tpu.memory_space<vmem>> -> memref<128x32xf32, #tpu.memory_space<vmem>>
    %dma_start3A_79 = arith.constant 0 : i32
    %dma_start3A_80 = tpu.memref_slice %arg7[%dma_start3A_75, %dma_start3A_79] : memref<16x128xi32, #tpu.memory_space<vmem>> -> memref<1x128xi32, #tpu.memory_space<vmem>>
    %dma_start3A_81 = tpu.memref_squeeze %dma_start3A_80 : memref<1x128xi32, #tpu.memory_space<vmem>> -> memref<128xi32, #tpu.memory_space<vmem>>
    %dma_start3A_82 = arith.constant 0 : i32
    %dma_start3A_83 = arith.constant 0 : i32
    %dma_start3A_84 = tpu.memref_slice %arg2[%dma_start3A_82, %dma_start3A_83] : memref<4096x32xf32, #tpu.memory_space<hbm>> -> memref<4096x32xf32, #tpu.memory_space<hbm>>
    tpu.enqueue_indirect_dma source(%dma_start3A_84 : memref<4096x32xf32, #tpu.memory_space<hbm>>) target(%dma_start3A_78 : memref<128x32xf32, #tpu.memory_space<vmem>>) offsets(%dma_start3A_81 : memref<128xi32, #tpu.memory_space<vmem>>) semaphore(%arg12 : memref<!tpu.dma_semaphore, #tpu.memory_space<semaphore_mem>>)
    %dma_start3A_85 = arith.constant 6 : i32
    %dma_start3A_86 = arith.constant 768 : i32
    %dma_start3A_87 = arith.constant 0 : i32
    %dma_start3A_88 = tpu.memref_slice %arg8[%dma_start3A_86, %dma_start3A_87] : memref<2048x32xf32, #tpu.memory_space<vmem>> -> memref<128x32xf32, #tpu.memory_space<vmem>>
    %dma_start3A_89 = arith.constant 0 : i32
    %dma_start3A_90 = tpu.memref_slice %arg7[%dma_start3A_85, %dma_start3A_89] : memref<16x128xi32, #tpu.memory_space<vmem>> -> memref<1x128xi32, #tpu.memory_space<vmem>>
    %dma_start3A_91 = tpu.memref_squeeze %dma_start3A_90 : memref<1x128xi32, #tpu.memory_space<vmem>> -> memref<128xi32, #tpu.memory_space<vmem>>
    %dma_start3A_92 = arith.constant 0 : i32
    %dma_start3A_93 = arith.constant 0 : i32
    %dma_start3A_94 = tpu.memref_slice %arg2[%dma_start3A_92, %dma_start3A_93] : memref<4096x32xf32, #tpu.memory_space<hbm>> -> memref<4096x32xf32, #tpu.memory_space<hbm>>
    tpu.enqueue_indirect_dma source(%dma_start3A_94 : memref<4096x32xf32, #tpu.memory_space<hbm>>) target(%dma_start3A_88 : memref<128x32xf32, #tpu.memory_space<vmem>>) offsets(%dma_start3A_91 : memref<128xi32, #tpu.memory_space<vmem>>) semaphore(%arg12 : memref<!tpu.dma_semaphore, #tpu.memory_space<semaphore_mem>>)
    %dma_start3A_95 = arith.constant 7 : i32
    %dma_start3A_96 = arith.constant 896 : i32
    %dma_start3A_97 = arith.constant 0 : i32
    %dma_start3A_98 = tpu.memref_slice %arg8[%dma_start3A_96, %dma_start3A_97] : memref<2048x32xf32, #tpu.memory_space<vmem>> -> memref<128x32xf32, #tpu.memory_space<vmem>>
    %dma_start3A_99 = arith.constant 0 : i32
    %dma_start3A_100 = tpu.memref_slice %arg7[%dma_start3A_95, %dma_start3A_99] : memref<16x128xi32, #tpu.memory_space<vmem>> -> memref<1x128xi32, #tpu.memory_space<vmem>>
    %dma_start3A_101 = tpu.memref_squeeze %dma_start3A_100 : memref<1x128xi32, #tpu.memory_space<vmem>> -> memref<128xi32, #tpu.memory_space<vmem>>
    %dma_start3A_102 = arith.constant 0 : i32
    %dma_start3A_103 = arith.constant 0 : i32
    %dma_start3A_104 = tpu.memref_slice %arg2[%dma_start3A_102, %dma_start3A_103] : memref<4096x32xf32, #tpu.memory_space<hbm>> -> memref<4096x32xf32, #tpu.memory_space<hbm>>
    tpu.enqueue_indirect_dma source(%dma_start3A_104 : memref<4096x32xf32, #tpu.memory_space<hbm>>) target(%dma_start3A_98 : memref<128x32xf32, #tpu.memory_space<vmem>>) offsets(%dma_start3A_101 : memref<128xi32, #tpu.memory_space<vmem>>) semaphore(%arg12 : memref<!tpu.dma_semaphore, #tpu.memory_space<semaphore_mem>>)
    %dma_start3A_105 = arith.constant 8 : i32
    %dma_start3A_106 = arith.constant 1024 : i32
    %dma_start3A_107 = arith.constant 0 : i32
    %dma_start3A_108 = tpu.memref_slice %arg8[%dma_start3A_106, %dma_start3A_107] : memref<2048x32xf32, #tpu.memory_space<vmem>> -> memref<128x32xf32, #tpu.memory_space<vmem>>
    %dma_start3A_109 = arith.constant 0 : i32
    %dma_start3A_110 = tpu.memref_slice %arg7[%dma_start3A_105, %dma_start3A_109] : memref<16x128xi32, #tpu.memory_space<vmem>> -> memref<1x128xi32, #tpu.memory_space<vmem>>
    %dma_start3A_111 = tpu.memref_squeeze %dma_start3A_110 : memref<1x128xi32, #tpu.memory_space<vmem>> -> memref<128xi32, #tpu.memory_space<vmem>>
    %dma_start3A_112 = arith.constant 0 : i32
    %dma_start3A_113 = arith.constant 0 : i32
    %dma_start3A_114 = tpu.memref_slice %arg2[%dma_start3A_112, %dma_start3A_113] : memref<4096x32xf32, #tpu.memory_space<hbm>> -> memref<4096x32xf32, #tpu.memory_space<hbm>>
    tpu.enqueue_indirect_dma source(%dma_start3A_114 : memref<4096x32xf32, #tpu.memory_space<hbm>>) target(%dma_start3A_108 : memref<128x32xf32, #tpu.memory_space<vmem>>) offsets(%dma_start3A_111 : memref<128xi32, #tpu.memory_space<vmem>>) semaphore(%arg12 : memref<!tpu.dma_semaphore, #tpu.memory_space<semaphore_mem>>)
    %dma_start3A_115 = arith.constant 9 : i32
    %dma_start3A_116 = arith.constant 1152 : i32
    %dma_start3A_117 = arith.constant 0 : i32
    %dma_start3A_118 = tpu.memref_slice %arg8[%dma_start3A_116, %dma_start3A_117] : memref<2048x32xf32, #tpu.memory_space<vmem>> -> memref<128x32xf32, #tpu.memory_space<vmem>>
    %dma_start3A_119 = arith.constant 0 : i32
    %dma_start3A_120 = tpu.memref_slice %arg7[%dma_start3A_115, %dma_start3A_119] : memref<16x128xi32, #tpu.memory_space<vmem>> -> memref<1x128xi32, #tpu.memory_space<vmem>>
    %dma_start3A_121 = tpu.memref_squeeze %dma_start3A_120 : memref<1x128xi32, #tpu.memory_space<vmem>> -> memref<128xi32, #tpu.memory_space<vmem>>
    %dma_start3A_122 = arith.constant 0 : i32
    %dma_start3A_123 = arith.constant 0 : i32
    %dma_start3A_124 = tpu.memref_slice %arg2[%dma_start3A_122, %dma_start3A_123] : memref<4096x32xf32, #tpu.memory_space<hbm>> -> memref<4096x32xf32, #tpu.memory_space<hbm>>
    tpu.enqueue_indirect_dma source(%dma_start3A_124 : memref<4096x32xf32, #tpu.memory_space<hbm>>) target(%dma_start3A_118 : memref<128x32xf32, #tpu.memory_space<vmem>>) offsets(%dma_start3A_121 : memref<128xi32, #tpu.memory_space<vmem>>) semaphore(%arg12 : memref<!tpu.dma_semaphore, #tpu.memory_space<semaphore_mem>>)
    %dma_start3A_125 = arith.constant 10 : i32
    %dma_start3A_126 = arith.constant 1280 : i32
    %dma_start3A_127 = arith.constant 0 : i32
    %dma_start3A_128 = tpu.memref_slice %arg8[%dma_start3A_126, %dma_start3A_127] : memref<2048x32xf32, #tpu.memory_space<vmem>> -> memref<128x32xf32, #tpu.memory_space<vmem>>
    %dma_start3A_129 = arith.constant 0 : i32
    %dma_start3A_130 = tpu.memref_slice %arg7[%dma_start3A_125, %dma_start3A_129] : memref<16x128xi32, #tpu.memory_space<vmem>> -> memref<1x128xi32, #tpu.memory_space<vmem>>
    %dma_start3A_131 = tpu.memref_squeeze %dma_start3A_130 : memref<1x128xi32, #tpu.memory_space<vmem>> -> memref<128xi32, #tpu.memory_space<vmem>>
    %dma_start3A_132 = arith.constant 0 : i32
    %dma_start3A_133 = arith.constant 0 : i32
    %dma_start3A_134 = tpu.memref_slice %arg2[%dma_start3A_132, %dma_start3A_133] : memref<4096x32xf32, #tpu.memory_space<hbm>> -> memref<4096x32xf32, #tpu.memory_space<hbm>>
    tpu.enqueue_indirect_dma source(%dma_start3A_134 : memref<4096x32xf32, #tpu.memory_space<hbm>>) target(%dma_start3A_128 : memref<128x32xf32, #tpu.memory_space<vmem>>) offsets(%dma_start3A_131 : memref<128xi32, #tpu.memory_space<vmem>>) semaphore(%arg12 : memref<!tpu.dma_semaphore, #tpu.memory_space<semaphore_mem>>)
    %dma_start3A_135 = arith.constant 11 : i32
    %dma_start3A_136 = arith.constant 1408 : i32
    %dma_start3A_137 = arith.constant 0 : i32
    %dma_start3A_138 = tpu.memref_slice %arg8[%dma_start3A_136, %dma_start3A_137] : memref<2048x32xf32, #tpu.memory_space<vmem>> -> memref<128x32xf32, #tpu.memory_space<vmem>>
    %dma_start3A_139 = arith.constant 0 : i32
    %dma_start3A_140 = tpu.memref_slice %arg7[%dma_start3A_135, %dma_start3A_139] : memref<16x128xi32, #tpu.memory_space<vmem>> -> memref<1x128xi32, #tpu.memory_space<vmem>>
    %dma_start3A_141 = tpu.memref_squeeze %dma_start3A_140 : memref<1x128xi32, #tpu.memory_space<vmem>> -> memref<128xi32, #tpu.memory_space<vmem>>
    %dma_start3A_142 = arith.constant 0 : i32
    %dma_start3A_143 = arith.constant 0 : i32
    %dma_start3A_144 = tpu.memref_slice %arg2[%dma_start3A_142, %dma_start3A_143] : memref<4096x32xf32, #tpu.memory_space<hbm>> -> memref<4096x32xf32, #tpu.memory_space<hbm>>
    tpu.enqueue_indirect_dma source(%dma_start3A_144 : memref<4096x32xf32, #tpu.memory_space<hbm>>) target(%dma_start3A_138 : memref<128x32xf32, #tpu.memory_space<vmem>>) offsets(%dma_start3A_141 : memref<128xi32, #tpu.memory_space<vmem>>) semaphore(%arg12 : memref<!tpu.dma_semaphore, #tpu.memory_space<semaphore_mem>>)
    %dma_start3A_145 = arith.constant 12 : i32
    %dma_start3A_146 = arith.constant 1536 : i32
    %dma_start3A_147 = arith.constant 0 : i32
    %dma_start3A_148 = tpu.memref_slice %arg8[%dma_start3A_146, %dma_start3A_147] : memref<2048x32xf32, #tpu.memory_space<vmem>> -> memref<128x32xf32, #tpu.memory_space<vmem>>
    %dma_start3A_149 = arith.constant 0 : i32
    %dma_start3A_150 = tpu.memref_slice %arg7[%dma_start3A_145, %dma_start3A_149] : memref<16x128xi32, #tpu.memory_space<vmem>> -> memref<1x128xi32, #tpu.memory_space<vmem>>
    %dma_start3A_151 = tpu.memref_squeeze %dma_start3A_150 : memref<1x128xi32, #tpu.memory_space<vmem>> -> memref<128xi32, #tpu.memory_space<vmem>>
    %dma_start3A_152 = arith.constant 0 : i32
    %dma_start3A_153 = arith.constant 0 : i32
    %dma_start3A_154 = tpu.memref_slice %arg2[%dma_start3A_152, %dma_start3A_153] : memref<4096x32xf32, #tpu.memory_space<hbm>> -> memref<4096x32xf32, #tpu.memory_space<hbm>>
    tpu.enqueue_indirect_dma source(%dma_start3A_154 : memref<4096x32xf32, #tpu.memory_space<hbm>>) target(%dma_start3A_148 : memref<128x32xf32, #tpu.memory_space<vmem>>) offsets(%dma_start3A_151 : memref<128xi32, #tpu.memory_space<vmem>>) semaphore(%arg12 : memref<!tpu.dma_semaphore, #tpu.memory_space<semaphore_mem>>)
    %dma_start3A_155 = arith.constant 13 : i32
    %dma_start3A_156 = arith.constant 1664 : i32
    %dma_start3A_157 = arith.constant 0 : i32
    %dma_start3A_158 = tpu.memref_slice %arg8[%dma_start3A_156, %dma_start3A_157] : memref<2048x32xf32, #tpu.memory_space<vmem>> -> memref<128x32xf32, #tpu.memory_space<vmem>>
    %dma_start3A_159 = arith.constant 0 : i32
    %dma_start3A_160 = tpu.memref_slice %arg7[%dma_start3A_155, %dma_start3A_159] : memref<16x128xi32, #tpu.memory_space<vmem>> -> memref<1x128xi32, #tpu.memory_space<vmem>>
    %dma_start3A_161 = tpu.memref_squeeze %dma_start3A_160 : memref<1x128xi32, #tpu.memory_space<vmem>> -> memref<128xi32, #tpu.memory_space<vmem>>
    %dma_start3A_162 = arith.constant 0 : i32
    %dma_start3A_163 = arith.constant 0 : i32
    %dma_start3A_164 = tpu.memref_slice %arg2[%dma_start3A_162, %dma_start3A_163] : memref<4096x32xf32, #tpu.memory_space<hbm>> -> memref<4096x32xf32, #tpu.memory_space<hbm>>
    tpu.enqueue_indirect_dma source(%dma_start3A_164 : memref<4096x32xf32, #tpu.memory_space<hbm>>) target(%dma_start3A_158 : memref<128x32xf32, #tpu.memory_space<vmem>>) offsets(%dma_start3A_161 : memref<128xi32, #tpu.memory_space<vmem>>) semaphore(%arg12 : memref<!tpu.dma_semaphore, #tpu.memory_space<semaphore_mem>>)
    %dma_start3A_165 = arith.constant 14 : i32
    %dma_start3A_166 = arith.constant 1792 : i32
    %dma_start3A_167 = arith.constant 0 : i32
    %dma_start3A_168 = tpu.memref_slice %arg8[%dma_start3A_166, %dma_start3A_167] : memref<2048x32xf32, #tpu.memory_space<vmem>> -> memref<128x32xf32, #tpu.memory_space<vmem>>
    %dma_start3A_169 = arith.constant 0 : i32
    %dma_start3A_170 = tpu.memref_slice %arg7[%dma_start3A_165, %dma_start3A_169] : memref<16x128xi32, #tpu.memory_space<vmem>> -> memref<1x128xi32, #tpu.memory_space<vmem>>
    %dma_start3A_171 = tpu.memref_squeeze %dma_start3A_170 : memref<1x128xi32, #tpu.memory_space<vmem>> -> memref<128xi32, #tpu.memory_space<vmem>>
    %dma_start3A_172 = arith.constant 0 : i32
    %dma_start3A_173 = arith.constant 0 : i32
    %dma_start3A_174 = tpu.memref_slice %arg2[%dma_start3A_172, %dma_start3A_173] : memref<4096x32xf32, #tpu.memory_space<hbm>> -> memref<4096x32xf32, #tpu.memory_space<hbm>>
    tpu.enqueue_indirect_dma source(%dma_start3A_174 : memref<4096x32xf32, #tpu.memory_space<hbm>>) target(%dma_start3A_168 : memref<128x32xf32, #tpu.memory_space<vmem>>) offsets(%dma_start3A_171 : memref<128xi32, #tpu.memory_space<vmem>>) semaphore(%arg12 : memref<!tpu.dma_semaphore, #tpu.memory_space<semaphore_mem>>)
    %dma_start3A_175 = arith.constant 15 : i32
    %dma_start3A_176 = arith.constant 1920 : i32
    %dma_start3A_177 = arith.constant 0 : i32
    %dma_start3A_178 = tpu.memref_slice %arg8[%dma_start3A_176, %dma_start3A_177] : memref<2048x32xf32, #tpu.memory_space<vmem>> -> memref<128x32xf32, #tpu.memory_space<vmem>>
    %dma_start3A_179 = arith.constant 0 : i32
    %dma_start3A_180 = tpu.memref_slice %arg7[%dma_start3A_175, %dma_start3A_179] : memref<16x128xi32, #tpu.memory_space<vmem>> -> memref<1x128xi32, #tpu.memory_space<vmem>>
    %dma_start3A_181 = tpu.memref_squeeze %dma_start3A_180 : memref<1x128xi32, #tpu.memory_space<vmem>> -> memref<128xi32, #tpu.memory_space<vmem>>
    %dma_start3A_182 = arith.constant 0 : i32
    %dma_start3A_183 = arith.constant 0 : i32
    %dma_start3A_184 = tpu.memref_slice %arg2[%dma_start3A_182, %dma_start3A_183] : memref<4096x32xf32, #tpu.memory_space<hbm>> -> memref<4096x32xf32, #tpu.memory_space<hbm>>
    tpu.enqueue_indirect_dma source(%dma_start3A_184 : memref<4096x32xf32, #tpu.memory_space<hbm>>) target(%dma_start3A_178 : memref<128x32xf32, #tpu.memory_space<vmem>>) offsets(%dma_start3A_181 : memref<128xi32, #tpu.memory_space<vmem>>) semaphore(%arg12 : memref<!tpu.dma_semaphore, #tpu.memory_space<semaphore_mem>>)
    "tpu.region"() ({
      %run_scoped3A = tpu.sem_alloc : memref<!tpu.dma_semaphore, #tpu.memory_space<semaphore_mem>>
      %dma_start3A_351 = arith.constant 0 : i32
      %dma_start3A_352 = tpu.memref_slice %arg3[%multiple_of3A, %dma_start3A_351] : memref<4096x32xf32, #tpu.memory_space<hbm>> -> memref<128x32xf32, #tpu.memory_space<hbm>>
      %dma_start3A_353 = arith.constant 0 : i32
      %dma_start3A_354 = tpu.memref_slice %arg3[%multiple_of3A, %dma_start3A_353] : memref<4096x32xf32, #tpu.memory_space<hbm>> -> memref<128x32xf32, #tpu.memory_space<hbm>>
      tpu.enqueue_dma source(%dma_start3A_354 : memref<128x32xf32, #tpu.memory_space<hbm>>) target(%arg9 : memref<128x32xf32, #tpu.memory_space<vmem>>) target_semaphore(%run_scoped3A : memref<!tpu.dma_semaphore, #tpu.memory_space<semaphore_mem>>)
      %dma_wait3A_355 = arith.constant 0 : i32
      %dma_wait3A_356 = tpu.memref_slice %arg3[%multiple_of3A, %dma_wait3A_355] : memref<4096x32xf32, #tpu.memory_space<hbm>> -> memref<128x32xf32, #tpu.memory_space<hbm>>
      %dma_wait3A_357 = arith.constant 0 : i32
      %dma_wait3A_358 = tpu.memref_slice %arg3[%multiple_of3A, %dma_wait3A_357] : memref<4096x32xf32, #tpu.memory_space<hbm>> -> memref<128x32xf32, #tpu.memory_space<hbm>>
      tpu.wait_dma2 semaphore(%run_scoped3A : memref<!tpu.dma_semaphore, #tpu.memory_space<semaphore_mem>>) src(%dma_wait3A_358 : memref<128x32xf32, #tpu.memory_space<hbm>>) dst(%arg9 : memref<128x32xf32, #tpu.memory_space<vmem>>)
      tpu.yield
    }) : () -> ()
    "tpu.region"() ({
      %run_scoped3A = tpu.sem_alloc : memref<!tpu.dma_semaphore, #tpu.memory_space<semaphore_mem>>
      %dma_start3A_351 = arith.constant 0 : i32
      %dma_start3A_352 = tpu.memref_slice %arg4[%multiple_of3A, %dma_start3A_351] : memref<4096x32xf32, #tpu.memory_space<hbm>> -> memref<128x32xf32, #tpu.memory_space<hbm>>
      %dma_start3A_353 = arith.constant 0 : i32
      %dma_start3A_354 = tpu.memref_slice %arg4[%multiple_of3A, %dma_start3A_353] : memref<4096x32xf32, #tpu.memory_space<hbm>> -> memref<128x32xf32, #tpu.memory_space<hbm>>
      tpu.enqueue_dma source(%dma_start3A_354 : memref<128x32xf32, #tpu.memory_space<hbm>>) target(%arg10 : memref<128x32xf32, #tpu.memory_space<vmem>>) target_semaphore(%run_scoped3A : memref<!tpu.dma_semaphore, #tpu.memory_space<semaphore_mem>>)
      %dma_wait3A_355 = arith.constant 0 : i32
      %dma_wait3A_356 = tpu.memref_slice %arg4[%multiple_of3A, %dma_wait3A_355] : memref<4096x32xf32, #tpu.memory_space<hbm>> -> memref<128x32xf32, #tpu.memory_space<hbm>>
      %dma_wait3A_357 = arith.constant 0 : i32
      %dma_wait3A_358 = tpu.memref_slice %arg4[%multiple_of3A, %dma_wait3A_357] : memref<4096x32xf32, #tpu.memory_space<hbm>> -> memref<128x32xf32, #tpu.memory_space<hbm>>
      tpu.wait_dma2 semaphore(%run_scoped3A : memref<!tpu.dma_semaphore, #tpu.memory_space<semaphore_mem>>) src(%dma_wait3A_358 : memref<128x32xf32, #tpu.memory_space<hbm>>) dst(%arg10 : memref<128x32xf32, #tpu.memory_space<vmem>>)
      tpu.yield
    }) : () -> ()
    %dma_wait3A = arith.constant 0 : i32
    %dma_wait3A_185 = arith.constant 0 : i32
    %dma_wait3A_186 = arith.constant 0 : i32
    %dma_wait3A_187 = tpu.memref_slice %arg8[%dma_wait3A_185, %dma_wait3A_186] : memref<2048x32xf32, #tpu.memory_space<vmem>> -> memref<128x32xf32, #tpu.memory_space<vmem>>
    %dma_wait3A_188 = arith.constant 0 : i32
    %dma_wait3A_189 = tpu.memref_slice %arg7[%dma_wait3A, %dma_wait3A_188] : memref<16x128xi32, #tpu.memory_space<vmem>> -> memref<1x128xi32, #tpu.memory_space<vmem>>
    %dma_wait3A_190 = tpu.memref_squeeze %dma_wait3A_189 : memref<1x128xi32, #tpu.memory_space<vmem>> -> memref<128xi32, #tpu.memory_space<vmem>>
    %dma_wait3A_191 = arith.constant 0 : i32
    %dma_wait3A_192 = arith.constant 0 : i32
    %dma_wait3A_193 = tpu.memref_slice %arg2[%dma_wait3A_191, %dma_wait3A_192] : memref<4096x32xf32, #tpu.memory_space<hbm>> -> memref<4096x32xf32, #tpu.memory_space<hbm>>
    tpu.wait_indirect_dma semaphore(%arg12 : memref<!tpu.dma_semaphore, #tpu.memory_space<semaphore_mem>>) src(%dma_wait3A_193 : memref<4096x32xf32, #tpu.memory_space<hbm>>) dst(%dma_wait3A_187 : memref<128x32xf32, #tpu.memory_space<vmem>>)
    %dma_wait3A_194 = arith.constant 1 : i32
    %dma_wait3A_195 = arith.constant 128 : i32
    %dma_wait3A_196 = arith.constant 0 : i32
    %dma_wait3A_197 = tpu.memref_slice %arg8[%dma_wait3A_195, %dma_wait3A_196] : memref<2048x32xf32, #tpu.memory_space<vmem>> -> memref<128x32xf32, #tpu.memory_space<vmem>>
    %dma_wait3A_198 = arith.constant 0 : i32
    %dma_wait3A_199 = tpu.memref_slice %arg7[%dma_wait3A_194, %dma_wait3A_198] : memref<16x128xi32, #tpu.memory_space<vmem>> -> memref<1x128xi32, #tpu.memory_space<vmem>>
    %dma_wait3A_200 = tpu.memref_squeeze %dma_wait3A_199 : memref<1x128xi32, #tpu.memory_space<vmem>> -> memref<128xi32, #tpu.memory_space<vmem>>
    %dma_wait3A_201 = arith.constant 0 : i32
    %dma_wait3A_202 = arith.constant 0 : i32
    %dma_wait3A_203 = tpu.memref_slice %arg2[%dma_wait3A_201, %dma_wait3A_202] : memref<4096x32xf32, #tpu.memory_space<hbm>> -> memref<4096x32xf32, #tpu.memory_space<hbm>>
    tpu.wait_indirect_dma semaphore(%arg12 : memref<!tpu.dma_semaphore, #tpu.memory_space<semaphore_mem>>) src(%dma_wait3A_203 : memref<4096x32xf32, #tpu.memory_space<hbm>>) dst(%dma_wait3A_197 : memref<128x32xf32, #tpu.memory_space<vmem>>)
    %dma_wait3A_204 = arith.constant 2 : i32
    %dma_wait3A_205 = arith.constant 256 : i32
    %dma_wait3A_206 = arith.constant 0 : i32
    %dma_wait3A_207 = tpu.memref_slice %arg8[%dma_wait3A_205, %dma_wait3A_206] : memref<2048x32xf32, #tpu.memory_space<vmem>> -> memref<128x32xf32, #tpu.memory_space<vmem>>
    %dma_wait3A_208 = arith.constant 0 : i32
    %dma_wait3A_209 = tpu.memref_slice %arg7[%dma_wait3A_204, %dma_wait3A_208] : memref<16x128xi32, #tpu.memory_space<vmem>> -> memref<1x128xi32, #tpu.memory_space<vmem>>
    %dma_wait3A_210 = tpu.memref_squeeze %dma_wait3A_209 : memref<1x128xi32, #tpu.memory_space<vmem>> -> memref<128xi32, #tpu.memory_space<vmem>>
    %dma_wait3A_211 = arith.constant 0 : i32
    %dma_wait3A_212 = arith.constant 0 : i32
    %dma_wait3A_213 = tpu.memref_slice %arg2[%dma_wait3A_211, %dma_wait3A_212] : memref<4096x32xf32, #tpu.memory_space<hbm>> -> memref<4096x32xf32, #tpu.memory_space<hbm>>
    tpu.wait_indirect_dma semaphore(%arg12 : memref<!tpu.dma_semaphore, #tpu.memory_space<semaphore_mem>>) src(%dma_wait3A_213 : memref<4096x32xf32, #tpu.memory_space<hbm>>) dst(%dma_wait3A_207 : memref<128x32xf32, #tpu.memory_space<vmem>>)
    %dma_wait3A_214 = arith.constant 3 : i32
    %dma_wait3A_215 = arith.constant 384 : i32
    %dma_wait3A_216 = arith.constant 0 : i32
    %dma_wait3A_217 = tpu.memref_slice %arg8[%dma_wait3A_215, %dma_wait3A_216] : memref<2048x32xf32, #tpu.memory_space<vmem>> -> memref<128x32xf32, #tpu.memory_space<vmem>>
    %dma_wait3A_218 = arith.constant 0 : i32
    %dma_wait3A_219 = tpu.memref_slice %arg7[%dma_wait3A_214, %dma_wait3A_218] : memref<16x128xi32, #tpu.memory_space<vmem>> -> memref<1x128xi32, #tpu.memory_space<vmem>>
    %dma_wait3A_220 = tpu.memref_squeeze %dma_wait3A_219 : memref<1x128xi32, #tpu.memory_space<vmem>> -> memref<128xi32, #tpu.memory_space<vmem>>
    %dma_wait3A_221 = arith.constant 0 : i32
    %dma_wait3A_222 = arith.constant 0 : i32
    %dma_wait3A_223 = tpu.memref_slice %arg2[%dma_wait3A_221, %dma_wait3A_222] : memref<4096x32xf32, #tpu.memory_space<hbm>> -> memref<4096x32xf32, #tpu.memory_space<hbm>>
    tpu.wait_indirect_dma semaphore(%arg12 : memref<!tpu.dma_semaphore, #tpu.memory_space<semaphore_mem>>) src(%dma_wait3A_223 : memref<4096x32xf32, #tpu.memory_space<hbm>>) dst(%dma_wait3A_217 : memref<128x32xf32, #tpu.memory_space<vmem>>)
    %dma_wait3A_224 = arith.constant 4 : i32
    %dma_wait3A_225 = arith.constant 512 : i32
    %dma_wait3A_226 = arith.constant 0 : i32
    %dma_wait3A_227 = tpu.memref_slice %arg8[%dma_wait3A_225, %dma_wait3A_226] : memref<2048x32xf32, #tpu.memory_space<vmem>> -> memref<128x32xf32, #tpu.memory_space<vmem>>
    %dma_wait3A_228 = arith.constant 0 : i32
    %dma_wait3A_229 = tpu.memref_slice %arg7[%dma_wait3A_224, %dma_wait3A_228] : memref<16x128xi32, #tpu.memory_space<vmem>> -> memref<1x128xi32, #tpu.memory_space<vmem>>
    %dma_wait3A_230 = tpu.memref_squeeze %dma_wait3A_229 : memref<1x128xi32, #tpu.memory_space<vmem>> -> memref<128xi32, #tpu.memory_space<vmem>>
    %dma_wait3A_231 = arith.constant 0 : i32
    %dma_wait3A_232 = arith.constant 0 : i32
    %dma_wait3A_233 = tpu.memref_slice %arg2[%dma_wait3A_231, %dma_wait3A_232] : memref<4096x32xf32, #tpu.memory_space<hbm>> -> memref<4096x32xf32, #tpu.memory_space<hbm>>
    tpu.wait_indirect_dma semaphore(%arg12 : memref<!tpu.dma_semaphore, #tpu.memory_space<semaphore_mem>>) src(%dma_wait3A_233 : memref<4096x32xf32, #tpu.memory_space<hbm>>) dst(%dma_wait3A_227 : memref<128x32xf32, #tpu.memory_space<vmem>>)
    %dma_wait3A_234 = arith.constant 5 : i32
    %dma_wait3A_235 = arith.constant 640 : i32
    %dma_wait3A_236 = arith.constant 0 : i32
    %dma_wait3A_237 = tpu.memref_slice %arg8[%dma_wait3A_235, %dma_wait3A_236] : memref<2048x32xf32, #tpu.memory_space<vmem>> -> memref<128x32xf32, #tpu.memory_space<vmem>>
    %dma_wait3A_238 = arith.constant 0 : i32
    %dma_wait3A_239 = tpu.memref_slice %arg7[%dma_wait3A_234, %dma_wait3A_238] : memref<16x128xi32, #tpu.memory_space<vmem>> -> memref<1x128xi32, #tpu.memory_space<vmem>>
    %dma_wait3A_240 = tpu.memref_squeeze %dma_wait3A_239 : memref<1x128xi32, #tpu.memory_space<vmem>> -> memref<128xi32, #tpu.memory_space<vmem>>
    %dma_wait3A_241 = arith.constant 0 : i32
    %dma_wait3A_242 = arith.constant 0 : i32
    %dma_wait3A_243 = tpu.memref_slice %arg2[%dma_wait3A_241, %dma_wait3A_242] : memref<4096x32xf32, #tpu.memory_space<hbm>> -> memref<4096x32xf32, #tpu.memory_space<hbm>>
    tpu.wait_indirect_dma semaphore(%arg12 : memref<!tpu.dma_semaphore, #tpu.memory_space<semaphore_mem>>) src(%dma_wait3A_243 : memref<4096x32xf32, #tpu.memory_space<hbm>>) dst(%dma_wait3A_237 : memref<128x32xf32, #tpu.memory_space<vmem>>)
    %dma_wait3A_244 = arith.constant 6 : i32
    %dma_wait3A_245 = arith.constant 768 : i32
    %dma_wait3A_246 = arith.constant 0 : i32
    %dma_wait3A_247 = tpu.memref_slice %arg8[%dma_wait3A_245, %dma_wait3A_246] : memref<2048x32xf32, #tpu.memory_space<vmem>> -> memref<128x32xf32, #tpu.memory_space<vmem>>
    %dma_wait3A_248 = arith.constant 0 : i32
    %dma_wait3A_249 = tpu.memref_slice %arg7[%dma_wait3A_244, %dma_wait3A_248] : memref<16x128xi32, #tpu.memory_space<vmem>> -> memref<1x128xi32, #tpu.memory_space<vmem>>
    %dma_wait3A_250 = tpu.memref_squeeze %dma_wait3A_249 : memref<1x128xi32, #tpu.memory_space<vmem>> -> memref<128xi32, #tpu.memory_space<vmem>>
    %dma_wait3A_251 = arith.constant 0 : i32
    %dma_wait3A_252 = arith.constant 0 : i32
    %dma_wait3A_253 = tpu.memref_slice %arg2[%dma_wait3A_251, %dma_wait3A_252] : memref<4096x32xf32, #tpu.memory_space<hbm>> -> memref<4096x32xf32, #tpu.memory_space<hbm>>
    tpu.wait_indirect_dma semaphore(%arg12 : memref<!tpu.dma_semaphore, #tpu.memory_space<semaphore_mem>>) src(%dma_wait3A_253 : memref<4096x32xf32, #tpu.memory_space<hbm>>) dst(%dma_wait3A_247 : memref<128x32xf32, #tpu.memory_space<vmem>>)
    %dma_wait3A_254 = arith.constant 7 : i32
    %dma_wait3A_255 = arith.constant 896 : i32
    %dma_wait3A_256 = arith.constant 0 : i32
    %dma_wait3A_257 = tpu.memref_slice %arg8[%dma_wait3A_255, %dma_wait3A_256] : memref<2048x32xf32, #tpu.memory_space<vmem>> -> memref<128x32xf32, #tpu.memory_space<vmem>>
    %dma_wait3A_258 = arith.constant 0 : i32
    %dma_wait3A_259 = tpu.memref_slice %arg7[%dma_wait3A_254, %dma_wait3A_258] : memref<16x128xi32, #tpu.memory_space<vmem>> -> memref<1x128xi32, #tpu.memory_space<vmem>>
    %dma_wait3A_260 = tpu.memref_squeeze %dma_wait3A_259 : memref<1x128xi32, #tpu.memory_space<vmem>> -> memref<128xi32, #tpu.memory_space<vmem>>
    %dma_wait3A_261 = arith.constant 0 : i32
    %dma_wait3A_262 = arith.constant 0 : i32
    %dma_wait3A_263 = tpu.memref_slice %arg2[%dma_wait3A_261, %dma_wait3A_262] : memref<4096x32xf32, #tpu.memory_space<hbm>> -> memref<4096x32xf32, #tpu.memory_space<hbm>>
    tpu.wait_indirect_dma semaphore(%arg12 : memref<!tpu.dma_semaphore, #tpu.memory_space<semaphore_mem>>) src(%dma_wait3A_263 : memref<4096x32xf32, #tpu.memory_space<hbm>>) dst(%dma_wait3A_257 : memref<128x32xf32, #tpu.memory_space<vmem>>)
    %dma_wait3A_264 = arith.constant 8 : i32
    %dma_wait3A_265 = arith.constant 1024 : i32
    %dma_wait3A_266 = arith.constant 0 : i32
    %dma_wait3A_267 = tpu.memref_slice %arg8[%dma_wait3A_265, %dma_wait3A_266] : memref<2048x32xf32, #tpu.memory_space<vmem>> -> memref<128x32xf32, #tpu.memory_space<vmem>>
    %dma_wait3A_268 = arith.constant 0 : i32
    %dma_wait3A_269 = tpu.memref_slice %arg7[%dma_wait3A_264, %dma_wait3A_268] : memref<16x128xi32, #tpu.memory_space<vmem>> -> memref<1x128xi32, #tpu.memory_space<vmem>>
    %dma_wait3A_270 = tpu.memref_squeeze %dma_wait3A_269 : memref<1x128xi32, #tpu.memory_space<vmem>> -> memref<128xi32, #tpu.memory_space<vmem>>
    %dma_wait3A_271 = arith.constant 0 : i32
    %dma_wait3A_272 = arith.constant 0 : i32
    %dma_wait3A_273 = tpu.memref_slice %arg2[%dma_wait3A_271, %dma_wait3A_272] : memref<4096x32xf32, #tpu.memory_space<hbm>> -> memref<4096x32xf32, #tpu.memory_space<hbm>>
    tpu.wait_indirect_dma semaphore(%arg12 : memref<!tpu.dma_semaphore, #tpu.memory_space<semaphore_mem>>) src(%dma_wait3A_273 : memref<4096x32xf32, #tpu.memory_space<hbm>>) dst(%dma_wait3A_267 : memref<128x32xf32, #tpu.memory_space<vmem>>)
    %dma_wait3A_274 = arith.constant 9 : i32
    %dma_wait3A_275 = arith.constant 1152 : i32
    %dma_wait3A_276 = arith.constant 0 : i32
    %dma_wait3A_277 = tpu.memref_slice %arg8[%dma_wait3A_275, %dma_wait3A_276] : memref<2048x32xf32, #tpu.memory_space<vmem>> -> memref<128x32xf32, #tpu.memory_space<vmem>>
    %dma_wait3A_278 = arith.constant 0 : i32
    %dma_wait3A_279 = tpu.memref_slice %arg7[%dma_wait3A_274, %dma_wait3A_278] : memref<16x128xi32, #tpu.memory_space<vmem>> -> memref<1x128xi32, #tpu.memory_space<vmem>>
    %dma_wait3A_280 = tpu.memref_squeeze %dma_wait3A_279 : memref<1x128xi32, #tpu.memory_space<vmem>> -> memref<128xi32, #tpu.memory_space<vmem>>
    %dma_wait3A_281 = arith.constant 0 : i32
    %dma_wait3A_282 = arith.constant 0 : i32
    %dma_wait3A_283 = tpu.memref_slice %arg2[%dma_wait3A_281, %dma_wait3A_282] : memref<4096x32xf32, #tpu.memory_space<hbm>> -> memref<4096x32xf32, #tpu.memory_space<hbm>>
    tpu.wait_indirect_dma semaphore(%arg12 : memref<!tpu.dma_semaphore, #tpu.memory_space<semaphore_mem>>) src(%dma_wait3A_283 : memref<4096x32xf32, #tpu.memory_space<hbm>>) dst(%dma_wait3A_277 : memref<128x32xf32, #tpu.memory_space<vmem>>)
    %dma_wait3A_284 = arith.constant 10 : i32
    %dma_wait3A_285 = arith.constant 1280 : i32
    %dma_wait3A_286 = arith.constant 0 : i32
    %dma_wait3A_287 = tpu.memref_slice %arg8[%dma_wait3A_285, %dma_wait3A_286] : memref<2048x32xf32, #tpu.memory_space<vmem>> -> memref<128x32xf32, #tpu.memory_space<vmem>>
    %dma_wait3A_288 = arith.constant 0 : i32
    %dma_wait3A_289 = tpu.memref_slice %arg7[%dma_wait3A_284, %dma_wait3A_288] : memref<16x128xi32, #tpu.memory_space<vmem>> -> memref<1x128xi32, #tpu.memory_space<vmem>>
    %dma_wait3A_290 = tpu.memref_squeeze %dma_wait3A_289 : memref<1x128xi32, #tpu.memory_space<vmem>> -> memref<128xi32, #tpu.memory_space<vmem>>
    %dma_wait3A_291 = arith.constant 0 : i32
    %dma_wait3A_292 = arith.constant 0 : i32
    %dma_wait3A_293 = tpu.memref_slice %arg2[%dma_wait3A_291, %dma_wait3A_292] : memref<4096x32xf32, #tpu.memory_space<hbm>> -> memref<4096x32xf32, #tpu.memory_space<hbm>>
    tpu.wait_indirect_dma semaphore(%arg12 : memref<!tpu.dma_semaphore, #tpu.memory_space<semaphore_mem>>) src(%dma_wait3A_293 : memref<4096x32xf32, #tpu.memory_space<hbm>>) dst(%dma_wait3A_287 : memref<128x32xf32, #tpu.memory_space<vmem>>)
    %dma_wait3A_294 = arith.constant 11 : i32
    %dma_wait3A_295 = arith.constant 1408 : i32
    %dma_wait3A_296 = arith.constant 0 : i32
    %dma_wait3A_297 = tpu.memref_slice %arg8[%dma_wait3A_295, %dma_wait3A_296] : memref<2048x32xf32, #tpu.memory_space<vmem>> -> memref<128x32xf32, #tpu.memory_space<vmem>>
    %dma_wait3A_298 = arith.constant 0 : i32
    %dma_wait3A_299 = tpu.memref_slice %arg7[%dma_wait3A_294, %dma_wait3A_298] : memref<16x128xi32, #tpu.memory_space<vmem>> -> memref<1x128xi32, #tpu.memory_space<vmem>>
    %dma_wait3A_300 = tpu.memref_squeeze %dma_wait3A_299 : memref<1x128xi32, #tpu.memory_space<vmem>> -> memref<128xi32, #tpu.memory_space<vmem>>
    %dma_wait3A_301 = arith.constant 0 : i32
    %dma_wait3A_302 = arith.constant 0 : i32
    %dma_wait3A_303 = tpu.memref_slice %arg2[%dma_wait3A_301, %dma_wait3A_302] : memref<4096x32xf32, #tpu.memory_space<hbm>> -> memref<4096x32xf32, #tpu.memory_space<hbm>>
    tpu.wait_indirect_dma semaphore(%arg12 : memref<!tpu.dma_semaphore, #tpu.memory_space<semaphore_mem>>) src(%dma_wait3A_303 : memref<4096x32xf32, #tpu.memory_space<hbm>>) dst(%dma_wait3A_297 : memref<128x32xf32, #tpu.memory_space<vmem>>)
    %dma_wait3A_304 = arith.constant 12 : i32
    %dma_wait3A_305 = arith.constant 1536 : i32
    %dma_wait3A_306 = arith.constant 0 : i32
    %dma_wait3A_307 = tpu.memref_slice %arg8[%dma_wait3A_305, %dma_wait3A_306] : memref<2048x32xf32, #tpu.memory_space<vmem>> -> memref<128x32xf32, #tpu.memory_space<vmem>>
    %dma_wait3A_308 = arith.constant 0 : i32
    %dma_wait3A_309 = tpu.memref_slice %arg7[%dma_wait3A_304, %dma_wait3A_308] : memref<16x128xi32, #tpu.memory_space<vmem>> -> memref<1x128xi32, #tpu.memory_space<vmem>>
    %dma_wait3A_310 = tpu.memref_squeeze %dma_wait3A_309 : memref<1x128xi32, #tpu.memory_space<vmem>> -> memref<128xi32, #tpu.memory_space<vmem>>
    %dma_wait3A_311 = arith.constant 0 : i32
    %dma_wait3A_312 = arith.constant 0 : i32
    %dma_wait3A_313 = tpu.memref_slice %arg2[%dma_wait3A_311, %dma_wait3A_312] : memref<4096x32xf32, #tpu.memory_space<hbm>> -> memref<4096x32xf32, #tpu.memory_space<hbm>>
    tpu.wait_indirect_dma semaphore(%arg12 : memref<!tpu.dma_semaphore, #tpu.memory_space<semaphore_mem>>) src(%dma_wait3A_313 : memref<4096x32xf32, #tpu.memory_space<hbm>>) dst(%dma_wait3A_307 : memref<128x32xf32, #tpu.memory_space<vmem>>)
    %dma_wait3A_314 = arith.constant 13 : i32
    %dma_wait3A_315 = arith.constant 1664 : i32
    %dma_wait3A_316 = arith.constant 0 : i32
    %dma_wait3A_317 = tpu.memref_slice %arg8[%dma_wait3A_315, %dma_wait3A_316] : memref<2048x32xf32, #tpu.memory_space<vmem>> -> memref<128x32xf32, #tpu.memory_space<vmem>>
    %dma_wait3A_318 = arith.constant 0 : i32
    %dma_wait3A_319 = tpu.memref_slice %arg7[%dma_wait3A_314, %dma_wait3A_318] : memref<16x128xi32, #tpu.memory_space<vmem>> -> memref<1x128xi32, #tpu.memory_space<vmem>>
    %dma_wait3A_320 = tpu.memref_squeeze %dma_wait3A_319 : memref<1x128xi32, #tpu.memory_space<vmem>> -> memref<128xi32, #tpu.memory_space<vmem>>
    %dma_wait3A_321 = arith.constant 0 : i32
    %dma_wait3A_322 = arith.constant 0 : i32
    %dma_wait3A_323 = tpu.memref_slice %arg2[%dma_wait3A_321, %dma_wait3A_322] : memref<4096x32xf32, #tpu.memory_space<hbm>> -> memref<4096x32xf32, #tpu.memory_space<hbm>>
    tpu.wait_indirect_dma semaphore(%arg12 : memref<!tpu.dma_semaphore, #tpu.memory_space<semaphore_mem>>) src(%dma_wait3A_323 : memref<4096x32xf32, #tpu.memory_space<hbm>>) dst(%dma_wait3A_317 : memref<128x32xf32, #tpu.memory_space<vmem>>)
    %dma_wait3A_324 = arith.constant 14 : i32
    %dma_wait3A_325 = arith.constant 1792 : i32
    %dma_wait3A_326 = arith.constant 0 : i32
    %dma_wait3A_327 = tpu.memref_slice %arg8[%dma_wait3A_325, %dma_wait3A_326] : memref<2048x32xf32, #tpu.memory_space<vmem>> -> memref<128x32xf32, #tpu.memory_space<vmem>>
    %dma_wait3A_328 = arith.constant 0 : i32
    %dma_wait3A_329 = tpu.memref_slice %arg7[%dma_wait3A_324, %dma_wait3A_328] : memref<16x128xi32, #tpu.memory_space<vmem>> -> memref<1x128xi32, #tpu.memory_space<vmem>>
    %dma_wait3A_330 = tpu.memref_squeeze %dma_wait3A_329 : memref<1x128xi32, #tpu.memory_space<vmem>> -> memref<128xi32, #tpu.memory_space<vmem>>
    %dma_wait3A_331 = arith.constant 0 : i32
    %dma_wait3A_332 = arith.constant 0 : i32
    %dma_wait3A_333 = tpu.memref_slice %arg2[%dma_wait3A_331, %dma_wait3A_332] : memref<4096x32xf32, #tpu.memory_space<hbm>> -> memref<4096x32xf32, #tpu.memory_space<hbm>>
    tpu.wait_indirect_dma semaphore(%arg12 : memref<!tpu.dma_semaphore, #tpu.memory_space<semaphore_mem>>) src(%dma_wait3A_333 : memref<4096x32xf32, #tpu.memory_space<hbm>>) dst(%dma_wait3A_327 : memref<128x32xf32, #tpu.memory_space<vmem>>)
    %dma_wait3A_334 = arith.constant 15 : i32
    %dma_wait3A_335 = arith.constant 1920 : i32
    %dma_wait3A_336 = arith.constant 0 : i32
    %dma_wait3A_337 = tpu.memref_slice %arg8[%dma_wait3A_335, %dma_wait3A_336] : memref<2048x32xf32, #tpu.memory_space<vmem>> -> memref<128x32xf32, #tpu.memory_space<vmem>>
    %dma_wait3A_338 = arith.constant 0 : i32
    %dma_wait3A_339 = tpu.memref_slice %arg7[%dma_wait3A_334, %dma_wait3A_338] : memref<16x128xi32, #tpu.memory_space<vmem>> -> memref<1x128xi32, #tpu.memory_space<vmem>>
    %dma_wait3A_340 = tpu.memref_squeeze %dma_wait3A_339 : memref<1x128xi32, #tpu.memory_space<vmem>> -> memref<128xi32, #tpu.memory_space<vmem>>
    %dma_wait3A_341 = arith.constant 0 : i32
    %dma_wait3A_342 = arith.constant 0 : i32
    %dma_wait3A_343 = tpu.memref_slice %arg2[%dma_wait3A_341, %dma_wait3A_342] : memref<4096x32xf32, #tpu.memory_space<hbm>> -> memref<4096x32xf32, #tpu.memory_space<hbm>>
    tpu.wait_indirect_dma semaphore(%arg12 : memref<!tpu.dma_semaphore, #tpu.memory_space<semaphore_mem>>) src(%dma_wait3A_343 : memref<4096x32xf32, #tpu.memory_space<hbm>>) dst(%dma_wait3A_337 : memref<128x32xf32, #tpu.memory_space<vmem>>)
    %scan3A_344 = arith.constant 0 : i32
    %scan3A_345 = arith.constant 0 : i32
    %scan3A_346 = arith.constant 128 : i32
    %scan3A_347 = arith.addi %scan3A_345, %scan3A_346 : i32
    %scan3A_348 = arith.constant 1 : i32
    scf.for %scan3A_351 = %scan3A_345 to %scan3A_347 step %scan3A_348  : i32 {
      %get3A = arith.index_cast %scan3A_351 : i32 to index
      %get3A_352 = arith.constant 0 : index
      %get3A_353 = tpu.vector_load %arg9[%get3A, %get3A_352] {strides = array<i32>} : memref<128x32xf32, #tpu.memory_space<vmem>>, vector<1x16xf32>,
      %get3A_354 = vector.shape_cast %get3A_353 : vector<1x16xf32> to vector<16xf32>
      %broadcast_in_dim3A = arith.constant 0.000000e+00 : f32
      %broadcast_in_dim3A_355 = vector.broadcast %broadcast_in_dim3A : f32 to vector<16xf32>
      %mul3A_356 = arith.constant 16 : i32
      %mul3A_357 = arith.muli %scan3A_351, %mul3A_356 : i32
      %add3A_358 = arith.constant 0 : i32
      %add3A_359 = arith.addi %mul3A_357, %add3A_358 : i32
      %get3A_360 = arith.index_cast %add3A_359 : i32 to index
      %get3A_361 = arith.constant 0 : index
      %get3A_362 = tpu.vector_load %arg8[%get3A_360, %get3A_361] {strides = array<i32>} : memref<2048x32xf32, #tpu.memory_space<vmem>>, vector<1x16xf32>,
      %get3A_363 = vector.shape_cast %get3A_362 : vector<1x16xf32> to vector<16xf32>
      %add3A_364 = arith.addf %get3A_354, %get3A_363 : vector<16xf32>
      %max3A = arith.constant 0.000000e+00 : f32
      %max3A_365 = vector.broadcast %max3A : f32 to vector<16xf32>
      %max3A_366 = arith.maximumf %add3A_364, %max3A_365 : vector<16xf32>
      %add3A_367 = arith.addf %broadcast_in_dim3A_355, %max3A_366 : vector<16xf32>
      %mul3A_368 = arith.constant 16 : i32
      %mul3A_369 = arith.muli %scan3A_351, %mul3A_368 : i32
      %add3A_370 = arith.constant 1 : i32
      %add3A_371 = arith.addi %mul3A_369, %add3A_370 : i32
      %get3A_372 = arith.index_cast %add3A_371 : i32 to index
      %get3A_373 = arith.constant 0 : index
      %get3A_374 = tpu.vector_load %arg8[%get3A_372, %get3A_373] {strides = array<i32>} : memref<2048x32xf32, #tpu.memory_space<vmem>>, vector<1x16xf32>,
      %get3A_375 = vector.shape_cast %get3A_374 : vector<1x16xf32> to vector<16xf32>
      %add3A_376 = arith.addf %get3A_354, %get3A_375 : vector<16xf32>
      %max3A_377 = arith.constant 0.000000e+00 : f32
      %max3A_378 = vector.broadcast %max3A_377 : f32 to vector<16xf32>
      %max3A_379 = arith.maximumf %add3A_376, %max3A_378 : vector<16xf32>
      %add3A_380 = arith.addf %add3A_367, %max3A_379 : vector<16xf32>
      %mul3A_381 = arith.constant 16 : i32
      %mul3A_382 = arith.muli %scan3A_351, %mul3A_381 : i32
      %add3A_383 = arith.constant 2 : i32
      %add3A_384 = arith.addi %mul3A_382, %add3A_383 : i32
      %get3A_385 = arith.index_cast %add3A_384 : i32 to index
      %get3A_386 = arith.constant 0 : index
      %get3A_387 = tpu.vector_load %arg8[%get3A_385, %get3A_386] {strides = array<i32>} : memref<2048x32xf32, #tpu.memory_space<vmem>>, vector<1x16xf32>,
      %get3A_388 = vector.shape_cast %get3A_387 : vector<1x16xf32> to vector<16xf32>
      %add3A_389 = arith.addf %get3A_354, %get3A_388 : vector<16xf32>
      %max3A_390 = arith.constant 0.000000e+00 : f32
      %max3A_391 = vector.broadcast %max3A_390 : f32 to vector<16xf32>
      %max3A_392 = arith.maximumf %add3A_389, %max3A_391 : vector<16xf32>
      %add3A_393 = arith.addf %add3A_380, %max3A_392 : vector<16xf32>
      %mul3A_394 = arith.constant 16 : i32
      %mul3A_395 = arith.muli %scan3A_351, %mul3A_394 : i32
      %add3A_396 = arith.constant 3 : i32
      %add3A_397 = arith.addi %mul3A_395, %add3A_396 : i32
      %get3A_398 = arith.index_cast %add3A_397 : i32 to index
      %get3A_399 = arith.constant 0 : index
      %get3A_400 = tpu.vector_load %arg8[%get3A_398, %get3A_399] {strides = array<i32>} : memref<2048x32xf32, #tpu.memory_space<vmem>>, vector<1x16xf32>,
      %get3A_401 = vector.shape_cast %get3A_400 : vector<1x16xf32> to vector<16xf32>
      %add3A_402 = arith.addf %get3A_354, %get3A_401 : vector<16xf32>
      %max3A_403 = arith.constant 0.000000e+00 : f32
      %max3A_404 = vector.broadcast %max3A_403 : f32 to vector<16xf32>
      %max3A_405 = arith.maximumf %add3A_402, %max3A_404 : vector<16xf32>
      %add3A_406 = arith.addf %add3A_393, %max3A_405 : vector<16xf32>
      %mul3A_407 = arith.constant 16 : i32
      %mul3A_408 = arith.muli %scan3A_351, %mul3A_407 : i32
      %add3A_409 = arith.constant 4 : i32
      %add3A_410 = arith.addi %mul3A_408, %add3A_409 : i32
      %get3A_411 = arith.index_cast %add3A_410 : i32 to index
      %get3A_412 = arith.constant 0 : index
      %get3A_413 = tpu.vector_load %arg8[%get3A_411, %get3A_412] {strides = array<i32>} : memref<2048x32xf32, #tpu.memory_space<vmem>>, vector<1x16xf32>,
      %get3A_414 = vector.shape_cast %get3A_413 : vector<1x16xf32> to vector<16xf32>
      %add3A_415 = arith.addf %get3A_354, %get3A_414 : vector<16xf32>
      %max3A_416 = arith.constant 0.000000e+00 : f32
      %max3A_417 = vector.broadcast %max3A_416 : f32 to vector<16xf32>
      %max3A_418 = arith.maximumf %add3A_415, %max3A_417 : vector<16xf32>
      %add3A_419 = arith.addf %add3A_406, %max3A_418 : vector<16xf32>
      %mul3A_420 = arith.constant 16 : i32
      %mul3A_421 = arith.muli %scan3A_351, %mul3A_420 : i32
      %add3A_422 = arith.constant 5 : i32
      %add3A_423 = arith.addi %mul3A_421, %add3A_422 : i32
      %get3A_424 = arith.index_cast %add3A_423 : i32 to index
      %get3A_425 = arith.constant 0 : index
      %get3A_426 = tpu.vector_load %arg8[%get3A_424, %get3A_425] {strides = array<i32>} : memref<2048x32xf32, #tpu.memory_space<vmem>>, vector<1x16xf32>,
      %get3A_427 = vector.shape_cast %get3A_426 : vector<1x16xf32> to vector<16xf32>
      %add3A_428 = arith.addf %get3A_354, %get3A_427 : vector<16xf32>
      %max3A_429 = arith.constant 0.000000e+00 : f32
      %max3A_430 = vector.broadcast %max3A_429 : f32 to vector<16xf32>
      %max3A_431 = arith.maximumf %add3A_428, %max3A_430 : vector<16xf32>
      %add3A_432 = arith.addf %add3A_419, %max3A_431 : vector<16xf32>
      %mul3A_433 = arith.constant 16 : i32
      %mul3A_434 = arith.muli %scan3A_351, %mul3A_433 : i32
      %add3A_435 = arith.constant 6 : i32
      %add3A_436 = arith.addi %mul3A_434, %add3A_435 : i32
      %get3A_437 = arith.index_cast %add3A_436 : i32 to index
      %get3A_438 = arith.constant 0 : index
      %get3A_439 = tpu.vector_load %arg8[%get3A_437, %get3A_438] {strides = array<i32>} : memref<2048x32xf32, #tpu.memory_space<vmem>>, vector<1x16xf32>,
      %get3A_440 = vector.shape_cast %get3A_439 : vector<1x16xf32> to vector<16xf32>
      %add3A_441 = arith.addf %get3A_354, %get3A_440 : vector<16xf32>
      %max3A_442 = arith.constant 0.000000e+00 : f32
      %max3A_443 = vector.broadcast %max3A_442 : f32 to vector<16xf32>
      %max3A_444 = arith.maximumf %add3A_441, %max3A_443 : vector<16xf32>
      %add3A_445 = arith.addf %add3A_432, %max3A_444 : vector<16xf32>
      %mul3A_446 = arith.constant 16 : i32
      %mul3A_447 = arith.muli %scan3A_351, %mul3A_446 : i32
      %add3A_448 = arith.constant 7 : i32
      %add3A_449 = arith.addi %mul3A_447, %add3A_448 : i32
      %get3A_450 = arith.index_cast %add3A_449 : i32 to index
      %get3A_451 = arith.constant 0 : index
      %get3A_452 = tpu.vector_load %arg8[%get3A_450, %get3A_451] {strides = array<i32>} : memref<2048x32xf32, #tpu.memory_space<vmem>>, vector<1x16xf32>,
      %get3A_453 = vector.shape_cast %get3A_452 : vector<1x16xf32> to vector<16xf32>
      %add3A_454 = arith.addf %get3A_354, %get3A_453 : vector<16xf32>
      %max3A_455 = arith.constant 0.000000e+00 : f32
      %max3A_456 = vector.broadcast %max3A_455 : f32 to vector<16xf32>
      %max3A_457 = arith.maximumf %add3A_454, %max3A_456 : vector<16xf32>
      %add3A_458 = arith.addf %add3A_445, %max3A_457 : vector<16xf32>
      %mul3A_459 = arith.constant 16 : i32
      %mul3A_460 = arith.muli %scan3A_351, %mul3A_459 : i32
      %add3A_461 = arith.constant 8 : i32
      %add3A_462 = arith.addi %mul3A_460, %add3A_461 : i32
      %get3A_463 = arith.index_cast %add3A_462 : i32 to index
      %get3A_464 = arith.constant 0 : index
      %get3A_465 = tpu.vector_load %arg8[%get3A_463, %get3A_464] {strides = array<i32>} : memref<2048x32xf32, #tpu.memory_space<vmem>>, vector<1x16xf32>,
      %get3A_466 = vector.shape_cast %get3A_465 : vector<1x16xf32> to vector<16xf32>
      %add3A_467 = arith.addf %get3A_354, %get3A_466 : vector<16xf32>
      %max3A_468 = arith.constant 0.000000e+00 : f32
      %max3A_469 = vector.broadcast %max3A_468 : f32 to vector<16xf32>
      %max3A_470 = arith.maximumf %add3A_467, %max3A_469 : vector<16xf32>
      %add3A_471 = arith.addf %add3A_458, %max3A_470 : vector<16xf32>
      %mul3A_472 = arith.constant 16 : i32
      %mul3A_473 = arith.muli %scan3A_351, %mul3A_472 : i32
      %add3A_474 = arith.constant 9 : i32
      %add3A_475 = arith.addi %mul3A_473, %add3A_474 : i32
      %get3A_476 = arith.index_cast %add3A_475 : i32 to index
      %get3A_477 = arith.constant 0 : index
      %get3A_478 = tpu.vector_load %arg8[%get3A_476, %get3A_477] {strides = array<i32>} : memref<2048x32xf32, #tpu.memory_space<vmem>>, vector<1x16xf32>,
      %get3A_479 = vector.shape_cast %get3A_478 : vector<1x16xf32> to vector<16xf32>
      %add3A_480 = arith.addf %get3A_354, %get3A_479 : vector<16xf32>
      %max3A_481 = arith.constant 0.000000e+00 : f32
      %max3A_482 = vector.broadcast %max3A_481 : f32 to vector<16xf32>
      %max3A_483 = arith.maximumf %add3A_480, %max3A_482 : vector<16xf32>
      %add3A_484 = arith.addf %add3A_471, %max3A_483 : vector<16xf32>
      %mul3A_485 = arith.constant 16 : i32
      %mul3A_486 = arith.muli %scan3A_351, %mul3A_485 : i32
      %add3A_487 = arith.constant 10 : i32
      %add3A_488 = arith.addi %mul3A_486, %add3A_487 : i32
      %get3A_489 = arith.index_cast %add3A_488 : i32 to index
      %get3A_490 = arith.constant 0 : index
      %get3A_491 = tpu.vector_load %arg8[%get3A_489, %get3A_490] {strides = array<i32>} : memref<2048x32xf32, #tpu.memory_space<vmem>>, vector<1x16xf32>,
      %get3A_492 = vector.shape_cast %get3A_491 : vector<1x16xf32> to vector<16xf32>
      %add3A_493 = arith.addf %get3A_354, %get3A_492 : vector<16xf32>
      %max3A_494 = arith.constant 0.000000e+00 : f32
      %max3A_495 = vector.broadcast %max3A_494 : f32 to vector<16xf32>
      %max3A_496 = arith.maximumf %add3A_493, %max3A_495 : vector<16xf32>
      %add3A_497 = arith.addf %add3A_484, %max3A_496 : vector<16xf32>
      %mul3A_498 = arith.constant 16 : i32
      %mul3A_499 = arith.muli %scan3A_351, %mul3A_498 : i32
      %add3A_500 = arith.constant 11 : i32
      %add3A_501 = arith.addi %mul3A_499, %add3A_500 : i32
      %get3A_502 = arith.index_cast %add3A_501 : i32 to index
      %get3A_503 = arith.constant 0 : index
      %get3A_504 = tpu.vector_load %arg8[%get3A_502, %get3A_503] {strides = array<i32>} : memref<2048x32xf32, #tpu.memory_space<vmem>>, vector<1x16xf32>,
      %get3A_505 = vector.shape_cast %get3A_504 : vector<1x16xf32> to vector<16xf32>
      %add3A_506 = arith.addf %get3A_354, %get3A_505 : vector<16xf32>
      %max3A_507 = arith.constant 0.000000e+00 : f32
      %max3A_508 = vector.broadcast %max3A_507 : f32 to vector<16xf32>
      %max3A_509 = arith.maximumf %add3A_506, %max3A_508 : vector<16xf32>
      %add3A_510 = arith.addf %add3A_497, %max3A_509 : vector<16xf32>
      %mul3A_511 = arith.constant 16 : i32
      %mul3A_512 = arith.muli %scan3A_351, %mul3A_511 : i32
      %add3A_513 = arith.constant 12 : i32
      %add3A_514 = arith.addi %mul3A_512, %add3A_513 : i32
      %get3A_515 = arith.index_cast %add3A_514 : i32 to index
      %get3A_516 = arith.constant 0 : index
      %get3A_517 = tpu.vector_load %arg8[%get3A_515, %get3A_516] {strides = array<i32>} : memref<2048x32xf32, #tpu.memory_space<vmem>>, vector<1x16xf32>,
      %get3A_518 = vector.shape_cast %get3A_517 : vector<1x16xf32> to vector<16xf32>
      %add3A_519 = arith.addf %get3A_354, %get3A_518 : vector<16xf32>
      %max3A_520 = arith.constant 0.000000e+00 : f32
      %max3A_521 = vector.broadcast %max3A_520 : f32 to vector<16xf32>
      %max3A_522 = arith.maximumf %add3A_519, %max3A_521 : vector<16xf32>
      %add3A_523 = arith.addf %add3A_510, %max3A_522 : vector<16xf32>
      %mul3A_524 = arith.constant 16 : i32
      %mul3A_525 = arith.muli %scan3A_351, %mul3A_524 : i32
      %add3A_526 = arith.constant 13 : i32
      %add3A_527 = arith.addi %mul3A_525, %add3A_526 : i32
      %get3A_528 = arith.index_cast %add3A_527 : i32 to index
      %get3A_529 = arith.constant 0 : index
      %get3A_530 = tpu.vector_load %arg8[%get3A_528, %get3A_529] {strides = array<i32>} : memref<2048x32xf32, #tpu.memory_space<vmem>>, vector<1x16xf32>,
      %get3A_531 = vector.shape_cast %get3A_530 : vector<1x16xf32> to vector<16xf32>
      %add3A_532 = arith.addf %get3A_354, %get3A_531 : vector<16xf32>
      %max3A_533 = arith.constant 0.000000e+00 : f32
      %max3A_534 = vector.broadcast %max3A_533 : f32 to vector<16xf32>
      %max3A_535 = arith.maximumf %add3A_532, %max3A_534 : vector<16xf32>
      %add3A_536 = arith.addf %add3A_523, %max3A_535 : vector<16xf32>
      %mul3A_537 = arith.constant 16 : i32
      %mul3A_538 = arith.muli %scan3A_351, %mul3A_537 : i32
      %add3A_539 = arith.constant 14 : i32
      %add3A_540 = arith.addi %mul3A_538, %add3A_539 : i32
      %get3A_541 = arith.index_cast %add3A_540 : i32 to index
      %get3A_542 = arith.constant 0 : index
      %get3A_543 = tpu.vector_load %arg8[%get3A_541, %get3A_542] {strides = array<i32>} : memref<2048x32xf32, #tpu.memory_space<vmem>>, vector<1x16xf32>,
      %get3A_544 = vector.shape_cast %get3A_543 : vector<1x16xf32> to vector<16xf32>
      %add3A_545 = arith.addf %get3A_354, %get3A_544 : vector<16xf32>
      %max3A_546 = arith.constant 0.000000e+00 : f32
      %max3A_547 = vector.broadcast %max3A_546 : f32 to vector<16xf32>
      %max3A_548 = arith.maximumf %add3A_545, %max3A_547 : vector<16xf32>
      %add3A_549 = arith.addf %add3A_536, %max3A_548 : vector<16xf32>
      %mul3A_550 = arith.constant 16 : i32
      %mul3A_551 = arith.muli %scan3A_351, %mul3A_550 : i32
      %add3A_552 = arith.constant 15 : i32
      %add3A_553 = arith.addi %mul3A_551, %add3A_552 : i32
      %get3A_554 = arith.index_cast %add3A_553 : i32 to index
      %get3A_555 = arith.constant 0 : index
      %get3A_556 = tpu.vector_load %arg8[%get3A_554, %get3A_555] {strides = array<i32>} : memref<2048x32xf32, #tpu.memory_space<vmem>>, vector<1x16xf32>,
      %get3A_557 = vector.shape_cast %get3A_556 : vector<1x16xf32> to vector<16xf32>
      %add3A_558 = arith.addf %get3A_354, %get3A_557 : vector<16xf32>
      %max3A_559 = arith.constant 0.000000e+00 : f32
      %max3A_560 = vector.broadcast %max3A_559 : f32 to vector<16xf32>
      %max3A_561 = arith.maximumf %add3A_558, %max3A_560 : vector<16xf32>
      %add3A_562 = arith.addf %add3A_549, %max3A_561 : vector<16xf32>
      %get3A_563 = arith.index_cast %scan3A_351 : i32 to index
      %get3A_564 = arith.constant 0 : index
      %get3A_565 = tpu.vector_load %arg10[%get3A_563, %get3A_564] {strides = array<i32>} : memref<128x32xf32, #tpu.memory_space<vmem>>, vector<1x16xf32>,
      %get3A_566 = vector.shape_cast %get3A_565 : vector<1x16xf32> to vector<16xf32>
      %mul3A_567 = arith.constant 6.250000e-02 : f32
      %mul3A_568 = vector.broadcast %mul3A_567 : f32 to vector<16xf32>
      %mul3A_569 = arith.mulf %add3A_562, %mul3A_568 : vector<16xf32>
      %add3A_570 = arith.addf %get3A_566, %mul3A_569 : vector<16xf32>
      %max3A_571 = arith.constant 0.000000e+00 : f32
      %max3A_572 = vector.broadcast %max3A_571 : f32 to vector<16xf32>
      %max3A_573 = arith.maximumf %add3A_570, %max3A_572 : vector<16xf32>
      %swap3A = arith.index_cast %scan3A_351 : i32 to index
      %swap3A_574 = arith.constant 0 : index
      %swap3A_575 = tpu.vector_load %arg11[%swap3A, %swap3A_574] {strides = array<i32>} : memref<128x32xf32, #tpu.memory_space<vmem>>, vector<1x16xf32>,
      %swap3A_576 = vector.shape_cast %swap3A_575 : vector<1x16xf32> to vector<16xf32>
      %swap3A_577 = vector.shape_cast %max3A_573 : vector<16xf32> to vector<1x16xf32>
      tpu.vector_store %arg11[%swap3A, %swap3A_574], %swap3A_577 {strides = array<i32>} : memref<128x32xf32, #tpu.memory_space<vmem>>, vector<1x16xf32>,
      %get3A_578 = arith.index_cast %scan3A_351 : i32 to index
      %get3A_579 = arith.constant 16 : index
      %get3A_580 = tpu.vector_load %arg9[%get3A_578, %get3A_579] {strides = array<i32>} : memref<128x32xf32, #tpu.memory_space<vmem>>, vector<1x16xf32>,
      %get3A_581 = vector.shape_cast %get3A_580 : vector<1x16xf32> to vector<16xf32>
      %broadcast_in_dim3A_582 = arith.constant 0.000000e+00 : f32
      %broadcast_in_dim3A_583 = vector.broadcast %broadcast_in_dim3A_582 : f32 to vector<16xf32>
      %mul3A_584 = arith.constant 16 : i32
      %mul3A_585 = arith.muli %scan3A_351, %mul3A_584 : i32
      %add3A_586 = arith.constant 0 : i32
      %add3A_587 = arith.addi %mul3A_585, %add3A_586 : i32
      %get3A_588 = arith.index_cast %add3A_587 : i32 to index
      %get3A_589 = arith.constant 16 : index
      %get3A_590 = tpu.vector_load %arg8[%get3A_588, %get3A_589] {strides = array<i32>} : memref<2048x32xf32, #tpu.memory_space<vmem>>, vector<1x16xf32>,
      %get3A_591 = vector.shape_cast %get3A_590 : vector<1x16xf32> to vector<16xf32>
      %add3A_592 = arith.addf %get3A_581, %get3A_591 : vector<16xf32>
      %max3A_593 = arith.constant 0.000000e+00 : f32
      %max3A_594 = vector.broadcast %max3A_593 : f32 to vector<16xf32>
      %max3A_595 = arith.maximumf %add3A_592, %max3A_594 : vector<16xf32>
      %add3A_596 = arith.addf %broadcast_in_dim3A_583, %max3A_595 : vector<16xf32>
      %mul3A_597 = arith.constant 16 : i32
      %mul3A_598 = arith.muli %scan3A_351, %mul3A_597 : i32
      %add3A_599 = arith.constant 1 : i32
      %add3A_600 = arith.addi %mul3A_598, %add3A_599 : i32
      %get3A_601 = arith.index_cast %add3A_600 : i32 to index
      %get3A_602 = arith.constant 16 : index
      %get3A_603 = tpu.vector_load %arg8[%get3A_601, %get3A_602] {strides = array<i32>} : memref<2048x32xf32, #tpu.memory_space<vmem>>, vector<1x16xf32>,
      %get3A_604 = vector.shape_cast %get3A_603 : vector<1x16xf32> to vector<16xf32>
      %add3A_605 = arith.addf %get3A_581, %get3A_604 : vector<16xf32>
      %max3A_606 = arith.constant 0.000000e+00 : f32
      %max3A_607 = vector.broadcast %max3A_606 : f32 to vector<16xf32>
      %max3A_608 = arith.maximumf %add3A_605, %max3A_607 : vector<16xf32>
      %add3A_609 = arith.addf %add3A_596, %max3A_608 : vector<16xf32>
      %mul3A_610 = arith.constant 16 : i32
      %mul3A_611 = arith.muli %scan3A_351, %mul3A_610 : i32
      %add3A_612 = arith.constant 2 : i32
      %add3A_613 = arith.addi %mul3A_611, %add3A_612 : i32
      %get3A_614 = arith.index_cast %add3A_613 : i32 to index
      %get3A_615 = arith.constant 16 : index
      %get3A_616 = tpu.vector_load %arg8[%get3A_614, %get3A_615] {strides = array<i32>} : memref<2048x32xf32, #tpu.memory_space<vmem>>, vector<1x16xf32>,
      %get3A_617 = vector.shape_cast %get3A_616 : vector<1x16xf32> to vector<16xf32>
      %add3A_618 = arith.addf %get3A_581, %get3A_617 : vector<16xf32>
      %max3A_619 = arith.constant 0.000000e+00 : f32
      %max3A_620 = vector.broadcast %max3A_619 : f32 to vector<16xf32>
      %max3A_621 = arith.maximumf %add3A_618, %max3A_620 : vector<16xf32>
      %add3A_622 = arith.addf %add3A_609, %max3A_621 : vector<16xf32>
      %mul3A_623 = arith.constant 16 : i32
      %mul3A_624 = arith.muli %scan3A_351, %mul3A_623 : i32
      %add3A_625 = arith.constant 3 : i32
      %add3A_626 = arith.addi %mul3A_624, %add3A_625 : i32
      %get3A_627 = arith.index_cast %add3A_626 : i32 to index
      %get3A_628 = arith.constant 16 : index
      %get3A_629 = tpu.vector_load %arg8[%get3A_627, %get3A_628] {strides = array<i32>} : memref<2048x32xf32, #tpu.memory_space<vmem>>, vector<1x16xf32>,
      %get3A_630 = vector.shape_cast %get3A_629 : vector<1x16xf32> to vector<16xf32>
      %add3A_631 = arith.addf %get3A_581, %get3A_630 : vector<16xf32>
      %max3A_632 = arith.constant 0.000000e+00 : f32
      %max3A_633 = vector.broadcast %max3A_632 : f32 to vector<16xf32>
      %max3A_634 = arith.maximumf %add3A_631, %max3A_633 : vector<16xf32>
      %add3A_635 = arith.addf %add3A_622, %max3A_634 : vector<16xf32>
      %mul3A_636 = arith.constant 16 : i32
      %mul3A_637 = arith.muli %scan3A_351, %mul3A_636 : i32
      %add3A_638 = arith.constant 4 : i32
      %add3A_639 = arith.addi %mul3A_637, %add3A_638 : i32
      %get3A_640 = arith.index_cast %add3A_639 : i32 to index
      %get3A_641 = arith.constant 16 : index
      %get3A_642 = tpu.vector_load %arg8[%get3A_640, %get3A_641] {strides = array<i32>} : memref<2048x32xf32, #tpu.memory_space<vmem>>, vector<1x16xf32>,
      %get3A_643 = vector.shape_cast %get3A_642 : vector<1x16xf32> to vector<16xf32>
      %add3A_644 = arith.addf %get3A_581, %get3A_643 : vector<16xf32>
      %max3A_645 = arith.constant 0.000000e+00 : f32
      %max3A_646 = vector.broadcast %max3A_645 : f32 to vector<16xf32>
      %max3A_647 = arith.maximumf %add3A_644, %max3A_646 : vector<16xf32>
      %add3A_648 = arith.addf %add3A_635, %max3A_647 : vector<16xf32>
      %mul3A_649 = arith.constant 16 : i32
      %mul3A_650 = arith.muli %scan3A_351, %mul3A_649 : i32
      %add3A_651 = arith.constant 5 : i32
      %add3A_652 = arith.addi %mul3A_650, %add3A_651 : i32
      %get3A_653 = arith.index_cast %add3A_652 : i32 to index
      %get3A_654 = arith.constant 16 : index
      %get3A_655 = tpu.vector_load %arg8[%get3A_653, %get3A_654] {strides = array<i32>} : memref<2048x32xf32, #tpu.memory_space<vmem>>, vector<1x16xf32>,
      %get3A_656 = vector.shape_cast %get3A_655 : vector<1x16xf32> to vector<16xf32>
      %add3A_657 = arith.addf %get3A_581, %get3A_656 : vector<16xf32>
      %max3A_658 = arith.constant 0.000000e+00 : f32
      %max3A_659 = vector.broadcast %max3A_658 : f32 to vector<16xf32>
      %max3A_660 = arith.maximumf %add3A_657, %max3A_659 : vector<16xf32>
      %add3A_661 = arith.addf %add3A_648, %max3A_660 : vector<16xf32>
      %mul3A_662 = arith.constant 16 : i32
      %mul3A_663 = arith.muli %scan3A_351, %mul3A_662 : i32
      %add3A_664 = arith.constant 6 : i32
      %add3A_665 = arith.addi %mul3A_663, %add3A_664 : i32
      %get3A_666 = arith.index_cast %add3A_665 : i32 to index
      %get3A_667 = arith.constant 16 : index
      %get3A_668 = tpu.vector_load %arg8[%get3A_666, %get3A_667] {strides = array<i32>} : memref<2048x32xf32, #tpu.memory_space<vmem>>, vector<1x16xf32>,
      %get3A_669 = vector.shape_cast %get3A_668 : vector<1x16xf32> to vector<16xf32>
      %add3A_670 = arith.addf %get3A_581, %get3A_669 : vector<16xf32>
      %max3A_671 = arith.constant 0.000000e+00 : f32
      %max3A_672 = vector.broadcast %max3A_671 : f32 to vector<16xf32>
      %max3A_673 = arith.maximumf %add3A_670, %max3A_672 : vector<16xf32>
      %add3A_674 = arith.addf %add3A_661, %max3A_673 : vector<16xf32>
      %mul3A_675 = arith.constant 16 : i32
      %mul3A_676 = arith.muli %scan3A_351, %mul3A_675 : i32
      %add3A_677 = arith.constant 7 : i32
      %add3A_678 = arith.addi %mul3A_676, %add3A_677 : i32
      %get3A_679 = arith.index_cast %add3A_678 : i32 to index
      %get3A_680 = arith.constant 16 : index
      %get3A_681 = tpu.vector_load %arg8[%get3A_679, %get3A_680] {strides = array<i32>} : memref<2048x32xf32, #tpu.memory_space<vmem>>, vector<1x16xf32>,
      %get3A_682 = vector.shape_cast %get3A_681 : vector<1x16xf32> to vector<16xf32>
      %add3A_683 = arith.addf %get3A_581, %get3A_682 : vector<16xf32>
      %max3A_684 = arith.constant 0.000000e+00 : f32
      %max3A_685 = vector.broadcast %max3A_684 : f32 to vector<16xf32>
      %max3A_686 = arith.maximumf %add3A_683, %max3A_685 : vector<16xf32>
      %add3A_687 = arith.addf %add3A_674, %max3A_686 : vector<16xf32>
      %mul3A_688 = arith.constant 16 : i32
      %mul3A_689 = arith.muli %scan3A_351, %mul3A_688 : i32
      %add3A_690 = arith.constant 8 : i32
      %add3A_691 = arith.addi %mul3A_689, %add3A_690 : i32
      %get3A_692 = arith.index_cast %add3A_691 : i32 to index
      %get3A_693 = arith.constant 16 : index
      %get3A_694 = tpu.vector_load %arg8[%get3A_692, %get3A_693] {strides = array<i32>} : memref<2048x32xf32, #tpu.memory_space<vmem>>, vector<1x16xf32>,
      %get3A_695 = vector.shape_cast %get3A_694 : vector<1x16xf32> to vector<16xf32>
      %add3A_696 = arith.addf %get3A_581, %get3A_695 : vector<16xf32>
      %max3A_697 = arith.constant 0.000000e+00 : f32
      %max3A_698 = vector.broadcast %max3A_697 : f32 to vector<16xf32>
      %max3A_699 = arith.maximumf %add3A_696, %max3A_698 : vector<16xf32>
      %add3A_700 = arith.addf %add3A_687, %max3A_699 : vector<16xf32>
      %mul3A_701 = arith.constant 16 : i32
      %mul3A_702 = arith.muli %scan3A_351, %mul3A_701 : i32
      %add3A_703 = arith.constant 9 : i32
      %add3A_704 = arith.addi %mul3A_702, %add3A_703 : i32
      %get3A_705 = arith.index_cast %add3A_704 : i32 to index
      %get3A_706 = arith.constant 16 : index
      %get3A_707 = tpu.vector_load %arg8[%get3A_705, %get3A_706] {strides = array<i32>} : memref<2048x32xf32, #tpu.memory_space<vmem>>, vector<1x16xf32>,
      %get3A_708 = vector.shape_cast %get3A_707 : vector<1x16xf32> to vector<16xf32>
      %add3A_709 = arith.addf %get3A_581, %get3A_708 : vector<16xf32>
      %max3A_710 = arith.constant 0.000000e+00 : f32
      %max3A_711 = vector.broadcast %max3A_710 : f32 to vector<16xf32>
      %max3A_712 = arith.maximumf %add3A_709, %max3A_711 : vector<16xf32>
      %add3A_713 = arith.addf %add3A_700, %max3A_712 : vector<16xf32>
      %mul3A_714 = arith.constant 16 : i32
      %mul3A_715 = arith.muli %scan3A_351, %mul3A_714 : i32
      %add3A_716 = arith.constant 10 : i32
      %add3A_717 = arith.addi %mul3A_715, %add3A_716 : i32
      %get3A_718 = arith.index_cast %add3A_717 : i32 to index
      %get3A_719 = arith.constant 16 : index
      %get3A_720 = tpu.vector_load %arg8[%get3A_718, %get3A_719] {strides = array<i32>} : memref<2048x32xf32, #tpu.memory_space<vmem>>, vector<1x16xf32>,
      %get3A_721 = vector.shape_cast %get3A_720 : vector<1x16xf32> to vector<16xf32>
      %add3A_722 = arith.addf %get3A_581, %get3A_721 : vector<16xf32>
      %max3A_723 = arith.constant 0.000000e+00 : f32
      %max3A_724 = vector.broadcast %max3A_723 : f32 to vector<16xf32>
      %max3A_725 = arith.maximumf %add3A_722, %max3A_724 : vector<16xf32>
      %add3A_726 = arith.addf %add3A_713, %max3A_725 : vector<16xf32>
      %mul3A_727 = arith.constant 16 : i32
      %mul3A_728 = arith.muli %scan3A_351, %mul3A_727 : i32
      %add3A_729 = arith.constant 11 : i32
      %add3A_730 = arith.addi %mul3A_728, %add3A_729 : i32
      %get3A_731 = arith.index_cast %add3A_730 : i32 to index
      %get3A_732 = arith.constant 16 : index
      %get3A_733 = tpu.vector_load %arg8[%get3A_731, %get3A_732] {strides = array<i32>} : memref<2048x32xf32, #tpu.memory_space<vmem>>, vector<1x16xf32>,
      %get3A_734 = vector.shape_cast %get3A_733 : vector<1x16xf32> to vector<16xf32>
      %add3A_735 = arith.addf %get3A_581, %get3A_734 : vector<16xf32>
      %max3A_736 = arith.constant 0.000000e+00 : f32
      %max3A_737 = vector.broadcast %max3A_736 : f32 to vector<16xf32>
      %max3A_738 = arith.maximumf %add3A_735, %max3A_737 : vector<16xf32>
      %add3A_739 = arith.addf %add3A_726, %max3A_738 : vector<16xf32>
      %mul3A_740 = arith.constant 16 : i32
      %mul3A_741 = arith.muli %scan3A_351, %mul3A_740 : i32
      %add3A_742 = arith.constant 12 : i32
      %add3A_743 = arith.addi %mul3A_741, %add3A_742 : i32
      %get3A_744 = arith.index_cast %add3A_743 : i32 to index
      %get3A_745 = arith.constant 16 : index
      %get3A_746 = tpu.vector_load %arg8[%get3A_744, %get3A_745] {strides = array<i32>} : memref<2048x32xf32, #tpu.memory_space<vmem>>, vector<1x16xf32>,
      %get3A_747 = vector.shape_cast %get3A_746 : vector<1x16xf32> to vector<16xf32>
      %add3A_748 = arith.addf %get3A_581, %get3A_747 : vector<16xf32>
      %max3A_749 = arith.constant 0.000000e+00 : f32
      %max3A_750 = vector.broadcast %max3A_749 : f32 to vector<16xf32>
      %max3A_751 = arith.maximumf %add3A_748, %max3A_750 : vector<16xf32>
      %add3A_752 = arith.addf %add3A_739, %max3A_751 : vector<16xf32>
      %mul3A_753 = arith.constant 16 : i32
      %mul3A_754 = arith.muli %scan3A_351, %mul3A_753 : i32
      %add3A_755 = arith.constant 13 : i32
      %add3A_756 = arith.addi %mul3A_754, %add3A_755 : i32
      %get3A_757 = arith.index_cast %add3A_756 : i32 to index
      %get3A_758 = arith.constant 16 : index
      %get3A_759 = tpu.vector_load %arg8[%get3A_757, %get3A_758] {strides = array<i32>} : memref<2048x32xf32, #tpu.memory_space<vmem>>, vector<1x16xf32>,
      %get3A_760 = vector.shape_cast %get3A_759 : vector<1x16xf32> to vector<16xf32>
      %add3A_761 = arith.addf %get3A_581, %get3A_760 : vector<16xf32>
      %max3A_762 = arith.constant 0.000000e+00 : f32
      %max3A_763 = vector.broadcast %max3A_762 : f32 to vector<16xf32>
      %max3A_764 = arith.maximumf %add3A_761, %max3A_763 : vector<16xf32>
      %add3A_765 = arith.addf %add3A_752, %max3A_764 : vector<16xf32>
      %mul3A_766 = arith.constant 16 : i32
      %mul3A_767 = arith.muli %scan3A_351, %mul3A_766 : i32
      %add3A_768 = arith.constant 14 : i32
      %add3A_769 = arith.addi %mul3A_767, %add3A_768 : i32
      %get3A_770 = arith.index_cast %add3A_769 : i32 to index
      %get3A_771 = arith.constant 16 : index
      %get3A_772 = tpu.vector_load %arg8[%get3A_770, %get3A_771] {strides = array<i32>} : memref<2048x32xf32, #tpu.memory_space<vmem>>, vector<1x16xf32>,
      %get3A_773 = vector.shape_cast %get3A_772 : vector<1x16xf32> to vector<16xf32>
      %add3A_774 = arith.addf %get3A_581, %get3A_773 : vector<16xf32>
      %max3A_775 = arith.constant 0.000000e+00 : f32
      %max3A_776 = vector.broadcast %max3A_775 : f32 to vector<16xf32>
      %max3A_777 = arith.maximumf %add3A_774, %max3A_776 : vector<16xf32>
      %add3A_778 = arith.addf %add3A_765, %max3A_777 : vector<16xf32>
      %mul3A_779 = arith.constant 16 : i32
      %mul3A_780 = arith.muli %scan3A_351, %mul3A_779 : i32
      %add3A_781 = arith.constant 15 : i32
      %add3A_782 = arith.addi %mul3A_780, %add3A_781 : i32
      %get3A_783 = arith.index_cast %add3A_782 : i32 to index
      %get3A_784 = arith.constant 16 : index
      %get3A_785 = tpu.vector_load %arg8[%get3A_783, %get3A_784] {strides = array<i32>} : memref<2048x32xf32, #tpu.memory_space<vmem>>, vector<1x16xf32>,
      %get3A_786 = vector.shape_cast %get3A_785 : vector<1x16xf32> to vector<16xf32>
      %add3A_787 = arith.addf %get3A_581, %get3A_786 : vector<16xf32>
      %max3A_788 = arith.constant 0.000000e+00 : f32
      %max3A_789 = vector.broadcast %max3A_788 : f32 to vector<16xf32>
      %max3A_790 = arith.maximumf %add3A_787, %max3A_789 : vector<16xf32>
      %add3A_791 = arith.addf %add3A_778, %max3A_790 : vector<16xf32>
      %get3A_792 = arith.index_cast %scan3A_351 : i32 to index
      %get3A_793 = arith.constant 16 : index
      %get3A_794 = tpu.vector_load %arg10[%get3A_792, %get3A_793] {strides = array<i32>} : memref<128x32xf32, #tpu.memory_space<vmem>>, vector<1x16xf32>,
      %get3A_795 = vector.shape_cast %get3A_794 : vector<1x16xf32> to vector<16xf32>
      %mul3A_796 = arith.constant 6.250000e-02 : f32
      %mul3A_797 = vector.broadcast %mul3A_796 : f32 to vector<16xf32>
      %mul3A_798 = arith.mulf %add3A_791, %mul3A_797 : vector<16xf32>
      %add3A_799 = arith.addf %get3A_795, %mul3A_798 : vector<16xf32>
      %max3A_800 = arith.constant 0.000000e+00 : f32
      %max3A_801 = vector.broadcast %max3A_800 : f32 to vector<16xf32>
      %max3A_802 = arith.maximumf %add3A_799, %max3A_801 : vector<16xf32>
      %swap3A_803 = arith.index_cast %scan3A_351 : i32 to index
      %swap3A_804 = arith.constant 16 : index
      %swap3A_805 = tpu.vector_load %arg11[%swap3A_803, %swap3A_804] {strides = array<i32>} : memref<128x32xf32, #tpu.memory_space<vmem>>, vector<1x16xf32>,
      %swap3A_806 = vector.shape_cast %swap3A_805 : vector<1x16xf32> to vector<16xf32>
      %swap3A_807 = vector.shape_cast %max3A_802 : vector<16xf32> to vector<1x16xf32>
      tpu.vector_store %arg11[%swap3A_803, %swap3A_804], %swap3A_807 {strides = array<i32>} : memref<128x32xf32, #tpu.memory_space<vmem>>, vector<1x16xf32>,
    }
    %scan3A_349 = arith.constant 128 : i32
    "tpu.region"() ({
      %run_scoped3A = tpu.sem_alloc : memref<!tpu.dma_semaphore, #tpu.memory_space<semaphore_mem>>
      %dma_start3A_351 = arith.constant 0 : i32
      %dma_start3A_352 = tpu.memref_slice %arg6[%multiple_of3A, %dma_start3A_351] : memref<4096x32xf32, #tpu.memory_space<hbm>> -> memref<128x32xf32, #tpu.memory_space<hbm>>
      %dma_start3A_353 = arith.constant 0 : i32
      %dma_start3A_354 = tpu.memref_slice %arg6[%multiple_of3A, %dma_start3A_353] : memref<4096x32xf32, #tpu.memory_space<hbm>> -> memref<128x32xf32, #tpu.memory_space<hbm>>
      tpu.enqueue_dma source(%arg11 : memref<128x32xf32, #tpu.memory_space<vmem>>) target(%dma_start3A_354 : memref<128x32xf32, #tpu.memory_space<hbm>>) target_semaphore(%run_scoped3A : memref<!tpu.dma_semaphore, #tpu.memory_space<semaphore_mem>>)
      %dma_wait3A_355 = arith.constant 0 : i32
      %dma_wait3A_356 = tpu.memref_slice %arg6[%multiple_of3A, %dma_wait3A_355] : memref<4096x32xf32, #tpu.memory_space<hbm>> -> memref<128x32xf32, #tpu.memory_space<hbm>>
      %dma_wait3A_357 = arith.constant 0 : i32
      %dma_wait3A_358 = tpu.memref_slice %arg6[%multiple_of3A, %dma_wait3A_357] : memref<4096x32xf32, #tpu.memory_space<hbm>> -> memref<128x32xf32, #tpu.memory_space<hbm>>
      tpu.wait_dma2 semaphore(%run_scoped3A : memref<!tpu.dma_semaphore, #tpu.memory_space<semaphore_mem>>) src(%arg11 : memref<128x32xf32, #tpu.memory_space<vmem>>) dst(%dma_wait3A_358 : memref<128x32xf32, #tpu.memory_space<hbm>>)
      tpu.yield
    }) : () -> ()
    %scan3A_350 = arith.constant 1 : i32
    return
  }
}

module attributes {stable_mosaic.version = 14 : i64} {
  func.func @_topk_linear_kernel(%arg0: i32, %arg1: i32, %arg2: memref<1x3x4096xf32, #tpu.memory_space<vmem>>, %arg3: memref<1x512x3xf32, #tpu.memory_space<vmem>>, %arg4: memref<1x32x512xf32, #tpu.memory_space<vmem>>, %arg5: memref<32x32xf32, #tpu.memory_space<vmem>>, %arg6: memref<32x32xf32, #tpu.memory_space<vmem>>, %arg7: memref<1x32xf32, #tpu.memory_space<vmem>>, %arg8: memref<1x512x16xi32, #tpu.memory_space<vmem>>, %arg9: memref<1x512x32xf32, #tpu.memory_space<vmem>>, %arg10: memref<1x512x32xf32, #tpu.memory_space<vmem>>, %arg11: memref<1x512x32xf32, #tpu.memory_space<vmem>>) attributes {dimension_semantics = [#tpu.dimension_semantics<arbitrary>, #tpu.dimension_semantics<arbitrary>], iteration_bounds = array<i64: 1, 8>, scalar_prefetch = 0 : i64, scratch_operands = 0 : i64, tpu.core_type = #tpu.core_type<tc>, window_params = [{transform_indices = @transform_0, window_bounds = array<i64: 1, 3, 4096>}, {transform_indices = @transform_1, window_bounds = array<i64: 1, 512, 3>}, {transform_indices = @transform_2, window_bounds = array<i64: 1, 32, 512>}, {pipeline_mode = #tpu.pipeline_mode<synchronous>, transform_indices = @transform_3, window_bounds = array<i64: 32, 32>}, {pipeline_mode = #tpu.pipeline_mode<synchronous>, transform_indices = @transform_4, window_bounds = array<i64: 32, 32>}, {pipeline_mode = #tpu.pipeline_mode<synchronous>, transform_indices = @transform_5, window_bounds = array<i64: 1, 32>}, {transform_indices = @transform_6, window_bounds = array<i64: 1, 512, 16>}, {transform_indices = @transform_7, window_bounds = array<i64: 1, 512, 32>}, {transform_indices = @transform_8, window_bounds = array<i64: 1, 512, 32>}, {transform_indices = @transform_9, window_bounds = array<i64: 1, 512, 32>}]} {
    %get3A = arith.constant 0 : index
    %get3A_0 = arith.constant 0 : index
    %get3A_1 = arith.constant 0 : index
    %get3A_2 = vector.load %arg2[%get3A, %get3A_0, %get3A_1] : memref<1x3x4096xf32, #tpu.memory_space<vmem>>, vector<1x1x4096xf32>
    %get3A_3 = vector.shape_cast %get3A_2 : vector<1x1x4096xf32> to vector<1x4096xf32>
    %get3A_4 = arith.constant 0 : index
    %get3A_5 = arith.constant 1 : index
    %get3A_6 = arith.constant 0 : index
    %get3A_7 = vector.load %arg2[%get3A_4, %get3A_5, %get3A_6] : memref<1x3x4096xf32, #tpu.memory_space<vmem>>, vector<1x1x4096xf32>
    %get3A_8 = vector.shape_cast %get3A_7 : vector<1x1x4096xf32> to vector<1x4096xf32>
    %get3A_9 = arith.constant 0 : index
    %get3A_10 = arith.constant 2 : index
    %get3A_11 = arith.constant 0 : index
    %get3A_12 = vector.load %arg2[%get3A_9, %get3A_10, %get3A_11] : memref<1x3x4096xf32, #tpu.memory_space<vmem>>, vector<1x1x4096xf32>
    %get3A_13 = vector.shape_cast %get3A_12 : vector<1x1x4096xf32> to vector<1x4096xf32>
    %mul3A = arith.mulf %get3A_3, %get3A_3 : vector<1x4096xf32>
    %mul3A_14 = arith.mulf %get3A_8, %get3A_8 : vector<1x4096xf32>
    %add3A = arith.addf %mul3A, %mul3A_14 : vector<1x4096xf32>
    %mul3A_15 = arith.mulf %get3A_13, %get3A_13 : vector<1x4096xf32>
    %add3A_16 = arith.addf %add3A, %mul3A_15 : vector<1x4096xf32>
    %get3A_17 = arith.constant 0 : index
    %get3A_18 = arith.constant 0 : index
    %get3A_19 = arith.constant 0 : index
    %get3A_20 = vector.load %arg3[%get3A_17, %get3A_18, %get3A_19] : memref<1x512x3xf32, #tpu.memory_space<vmem>>, vector<1x512x1xf32>
    %get3A_21 = vector.shape_cast %get3A_20 : vector<1x512x1xf32> to vector<512x1xf32>
    %get3A_22 = arith.constant 0 : index
    %get3A_23 = arith.constant 0 : index
    %get3A_24 = arith.constant 1 : index
    %get3A_25 = vector.load %arg3[%get3A_22, %get3A_23, %get3A_24] : memref<1x512x3xf32, #tpu.memory_space<vmem>>, vector<1x512x1xf32>
    %get3A_26 = vector.shape_cast %get3A_25 : vector<1x512x1xf32> to vector<512x1xf32>
    %get3A_27 = arith.constant 0 : index
    %get3A_28 = arith.constant 0 : index
    %get3A_29 = arith.constant 2 : index
    %get3A_30 = vector.load %arg3[%get3A_27, %get3A_28, %get3A_29] : memref<1x512x3xf32, #tpu.memory_space<vmem>>, vector<1x512x1xf32>
    %get3A_31 = vector.shape_cast %get3A_30 : vector<1x512x1xf32> to vector<512x1xf32>
    %mul3A_32 = arith.mulf %get3A_21, %get3A_21 : vector<512x1xf32>
    %mul3A_33 = arith.mulf %get3A_26, %get3A_26 : vector<512x1xf32>
    %add3A_34 = arith.addf %mul3A_32, %mul3A_33 : vector<512x1xf32>
    %mul3A_35 = arith.mulf %get3A_31, %get3A_31 : vector<512x1xf32>
    %add3A_36 = arith.addf %add3A_34, %mul3A_35 : vector<512x1xf32>
    %get3A_37 = arith.constant 0 : index
    %get3A_38 = arith.constant 0 : index
    %get3A_39 = arith.constant 0 : index
    %get3A_40 = vector.load %arg3[%get3A_37, %get3A_38, %get3A_39] : memref<1x512x3xf32, #tpu.memory_space<vmem>>, vector<1x512x3xf32>
    %get3A_41 = vector.shape_cast %get3A_40 : vector<1x512x3xf32> to vector<512x3xf32>
    %get3A_42 = arith.constant 0 : index
    %get3A_43 = arith.constant 0 : index
    %get3A_44 = arith.constant 0 : index
    %get3A_45 = vector.load %arg2[%get3A_42, %get3A_43, %get3A_44] : memref<1x3x4096xf32, #tpu.memory_space<vmem>>, vector<1x3x4096xf32>
    %get3A_46 = vector.shape_cast %get3A_45 : vector<1x3x4096xf32> to vector<3x4096xf32>
    %dot_general3A = arith.constant dense<0.000000e+00> : vector<512x4096xf32>
    %dot_general3A_47 = tpu.matmul %get3A_41, %get3A_46, %dot_general3A {dimension_numbers = #tpu.dot_dimension_numbers<[1], [0], [0], [1], [0, 0, 1, 1], [], []>, transpose_lhs_hint = false} : vector<512x3xf32>, vector<3x4096xf32>, vector<512x4096xf32> -> vector<512x4096xf32>
    %neg3A = arith.constant 0.000000e+00 : f32
    %neg3A_48 = vector.broadcast %neg3A : f32 to vector<512x1xf32>
    %neg3A_49 = arith.subf %neg3A_48, %add3A_36 : vector<512x1xf32>
    %mul3A_50 = arith.constant 2.000000e+00 : f32
    %mul3A_51 = vector.broadcast %mul3A_50 : f32 to vector<512x4096xf32>
    %mul3A_52 = arith.mulf %mul3A_51, %dot_general3A_47 : vector<512x4096xf32>
    %add3A_53 = vector.broadcast %neg3A_49 : vector<512x1xf32> to vector<512x4096xf32>
    %add3A_54 = arith.addf %add3A_53, %mul3A_52 : vector<512x4096xf32>
    %sub3A = vector.broadcast %add3A_16 : vector<1x4096xf32> to vector<512x4096xf32>
    %sub3A_55 = arith.subf %add3A_54, %sub3A : vector<512x4096xf32>
    %iota3A = tpu.iota {dimensions = array<i32: 1>} : vector<512x4096xi32>
    %bitcast_convert_type3A = tpu.bitcast %sub3A_55 : vector<512x4096xf32> -> vector<512x4096xi32>
    %lt3A = arith.constant 0 : i32
    %lt3A_56 = vector.broadcast %lt3A : i32 to vector<512x4096xi32>
    %lt3A_57 = arith.cmpi slt, %bitcast_convert_type3A, %lt3A_56 : vector<512x4096xi32>
    %and3A = arith.constant 4095 : i32
    %and3A_58 = vector.broadcast %and3A : i32 to vector<512x4096xi32>
    %and3A_59 = arith.andi %iota3A, %and3A_58 : vector<512x4096xi32>
    %not3A = arith.constant dense<-1> : vector<512x4096xi32>
    %not3A_60 = arith.xori %iota3A, %not3A : vector<512x4096xi32>
    %and3A_61 = arith.constant 4095 : i32
    %and3A_62 = vector.broadcast %and3A_61 : i32 to vector<512x4096xi32>
    %and3A_63 = arith.andi %not3A_60, %and3A_62 : vector<512x4096xi32>
    %select_n3A = arith.select %lt3A_57, %and3A_59, %and3A_63 : vector<512x4096xi1>, vector<512x4096xi32>
    %and3A_64 = arith.constant -4096 : i32
    %and3A_65 = vector.broadcast %and3A_64 : i32 to vector<512x4096xi32>
    %and3A_66 = arith.andi %bitcast_convert_type3A, %and3A_65 : vector<512x4096xi32>
    %or3A = arith.ori %and3A_66, %select_n3A : vector<512x4096xi32>
    %bitcast_convert_type3A_67 = tpu.bitcast %or3A : vector<512x4096xi32> -> vector<512x4096xf32>
    %mul3A_68 = arith.constant 4096 : i32
    %mul3A_69 = arith.muli %arg0, %mul3A_68 : i32
    %slice3A = vector.extract_strided_slice %bitcast_convert_type3A_67 {offsets = [0, 0], sizes = [512, 1024], strides = [1, 1]} : vector<512x4096xf32> to vector<512x1024xf32>
    %slice3A_70 = vector.extract_strided_slice %bitcast_convert_type3A_67 {offsets = [0, 1024], sizes = [512, 1024], strides = [1, 1]} : vector<512x4096xf32> to vector<512x1024xf32>
    %slice3A_71 = vector.extract_strided_slice %bitcast_convert_type3A_67 {offsets = [0, 2048], sizes = [512, 1024], strides = [1, 1]} : vector<512x4096xf32> to vector<512x1024xf32>
    %slice3A_72 = vector.extract_strided_slice %bitcast_convert_type3A_67 {offsets = [0, 3072], sizes = [512, 1024], strides = [1, 1]} : vector<512x4096xf32> to vector<512x1024xf32>
    %max3A = arith.maximumf %slice3A, %slice3A_70 : vector<512x1024xf32>
    %min3A = arith.minimumf %slice3A, %slice3A_70 : vector<512x1024xf32>
    %max3A_73 = arith.maximumf %slice3A_71, %slice3A_72 : vector<512x1024xf32>
    %min3A_74 = arith.minimumf %slice3A_71, %slice3A_72 : vector<512x1024xf32>
    %max3A_75 = arith.maximumf %max3A, %max3A_73 : vector<512x1024xf32>
    %min3A_76 = arith.minimumf %min3A, %min3A_74 : vector<512x1024xf32>
    %min3A_77 = arith.minimumf %max3A, %max3A_73 : vector<512x1024xf32>
    %max3A_78 = arith.maximumf %min3A, %min3A_74 : vector<512x1024xf32>
    %max3A_79 = arith.maximumf %min3A_77, %max3A_78 : vector<512x1024xf32>
    %min3A_80 = arith.minimumf %min3A_77, %max3A_78 : vector<512x1024xf32>
    %reduce_max3A = arith.constant dense<0xFF800000> : vector<512xf32>
    %reduce_max3A_81 = vector.multi_reduction <maximumf>, %max3A_75, %reduce_max3A [1] : vector<512x1024xf32> to vector<512xf32>
    %broadcast_in_dim3A = vector.shape_cast %reduce_max3A_81 : vector<512xf32> to vector<512x1xf32>
    %lt3A_82 = vector.broadcast %broadcast_in_dim3A : vector<512x1xf32> to vector<512x1024xf32>
    %lt3A_83 = arith.cmpf olt, %max3A_75, %lt3A_82 : vector<512x1024xf32>
    %lt3A_84 = vector.broadcast %broadcast_in_dim3A : vector<512x1xf32> to vector<512x1024xf32>
    %lt3A_85 = arith.cmpf olt, %max3A_79, %lt3A_84 : vector<512x1024xf32>
    %lt3A_86 = vector.broadcast %broadcast_in_dim3A : vector<512x1xf32> to vector<512x1024xf32>
    %lt3A_87 = arith.cmpf olt, %min3A_80, %lt3A_86 : vector<512x1024xf32>
    %lt3A_88 = vector.broadcast %broadcast_in_dim3A : vector<512x1xf32> to vector<512x1024xf32>
    %lt3A_89 = arith.cmpf olt, %min3A_76, %lt3A_88 : vector<512x1024xf32>
    %jit3A = arith.constant 0xFF800000 : f32
    %broadcast_in_dim3A_90 = vector.broadcast %jit3A : f32 to vector<512x1024xf32>
    %select_n3A_91 = arith.select %lt3A_89, %min3A_76, %broadcast_in_dim3A_90 : vector<512x1024xi1>, vector<512x1024xf32>
    %select_n3A_92 = arith.select %lt3A_87, %min3A_80, %select_n3A_91 : vector<512x1024xi1>, vector<512x1024xf32>
    %select_n3A_93 = arith.select %lt3A_85, %max3A_79, %select_n3A_92 : vector<512x1024xi1>, vector<512x1024xf32>
    %select_n3A_94 = arith.select %lt3A_83, %max3A_75, %select_n3A_93 : vector<512x1024xi1>, vector<512x1024xf32>
    %reduce_max3A_95 = arith.constant dense<0xFF800000> : vector<512xf32>
    %reduce_max3A_96 = vector.multi_reduction <maximumf>, %select_n3A_94, %reduce_max3A_95 [1] : vector<512x1024xf32> to vector<512xf32>
    %broadcast_in_dim3A_97 = vector.shape_cast %reduce_max3A_96 : vector<512xf32> to vector<512x1xf32>
    %bitcast_convert_type3A_98 = tpu.bitcast %broadcast_in_dim3A_97 : vector<512x1xf32> -> vector<512x1xi32>
    %and3A_99 = arith.constant 4095 : i32
    %and3A_100 = vector.broadcast %and3A_99 : i32 to vector<512x1xi32>
    %and3A_101 = arith.andi %bitcast_convert_type3A_98, %and3A_100 : vector<512x1xi32>
    %lt3A_102 = arith.constant 0 : i32
    %lt3A_103 = vector.broadcast %lt3A_102 : i32 to vector<512x1xi32>
    %lt3A_104 = arith.cmpi slt, %bitcast_convert_type3A_98, %lt3A_103 : vector<512x1xi32>
    %sub3A_105 = arith.constant 4095 : i32
    %sub3A_106 = vector.broadcast %sub3A_105 : i32 to vector<512x1xi32>
    %sub3A_107 = arith.subi %sub3A_106, %and3A_101 : vector<512x1xi32>
    %select_n3A_108 = arith.select %lt3A_104, %and3A_101, %sub3A_107 : vector<512x1xi1>, vector<512x1xi32>
    %add3A_109 = vector.broadcast %mul3A_69 : i32 to vector<512x1xi32>
    %add3A_110 = arith.addi %select_n3A_108, %add3A_109 : vector<512x1xi32>
    %swap3A = arith.constant 0 : index
    %swap3A_111 = arith.constant 0 : index
    %swap3A_112 = arith.constant 0 : index
    %swap3A_113 = vector.load %arg8[%swap3A, %swap3A_111, %swap3A_112] : memref<1x512x16xi32, #tpu.memory_space<vmem>>, vector<1x512x1xi32>
    %swap3A_114 = vector.shape_cast %swap3A_113 : vector<1x512x1xi32> to vector<512x1xi32>
    %swap3A_115 = vector.shape_cast %add3A_110 : vector<512x1xi32> to vector<1x512x1xi32>
    tpu.vector_store %arg8[%swap3A, %swap3A_111, %swap3A_112], %swap3A_115 {strides = array<i32>} : memref<1x512x16xi32, #tpu.memory_space<vmem>>, vector<1x512x1xi32>,
    %lt3A_116 = vector.broadcast %broadcast_in_dim3A_97 : vector<512x1xf32> to vector<512x1024xf32>
    %lt3A_117 = arith.cmpf olt, %max3A_75, %lt3A_116 : vector<512x1024xf32>
    %lt3A_118 = vector.broadcast %broadcast_in_dim3A_97 : vector<512x1xf32> to vector<512x1024xf32>
    %lt3A_119 = arith.cmpf olt, %max3A_79, %lt3A_118 : vector<512x1024xf32>
    %lt3A_120 = vector.broadcast %broadcast_in_dim3A_97 : vector<512x1xf32> to vector<512x1024xf32>
    %lt3A_121 = arith.cmpf olt, %min3A_80, %lt3A_120 : vector<512x1024xf32>
    %lt3A_122 = vector.broadcast %broadcast_in_dim3A_97 : vector<512x1xf32> to vector<512x1024xf32>
    %lt3A_123 = arith.cmpf olt, %min3A_76, %lt3A_122 : vector<512x1024xf32>
    %jit3A_124 = arith.constant 0xFF800000 : f32
    %broadcast_in_dim3A_125 = vector.broadcast %jit3A_124 : f32 to vector<512x1024xf32>
    %select_n3A_126 = arith.select %lt3A_123, %min3A_76, %broadcast_in_dim3A_125 : vector<512x1024xi1>, vector<512x1024xf32>
    %select_n3A_127 = arith.select %lt3A_121, %min3A_80, %select_n3A_126 : vector<512x1024xi1>, vector<512x1024xf32>
    %select_n3A_128 = arith.select %lt3A_119, %max3A_79, %select_n3A_127 : vector<512x1024xi1>, vector<512x1024xf32>
    %select_n3A_129 = arith.select %lt3A_117, %max3A_75, %select_n3A_128 : vector<512x1024xi1>, vector<512x1024xf32>
    %reduce_max3A_130 = arith.constant dense<0xFF800000> : vector<512xf32>
    %reduce_max3A_131 = vector.multi_reduction <maximumf>, %select_n3A_129, %reduce_max3A_130 [1] : vector<512x1024xf32> to vector<512xf32>
    %broadcast_in_dim3A_132 = vector.shape_cast %reduce_max3A_131 : vector<512xf32> to vector<512x1xf32>
    %bitcast_convert_type3A_133 = tpu.bitcast %broadcast_in_dim3A_132 : vector<512x1xf32> -> vector<512x1xi32>
    %and3A_134 = arith.constant 4095 : i32
    %and3A_135 = vector.broadcast %and3A_134 : i32 to vector<512x1xi32>
    %and3A_136 = arith.andi %bitcast_convert_type3A_133, %and3A_135 : vector<512x1xi32>
    %lt3A_137 = arith.constant 0 : i32
    %lt3A_138 = vector.broadcast %lt3A_137 : i32 to vector<512x1xi32>
    %lt3A_139 = arith.cmpi slt, %bitcast_convert_type3A_133, %lt3A_138 : vector<512x1xi32>
    %sub3A_140 = arith.constant 4095 : i32
    %sub3A_141 = vector.broadcast %sub3A_140 : i32 to vector<512x1xi32>
    %sub3A_142 = arith.subi %sub3A_141, %and3A_136 : vector<512x1xi32>
    %select_n3A_143 = arith.select %lt3A_139, %and3A_136, %sub3A_142 : vector<512x1xi1>, vector<512x1xi32>
    %add3A_144 = vector.broadcast %mul3A_69 : i32 to vector<512x1xi32>
    %add3A_145 = arith.addi %select_n3A_143, %add3A_144 : vector<512x1xi32>
    %swap3A_146 = arith.constant 0 : index
    %swap3A_147 = arith.constant 0 : index
    %swap3A_148 = arith.constant 1 : index
    %swap3A_149 = vector.load %arg8[%swap3A_146, %swap3A_147, %swap3A_148] : memref<1x512x16xi32, #tpu.memory_space<vmem>>, vector<1x512x1xi32>
    %swap3A_150 = vector.shape_cast %swap3A_149 : vector<1x512x1xi32> to vector<512x1xi32>
    %swap3A_151 = vector.shape_cast %add3A_145 : vector<512x1xi32> to vector<1x512x1xi32>
    tpu.vector_store %arg8[%swap3A_146, %swap3A_147, %swap3A_148], %swap3A_151 {strides = array<i32>} : memref<1x512x16xi32, #tpu.memory_space<vmem>>, vector<1x512x1xi32>,
    %lt3A_152 = vector.broadcast %broadcast_in_dim3A_132 : vector<512x1xf32> to vector<512x1024xf32>
    %lt3A_153 = arith.cmpf olt, %max3A_75, %lt3A_152 : vector<512x1024xf32>
    %lt3A_154 = vector.broadcast %broadcast_in_dim3A_132 : vector<512x1xf32> to vector<512x1024xf32>
    %lt3A_155 = arith.cmpf olt, %max3A_79, %lt3A_154 : vector<512x1024xf32>
    %lt3A_156 = vector.broadcast %broadcast_in_dim3A_132 : vector<512x1xf32> to vector<512x1024xf32>
    %lt3A_157 = arith.cmpf olt, %min3A_80, %lt3A_156 : vector<512x1024xf32>
    %lt3A_158 = vector.broadcast %broadcast_in_dim3A_132 : vector<512x1xf32> to vector<512x1024xf32>
    %lt3A_159 = arith.cmpf olt, %min3A_76, %lt3A_158 : vector<512x1024xf32>
    %jit3A_160 = arith.constant 0xFF800000 : f32
    %broadcast_in_dim3A_161 = vector.broadcast %jit3A_160 : f32 to vector<512x1024xf32>
    %select_n3A_162 = arith.select %lt3A_159, %min3A_76, %broadcast_in_dim3A_161 : vector<512x1024xi1>, vector<512x1024xf32>
    %select_n3A_163 = arith.select %lt3A_157, %min3A_80, %select_n3A_162 : vector<512x1024xi1>, vector<512x1024xf32>
    %select_n3A_164 = arith.select %lt3A_155, %max3A_79, %select_n3A_163 : vector<512x1024xi1>, vector<512x1024xf32>
    %select_n3A_165 = arith.select %lt3A_153, %max3A_75, %select_n3A_164 : vector<512x1024xi1>, vector<512x1024xf32>
    %reduce_max3A_166 = arith.constant dense<0xFF800000> : vector<512xf32>
    %reduce_max3A_167 = vector.multi_reduction <maximumf>, %select_n3A_165, %reduce_max3A_166 [1] : vector<512x1024xf32> to vector<512xf32>
    %broadcast_in_dim3A_168 = vector.shape_cast %reduce_max3A_167 : vector<512xf32> to vector<512x1xf32>
    %bitcast_convert_type3A_169 = tpu.bitcast %broadcast_in_dim3A_168 : vector<512x1xf32> -> vector<512x1xi32>
    %and3A_170 = arith.constant 4095 : i32
    %and3A_171 = vector.broadcast %and3A_170 : i32 to vector<512x1xi32>
    %and3A_172 = arith.andi %bitcast_convert_type3A_169, %and3A_171 : vector<512x1xi32>
    %lt3A_173 = arith.constant 0 : i32
    %lt3A_174 = vector.broadcast %lt3A_173 : i32 to vector<512x1xi32>
    %lt3A_175 = arith.cmpi slt, %bitcast_convert_type3A_169, %lt3A_174 : vector<512x1xi32>
    %sub3A_176 = arith.constant 4095 : i32
    %sub3A_177 = vector.broadcast %sub3A_176 : i32 to vector<512x1xi32>
    %sub3A_178 = arith.subi %sub3A_177, %and3A_172 : vector<512x1xi32>
    %select_n3A_179 = arith.select %lt3A_175, %and3A_172, %sub3A_178 : vector<512x1xi1>, vector<512x1xi32>
    %add3A_180 = vector.broadcast %mul3A_69 : i32 to vector<512x1xi32>
    %add3A_181 = arith.addi %select_n3A_179, %add3A_180 : vector<512x1xi32>
    %swap3A_182 = arith.constant 0 : index
    %swap3A_183 = arith.constant 0 : index
    %swap3A_184 = arith.constant 2 : index
    %swap3A_185 = vector.load %arg8[%swap3A_182, %swap3A_183, %swap3A_184] : memref<1x512x16xi32, #tpu.memory_space<vmem>>, vector<1x512x1xi32>
    %swap3A_186 = vector.shape_cast %swap3A_185 : vector<1x512x1xi32> to vector<512x1xi32>
    %swap3A_187 = vector.shape_cast %add3A_181 : vector<512x1xi32> to vector<1x512x1xi32>
    tpu.vector_store %arg8[%swap3A_182, %swap3A_183, %swap3A_184], %swap3A_187 {strides = array<i32>} : memref<1x512x16xi32, #tpu.memory_space<vmem>>, vector<1x512x1xi32>,
    %lt3A_188 = vector.broadcast %broadcast_in_dim3A_168 : vector<512x1xf32> to vector<512x1024xf32>
    %lt3A_189 = arith.cmpf olt, %max3A_75, %lt3A_188 : vector<512x1024xf32>
    %lt3A_190 = vector.broadcast %broadcast_in_dim3A_168 : vector<512x1xf32> to vector<512x1024xf32>
    %lt3A_191 = arith.cmpf olt, %max3A_79, %lt3A_190 : vector<512x1024xf32>
    %lt3A_192 = vector.broadcast %broadcast_in_dim3A_168 : vector<512x1xf32> to vector<512x1024xf32>
    %lt3A_193 = arith.cmpf olt, %min3A_80, %lt3A_192 : vector<512x1024xf32>
    %lt3A_194 = vector.broadcast %broadcast_in_dim3A_168 : vector<512x1xf32> to vector<512x1024xf32>
    %lt3A_195 = arith.cmpf olt, %min3A_76, %lt3A_194 : vector<512x1024xf32>
    %jit3A_196 = arith.constant 0xFF800000 : f32
    %broadcast_in_dim3A_197 = vector.broadcast %jit3A_196 : f32 to vector<512x1024xf32>
    %select_n3A_198 = arith.select %lt3A_195, %min3A_76, %broadcast_in_dim3A_197 : vector<512x1024xi1>, vector<512x1024xf32>
    %select_n3A_199 = arith.select %lt3A_193, %min3A_80, %select_n3A_198 : vector<512x1024xi1>, vector<512x1024xf32>
    %select_n3A_200 = arith.select %lt3A_191, %max3A_79, %select_n3A_199 : vector<512x1024xi1>, vector<512x1024xf32>
    %select_n3A_201 = arith.select %lt3A_189, %max3A_75, %select_n3A_200 : vector<512x1024xi1>, vector<512x1024xf32>
    %reduce_max3A_202 = arith.constant dense<0xFF800000> : vector<512xf32>
    %reduce_max3A_203 = vector.multi_reduction <maximumf>, %select_n3A_201, %reduce_max3A_202 [1] : vector<512x1024xf32> to vector<512xf32>
    %broadcast_in_dim3A_204 = vector.shape_cast %reduce_max3A_203 : vector<512xf32> to vector<512x1xf32>
    %bitcast_convert_type3A_205 = tpu.bitcast %broadcast_in_dim3A_204 : vector<512x1xf32> -> vector<512x1xi32>
    %and3A_206 = arith.constant 4095 : i32
    %and3A_207 = vector.broadcast %and3A_206 : i32 to vector<512x1xi32>
    %and3A_208 = arith.andi %bitcast_convert_type3A_205, %and3A_207 : vector<512x1xi32>
    %lt3A_209 = arith.constant 0 : i32
    %lt3A_210 = vector.broadcast %lt3A_209 : i32 to vector<512x1xi32>
    %lt3A_211 = arith.cmpi slt, %bitcast_convert_type3A_205, %lt3A_210 : vector<512x1xi32>
    %sub3A_212 = arith.constant 4095 : i32
    %sub3A_213 = vector.broadcast %sub3A_212 : i32 to vector<512x1xi32>
    %sub3A_214 = arith.subi %sub3A_213, %and3A_208 : vector<512x1xi32>
    %select_n3A_215 = arith.select %lt3A_211, %and3A_208, %sub3A_214 : vector<512x1xi1>, vector<512x1xi32>
    %add3A_216 = vector.broadcast %mul3A_69 : i32 to vector<512x1xi32>
    %add3A_217 = arith.addi %select_n3A_215, %add3A_216 : vector<512x1xi32>
    %swap3A_218 = arith.constant 0 : index
    %swap3A_219 = arith.constant 0 : index
    %swap3A_220 = arith.constant 3 : index
    %swap3A_221 = vector.load %arg8[%swap3A_218, %swap3A_219, %swap3A_220] : memref<1x512x16xi32, #tpu.memory_space<vmem>>, vector<1x512x1xi32>
    %swap3A_222 = vector.shape_cast %swap3A_221 : vector<1x512x1xi32> to vector<512x1xi32>
    %swap3A_223 = vector.shape_cast %add3A_217 : vector<512x1xi32> to vector<1x512x1xi32>
    tpu.vector_store %arg8[%swap3A_218, %swap3A_219, %swap3A_220], %swap3A_223 {strides = array<i32>} : memref<1x512x16xi32, #tpu.memory_space<vmem>>, vector<1x512x1xi32>,
    %lt3A_224 = vector.broadcast %broadcast_in_dim3A_204 : vector<512x1xf32> to vector<512x1024xf32>
    %lt3A_225 = arith.cmpf olt, %max3A_75, %lt3A_224 : vector<512x1024xf32>
    %lt3A_226 = vector.broadcast %broadcast_in_dim3A_204 : vector<512x1xf32> to vector<512x1024xf32>
    %lt3A_227 = arith.cmpf olt, %max3A_79, %lt3A_226 : vector<512x1024xf32>
    %lt3A_228 = vector.broadcast %broadcast_in_dim3A_204 : vector<512x1xf32> to vector<512x1024xf32>
    %lt3A_229 = arith.cmpf olt, %min3A_80, %lt3A_228 : vector<512x1024xf32>
    %lt3A_230 = vector.broadcast %broadcast_in_dim3A_204 : vector<512x1xf32> to vector<512x1024xf32>
    %lt3A_231 = arith.cmpf olt, %min3A_76, %lt3A_230 : vector<512x1024xf32>
    %jit3A_232 = arith.constant 0xFF800000 : f32
    %broadcast_in_dim3A_233 = vector.broadcast %jit3A_232 : f32 to vector<512x1024xf32>
    %select_n3A_234 = arith.select %lt3A_231, %min3A_76, %broadcast_in_dim3A_233 : vector<512x1024xi1>, vector<512x1024xf32>
    %select_n3A_235 = arith.select %lt3A_229, %min3A_80, %select_n3A_234 : vector<512x1024xi1>, vector<512x1024xf32>
    %select_n3A_236 = arith.select %lt3A_227, %max3A_79, %select_n3A_235 : vector<512x1024xi1>, vector<512x1024xf32>
    %select_n3A_237 = arith.select %lt3A_225, %max3A_75, %select_n3A_236 : vector<512x1024xi1>, vector<512x1024xf32>
    %reduce_max3A_238 = arith.constant dense<0xFF800000> : vector<512xf32>
    %reduce_max3A_239 = vector.multi_reduction <maximumf>, %select_n3A_237, %reduce_max3A_238 [1] : vector<512x1024xf32> to vector<512xf32>
    %broadcast_in_dim3A_240 = vector.shape_cast %reduce_max3A_239 : vector<512xf32> to vector<512x1xf32>
    %bitcast_convert_type3A_241 = tpu.bitcast %broadcast_in_dim3A_240 : vector<512x1xf32> -> vector<512x1xi32>
    %and3A_242 = arith.constant 4095 : i32
    %and3A_243 = vector.broadcast %and3A_242 : i32 to vector<512x1xi32>
    %and3A_244 = arith.andi %bitcast_convert_type3A_241, %and3A_243 : vector<512x1xi32>
    %lt3A_245 = arith.constant 0 : i32
    %lt3A_246 = vector.broadcast %lt3A_245 : i32 to vector<512x1xi32>
    %lt3A_247 = arith.cmpi slt, %bitcast_convert_type3A_241, %lt3A_246 : vector<512x1xi32>
    %sub3A_248 = arith.constant 4095 : i32
    %sub3A_249 = vector.broadcast %sub3A_248 : i32 to vector<512x1xi32>
    %sub3A_250 = arith.subi %sub3A_249, %and3A_244 : vector<512x1xi32>
    %select_n3A_251 = arith.select %lt3A_247, %and3A_244, %sub3A_250 : vector<512x1xi1>, vector<512x1xi32>
    %add3A_252 = vector.broadcast %mul3A_69 : i32 to vector<512x1xi32>
    %add3A_253 = arith.addi %select_n3A_251, %add3A_252 : vector<512x1xi32>
    %swap3A_254 = arith.constant 0 : index
    %swap3A_255 = arith.constant 0 : index
    %swap3A_256 = arith.constant 4 : index
    %swap3A_257 = vector.load %arg8[%swap3A_254, %swap3A_255, %swap3A_256] : memref<1x512x16xi32, #tpu.memory_space<vmem>>, vector<1x512x1xi32>
    %swap3A_258 = vector.shape_cast %swap3A_257 : vector<1x512x1xi32> to vector<512x1xi32>
    %swap3A_259 = vector.shape_cast %add3A_253 : vector<512x1xi32> to vector<1x512x1xi32>
    tpu.vector_store %arg8[%swap3A_254, %swap3A_255, %swap3A_256], %swap3A_259 {strides = array<i32>} : memref<1x512x16xi32, #tpu.memory_space<vmem>>, vector<1x512x1xi32>,
    %lt3A_260 = vector.broadcast %broadcast_in_dim3A_240 : vector<512x1xf32> to vector<512x1024xf32>
    %lt3A_261 = arith.cmpf olt, %max3A_75, %lt3A_260 : vector<512x1024xf32>
    %lt3A_262 = vector.broadcast %broadcast_in_dim3A_240 : vector<512x1xf32> to vector<512x1024xf32>
    %lt3A_263 = arith.cmpf olt, %max3A_79, %lt3A_262 : vector<512x1024xf32>
    %lt3A_264 = vector.broadcast %broadcast_in_dim3A_240 : vector<512x1xf32> to vector<512x1024xf32>
    %lt3A_265 = arith.cmpf olt, %min3A_80, %lt3A_264 : vector<512x1024xf32>
    %lt3A_266 = vector.broadcast %broadcast_in_dim3A_240 : vector<512x1xf32> to vector<512x1024xf32>
    %lt3A_267 = arith.cmpf olt, %min3A_76, %lt3A_266 : vector<512x1024xf32>
    %jit3A_268 = arith.constant 0xFF800000 : f32
    %broadcast_in_dim3A_269 = vector.broadcast %jit3A_268 : f32 to vector<512x1024xf32>
    %select_n3A_270 = arith.select %lt3A_267, %min3A_76, %broadcast_in_dim3A_269 : vector<512x1024xi1>, vector<512x1024xf32>
    %select_n3A_271 = arith.select %lt3A_265, %min3A_80, %select_n3A_270 : vector<512x1024xi1>, vector<512x1024xf32>
    %select_n3A_272 = arith.select %lt3A_263, %max3A_79, %select_n3A_271 : vector<512x1024xi1>, vector<512x1024xf32>
    %select_n3A_273 = arith.select %lt3A_261, %max3A_75, %select_n3A_272 : vector<512x1024xi1>, vector<512x1024xf32>
    %reduce_max3A_274 = arith.constant dense<0xFF800000> : vector<512xf32>
    %reduce_max3A_275 = vector.multi_reduction <maximumf>, %select_n3A_273, %reduce_max3A_274 [1] : vector<512x1024xf32> to vector<512xf32>
    %broadcast_in_dim3A_276 = vector.shape_cast %reduce_max3A_275 : vector<512xf32> to vector<512x1xf32>
    %bitcast_convert_type3A_277 = tpu.bitcast %broadcast_in_dim3A_276 : vector<512x1xf32> -> vector<512x1xi32>
    %and3A_278 = arith.constant 4095 : i32
    %and3A_279 = vector.broadcast %and3A_278 : i32 to vector<512x1xi32>
    %and3A_280 = arith.andi %bitcast_convert_type3A_277, %and3A_279 : vector<512x1xi32>
    %lt3A_281 = arith.constant 0 : i32
    %lt3A_282 = vector.broadcast %lt3A_281 : i32 to vector<512x1xi32>
    %lt3A_283 = arith.cmpi slt, %bitcast_convert_type3A_277, %lt3A_282 : vector<512x1xi32>
    %sub3A_284 = arith.constant 4095 : i32
    %sub3A_285 = vector.broadcast %sub3A_284 : i32 to vector<512x1xi32>
    %sub3A_286 = arith.subi %sub3A_285, %and3A_280 : vector<512x1xi32>
    %select_n3A_287 = arith.select %lt3A_283, %and3A_280, %sub3A_286 : vector<512x1xi1>, vector<512x1xi32>
    %add3A_288 = vector.broadcast %mul3A_69 : i32 to vector<512x1xi32>
    %add3A_289 = arith.addi %select_n3A_287, %add3A_288 : vector<512x1xi32>
    %swap3A_290 = arith.constant 0 : index
    %swap3A_291 = arith.constant 0 : index
    %swap3A_292 = arith.constant 5 : index
    %swap3A_293 = vector.load %arg8[%swap3A_290, %swap3A_291, %swap3A_292] : memref<1x512x16xi32, #tpu.memory_space<vmem>>, vector<1x512x1xi32>
    %swap3A_294 = vector.shape_cast %swap3A_293 : vector<1x512x1xi32> to vector<512x1xi32>
    %swap3A_295 = vector.shape_cast %add3A_289 : vector<512x1xi32> to vector<1x512x1xi32>
    tpu.vector_store %arg8[%swap3A_290, %swap3A_291, %swap3A_292], %swap3A_295 {strides = array<i32>} : memref<1x512x16xi32, #tpu.memory_space<vmem>>, vector<1x512x1xi32>,
    %lt3A_296 = vector.broadcast %broadcast_in_dim3A_276 : vector<512x1xf32> to vector<512x1024xf32>
    %lt3A_297 = arith.cmpf olt, %max3A_75, %lt3A_296 : vector<512x1024xf32>
    %lt3A_298 = vector.broadcast %broadcast_in_dim3A_276 : vector<512x1xf32> to vector<512x1024xf32>
    %lt3A_299 = arith.cmpf olt, %max3A_79, %lt3A_298 : vector<512x1024xf32>
    %lt3A_300 = vector.broadcast %broadcast_in_dim3A_276 : vector<512x1xf32> to vector<512x1024xf32>
    %lt3A_301 = arith.cmpf olt, %min3A_80, %lt3A_300 : vector<512x1024xf32>
    %lt3A_302 = vector.broadcast %broadcast_in_dim3A_276 : vector<512x1xf32> to vector<512x1024xf32>
    %lt3A_303 = arith.cmpf olt, %min3A_76, %lt3A_302 : vector<512x1024xf32>
    %jit3A_304 = arith.constant 0xFF800000 : f32
    %broadcast_in_dim3A_305 = vector.broadcast %jit3A_304 : f32 to vector<512x1024xf32>
    %select_n3A_306 = arith.select %lt3A_303, %min3A_76, %broadcast_in_dim3A_305 : vector<512x1024xi1>, vector<512x1024xf32>
    %select_n3A_307 = arith.select %lt3A_301, %min3A_80, %select_n3A_306 : vector<512x1024xi1>, vector<512x1024xf32>
    %select_n3A_308 = arith.select %lt3A_299, %max3A_79, %select_n3A_307 : vector<512x1024xi1>, vector<512x1024xf32>
    %select_n3A_309 = arith.select %lt3A_297, %max3A_75, %select_n3A_308 : vector<512x1024xi1>, vector<512x1024xf32>
    %reduce_max3A_310 = arith.constant dense<0xFF800000> : vector<512xf32>
    %reduce_max3A_311 = vector.multi_reduction <maximumf>, %select_n3A_309, %reduce_max3A_310 [1] : vector<512x1024xf32> to vector<512xf32>
    %broadcast_in_dim3A_312 = vector.shape_cast %reduce_max3A_311 : vector<512xf32> to vector<512x1xf32>
    %bitcast_convert_type3A_313 = tpu.bitcast %broadcast_in_dim3A_312 : vector<512x1xf32> -> vector<512x1xi32>
    %and3A_314 = arith.constant 4095 : i32
    %and3A_315 = vector.broadcast %and3A_314 : i32 to vector<512x1xi32>
    %and3A_316 = arith.andi %bitcast_convert_type3A_313, %and3A_315 : vector<512x1xi32>
    %lt3A_317 = arith.constant 0 : i32
    %lt3A_318 = vector.broadcast %lt3A_317 : i32 to vector<512x1xi32>
    %lt3A_319 = arith.cmpi slt, %bitcast_convert_type3A_313, %lt3A_318 : vector<512x1xi32>
    %sub3A_320 = arith.constant 4095 : i32
    %sub3A_321 = vector.broadcast %sub3A_320 : i32 to vector<512x1xi32>
    %sub3A_322 = arith.subi %sub3A_321, %and3A_316 : vector<512x1xi32>
    %select_n3A_323 = arith.select %lt3A_319, %and3A_316, %sub3A_322 : vector<512x1xi1>, vector<512x1xi32>
    %add3A_324 = vector.broadcast %mul3A_69 : i32 to vector<512x1xi32>
    %add3A_325 = arith.addi %select_n3A_323, %add3A_324 : vector<512x1xi32>
    %swap3A_326 = arith.constant 0 : index
    %swap3A_327 = arith.constant 0 : index
    %swap3A_328 = arith.constant 6 : index
    %swap3A_329 = vector.load %arg8[%swap3A_326, %swap3A_327, %swap3A_328] : memref<1x512x16xi32, #tpu.memory_space<vmem>>, vector<1x512x1xi32>
    %swap3A_330 = vector.shape_cast %swap3A_329 : vector<1x512x1xi32> to vector<512x1xi32>
    %swap3A_331 = vector.shape_cast %add3A_325 : vector<512x1xi32> to vector<1x512x1xi32>
    tpu.vector_store %arg8[%swap3A_326, %swap3A_327, %swap3A_328], %swap3A_331 {strides = array<i32>} : memref<1x512x16xi32, #tpu.memory_space<vmem>>, vector<1x512x1xi32>,
    %lt3A_332 = vector.broadcast %broadcast_in_dim3A_312 : vector<512x1xf32> to vector<512x1024xf32>
    %lt3A_333 = arith.cmpf olt, %max3A_75, %lt3A_332 : vector<512x1024xf32>
    %lt3A_334 = vector.broadcast %broadcast_in_dim3A_312 : vector<512x1xf32> to vector<512x1024xf32>
    %lt3A_335 = arith.cmpf olt, %max3A_79, %lt3A_334 : vector<512x1024xf32>
    %lt3A_336 = vector.broadcast %broadcast_in_dim3A_312 : vector<512x1xf32> to vector<512x1024xf32>
    %lt3A_337 = arith.cmpf olt, %min3A_80, %lt3A_336 : vector<512x1024xf32>
    %lt3A_338 = vector.broadcast %broadcast_in_dim3A_312 : vector<512x1xf32> to vector<512x1024xf32>
    %lt3A_339 = arith.cmpf olt, %min3A_76, %lt3A_338 : vector<512x1024xf32>
    %jit3A_340 = arith.constant 0xFF800000 : f32
    %broadcast_in_dim3A_341 = vector.broadcast %jit3A_340 : f32 to vector<512x1024xf32>
    %select_n3A_342 = arith.select %lt3A_339, %min3A_76, %broadcast_in_dim3A_341 : vector<512x1024xi1>, vector<512x1024xf32>
    %select_n3A_343 = arith.select %lt3A_337, %min3A_80, %select_n3A_342 : vector<512x1024xi1>, vector<512x1024xf32>
    %select_n3A_344 = arith.select %lt3A_335, %max3A_79, %select_n3A_343 : vector<512x1024xi1>, vector<512x1024xf32>
    %select_n3A_345 = arith.select %lt3A_333, %max3A_75, %select_n3A_344 : vector<512x1024xi1>, vector<512x1024xf32>
    %reduce_max3A_346 = arith.constant dense<0xFF800000> : vector<512xf32>
    %reduce_max3A_347 = vector.multi_reduction <maximumf>, %select_n3A_345, %reduce_max3A_346 [1] : vector<512x1024xf32> to vector<512xf32>
    %broadcast_in_dim3A_348 = vector.shape_cast %reduce_max3A_347 : vector<512xf32> to vector<512x1xf32>
    %bitcast_convert_type3A_349 = tpu.bitcast %broadcast_in_dim3A_348 : vector<512x1xf32> -> vector<512x1xi32>
    %and3A_350 = arith.constant 4095 : i32
    %and3A_351 = vector.broadcast %and3A_350 : i32 to vector<512x1xi32>
    %and3A_352 = arith.andi %bitcast_convert_type3A_349, %and3A_351 : vector<512x1xi32>
    %lt3A_353 = arith.constant 0 : i32
    %lt3A_354 = vector.broadcast %lt3A_353 : i32 to vector<512x1xi32>
    %lt3A_355 = arith.cmpi slt, %bitcast_convert_type3A_349, %lt3A_354 : vector<512x1xi32>
    %sub3A_356 = arith.constant 4095 : i32
    %sub3A_357 = vector.broadcast %sub3A_356 : i32 to vector<512x1xi32>
    %sub3A_358 = arith.subi %sub3A_357, %and3A_352 : vector<512x1xi32>
    %select_n3A_359 = arith.select %lt3A_355, %and3A_352, %sub3A_358 : vector<512x1xi1>, vector<512x1xi32>
    %add3A_360 = vector.broadcast %mul3A_69 : i32 to vector<512x1xi32>
    %add3A_361 = arith.addi %select_n3A_359, %add3A_360 : vector<512x1xi32>
    %swap3A_362 = arith.constant 0 : index
    %swap3A_363 = arith.constant 0 : index
    %swap3A_364 = arith.constant 7 : index
    %swap3A_365 = vector.load %arg8[%swap3A_362, %swap3A_363, %swap3A_364] : memref<1x512x16xi32, #tpu.memory_space<vmem>>, vector<1x512x1xi32>
    %swap3A_366 = vector.shape_cast %swap3A_365 : vector<1x512x1xi32> to vector<512x1xi32>
    %swap3A_367 = vector.shape_cast %add3A_361 : vector<512x1xi32> to vector<1x512x1xi32>
    tpu.vector_store %arg8[%swap3A_362, %swap3A_363, %swap3A_364], %swap3A_367 {strides = array<i32>} : memref<1x512x16xi32, #tpu.memory_space<vmem>>, vector<1x512x1xi32>,
    %lt3A_368 = vector.broadcast %broadcast_in_dim3A_348 : vector<512x1xf32> to vector<512x1024xf32>
    %lt3A_369 = arith.cmpf olt, %max3A_75, %lt3A_368 : vector<512x1024xf32>
    %lt3A_370 = vector.broadcast %broadcast_in_dim3A_348 : vector<512x1xf32> to vector<512x1024xf32>
    %lt3A_371 = arith.cmpf olt, %max3A_79, %lt3A_370 : vector<512x1024xf32>
    %lt3A_372 = vector.broadcast %broadcast_in_dim3A_348 : vector<512x1xf32> to vector<512x1024xf32>
    %lt3A_373 = arith.cmpf olt, %min3A_80, %lt3A_372 : vector<512x1024xf32>
    %lt3A_374 = vector.broadcast %broadcast_in_dim3A_348 : vector<512x1xf32> to vector<512x1024xf32>
    %lt3A_375 = arith.cmpf olt, %min3A_76, %lt3A_374 : vector<512x1024xf32>
    %jit3A_376 = arith.constant 0xFF800000 : f32
    %broadcast_in_dim3A_377 = vector.broadcast %jit3A_376 : f32 to vector<512x1024xf32>
    %select_n3A_378 = arith.select %lt3A_375, %min3A_76, %broadcast_in_dim3A_377 : vector<512x1024xi1>, vector<512x1024xf32>
    %select_n3A_379 = arith.select %lt3A_373, %min3A_80, %select_n3A_378 : vector<512x1024xi1>, vector<512x1024xf32>
    %select_n3A_380 = arith.select %lt3A_371, %max3A_79, %select_n3A_379 : vector<512x1024xi1>, vector<512x1024xf32>
    %select_n3A_381 = arith.select %lt3A_369, %max3A_75, %select_n3A_380 : vector<512x1024xi1>, vector<512x1024xf32>
    %reduce_max3A_382 = arith.constant dense<0xFF800000> : vector<512xf32>
    %reduce_max3A_383 = vector.multi_reduction <maximumf>, %select_n3A_381, %reduce_max3A_382 [1] : vector<512x1024xf32> to vector<512xf32>
    %broadcast_in_dim3A_384 = vector.shape_cast %reduce_max3A_383 : vector<512xf32> to vector<512x1xf32>
    %bitcast_convert_type3A_385 = tpu.bitcast %broadcast_in_dim3A_384 : vector<512x1xf32> -> vector<512x1xi32>
    %and3A_386 = arith.constant 4095 : i32
    %and3A_387 = vector.broadcast %and3A_386 : i32 to vector<512x1xi32>
    %and3A_388 = arith.andi %bitcast_convert_type3A_385, %and3A_387 : vector<512x1xi32>
    %lt3A_389 = arith.constant 0 : i32
    %lt3A_390 = vector.broadcast %lt3A_389 : i32 to vector<512x1xi32>
    %lt3A_391 = arith.cmpi slt, %bitcast_convert_type3A_385, %lt3A_390 : vector<512x1xi32>
    %sub3A_392 = arith.constant 4095 : i32
    %sub3A_393 = vector.broadcast %sub3A_392 : i32 to vector<512x1xi32>
    %sub3A_394 = arith.subi %sub3A_393, %and3A_388 : vector<512x1xi32>
    %select_n3A_395 = arith.select %lt3A_391, %and3A_388, %sub3A_394 : vector<512x1xi1>, vector<512x1xi32>
    %add3A_396 = vector.broadcast %mul3A_69 : i32 to vector<512x1xi32>
    %add3A_397 = arith.addi %select_n3A_395, %add3A_396 : vector<512x1xi32>
    %swap3A_398 = arith.constant 0 : index
    %swap3A_399 = arith.constant 0 : index
    %swap3A_400 = arith.constant 8 : index
    %swap3A_401 = vector.load %arg8[%swap3A_398, %swap3A_399, %swap3A_400] : memref<1x512x16xi32, #tpu.memory_space<vmem>>, vector<1x512x1xi32>
    %swap3A_402 = vector.shape_cast %swap3A_401 : vector<1x512x1xi32> to vector<512x1xi32>
    %swap3A_403 = vector.shape_cast %add3A_397 : vector<512x1xi32> to vector<1x512x1xi32>
    tpu.vector_store %arg8[%swap3A_398, %swap3A_399, %swap3A_400], %swap3A_403 {strides = array<i32>} : memref<1x512x16xi32, #tpu.memory_space<vmem>>, vector<1x512x1xi32>,
    %lt3A_404 = vector.broadcast %broadcast_in_dim3A_384 : vector<512x1xf32> to vector<512x1024xf32>
    %lt3A_405 = arith.cmpf olt, %max3A_75, %lt3A_404 : vector<512x1024xf32>
    %lt3A_406 = vector.broadcast %broadcast_in_dim3A_384 : vector<512x1xf32> to vector<512x1024xf32>
    %lt3A_407 = arith.cmpf olt, %max3A_79, %lt3A_406 : vector<512x1024xf32>
    %lt3A_408 = vector.broadcast %broadcast_in_dim3A_384 : vector<512x1xf32> to vector<512x1024xf32>
    %lt3A_409 = arith.cmpf olt, %min3A_80, %lt3A_408 : vector<512x1024xf32>
    %lt3A_410 = vector.broadcast %broadcast_in_dim3A_384 : vector<512x1xf32> to vector<512x1024xf32>
    %lt3A_411 = arith.cmpf olt, %min3A_76, %lt3A_410 : vector<512x1024xf32>
    %jit3A_412 = arith.constant 0xFF800000 : f32
    %broadcast_in_dim3A_413 = vector.broadcast %jit3A_412 : f32 to vector<512x1024xf32>
    %select_n3A_414 = arith.select %lt3A_411, %min3A_76, %broadcast_in_dim3A_413 : vector<512x1024xi1>, vector<512x1024xf32>
    %select_n3A_415 = arith.select %lt3A_409, %min3A_80, %select_n3A_414 : vector<512x1024xi1>, vector<512x1024xf32>
    %select_n3A_416 = arith.select %lt3A_407, %max3A_79, %select_n3A_415 : vector<512x1024xi1>, vector<512x1024xf32>
    %select_n3A_417 = arith.select %lt3A_405, %max3A_75, %select_n3A_416 : vector<512x1024xi1>, vector<512x1024xf32>
    %reduce_max3A_418 = arith.constant dense<0xFF800000> : vector<512xf32>
    %reduce_max3A_419 = vector.multi_reduction <maximumf>, %select_n3A_417, %reduce_max3A_418 [1] : vector<512x1024xf32> to vector<512xf32>
    %broadcast_in_dim3A_420 = vector.shape_cast %reduce_max3A_419 : vector<512xf32> to vector<512x1xf32>
    %bitcast_convert_type3A_421 = tpu.bitcast %broadcast_in_dim3A_420 : vector<512x1xf32> -> vector<512x1xi32>
    %and3A_422 = arith.constant 4095 : i32
    %and3A_423 = vector.broadcast %and3A_422 : i32 to vector<512x1xi32>
    %and3A_424 = arith.andi %bitcast_convert_type3A_421, %and3A_423 : vector<512x1xi32>
    %lt3A_425 = arith.constant 0 : i32
    %lt3A_426 = vector.broadcast %lt3A_425 : i32 to vector<512x1xi32>
    %lt3A_427 = arith.cmpi slt, %bitcast_convert_type3A_421, %lt3A_426 : vector<512x1xi32>
    %sub3A_428 = arith.constant 4095 : i32
    %sub3A_429 = vector.broadcast %sub3A_428 : i32 to vector<512x1xi32>
    %sub3A_430 = arith.subi %sub3A_429, %and3A_424 : vector<512x1xi32>
    %select_n3A_431 = arith.select %lt3A_427, %and3A_424, %sub3A_430 : vector<512x1xi1>, vector<512x1xi32>
    %add3A_432 = vector.broadcast %mul3A_69 : i32 to vector<512x1xi32>
    %add3A_433 = arith.addi %select_n3A_431, %add3A_432 : vector<512x1xi32>
    %swap3A_434 = arith.constant 0 : index
    %swap3A_435 = arith.constant 0 : index
    %swap3A_436 = arith.constant 9 : index
    %swap3A_437 = vector.load %arg8[%swap3A_434, %swap3A_435, %swap3A_436] : memref<1x512x16xi32, #tpu.memory_space<vmem>>, vector<1x512x1xi32>
    %swap3A_438 = vector.shape_cast %swap3A_437 : vector<1x512x1xi32> to vector<512x1xi32>
    %swap3A_439 = vector.shape_cast %add3A_433 : vector<512x1xi32> to vector<1x512x1xi32>
    tpu.vector_store %arg8[%swap3A_434, %swap3A_435, %swap3A_436], %swap3A_439 {strides = array<i32>} : memref<1x512x16xi32, #tpu.memory_space<vmem>>, vector<1x512x1xi32>,
    %lt3A_440 = vector.broadcast %broadcast_in_dim3A_420 : vector<512x1xf32> to vector<512x1024xf32>
    %lt3A_441 = arith.cmpf olt, %max3A_75, %lt3A_440 : vector<512x1024xf32>
    %lt3A_442 = vector.broadcast %broadcast_in_dim3A_420 : vector<512x1xf32> to vector<512x1024xf32>
    %lt3A_443 = arith.cmpf olt, %max3A_79, %lt3A_442 : vector<512x1024xf32>
    %lt3A_444 = vector.broadcast %broadcast_in_dim3A_420 : vector<512x1xf32> to vector<512x1024xf32>
    %lt3A_445 = arith.cmpf olt, %min3A_80, %lt3A_444 : vector<512x1024xf32>
    %lt3A_446 = vector.broadcast %broadcast_in_dim3A_420 : vector<512x1xf32> to vector<512x1024xf32>
    %lt3A_447 = arith.cmpf olt, %min3A_76, %lt3A_446 : vector<512x1024xf32>
    %jit3A_448 = arith.constant 0xFF800000 : f32
    %broadcast_in_dim3A_449 = vector.broadcast %jit3A_448 : f32 to vector<512x1024xf32>
    %select_n3A_450 = arith.select %lt3A_447, %min3A_76, %broadcast_in_dim3A_449 : vector<512x1024xi1>, vector<512x1024xf32>
    %select_n3A_451 = arith.select %lt3A_445, %min3A_80, %select_n3A_450 : vector<512x1024xi1>, vector<512x1024xf32>
    %select_n3A_452 = arith.select %lt3A_443, %max3A_79, %select_n3A_451 : vector<512x1024xi1>, vector<512x1024xf32>
    %select_n3A_453 = arith.select %lt3A_441, %max3A_75, %select_n3A_452 : vector<512x1024xi1>, vector<512x1024xf32>
    %reduce_max3A_454 = arith.constant dense<0xFF800000> : vector<512xf32>
    %reduce_max3A_455 = vector.multi_reduction <maximumf>, %select_n3A_453, %reduce_max3A_454 [1] : vector<512x1024xf32> to vector<512xf32>
    %broadcast_in_dim3A_456 = vector.shape_cast %reduce_max3A_455 : vector<512xf32> to vector<512x1xf32>
    %bitcast_convert_type3A_457 = tpu.bitcast %broadcast_in_dim3A_456 : vector<512x1xf32> -> vector<512x1xi32>
    %and3A_458 = arith.constant 4095 : i32
    %and3A_459 = vector.broadcast %and3A_458 : i32 to vector<512x1xi32>
    %and3A_460 = arith.andi %bitcast_convert_type3A_457, %and3A_459 : vector<512x1xi32>
    %lt3A_461 = arith.constant 0 : i32
    %lt3A_462 = vector.broadcast %lt3A_461 : i32 to vector<512x1xi32>
    %lt3A_463 = arith.cmpi slt, %bitcast_convert_type3A_457, %lt3A_462 : vector<512x1xi32>
    %sub3A_464 = arith.constant 4095 : i32
    %sub3A_465 = vector.broadcast %sub3A_464 : i32 to vector<512x1xi32>
    %sub3A_466 = arith.subi %sub3A_465, %and3A_460 : vector<512x1xi32>
    %select_n3A_467 = arith.select %lt3A_463, %and3A_460, %sub3A_466 : vector<512x1xi1>, vector<512x1xi32>
    %add3A_468 = vector.broadcast %mul3A_69 : i32 to vector<512x1xi32>
    %add3A_469 = arith.addi %select_n3A_467, %add3A_468 : vector<512x1xi32>
    %swap3A_470 = arith.constant 0 : index
    %swap3A_471 = arith.constant 0 : index
    %swap3A_472 = arith.constant 10 : index
    %swap3A_473 = vector.load %arg8[%swap3A_470, %swap3A_471, %swap3A_472] : memref<1x512x16xi32, #tpu.memory_space<vmem>>, vector<1x512x1xi32>
    %swap3A_474 = vector.shape_cast %swap3A_473 : vector<1x512x1xi32> to vector<512x1xi32>
    %swap3A_475 = vector.shape_cast %add3A_469 : vector<512x1xi32> to vector<1x512x1xi32>
    tpu.vector_store %arg8[%swap3A_470, %swap3A_471, %swap3A_472], %swap3A_475 {strides = array<i32>} : memref<1x512x16xi32, #tpu.memory_space<vmem>>, vector<1x512x1xi32>,
    %lt3A_476 = vector.broadcast %broadcast_in_dim3A_456 : vector<512x1xf32> to vector<512x1024xf32>
    %lt3A_477 = arith.cmpf olt, %max3A_75, %lt3A_476 : vector<512x1024xf32>
    %lt3A_478 = vector.broadcast %broadcast_in_dim3A_456 : vector<512x1xf32> to vector<512x1024xf32>
    %lt3A_479 = arith.cmpf olt, %max3A_79, %lt3A_478 : vector<512x1024xf32>
    %lt3A_480 = vector.broadcast %broadcast_in_dim3A_456 : vector<512x1xf32> to vector<512x1024xf32>
    %lt3A_481 = arith.cmpf olt, %min3A_80, %lt3A_480 : vector<512x1024xf32>
    %lt3A_482 = vector.broadcast %broadcast_in_dim3A_456 : vector<512x1xf32> to vector<512x1024xf32>
    %lt3A_483 = arith.cmpf olt, %min3A_76, %lt3A_482 : vector<512x1024xf32>
    %jit3A_484 = arith.constant 0xFF800000 : f32
    %broadcast_in_dim3A_485 = vector.broadcast %jit3A_484 : f32 to vector<512x1024xf32>
    %select_n3A_486 = arith.select %lt3A_483, %min3A_76, %broadcast_in_dim3A_485 : vector<512x1024xi1>, vector<512x1024xf32>
    %select_n3A_487 = arith.select %lt3A_481, %min3A_80, %select_n3A_486 : vector<512x1024xi1>, vector<512x1024xf32>
    %select_n3A_488 = arith.select %lt3A_479, %max3A_79, %select_n3A_487 : vector<512x1024xi1>, vector<512x1024xf32>
    %select_n3A_489 = arith.select %lt3A_477, %max3A_75, %select_n3A_488 : vector<512x1024xi1>, vector<512x1024xf32>
    %reduce_max3A_490 = arith.constant dense<0xFF800000> : vector<512xf32>
    %reduce_max3A_491 = vector.multi_reduction <maximumf>, %select_n3A_489, %reduce_max3A_490 [1] : vector<512x1024xf32> to vector<512xf32>
    %broadcast_in_dim3A_492 = vector.shape_cast %reduce_max3A_491 : vector<512xf32> to vector<512x1xf32>
    %bitcast_convert_type3A_493 = tpu.bitcast %broadcast_in_dim3A_492 : vector<512x1xf32> -> vector<512x1xi32>
    %and3A_494 = arith.constant 4095 : i32
    %and3A_495 = vector.broadcast %and3A_494 : i32 to vector<512x1xi32>
    %and3A_496 = arith.andi %bitcast_convert_type3A_493, %and3A_495 : vector<512x1xi32>
    %lt3A_497 = arith.constant 0 : i32
    %lt3A_498 = vector.broadcast %lt3A_497 : i32 to vector<512x1xi32>
    %lt3A_499 = arith.cmpi slt, %bitcast_convert_type3A_493, %lt3A_498 : vector<512x1xi32>
    %sub3A_500 = arith.constant 4095 : i32
    %sub3A_501 = vector.broadcast %sub3A_500 : i32 to vector<512x1xi32>
    %sub3A_502 = arith.subi %sub3A_501, %and3A_496 : vector<512x1xi32>
    %select_n3A_503 = arith.select %lt3A_499, %and3A_496, %sub3A_502 : vector<512x1xi1>, vector<512x1xi32>
    %add3A_504 = vector.broadcast %mul3A_69 : i32 to vector<512x1xi32>
    %add3A_505 = arith.addi %select_n3A_503, %add3A_504 : vector<512x1xi32>
    %swap3A_506 = arith.constant 0 : index
    %swap3A_507 = arith.constant 0 : index
    %swap3A_508 = arith.constant 11 : index
    %swap3A_509 = vector.load %arg8[%swap3A_506, %swap3A_507, %swap3A_508] : memref<1x512x16xi32, #tpu.memory_space<vmem>>, vector<1x512x1xi32>
    %swap3A_510 = vector.shape_cast %swap3A_509 : vector<1x512x1xi32> to vector<512x1xi32>
    %swap3A_511 = vector.shape_cast %add3A_505 : vector<512x1xi32> to vector<1x512x1xi32>
    tpu.vector_store %arg8[%swap3A_506, %swap3A_507, %swap3A_508], %swap3A_511 {strides = array<i32>} : memref<1x512x16xi32, #tpu.memory_space<vmem>>, vector<1x512x1xi32>,
    %lt3A_512 = vector.broadcast %broadcast_in_dim3A_492 : vector<512x1xf32> to vector<512x1024xf32>
    %lt3A_513 = arith.cmpf olt, %max3A_75, %lt3A_512 : vector<512x1024xf32>
    %lt3A_514 = vector.broadcast %broadcast_in_dim3A_492 : vector<512x1xf32> to vector<512x1024xf32>
    %lt3A_515 = arith.cmpf olt, %max3A_79, %lt3A_514 : vector<512x1024xf32>
    %lt3A_516 = vector.broadcast %broadcast_in_dim3A_492 : vector<512x1xf32> to vector<512x1024xf32>
    %lt3A_517 = arith.cmpf olt, %min3A_80, %lt3A_516 : vector<512x1024xf32>
    %lt3A_518 = vector.broadcast %broadcast_in_dim3A_492 : vector<512x1xf32> to vector<512x1024xf32>
    %lt3A_519 = arith.cmpf olt, %min3A_76, %lt3A_518 : vector<512x1024xf32>
    %jit3A_520 = arith.constant 0xFF800000 : f32
    %broadcast_in_dim3A_521 = vector.broadcast %jit3A_520 : f32 to vector<512x1024xf32>
    %select_n3A_522 = arith.select %lt3A_519, %min3A_76, %broadcast_in_dim3A_521 : vector<512x1024xi1>, vector<512x1024xf32>
    %select_n3A_523 = arith.select %lt3A_517, %min3A_80, %select_n3A_522 : vector<512x1024xi1>, vector<512x1024xf32>
    %select_n3A_524 = arith.select %lt3A_515, %max3A_79, %select_n3A_523 : vector<512x1024xi1>, vector<512x1024xf32>
    %select_n3A_525 = arith.select %lt3A_513, %max3A_75, %select_n3A_524 : vector<512x1024xi1>, vector<512x1024xf32>
    %reduce_max3A_526 = arith.constant dense<0xFF800000> : vector<512xf32>
    %reduce_max3A_527 = vector.multi_reduction <maximumf>, %select_n3A_525, %reduce_max3A_526 [1] : vector<512x1024xf32> to vector<512xf32>
    %broadcast_in_dim3A_528 = vector.shape_cast %reduce_max3A_527 : vector<512xf32> to vector<512x1xf32>
    %bitcast_convert_type3A_529 = tpu.bitcast %broadcast_in_dim3A_528 : vector<512x1xf32> -> vector<512x1xi32>
    %and3A_530 = arith.constant 4095 : i32
    %and3A_531 = vector.broadcast %and3A_530 : i32 to vector<512x1xi32>
    %and3A_532 = arith.andi %bitcast_convert_type3A_529, %and3A_531 : vector<512x1xi32>
    %lt3A_533 = arith.constant 0 : i32
    %lt3A_534 = vector.broadcast %lt3A_533 : i32 to vector<512x1xi32>
    %lt3A_535 = arith.cmpi slt, %bitcast_convert_type3A_529, %lt3A_534 : vector<512x1xi32>
    %sub3A_536 = arith.constant 4095 : i32
    %sub3A_537 = vector.broadcast %sub3A_536 : i32 to vector<512x1xi32>
    %sub3A_538 = arith.subi %sub3A_537, %and3A_532 : vector<512x1xi32>
    %select_n3A_539 = arith.select %lt3A_535, %and3A_532, %sub3A_538 : vector<512x1xi1>, vector<512x1xi32>
    %add3A_540 = vector.broadcast %mul3A_69 : i32 to vector<512x1xi32>
    %add3A_541 = arith.addi %select_n3A_539, %add3A_540 : vector<512x1xi32>
    %swap3A_542 = arith.constant 0 : index
    %swap3A_543 = arith.constant 0 : index
    %swap3A_544 = arith.constant 12 : index
    %swap3A_545 = vector.load %arg8[%swap3A_542, %swap3A_543, %swap3A_544] : memref<1x512x16xi32, #tpu.memory_space<vmem>>, vector<1x512x1xi32>
    %swap3A_546 = vector.shape_cast %swap3A_545 : vector<1x512x1xi32> to vector<512x1xi32>
    %swap3A_547 = vector.shape_cast %add3A_541 : vector<512x1xi32> to vector<1x512x1xi32>
    tpu.vector_store %arg8[%swap3A_542, %swap3A_543, %swap3A_544], %swap3A_547 {strides = array<i32>} : memref<1x512x16xi32, #tpu.memory_space<vmem>>, vector<1x512x1xi32>,
    %lt3A_548 = vector.broadcast %broadcast_in_dim3A_528 : vector<512x1xf32> to vector<512x1024xf32>
    %lt3A_549 = arith.cmpf olt, %max3A_75, %lt3A_548 : vector<512x1024xf32>
    %lt3A_550 = vector.broadcast %broadcast_in_dim3A_528 : vector<512x1xf32> to vector<512x1024xf32>
    %lt3A_551 = arith.cmpf olt, %max3A_79, %lt3A_550 : vector<512x1024xf32>
    %lt3A_552 = vector.broadcast %broadcast_in_dim3A_528 : vector<512x1xf32> to vector<512x1024xf32>
    %lt3A_553 = arith.cmpf olt, %min3A_80, %lt3A_552 : vector<512x1024xf32>
    %lt3A_554 = vector.broadcast %broadcast_in_dim3A_528 : vector<512x1xf32> to vector<512x1024xf32>
    %lt3A_555 = arith.cmpf olt, %min3A_76, %lt3A_554 : vector<512x1024xf32>
    %jit3A_556 = arith.constant 0xFF800000 : f32
    %broadcast_in_dim3A_557 = vector.broadcast %jit3A_556 : f32 to vector<512x1024xf32>
    %select_n3A_558 = arith.select %lt3A_555, %min3A_76, %broadcast_in_dim3A_557 : vector<512x1024xi1>, vector<512x1024xf32>
    %select_n3A_559 = arith.select %lt3A_553, %min3A_80, %select_n3A_558 : vector<512x1024xi1>, vector<512x1024xf32>
    %select_n3A_560 = arith.select %lt3A_551, %max3A_79, %select_n3A_559 : vector<512x1024xi1>, vector<512x1024xf32>
    %select_n3A_561 = arith.select %lt3A_549, %max3A_75, %select_n3A_560 : vector<512x1024xi1>, vector<512x1024xf32>
    %reduce_max3A_562 = arith.constant dense<0xFF800000> : vector<512xf32>
    %reduce_max3A_563 = vector.multi_reduction <maximumf>, %select_n3A_561, %reduce_max3A_562 [1] : vector<512x1024xf32> to vector<512xf32>
    %broadcast_in_dim3A_564 = vector.shape_cast %reduce_max3A_563 : vector<512xf32> to vector<512x1xf32>
    %bitcast_convert_type3A_565 = tpu.bitcast %broadcast_in_dim3A_564 : vector<512x1xf32> -> vector<512x1xi32>
    %and3A_566 = arith.constant 4095 : i32
    %and3A_567 = vector.broadcast %and3A_566 : i32 to vector<512x1xi32>
    %and3A_568 = arith.andi %bitcast_convert_type3A_565, %and3A_567 : vector<512x1xi32>
    %lt3A_569 = arith.constant 0 : i32
    %lt3A_570 = vector.broadcast %lt3A_569 : i32 to vector<512x1xi32>
    %lt3A_571 = arith.cmpi slt, %bitcast_convert_type3A_565, %lt3A_570 : vector<512x1xi32>
    %sub3A_572 = arith.constant 4095 : i32
    %sub3A_573 = vector.broadcast %sub3A_572 : i32 to vector<512x1xi32>
    %sub3A_574 = arith.subi %sub3A_573, %and3A_568 : vector<512x1xi32>
    %select_n3A_575 = arith.select %lt3A_571, %and3A_568, %sub3A_574 : vector<512x1xi1>, vector<512x1xi32>
    %add3A_576 = vector.broadcast %mul3A_69 : i32 to vector<512x1xi32>
    %add3A_577 = arith.addi %select_n3A_575, %add3A_576 : vector<512x1xi32>
    %swap3A_578 = arith.constant 0 : index
    %swap3A_579 = arith.constant 0 : index
    %swap3A_580 = arith.constant 13 : index
    %swap3A_581 = vector.load %arg8[%swap3A_578, %swap3A_579, %swap3A_580] : memref<1x512x16xi32, #tpu.memory_space<vmem>>, vector<1x512x1xi32>
    %swap3A_582 = vector.shape_cast %swap3A_581 : vector<1x512x1xi32> to vector<512x1xi32>
    %swap3A_583 = vector.shape_cast %add3A_577 : vector<512x1xi32> to vector<1x512x1xi32>
    tpu.vector_store %arg8[%swap3A_578, %swap3A_579, %swap3A_580], %swap3A_583 {strides = array<i32>} : memref<1x512x16xi32, #tpu.memory_space<vmem>>, vector<1x512x1xi32>,
    %lt3A_584 = vector.broadcast %broadcast_in_dim3A_564 : vector<512x1xf32> to vector<512x1024xf32>
    %lt3A_585 = arith.cmpf olt, %max3A_75, %lt3A_584 : vector<512x1024xf32>
    %lt3A_586 = vector.broadcast %broadcast_in_dim3A_564 : vector<512x1xf32> to vector<512x1024xf32>
    %lt3A_587 = arith.cmpf olt, %max3A_79, %lt3A_586 : vector<512x1024xf32>
    %lt3A_588 = vector.broadcast %broadcast_in_dim3A_564 : vector<512x1xf32> to vector<512x1024xf32>
    %lt3A_589 = arith.cmpf olt, %min3A_80, %lt3A_588 : vector<512x1024xf32>
    %lt3A_590 = vector.broadcast %broadcast_in_dim3A_564 : vector<512x1xf32> to vector<512x1024xf32>
    %lt3A_591 = arith.cmpf olt, %min3A_76, %lt3A_590 : vector<512x1024xf32>
    %jit3A_592 = arith.constant 0xFF800000 : f32
    %broadcast_in_dim3A_593 = vector.broadcast %jit3A_592 : f32 to vector<512x1024xf32>
    %select_n3A_594 = arith.select %lt3A_591, %min3A_76, %broadcast_in_dim3A_593 : vector<512x1024xi1>, vector<512x1024xf32>
    %select_n3A_595 = arith.select %lt3A_589, %min3A_80, %select_n3A_594 : vector<512x1024xi1>, vector<512x1024xf32>
    %select_n3A_596 = arith.select %lt3A_587, %max3A_79, %select_n3A_595 : vector<512x1024xi1>, vector<512x1024xf32>
    %select_n3A_597 = arith.select %lt3A_585, %max3A_75, %select_n3A_596 : vector<512x1024xi1>, vector<512x1024xf32>
    %reduce_max3A_598 = arith.constant dense<0xFF800000> : vector<512xf32>
    %reduce_max3A_599 = vector.multi_reduction <maximumf>, %select_n3A_597, %reduce_max3A_598 [1] : vector<512x1024xf32> to vector<512xf32>
    %broadcast_in_dim3A_600 = vector.shape_cast %reduce_max3A_599 : vector<512xf32> to vector<512x1xf32>
    %bitcast_convert_type3A_601 = tpu.bitcast %broadcast_in_dim3A_600 : vector<512x1xf32> -> vector<512x1xi32>
    %and3A_602 = arith.constant 4095 : i32
    %and3A_603 = vector.broadcast %and3A_602 : i32 to vector<512x1xi32>
    %and3A_604 = arith.andi %bitcast_convert_type3A_601, %and3A_603 : vector<512x1xi32>
    %lt3A_605 = arith.constant 0 : i32
    %lt3A_606 = vector.broadcast %lt3A_605 : i32 to vector<512x1xi32>
    %lt3A_607 = arith.cmpi slt, %bitcast_convert_type3A_601, %lt3A_606 : vector<512x1xi32>
    %sub3A_608 = arith.constant 4095 : i32
    %sub3A_609 = vector.broadcast %sub3A_608 : i32 to vector<512x1xi32>
    %sub3A_610 = arith.subi %sub3A_609, %and3A_604 : vector<512x1xi32>
    %select_n3A_611 = arith.select %lt3A_607, %and3A_604, %sub3A_610 : vector<512x1xi1>, vector<512x1xi32>
    %add3A_612 = vector.broadcast %mul3A_69 : i32 to vector<512x1xi32>
    %add3A_613 = arith.addi %select_n3A_611, %add3A_612 : vector<512x1xi32>
    %swap3A_614 = arith.constant 0 : index
    %swap3A_615 = arith.constant 0 : index
    %swap3A_616 = arith.constant 14 : index
    %swap3A_617 = vector.load %arg8[%swap3A_614, %swap3A_615, %swap3A_616] : memref<1x512x16xi32, #tpu.memory_space<vmem>>, vector<1x512x1xi32>
    %swap3A_618 = vector.shape_cast %swap3A_617 : vector<1x512x1xi32> to vector<512x1xi32>
    %swap3A_619 = vector.shape_cast %add3A_613 : vector<512x1xi32> to vector<1x512x1xi32>
    tpu.vector_store %arg8[%swap3A_614, %swap3A_615, %swap3A_616], %swap3A_619 {strides = array<i32>} : memref<1x512x16xi32, #tpu.memory_space<vmem>>, vector<1x512x1xi32>,
    %lt3A_620 = vector.broadcast %broadcast_in_dim3A_600 : vector<512x1xf32> to vector<512x1024xf32>
    %lt3A_621 = arith.cmpf olt, %max3A_75, %lt3A_620 : vector<512x1024xf32>
    %lt3A_622 = vector.broadcast %broadcast_in_dim3A_600 : vector<512x1xf32> to vector<512x1024xf32>
    %lt3A_623 = arith.cmpf olt, %max3A_79, %lt3A_622 : vector<512x1024xf32>
    %lt3A_624 = vector.broadcast %broadcast_in_dim3A_600 : vector<512x1xf32> to vector<512x1024xf32>
    %lt3A_625 = arith.cmpf olt, %min3A_80, %lt3A_624 : vector<512x1024xf32>
    %lt3A_626 = vector.broadcast %broadcast_in_dim3A_600 : vector<512x1xf32> to vector<512x1024xf32>
    %lt3A_627 = arith.cmpf olt, %min3A_76, %lt3A_626 : vector<512x1024xf32>
    %jit3A_628 = arith.constant 0xFF800000 : f32
    %broadcast_in_dim3A_629 = vector.broadcast %jit3A_628 : f32 to vector<512x1024xf32>
    %select_n3A_630 = arith.select %lt3A_627, %min3A_76, %broadcast_in_dim3A_629 : vector<512x1024xi1>, vector<512x1024xf32>
    %select_n3A_631 = arith.select %lt3A_625, %min3A_80, %select_n3A_630 : vector<512x1024xi1>, vector<512x1024xf32>
    %select_n3A_632 = arith.select %lt3A_623, %max3A_79, %select_n3A_631 : vector<512x1024xi1>, vector<512x1024xf32>
    %select_n3A_633 = arith.select %lt3A_621, %max3A_75, %select_n3A_632 : vector<512x1024xi1>, vector<512x1024xf32>
    %reduce_max3A_634 = arith.constant dense<0xFF800000> : vector<512xf32>
    %reduce_max3A_635 = vector.multi_reduction <maximumf>, %select_n3A_633, %reduce_max3A_634 [1] : vector<512x1024xf32> to vector<512xf32>
    %broadcast_in_dim3A_636 = vector.shape_cast %reduce_max3A_635 : vector<512xf32> to vector<512x1xf32>
    %bitcast_convert_type3A_637 = tpu.bitcast %broadcast_in_dim3A_636 : vector<512x1xf32> -> vector<512x1xi32>
    %and3A_638 = arith.constant 4095 : i32
    %and3A_639 = vector.broadcast %and3A_638 : i32 to vector<512x1xi32>
    %and3A_640 = arith.andi %bitcast_convert_type3A_637, %and3A_639 : vector<512x1xi32>
    %lt3A_641 = arith.constant 0 : i32
    %lt3A_642 = vector.broadcast %lt3A_641 : i32 to vector<512x1xi32>
    %lt3A_643 = arith.cmpi slt, %bitcast_convert_type3A_637, %lt3A_642 : vector<512x1xi32>
    %sub3A_644 = arith.constant 4095 : i32
    %sub3A_645 = vector.broadcast %sub3A_644 : i32 to vector<512x1xi32>
    %sub3A_646 = arith.subi %sub3A_645, %and3A_640 : vector<512x1xi32>
    %select_n3A_647 = arith.select %lt3A_643, %and3A_640, %sub3A_646 : vector<512x1xi1>, vector<512x1xi32>
    %add3A_648 = vector.broadcast %mul3A_69 : i32 to vector<512x1xi32>
    %add3A_649 = arith.addi %select_n3A_647, %add3A_648 : vector<512x1xi32>
    %swap3A_650 = arith.constant 0 : index
    %swap3A_651 = arith.constant 0 : index
    %swap3A_652 = arith.constant 15 : index
    %swap3A_653 = vector.load %arg8[%swap3A_650, %swap3A_651, %swap3A_652] : memref<1x512x16xi32, #tpu.memory_space<vmem>>, vector<1x512x1xi32>
    %swap3A_654 = vector.shape_cast %swap3A_653 : vector<1x512x1xi32> to vector<512x1xi32>
    %swap3A_655 = vector.shape_cast %add3A_649 : vector<512x1xi32> to vector<1x512x1xi32>
    tpu.vector_store %arg8[%swap3A_650, %swap3A_651, %swap3A_652], %swap3A_655 {strides = array<i32>} : memref<1x512x16xi32, #tpu.memory_space<vmem>>, vector<1x512x1xi32>,
    %get3A_656 = arith.constant 0 : index
    %get3A_657 = arith.constant 0 : index
    %get3A_658 = arith.constant 0 : index
    %get3A_659 = vector.load %arg4[%get3A_656, %get3A_657, %get3A_658] : memref<1x32x512xf32, #tpu.memory_space<vmem>>, vector<1x32x512xf32>
    %get3A_660 = vector.shape_cast %get3A_659 : vector<1x32x512xf32> to vector<32x512xf32>
    %transpose3A = tpu.transpose %get3A_660, [1, 0] : vector<32x512xf32> -> vector<512x32xf32>
    %swap3A_661 = arith.constant 0 : index
    %swap3A_662 = arith.constant 0 : index
    %swap3A_663 = arith.constant 0 : index
    %swap3A_664 = vector.load %arg11[%swap3A_661, %swap3A_662, %swap3A_663] : memref<1x512x32xf32, #tpu.memory_space<vmem>>, vector<1x512x32xf32>
    %swap3A_665 = vector.shape_cast %swap3A_664 : vector<1x512x32xf32> to vector<512x32xf32>
    %swap3A_666 = vector.shape_cast %transpose3A : vector<512x32xf32> to vector<1x512x32xf32>
    tpu.vector_store %arg11[%swap3A_661, %swap3A_662, %swap3A_663], %swap3A_666 {strides = array<i32>} : memref<1x512x32xf32, #tpu.memory_space<vmem>>, vector<1x512x32xf32>,
    %get3A_667 = arith.constant 0 : index
    %get3A_668 = arith.constant 0 : index
    %get3A_669 = vector.load %arg5[%get3A_667, %get3A_668] : memref<32x32xf32, #tpu.memory_space<vmem>>, vector<32x32xf32>
    %dot_general3A_670 = arith.constant dense<0.000000e+00> : vector<512x32xf32>
    %dot_general3A_671 = tpu.matmul %transpose3A, %get3A_669, %dot_general3A_670 {dimension_numbers = #tpu.dot_dimension_numbers<[1], [0], [0], [1], [0, 0, 1, 1], [], []>, transpose_lhs_hint = false} : vector<512x32xf32>, vector<32x32xf32>, vector<512x32xf32> -> vector<512x32xf32>
    %get3A_672 = arith.constant 0 : index
    %get3A_673 = arith.constant 0 : index
    %get3A_674 = vector.load %arg7[%get3A_672, %get3A_673] : memref<1x32xf32, #tpu.memory_space<vmem>>, vector<1x32xf32>
    %add3A_675 = vector.broadcast %get3A_674 : vector<1x32xf32> to vector<512x32xf32>
    %add3A_676 = arith.addf %dot_general3A_671, %add3A_675 : vector<512x32xf32>
    %swap3A_677 = arith.constant 0 : index
    %swap3A_678 = arith.constant 0 : index
    %swap3A_679 = arith.constant 0 : index
    %swap3A_680 = vector.load %arg9[%swap3A_677, %swap3A_678, %swap3A_679] : memref<1x512x32xf32, #tpu.memory_space<vmem>>, vector<1x512x32xf32>
    %swap3A_681 = vector.shape_cast %swap3A_680 : vector<1x512x32xf32> to vector<512x32xf32>
    %swap3A_682 = vector.shape_cast %add3A_676 : vector<512x32xf32> to vector<1x512x32xf32>
    tpu.vector_store %arg9[%swap3A_677, %swap3A_678, %swap3A_679], %swap3A_682 {strides = array<i32>} : memref<1x512x32xf32, #tpu.memory_space<vmem>>, vector<1x512x32xf32>,
    %get3A_683 = arith.constant 0 : index
    %get3A_684 = arith.constant 0 : index
    %get3A_685 = vector.load %arg6[%get3A_683, %get3A_684] : memref<32x32xf32, #tpu.memory_space<vmem>>, vector<32x32xf32>
    %dot_general3A_686 = arith.constant dense<0.000000e+00> : vector<512x32xf32>
    %dot_general3A_687 = tpu.matmul %transpose3A, %get3A_685, %dot_general3A_686 {dimension_numbers = #tpu.dot_dimension_numbers<[1], [0], [0], [1], [0, 0, 1, 1], [], []>, transpose_lhs_hint = false} : vector<512x32xf32>, vector<32x32xf32>, vector<512x32xf32> -> vector<512x32xf32>
    %swap3A_688 = arith.constant 0 : index
    %swap3A_689 = arith.constant 0 : index
    %swap3A_690 = arith.constant 0 : index
    %swap3A_691 = vector.load %arg10[%swap3A_688, %swap3A_689, %swap3A_690] : memref<1x512x32xf32, #tpu.memory_space<vmem>>, vector<1x512x32xf32>
    %swap3A_692 = vector.shape_cast %swap3A_691 : vector<1x512x32xf32> to vector<512x32xf32>
    %swap3A_693 = vector.shape_cast %dot_general3A_687 : vector<512x32xf32> to vector<1x512x32xf32>
    tpu.vector_store %arg10[%swap3A_688, %swap3A_689, %swap3A_690], %swap3A_693 {strides = array<i32>} : memref<1x512x32xf32, #tpu.memory_space<vmem>>, vector<1x512x32xf32>,
    return
  }
  func.func @transform_0(%arg0: i32, %arg1: i32) -> (i32, i32, i32) {
    %c0_i32 = arith.constant 0 : i32
    %c0_i32_0 = arith.constant 0 : i32
    %c0_i32_1 = arith.constant 0 : i32
    return %arg0, %c0_i32, %c0_i32_0 : i32, i32, i32
  }
  func.func @transform_1(%arg0: i32, %arg1: i32) -> (i32, i32, i32) {
    %c0_i32 = arith.constant 0 : i32
    %c0_i32_0 = arith.constant 0 : i32
    return %arg0, %arg1, %c0_i32 : i32, i32, i32
  }
  func.func @transform_2(%arg0: i32, %arg1: i32) -> (i32, i32, i32) {
    %c0_i32 = arith.constant 0 : i32
    %c0_i32_0 = arith.constant 0 : i32
    return %arg0, %c0_i32, %arg1 : i32, i32, i32
  }
  func.func @transform_3(%arg0: i32, %arg1: i32) -> (i32, i32) {
    %c0_i32 = arith.constant 0 : i32
    %c0_i32_0 = arith.constant 0 : i32
    %c0_i32_1 = arith.constant 0 : i32
    return %c0_i32, %c0_i32_0 : i32, i32
  }
  func.func @transform_4(%arg0: i32, %arg1: i32) -> (i32, i32) {
    %c0_i32 = arith.constant 0 : i32
    %c0_i32_0 = arith.constant 0 : i32
    %c0_i32_1 = arith.constant 0 : i32
    return %c0_i32, %c0_i32_0 : i32, i32
  }
  func.func @transform_5(%arg0: i32, %arg1: i32) -> (i32, i32) {
    %c0_i32 = arith.constant 0 : i32
    %c0_i32_0 = arith.constant 0 : i32
    %c0_i32_1 = arith.constant 0 : i32
    return %c0_i32, %c0_i32_0 : i32, i32
  }
  func.func @transform_6(%arg0: i32, %arg1: i32) -> (i32, i32, i32) {
    %c0_i32 = arith.constant 0 : i32
    %c0_i32_0 = arith.constant 0 : i32
    return %arg0, %arg1, %c0_i32 : i32, i32, i32
  }
  func.func @transform_7(%arg0: i32, %arg1: i32) -> (i32, i32, i32) {
    %c0_i32 = arith.constant 0 : i32
    %c0_i32_0 = arith.constant 0 : i32
    return %arg0, %arg1, %c0_i32 : i32, i32, i32
  }
  func.func @transform_8(%arg0: i32, %arg1: i32) -> (i32, i32, i32) {
    %c0_i32 = arith.constant 0 : i32
    %c0_i32_0 = arith.constant 0 : i32
    return %arg0, %arg1, %c0_i32 : i32, i32, i32
  }
  func.func @transform_9(%arg0: i32, %arg1: i32) -> (i32, i32, i32) {
    %c0_i32 = arith.constant 0 : i32
    %c0_i32_0 = arith.constant 0 : i32
    return %arg0, %arg1, %c0_i32 : i32, i32, i32
  }
}

</mosaic_0001>

<sc_bundles>
// kernel: kernel.10.cloned.1.call-start
scs
__scs_entry_jumppad:
0x0: {  	(pc) =	sbr.rel $0x88, $3  }
0x1: {  	(tag) =	ssettag $0x0;
	lr =	simm.s32 $0x1  }
0x2: {  	[smem:$0x3F9D] =	sst lr;
	_ =	strace $0xD0000000  }
0x3: {  	_ = 	snop  }
0x4: {  	_ = 	snop  }
0x5: {  	_ = 	snop  }
0x6: {  	_ = 	snop  }
0x7: {  	_ = 	snop  }
__scs_overlays_trampoline_lowered:
0x8: {  	[smem:$0x3FAC] =	sst s0  }
0x9: {  	[smem:$0x3FAD] =	sst s1  }
0xa: {  	[smem:$0x3FAE] =	sst s2  }
0xb: {  	[smem:$0x3FAF] =	sst s3  }
0xc: {  	[smem:$0x3FB0] =	sst s4  }
0xd: {  	[smem:$0x3FB1] =	sst s5  }
0xe: {  	[smem:$0x3FB2] =	sst s6  }
0xf: {  	[smem:$0x3FB3] =	sst s7  }
0x10: {  	[smem:$0x3FB4] =	sst s8  }
0x11: {  	[smem:$0x3FB5] =	sst s9;
	s0 =	simm.s32 @!p0 $0x0  }
0x12: {  	s1 =	sld [smem:$0x3F9B];
	s0 =	simm.s32 @p0 $0x1  }
0x13: {  	[smem:$0x3FB6] =	sst s0;
	s0 =	simm.s32 @!p1 $0x0  }
0x14: {  	s2 =	sld [smem:$0x3F9A];
	s0 =	simm.s32 @p1 $0x1  }
0x15: {  	[smem:$0x3FB7] =	sst s0;
	s0 =	simm.s32 @!p2 $0x0  }
0x16: {  	s3 =	sld [smem:$0x3FDB];
	s0 =	simm.s32 @p2 $0x1  }
0x17: {  	s4 =	simm.s32 $0x1BF5;
	[smem:$0x3FB9] =	sst s0  }
0x18: {  	s0 =	sld [smem:$0x3F9C];
	_ =	swait.ge [sflag:s4], $0x0  }
0x19: {  	s7 =	sld [smem:$0x3F9D]  }
0x1a: {  	s8 =	sadd.s32 $0xFFFFE003, lr  }
0x1b: {  	s9 =	sadd.s32 $0xFFFFFEF7, lr;
	s5 =	simm.s32 $0xFFFFFFFF;
	p2 =	slt.u32 s8, $0xFFFFF086  }
0x1c: {  	p1 =	slt.u32 s9, $0xF7A;
	s5 =	simm.s32 @!p2 $0x0  }
0x1d: {  	s5 =	simm.s32 @p1 $0x1;
	p0 =	seq.s32 s7, s2  }
0x1e: {  	s7 =	smul.u32 @!p0 $0xF7A, s2;
	p2 =	seq.s32 @!p0 s5, $0x0  }
0x1f: {  	s9 =	smul.u32 $0xF7A, s1;
	s8 =	simm.s32 @!p0 $0x1BF5;
	p2 =	por !p2, p0  }
0x20: {  	[sflag:s8] =	ssyncset.s32 @!p0 $0xFFFFF086;
	s6 =	sadd.s32 @!p0 s3, s7;
	s7 =	simm.s32 @!p0 $0x108  }
0x21: {  	s3 =	sadd.s32 s3, s9;
	s6 =	sadd.s32 @!p0 $0x88, s6;
	s7 =	simm.s32 @p2 $0x1082  }
0x22: {  	[simem:s7], [sflag:s8] =	dma.local @!p0 [hbm:s6], $0xF7A  }
0x23: {  	s9 =	sor.u32 $0xD0000000, s2;
	s6 =	simm.s32 $0x108;
	_ =	swait.ge @!p0 [sflag:s8], $0x0  }
0x24: {  	s3 =	sadd.s32 $0x88, s3;
	s6 =	simm.s32 @!p1 $0x1082;
	[sflag:s4] =	ssyncset.s32 $0xFFFFF086  }
0x25: {  	[simem:s6], [sflag:s4] =	dma.local [hbm:s3], $0xF7A  }
0x26: {  	[smem:$0x3F9D] =	sst s1;
	(tag) =	ssettag s2;
	_ =	strace s9  }
0x27: {  	s1 =	sld [smem:$0x3FAD]  }
0x28: {  	s2 =	sld [smem:$0x3FAE]  }
0x29: {  	s4 =	sld [smem:$0x3FB0]  }
0x2a: {  	p0 =	seq.s32 s5, $0x0;
	s5 =	sld [smem:$0x3FB1]  }
0x2b: {  	s6 =	sld [smem:$0x3FB2]  }
0x2c: {  	s7 =	sld [smem:$0x3FB3]  }
0x2d: {  	s3 =	simm.s32 $0x108;
	s8 =	sld [smem:$0x3FB4]  }
0x2e: {  	s3 =	simm.s32 @!p0 $0x1082;
	s9 =	sld [smem:$0x3FB5]  }
0x2f: {  	lr =	sadd.s32 s0, s3;
	s0 =	sld [smem:$0x3FAC]  }
0x30: {  	s3 =	sld [smem:$0x3FAF]  }
0x31: {  	[smem:$0x3FB8] =	sst s10  }
0x32: {  	s10 =	sld [smem:$0x3FB6];
	_ =	sdelay $0x3  }
0x33: {  	p0 =	seq.s32 s10, $0x1;
	s10 =	sld [smem:$0x3FB8];
	_ =	sdelay $0x3  }
0x34: {  	[smem:$0x3FB8] =	sst s10  }
0x35: {  	s10 =	sld [smem:$0x3FB7];
	_ =	sdelay $0x3  }
0x36: {  	p1 =	seq.s32 s10, $0x1;
	s10 =	sld [smem:$0x3FB8];
	_ =	sdelay $0x3  }
0x37: {  	[smem:$0x3FB8] =	sst s10  }
0x38: {  	s10 =	sld [smem:$0x3FB9]  }
0x39: {  	_ = 	snop;
	(pc) =	sbr.ind lr, $3  }
0x3a: {  	_ = 	snop  }
0x3b: {  	_ = 	snop  }
0x3c: {  	p2 =	seq.s32 s10, $0x1;
	s10 =	sld [smem:$0x3FB8]  }
0x3d: {  	_ =	shalt  }
0x3e: {  	_ =	shalt  }
0x3f: {  	_ =	shalt  }
0x40: {  	_ =	shalt  }
0x41: {  	_ =	shalt  }
0x42: {  	_ =	shalt  }
0x43: {  	_ =	shalt  }
0x44: {  	_ =	shalt  }
0x45: {  	_ =	shalt  }
0x46: {  	_ =	shalt  }
0x47: {  	_ =	shalt  }
0x48: {  	_ =	shalt  }
0x49: {  	_ =	shalt  }
0x4a: {  	_ =	shalt  }
0x4b: {  	_ =	shalt  }
0x4c: {  	_ =	shalt  }
0x4d: {  	_ =	shalt  }
0x4e: {  	_ =	shalt  }
0x4f: {  	_ =	shalt  }
0x50: {  	_ =	shalt  }
0x51: {  	_ =	shalt  }
0x52: {  	_ =	shalt  }
0x53: {  	_ =	shalt  }
0x54: {  	_ =	shalt  }
0x55: {  	_ =	shalt  }
0x56: {  	_ =	shalt  }
0x57: {  	_ =	shalt  }
0x58: {  	_ =	shalt  }
0x59: {  	_ =	shalt  }
0x5a: {  	_ =	shalt  }
0x5b: {  	_ =	shalt  }
0x5c: {  	_ =	shalt  }
0x5d: {  	_ =	shalt  }
0x5e: {  	_ =	shalt  }
0x5f: {  	_ =	shalt  }
0x60: {  	_ =	shalt  }
0x61: {  	_ =	shalt  }
0x62: {  	_ =	shalt  }
0x63: {  	_ =	shalt  }
0x64: {  	_ =	shalt  }
0x65: {  	_ =	shalt  }
0x66: {  	_ =	shalt  }
0x67: {  	_ =	shalt  }
0x68: {  	_ =	shalt  }
0x69: {  	_ =	shalt  }
0x6a: {  	_ =	shalt  }
0x6b: {  	_ =	shalt  }
0x6c: {  	_ =	shalt  }
0x6d: {  	_ =	shalt  }
0x6e: {  	_ =	shalt  }
0x6f: {  	_ =	shalt  }
0x70: {  	_ =	shalt  }
0x71: {  	_ =	shalt  }
0x72: {  	_ =	shalt  }
0x73: {  	_ =	shalt  }
0x74: {  	_ =	shalt  }
0x75: {  	_ =	shalt  }
0x76: {  	_ =	shalt  }
0x77: {  	_ =	shalt  }
0x78: {  	_ =	shalt  }
0x79: {  	_ =	shalt  }
0x7a: {  	_ =	shalt  }
0x7b: {  	_ =	shalt  }
0x7c: {  	_ =	shalt  }
0x7d: {  	_ =	shalt  }
0x7e: {  	_ =	shalt  }
0x7f: {  	_ =	shalt  }
0x80: {  	_ =	shalt  }
0x81: {  	_ =	shalt  }
0x82: {  	_ =	shalt  }
0x83: {  	_ =	shalt  }
0x84: {  	_ =	shalt  }
0x85: {  	_ =	shalt  }
0x86: {  	_ =	shalt  }
0x87: {  	_ =	shalt  }
.Lfunc_end0:
.L_simem_size_0:
called_computation_lowered:
.L_overlay_start_0:
0x88: {  	s2 =	sld [smem:$0x3FD9]  }
0x89: {  	s3 =	sld [smem:$0x3FFE];
	_ =	sdelay $0x1  }
0x8a: {  	s1 =	srdreg.scid  }
0x8b: {  	s0 =	sand.u32 $0x1, s1  }
0x8c: {  	s16 =	sshll.u32 s0, $0xA;
	s2 =	sadd.s32 s3, s2  }
0x8d: {  	s2 =	sadd.s32 s2, s16  }
0x8e: {  	[smem:$0x3FC4] =	sst s2  }
0x8f: {  	_ = 	snop  }
0x90: {  	(tm) =	ssettm $0x1  }
0x91: {  	s17 =	sld [smem:$0x3FFB];
	_ =	sdelay $0x3  }
0x92: {  	_ =	strace s17  }
0x93: {  	s2 =	sld [smem:$0x3FFC];
	_ =	sdelay $0x3  }
0x94: {  	_ =	strace s2  }
0x95: {  	s2 =	sld [smem:$0x3FFD];
	_ =	sdelay $0x3  }
0x96: {  	_ =	strace s2  }
0x97: {  	_ =	strace $0x8FFFFFFF  }
0x98: {  	s18 =	sld [smem:$0x3FDB];
	_ =	sdelay $0x1  }
0x99: {  	s19 =	simm.s32 $_scs_section_size  }
0x9a: {  	s4 =	simm.s32 $_size__tile_overlayer_lowered;
	s5 =	simm.s32 $_tile_overlayer_lowered  }
0x9b: {  	s22 =	simm.s32 $0x1BFF;
	s21 =	sshll.u32 s5, $0x1;
	s2 =	sadd.s32 s19, s18  }
0x9c: {  	s6 =	simm.s32 $0x0;
	s20 =	sshll.u32 s4, $0x1;
	s4 =	sadd.s32 s21, s2  }
0x9d: {  	[timem:s6], [sflag:s22] =	dma.local [hbm:s4], s20  }
0x9e: {  	_ =	swait.ge [sflag:s22], s20  }
0x9f: {  	s3 =	ssub.s32 $0x0, s20;
	[sflag:s22] =	ssyncset.done $0x0  }
0xa0: {  	[sflag:s22] =	ssyncadd.s32 s3;
	_ =	sdelay $0x1  }
0xa1: {  	s23 =	simm.s32 $0x1B8B  }
0xa2: {  	_ =	swait.ge [sflag:s23], $0x1  }
0xa3: {  	[sflag:s23] =	ssyncset.done $0x0  }
0xa4: {  	s25 =	simm.s32 $0x1B8E;
	s24 =	sld [smem:$0x3FFE];
	[sflag:s23] =	ssyncadd.s32 $0xFFFFFFFF  }
0xa5: {  	s26 =	simm.s32 $execute0_lowered;
	[smem:$0x3FD2] =	sst s25  }
0xa6: {  	s4 =	sshll.u32 s26, $0x1;
	_ =	strace $0x80000046;
	[dreg:$0x1] =	wrdreg $0xFFFFFFFF  }
0xa7: {  	s28 =	simm.s32 $_size_execute0_lowered;
	s2 =	sadd.s32 s2, s4;
	[dreg:$0x0] =	wrdreg $0x0  }
0xa8: {  	s4 =	sshll.u32 s28, $0x1;
	[dreg:$0x2] =	wrdreg s2  }
0xa9: {  	[dreg:$0x3] =	wrdreg s4  }
0xaa: {  	[dreg:$0x4] =	wrdreg $0xC0  }
0xab: {  	_ =	task [dreg:s6], $0x5FFFF  }
0xac: {  	[dreg:$0x1] =	wrdreg $0xFFFFFFFF  }
0xad: {  	[dreg:$0x0] =	wrdreg $0x60  }
0xae: {  	[dreg:$0x2] =	wrdreg s24  }
0xaf: {  	[dreg:$0x3] =	wrdreg $0x9  }
0xb0: {  	_ =	task.clear_ibuf [dreg:s6], $0x4FFFF;
	_ =	strace $0x90000046  }
0xb1: {  	s29 =	simm.s32 $0x9;
	_ =	strace $0x80000048  }
0xb2: {  	_ =	swait.ge [sflag:s29], $0x1  }
0xb3: {  	[sflag:s29] =	ssyncadd.s32 $0xFFFFFFFF  }
0xb4: {  	_ =	strace $0x90000048  }
0xb5: {  	_ =	sfence  }
0xb6: {  	s30 =	sld [smem:$0x0];
	_ =	sdelay $0x2  }
0xb7: {  	s31 =	sshll.u32 s1, $0xD;
	s1 =	sshrl.u32 s1, $0x2  }
0xb8: {  	s3 =	sand.u32 $0x4000, s31;
	s1 =	sadd.s32 s1, s30  }
0xb9: {  	s0 =	sor.u32 s3, s0;
	s1 =	sshll.u32 s1, $0x11  }
0xba: {  	s0 =	sor.u32 s1, s0  }
0xbb: {  	s0 =	sadd.s32 $0x8F2B, s0  }
0xbc: {  	[sflag:s0] =	ssyncadd.remote.s32 $0x1  }
0xbd: {  	_ =	sfence.sel $0xFFFF  }
0xbe: {  	[dreg:$0x0] =	wrdreg $0xFFFFFFFF;
	(pc) =	sbr.abs _section_cstart, $3  }
0xbf: {  	[dreg:$0x1] =	wrdreg $0xFFFFFFFF  }
0xc0: {  	_ =	task.clear_ibuf [dreg:s6], $0x2FFFF;
	_ =	strace $0x9FFFFFFF  }
0xc1: {  	(tm) =	ssettm $0x7FFFFFFF  }
tec
execute0_lowered:
.L_overlay_start_1:
0x0: {  	(tag) =	ssettag $0x1  }
0x1: {  	s0 =	rddreg [dreg:$0x0]  }
0x2: {  	s2 =	simm.s32 $0x0;
	s1 =	srdreg.scid;
	s3 =	stileid.u32  }
0x3: {  	s9 =	simm.s32 $0x2;
	s10 =	simm.s32 $0x80;
	s29 =	simm.s32 $0x9800  }
0x4: {  	s30 =	simm.s32 $0x500;
	s31 =	simm.s32 $0xA800;
	s11 =	simm.s32 $0x600  }
0x5: {  	s12 =	simm.s32 $0xC800;
	s13 =	simm.s32 $0x680;
	s14 =	simm.s32 $0xD800  }
0x6: {  	s15 =	simm.s32 $0x700;
	s16 =	simm.s32 $0xE800;
	s17 =	simm.s32 $0x780  }
0x7: {  	s18 =	simm.s32 $0xF800;
	s19 =	simm.s32 $0x10800;
	s20 =	simm.s32 $0x11800  }
0x8: {  	s21 =	simm.s32 $0x1;
	s22 =	simm.s32 $0x12800;
	s23 =	simm.s32 $0x0  }
0x9: {  	[smem:$0x7FF] =	sst s2;
	s1 =	sand.u32 $0x1, s1;
	s4 =	sshll.u32 s3, $0x8  }
0xa: {  	s3 =	sadd.s32 $0xA800, s0;
	s5 =	sshll.u32 s1, $0x7;
	s1 =	ssub.s32 $0x2, s1  }
0xb: {  	_ =	strace $0x80000047;
	s4 =	sor.u32 s5, s4;
	s6 =	sshrl.u32 s1, $0x1  }
0xc: {  	s5 =	sshll.u32 s4, $0x1;
	s4 =	sshll.u32 s4, $0x2;
	s1 =	ssub.s32 s1, s6  }
0xd: {  	s5 =	sadd.s32 s5, s0;
	s0 =	sadd.s32 s4, s0;
	s8 =	smax.u32 s1, $0x1  }
0xe: {  	s1 =	simm.s32 $0xB800;
	s4 =	sadd.s32 $0xE800, s5;
	s5 =	sadd.s32 $0x6800, s0  }
0xf: {  	s6 =	sadd.s32 $0x2800, s0;
	s7 =	sadd.s32 $0x10800, s0;
	s0 =	simm.s32 $0x580  }
.LBB2_1:
0x10: {  	[tilespmem:s2], [sflag:$0x2] =	stream.linear.gather [hbm4b:s4+s2], $0x800, $0x38;
	[tilespmem:$0x13800] =	vst v63  }
0x11: {  	_ =	swait.ge [sflag:s9], $0x800  }
0x12: {  	[sflag:s9] =	ssyncset.done $0x0  }
0x13: {  	s24 =	simm.s32 $0x800;
	[sflag:s9] =	ssyncadd.s32 $0xFFFFF800  }
0x14: {  	[tilespmem:s24], [sflag:$0x1] =	stream.indirect.gather [hbm4b:s3+s10], $0x20, s2, s10, $0xb8;
	[tilespmem:$0x13800] =	vst v63  }
0x15: {  	s26 =	simm.s32 $0x1800  }
0x16: {  	[tilespmem:s26], [sflag:$0x1] =	stream.indirect.gather [hbm4b:s3+s10], $0x20, s10, s10, $0xb8;
	[tilespmem:$0x13800] =	vst v63  }
0x17: {  	s28 =	simm.s32 $0x100;
	s25 =	simm.s32 $0x2800  }
0x18: {  	[tilespmem:s25], [sflag:$0x1] =	stream.indirect.gather [hbm4b:s3+s10], $0x20, s28, s10, $0xb8;
	[tilespmem:$0x13800] =	vst v63  }
0x19: {  	s26 =	simm.s32 $0x180;
	s28 =	simm.s32 $0x3800  }
0x1a: {  	[tilespmem:s28], [sflag:$0x1] =	stream.indirect.gather [hbm4b:s3+s10], $0x20, s26, s10, $0xb8;
	[tilespmem:$0x13800] =	vst v63  }
0x1b: {  	s26 =	simm.s32 $0x200;
	s28 =	simm.s32 $0x4800  }
0x1c: {  	[tilespmem:s28], [sflag:$0x1] =	stream.indirect.gather [hbm4b:s3+s10], $0x20, s26, s10, $0xb8;
	[tilespmem:$0x13800] =	vst v63  }
0x1d: {  	s26 =	simm.s32 $0x280;
	s28 =	simm.s32 $0x5800  }
0x1e: {  	[tilespmem:s28], [sflag:$0x1] =	stream.indirect.gather [hbm4b:s3+s10], $0x20, s26, s10, $0xb8;
	[tilespmem:$0x13800] =	vst v63  }
0x1f: {  	s26 =	simm.s32 $0x300;
	s28 =	simm.s32 $0x6800  }
0x20: {  	[tilespmem:s28], [sflag:$0x1] =	stream.indirect.gather [hbm4b:s3+s10], $0x20, s26, s10, $0xb8;
	[tilespmem:$0x13800] =	vst v63  }
0x21: {  	s26 =	simm.s32 $0x380;
	s28 =	simm.s32 $0x7800  }
0x22: {  	[tilespmem:s28], [sflag:$0x1] =	stream.indirect.gather [hbm4b:s3+s10], $0x20, s26, s10, $0xb8;
	[tilespmem:$0x13800] =	vst v63  }
0x23: {  	s25 =	simm.s32 $0x400;
	s26 =	simm.s32 $0x8800  }
0x24: {  	[tilespmem:s26], [sflag:$0x1] =	stream.indirect.gather [hbm4b:s3+s10], $0x20, s25, s10, $0xb8;
	[tilespmem:$0x13800] =	vst v63  }
0x25: {  	s28 =	simm.s32 $0x480  }
0x26: {  	[tilespmem:s29], [sflag:$0x1] =	stream.indirect.gather [hbm4b:s3+s10], $0x20, s28, s10, $0xb8;
	[tilespmem:$0x13800] =	vst v63  }
0x27: {  	_ = 	snop  }
0x28: {  	[tilespmem:s31], [sflag:$0x1] =	stream.indirect.gather [hbm4b:s3+s10], $0x20, s30, s10, $0xb8;
	[tilespmem:$0x13800] =	vst v63  }
0x29: {  	_ = 	snop  }
0x2a: {  	[tilespmem:s1], [sflag:$0x1] =	stream.indirect.gather [hbm4b:s3+s10], $0x20, s0, s10, $0xb8;
	[tilespmem:$0x13800] =	vst v63  }
0x2b: {  	_ = 	snop  }
0x2c: {  	[tilespmem:s12], [sflag:$0x1] =	stream.indirect.gather [hbm4b:s3+s10], $0x20, s11, s10, $0xb8;
	[tilespmem:$0x13800] =	vst v63  }
0x2d: {  	_ = 	snop  }
0x2e: {  	[tilespmem:s14], [sflag:$0x1] =	stream.indirect.gather [hbm4b:s3+s10], $0x20, s13, s10, $0xb8;
	[tilespmem:$0x13800] =	vst v63  }
0x2f: {  	_ = 	snop  }
0x30: {  	[tilespmem:s16], [sflag:$0x1] =	stream.indirect.gather [hbm4b:s3+s10], $0x20, s15, s10, $0xb8;
	[tilespmem:$0x13800] =	vst v63  }
0x31: {  	_ = 	snop  }
0x32: {  	[tilespmem:s18], [sflag:$0x1] =	stream.indirect.gather [hbm4b:s3+s10], $0x20, s17, s10, $0xb8;
	[tilespmem:$0x13800] =	vst v63  }
0x33: {  	_ = 	snop  }
0x34: {  	[tilespmem:s19], [sflag:$0x2] =	stream.linear.gather [hbm4b:s5+s2], $0x1000, $0x38;
	[tilespmem:$0x13800] =	vst v63  }
0x35: {  	_ =	swait.ge [sflag:s9], $0x1000  }
0x36: {  	[sflag:s9] =	ssyncset.done $0x0  }
0x37: {  	[sflag:s9] =	ssyncadd.s32 $0xFFFFF000  }
0x38: {  	[tilespmem:s20], [sflag:$0x2] =	stream.linear.gather [hbm4b:s6+s2], $0x1000, $0x38;
	[tilespmem:$0x13800] =	vst v63  }
0x39: {  	_ =	swait.ge [sflag:s9], $0x1000  }
0x3a: {  	[sflag:s9] =	ssyncset.done $0x0  }
0x3b: {  	[sflag:s9] =	ssyncadd.s32 $0xFFFFF000  }
0x3c: {  	_ =	swait.ge [sflag:s21], $0x1000  }
0x3d: {  	[sflag:s21] =	ssyncset.done $0x0  }
0x3e: {  	[sflag:s21] =	ssyncadd.s32 $0xFFFFF000  }
0x3f: {  	_ =	swait.ge [sflag:s21], $0x1000  }
0x40: {  	[sflag:s21] =	ssyncset.done $0x0  }
0x41: {  	[sflag:s21] =	ssyncadd.s32 $0xFFFFF000  }
0x42: {  	_ =	swait.ge [sflag:s21], $0x1000  }
0x43: {  	[sflag:s21] =	ssyncset.done $0x0  }
0x44: {  	[sflag:s21] =	ssyncadd.s32 $0xFFFFF000  }
0x45: {  	_ =	swait.ge [sflag:s21], $0x1000  }
0x46: {  	[sflag:s21] =	ssyncset.done $0x0  }
0x47: {  	[sflag:s21] =	ssyncadd.s32 $0xFFFFF000  }
0x48: {  	_ =	swait.ge [sflag:s21], $0x1000  }
0x49: {  	[sflag:s21] =	ssyncset.done $0x0  }
0x4a: {  	[sflag:s21] =	ssyncadd.s32 $0xFFFFF000  }
0x4b: {  	_ =	swait.ge [sflag:s21], $0x1000  }
0x4c: {  	[sflag:s21] =	ssyncset.done $0x0  }
0x4d: {  	[sflag:s21] =	ssyncadd.s32 $0xFFFFF000  }
0x4e: {  	_ =	swait.ge [sflag:s21], $0x1000  }
0x4f: {  	[sflag:s21] =	ssyncset.done $0x0  }
0x50: {  	[sflag:s21] =	ssyncadd.s32 $0xFFFFF000  }
0x51: {  	_ =	swait.ge [sflag:s21], $0x1000  }
0x52: {  	[sflag:s21] =	ssyncset.done $0x0  }
0x53: {  	[sflag:s21] =	ssyncadd.s32 $0xFFFFF000  }
0x54: {  	_ =	swait.ge [sflag:s21], $0x1000  }
0x55: {  	[sflag:s21] =	ssyncset.done $0x0  }
0x56: {  	[sflag:s21] =	ssyncadd.s32 $0xFFFFF000  }
0x57: {  	_ =	swait.ge [sflag:s21], $0x1000  }
0x58: {  	[sflag:s21] =	ssyncset.done $0x0  }
0x59: {  	[sflag:s21] =	ssyncadd.s32 $0xFFFFF000  }
0x5a: {  	_ =	swait.ge [sflag:s21], $0x1000  }
0x5b: {  	[sflag:s21] =	ssyncset.done $0x0  }
0x5c: {  	[sflag:s21] =	ssyncadd.s32 $0xFFFFF000  }
0x5d: {  	_ =	swait.ge [sflag:s21], $0x1000  }
0x5e: {  	[sflag:s21] =	ssyncset.done $0x0  }
0x5f: {  	[sflag:s21] =	ssyncadd.s32 $0xFFFFF000  }
0x60: {  	_ =	swait.ge [sflag:s21], $0x1000  }
0x61: {  	[sflag:s21] =	ssyncset.done $0x0  }
0x62: {  	[sflag:s21] =	ssyncadd.s32 $0xFFFFF000  }
0x63: {  	_ =	swait.ge [sflag:s21], $0x1000  }
0x64: {  	[sflag:s21] =	ssyncset.done $0x0  }
0x65: {  	[sflag:s21] =	ssyncadd.s32 $0xFFFFF000  }
0x66: {  	_ =	swait.ge [sflag:s21], $0x1000  }
0x67: {  	[sflag:s21] =	ssyncset.done $0x0  }
0x68: {  	[sflag:s21] =	ssyncadd.s32 $0xFFFFF000  }
0x69: {  	_ =	swait.ge [sflag:s21], $0x1000  }
0x6a: {  	[sflag:s21] =	ssyncset.done $0x0  }
0x6b: {  	s24 =	simm.s32 $0x0;
	[sflag:s21] =	ssyncadd.s32 $0xFFFFF000  }
0x6c: {  	s25 =	simm.s32 $0x900;
	s26 =	simm.s32 $0x80;
	v0 =	vld [tilespmem:s24+$0x10800]  }
.LBB2_2:
0x6d: {  	p0 =	sne.s32 s26, $0x3F80;
	v1 =	vld [tilespmem:s25+$0xFFFFFF00]  }
0x6e: {  	v2 =	vld [tilespmem:s25+$0xFFFFFF20]  }
0x6f: {  	v3 =	vld [tilespmem:s25+$0xFFFFFF40]  }
0x70: {  	v4 =	vld [tilespmem:s25+$0xFFFFFF60]  }
0x71: {  	v5 =	vld [tilespmem:s25+$0xFFFFFF80]  }
0x72: {  	v1 =	vadd.f32 v1, v0;
	v6 =	vld [tilespmem:s25+$0xFFFFFFA0]  }
0x73: {  	v7 =	vld [tilespmem:s25+$0xFFFFFFC0]  }
0x74: {  	v2 =	vadd.f32 v2, v0;
	v1 =	vmax.f32 v1, $0.0e+00;
	v8 =	vld [tilespmem:s25+$0xFFFFFFE0]  }
0x75: {  	v1 =	vadd.f32 $0.0e+00, v1;
	v9 =	vld [tilespmem:s25+$0x0]  }
0x76: {  	v3 =	vadd.f32 v3, v0;
	v2 =	vmax.f32 v2, $0.0e+00;
	v10 =	vld [tilespmem:s25+$0x20]  }
0x77: {  	v1 =	vadd.f32 v2, v1;
	v2 =	vld [tilespmem:s25+$0x40]  }
0x78: {  	v4 =	vadd.f32 v4, v0;
	v3 =	vmax.f32 v3, $0.0e+00;
	v11 =	vld [tilespmem:s25+$0x60]  }
0x79: {  	v1 =	vadd.f32 v3, v1;
	v3 =	vld [tilespmem:s25+$0x80]  }
0x7a: {  	v5 =	vadd.f32 v5, v0;
	v4 =	vmax.f32 v4, $0.0e+00;
	v12 =	vld [tilespmem:s25+$0xA0]  }
0x7b: {  	v1 =	vadd.f32 v4, v1;
	v4 =	vld [tilespmem:s25+$0xC0]  }
0x7c: {  	v6 =	vadd.f32 v6, v0;
	v5 =	vmax.f32 v5, $0.0e+00;
	v13 =	vld [tilespmem:s25+$0xE0]  }
0x7d: {  	v1 =	vadd.f32 v5, v1  }
0x7e: {  	v5 =	vmax.f32 v6, $0.0e+00;
	v6 =	vadd.f32 v7, v0  }
0x7f: {  	v1 =	vadd.f32 v5, v1  }
0x80: {  	v5 =	vmax.f32 v6, $0.0e+00;
	v6 =	vadd.f32 v8, v0  }
0x81: {  	v1 =	vadd.f32 v5, v1  }
0x82: {  	v5 =	vmax.f32 v6, $0.0e+00;
	v6 =	vadd.f32 v9, v0  }
0x83: {  	v1 =	vadd.f32 v5, v1  }
0x84: {  	v5 =	vmax.f32 v6, $0.0e+00;
	v6 =	vadd.f32 v10, v0  }
0x85: {  	v1 =	vadd.f32 v5, v1  }
0x86: {  	v2 =	vadd.f32 v2, v0;
	v5 =	vmax.f32 v6, $0.0e+00  }
0x87: {  	v1 =	vadd.f32 v5, v1  }
0x88: {  	v2 =	vmax.f32 v2, $0.0e+00;
	v5 =	vadd.f32 v11, v0  }
0x89: {  	v1 =	vadd.f32 v2, v1  }
0x8a: {  	v3 =	vadd.f32 v3, v0;
	v2 =	vmax.f32 v5, $0.0e+00  }
0x8b: {  	v1 =	vadd.f32 v2, v1  }
0x8c: {  	v2 =	vmax.f32 v3, $0.0e+00;
	v3 =	vadd.f32 v12, v0  }
0x8d: {  	v1 =	vadd.f32 v2, v1  }
0x8e: {  	v2 =	vmax.f32 v3, $0.0e+00;
	v3 =	vadd.f32 v4, v0  }
0x8f: {  	v1 =	vadd.f32 v2, v1  }
0x90: {  	v0 =	vadd.f32 v13, v0;
	v2 =	vmax.f32 v3, $0.0e+00  }
0x91: {  	v1 =	vadd.f32 v2, v1  }
0x92: {  	v0 =	vmax.f32 v0, $0.0e+00;
	v2 =	vld [tilespmem:s24+$0x11800]  }
0x93: {  	v0 =	vadd.f32 v0, v1;
	_ =	sdelay $0x1  }
0x94: {  	v0 =	vmul.f32 $6.250000000e-02, v0;
	_ =	sdelay $0x1  }
0x95: {  	v0 =	vadd.f32 v0, v2;
	_ =	sdelay $0x1  }
0x96: {  	v0 =	vmax.f32 v0, $0.0e+00  }
0x97: {  	[tilespmem:s24+$0x12800] =	vst v0;
	v0 =	vld [tilespmem:s24+$0x10810]  }
0x98: {  	v1 =	vld [tilespmem:s25+$0xFFFFFF10]  }
0x99: {  	v2 =	vld [tilespmem:s25+$0xFFFFFF30]  }
0x9a: {  	v3 =	vld [tilespmem:s25+$0xFFFFFF50]  }
0x9b: {  	v4 =	vld [tilespmem:s25+$0xFFFFFF70]  }
0x9c: {  	v5 =	vld [tilespmem:s25+$0xFFFFFF90]  }
0x9d: {  	v1 =	vadd.f32 v1, v0;
	v6 =	vld [tilespmem:s25+$0xFFFFFFB0]  }
0x9e: {  	v7 =	vld [tilespmem:s25+$0xFFFFFFD0]  }
0x9f: {  	v2 =	vadd.f32 v2, v0;
	v1 =	vmax.f32 v1, $0.0e+00;
	v8 =	vld [tilespmem:s25+$0xFFFFFFF0]  }
0xa0: {  	v1 =	vadd.f32 $0.0e+00, v1;
	v9 =	vld [tilespmem:s25+$0x10]  }
0xa1: {  	v3 =	vadd.f32 v3, v0;
	v2 =	vmax.f32 v2, $0.0e+00;
	v10 =	vld [tilespmem:s25+$0x30]  }
0xa2: {  	v1 =	vadd.f32 v2, v1;
	v2 =	vld [tilespmem:s25+$0x50]  }
0xa3: {  	v4 =	vadd.f32 v4, v0;
	v3 =	vmax.f32 v3, $0.0e+00;
	v11 =	vld [tilespmem:s25+$0x70]  }
0xa4: {  	v1 =	vadd.f32 v3, v1;
	v3 =	vld [tilespmem:s25+$0x90]  }
0xa5: {  	v5 =	vadd.f32 v5, v0;
	v4 =	vmax.f32 v4, $0.0e+00;
	v12 =	vld [tilespmem:s25+$0xB0]  }
0xa6: {  	v1 =	vadd.f32 v4, v1;
	v4 =	vld [tilespmem:s25+$0xD0]  }
0xa7: {  	v6 =	vadd.f32 v6, v0;
	v5 =	vmax.f32 v5, $0.0e+00;
	v13 =	vld [tilespmem:s25+$0xF0]  }
0xa8: {  	v1 =	vadd.f32 v5, v1  }
0xa9: {  	v5 =	vmax.f32 v6, $0.0e+00;
	v6 =	vadd.f32 v7, v0  }
0xaa: {  	v1 =	vadd.f32 v5, v1  }
0xab: {  	v5 =	vmax.f32 v6, $0.0e+00;
	v6 =	vadd.f32 v8, v0  }
0xac: {  	v1 =	vadd.f32 v5, v1  }
0xad: {  	v5 =	vmax.f32 v6, $0.0e+00;
	v6 =	vadd.f32 v9, v0  }
0xae: {  	v1 =	vadd.f32 v5, v1  }
0xaf: {  	v5 =	vmax.f32 v6, $0.0e+00;
	v6 =	vadd.f32 v10, v0  }
0xb0: {  	v1 =	vadd.f32 v5, v1  }
0xb1: {  	v2 =	vadd.f32 v2, v0;
	v5 =	vmax.f32 v6, $0.0e+00  }
0xb2: {  	v1 =	vadd.f32 v5, v1  }
0xb3: {  	v2 =	vmax.f32 v2, $0.0e+00;
	v5 =	vadd.f32 v11, v0  }
0xb4: {  	v1 =	vadd.f32 v2, v1  }
0xb5: {  	v3 =	vadd.f32 v3, v0;
	v2 =	vmax.f32 v5, $0.0e+00  }
0xb6: {  	v1 =	vadd.f32 v2, v1  }
0xb7: {  	v2 =	vmax.f32 v3, $0.0e+00;
	v3 =	vadd.f32 v12, v0  }
0xb8: {  	v1 =	vadd.f32 v2, v1  }
0xb9: {  	v2 =	vmax.f32 v3, $0.0e+00;
	v3 =	vadd.f32 v4, v0  }
0xba: {  	v1 =	vadd.f32 v2, v1  }
0xbb: {  	v0 =	vadd.f32 v13, v0;
	v2 =	vmax.f32 v3, $0.0e+00  }
0xbc: {  	v1 =	vadd.f32 v2, v1  }
0xbd: {  	v0 =	vmax.f32 v0, $0.0e+00;
	v2 =	vld [tilespmem:s24+$0x11810]  }
0xbe: {  	v0 =	vadd.f32 v0, v1;
	_ =	sdelay $0x1  }
0xbf: {  	v0 =	vmul.f32 $6.250000000e-02, v0  }
.Ltmp0:
0xc0: {  	(pc) =	sbr.rel @p0 .LBB2_2-.Ltmp0, $3  }
0xc1: {  	v0 =	vadd.f32 v0, v2;
	_ =	sdelay $0x1  }
0xc2: {  	s28 =	sshra.s32 s26, $0x2;
	v1 =	vmax.f32 v0, $0.0e+00  }
0xc3: {  	s26 =	sadd.s32 $0x80, s26;
	s25 =	sadd.s32 $0x200, s25;
	v0 =	vld [tilespmem:s28+$0x10800];
	[tilespmem:s24+$0x12810] =	vst v1;
	s24 =	smov.u32 s28  }
0xc4: {  	v1 =	vld [tilespmem:s25+$0xFFFFFF00];
	_ =	sdelay $0x1  }
0xc5: {  	v2 =	vld [tilespmem:s25+$0xFFFFFF20];
	_ =	sdelay $0x1  }
0xc6: {  	v3 =	vld [tilespmem:s25+$0xFFFFFF40]  }
0xc7: {  	v1 =	vadd.f32 v1, v0  }
0xc8: {  	v4 =	vld [tilespmem:s25+$0xFFFFFF60]  }
0xc9: {  	v2 =	vadd.f32 v2, v0;
	v1 =	vmax.f32 v1, $0.0e+00  }
0xca: {  	v5 =	vld [tilespmem:s25+$0xFFFFFF80];
	v1 =	vadd.f32 $0.0e+00, v1  }
0xcb: {  	v3 =	vadd.f32 v3, v0;
	v2 =	vmax.f32 v2, $0.0e+00  }
0xcc: {  	v6 =	vld [tilespmem:s25+$0xFFFFFFA0];
	v1 =	vadd.f32 v2, v1  }
0xcd: {  	v40 =	vadd.f32 v4, v0;
	v39 =	vmax.f32 v3, $0.0e+00  }
0xce: {  	v41 =	vld [tilespmem:s25+$0xFFFFFFC0];
	v1 =	vadd.f32 v39, v1  }
0xcf: {  	v43 =	vadd.f32 v5, v0;
	v42 =	vmax.f32 v40, $0.0e+00  }
0xd0: {  	v44 =	vld [tilespmem:s25+$0xFFFFFFE0];
	v1 =	vadd.f32 v42, v1  }
0xd1: {  	v46 =	vadd.f32 v6, v0;
	v45 =	vmax.f32 v43, $0.0e+00  }
0xd2: {  	v47 =	vld [tilespmem:s25+$0x0];
	v1 =	vadd.f32 v45, v1  }
0xd3: {  	v49 =	vadd.f32 v41, v0;
	v48 =	vmax.f32 v46, $0.0e+00  }
0xd4: {  	v50 =	vld [tilespmem:s25+$0x20];
	v1 =	vadd.f32 v48, v1  }
0xd5: {  	v52 =	vadd.f32 v44, v0;
	v51 =	vmax.f32 v49, $0.0e+00  }
0xd6: {  	v53 =	vld [tilespmem:s25+$0x40];
	v1 =	vadd.f32 v51, v1  }
0xd7: {  	v55 =	vadd.f32 v47, v0;
	v54 =	vmax.f32 v52, $0.0e+00  }
0xd8: {  	v56 =	vld [tilespmem:s25+$0x60];
	v1 =	vadd.f32 v54, v1  }
0xd9: {  	v58 =	vadd.f32 v50, v0;
	v57 =	vmax.f32 v55, $0.0e+00  }
0xda: {  	v59 =	vld [tilespmem:s25+$0x80];
	v1 =	vadd.f32 v57, v1  }
0xdb: {  	v61 =	vadd.f32 v53, v0;
	v60 =	vmax.f32 v58, $0.0e+00  }
0xdc: {  	v62 =	vld [tilespmem:s25+$0xA0];
	v1 =	vadd.f32 v60, v1  }
0xdd: {  	v9 =	vadd.f32 v56, v0;
	v63 =	vmax.f32 v61, $0.0e+00  }
0xde: {  	v10 =	vld [tilespmem:s25+$0xC0];
	v1 =	vadd.f32 v63, v1  }
0xdf: {  	v12 =	vadd.f32 v59, v0;
	v11 =	vmax.f32 v9, $0.0e+00  }
0xe0: {  	v13 =	vld [tilespmem:s25+$0xE0];
	v1 =	vadd.f32 v11, v1  }
0xe1: {  	v15 =	vadd.f32 v62, v0;
	v14 =	vmax.f32 v12, $0.0e+00  }
0xe2: {  	v1 =	vadd.f32 v14, v1  }
0xe3: {  	v17 =	vadd.f32 v10, v0;
	v16 =	vmax.f32 v15, $0.0e+00  }
0xe4: {  	v1 =	vadd.f32 v16, v1  }
0xe5: {  	v19 =	vadd.f32 v13, v0;
	v18 =	vmax.f32 v17, $0.0e+00  }
0xe6: {  	v1 =	vadd.f32 v18, v1  }
0xe7: {  	v20 =	vld [tilespmem:s24+$0x11800];
	v0 =	vmax.f32 v19, $0.0e+00  }
0xe8: {  	v0 =	vadd.f32 v0, v1;
	_ =	sdelay $0x1  }
0xe9: {  	v0 =	vmul.f32 $6.250000000e-02, v0;
	_ =	sdelay $0x1  }
0xea: {  	v0 =	vadd.f32 v0, v20;
	_ =	sdelay $0x1  }
0xeb: {  	v0 =	vmax.f32 v0, $0.0e+00  }
0xec: {  	v21 =	vld [tilespmem:s24+$0x10810];
	[tilespmem:s24+$0x12800] =	vst v0  }
0xed: {  	v22 =	vld [tilespmem:s25+$0xFFFFFF10];
	_ =	sdelay $0x1  }
0xee: {  	v23 =	vld [tilespmem:s25+$0xFFFFFF30];
	_ =	sdelay $0x1  }
0xef: {  	v24 =	vld [tilespmem:s25+$0xFFFFFF50]  }
0xf0: {  	v1 =	vadd.f32 v22, v21  }
0xf1: {  	v25 =	vld [tilespmem:s25+$0xFFFFFF70]  }
0xf2: {  	v2 =	vadd.f32 v23, v21;
	v1 =	vmax.f32 v1, $0.0e+00  }
0xf3: {  	v26 =	vld [tilespmem:s25+$0xFFFFFF90];
	v1 =	vadd.f32 $0.0e+00, v1  }
0xf4: {  	v3 =	vadd.f32 v24, v21;
	v2 =	vmax.f32 v2, $0.0e+00  }
0xf5: {  	v27 =	vld [tilespmem:s25+$0xFFFFFFB0];
	v1 =	vadd.f32 v2, v1  }
0xf6: {  	v29 =	vadd.f32 v25, v21;
	v28 =	vmax.f32 v3, $0.0e+00  }
0xf7: {  	v30 =	vld [tilespmem:s25+$0xFFFFFFD0];
	v1 =	vadd.f32 v28, v1  }
0xf8: {  	v32 =	vadd.f32 v26, v21;
	v31 =	vmax.f32 v29, $0.0e+00  }
0xf9: {  	v33 =	vld [tilespmem:s25+$0xFFFFFFF0];
	v1 =	vadd.f32 v31, v1  }
0xfa: {  	v35 =	vadd.f32 v27, v21;
	v34 =	vmax.f32 v32, $0.0e+00  }
0xfb: {  	v36 =	vld [tilespmem:s25+$0x10];
	v1 =	vadd.f32 v34, v1  }
0xfc: {  	v38 =	vadd.f32 v30, v21;
	v37 =	vmax.f32 v35, $0.0e+00  }
0xfd: {  	v39 =	vld [tilespmem:s25+$0x30];
	v1 =	vadd.f32 v37, v1  }
0xfe: {  	v41 =	vadd.f32 v33, v21;
	v40 =	vmax.f32 v38, $0.0e+00  }
0xff: {  	v42 =	vld [tilespmem:s25+$0x50];
	v1 =	vadd.f32 v40, v1  }
0x100: {  	v44 =	vadd.f32 v36, v21;
	v43 =	vmax.f32 v41, $0.0e+00  }
0x101: {  	v45 =	vld [tilespmem:s25+$0x70];
	v1 =	vadd.f32 v43, v1  }
0x102: {  	v47 =	vadd.f32 v39, v21;
	v46 =	vmax.f32 v44, $0.0e+00  }
0x103: {  	v48 =	vld [tilespmem:s25+$0x90];
	v1 =	vadd.f32 v46, v1  }
0x104: {  	v50 =	vadd.f32 v42, v21;
	v49 =	vmax.f32 v47, $0.0e+00  }
0x105: {  	v51 =	vld [tilespmem:s25+$0xB0];
	v1 =	vadd.f32 v49, v1  }
0x106: {  	v53 =	vadd.f32 v45, v21;
	v52 =	vmax.f32 v50, $0.0e+00  }
0x107: {  	v54 =	vld [tilespmem:s25+$0xD0];
	v1 =	vadd.f32 v52, v1  }
0x108: {  	v56 =	vadd.f32 v48, v21;
	v55 =	vmax.f32 v53, $0.0e+00  }
0x109: {  	v57 =	vld [tilespmem:s25+$0xF0];
	v1 =	vadd.f32 v55, v1  }
0x10a: {  	v59 =	vadd.f32 v51, v21;
	v58 =	vmax.f32 v56, $0.0e+00  }
0x10b: {  	v1 =	vadd.f32 v58, v1  }
0x10c: {  	v61 =	vadd.f32 v54, v21;
	v60 =	vmax.f32 v59, $0.0e+00  }
0x10d: {  	v1 =	vadd.f32 v60, v1  }
0x10e: {  	v0 =	vadd.f32 v57, v21;
	v62 =	vmax.f32 v61, $0.0e+00  }
0x10f: {  	v1 =	vadd.f32 v62, v1  }
0x110: {  	v63 =	vld [tilespmem:s24+$0x11810];
	v0 =	vmax.f32 v0, $0.0e+00  }
0x111: {  	v0 =	vadd.f32 v0, v1;
	_ =	sdelay $0x1  }
0x112: {  	v0 =	vmul.f32 $6.250000000e-02, v0;
	_ =	sdelay $0x1  }
0x113: {  	v0 =	vadd.f32 v0, v63  }
0x114: {  	s23 =	sadd.s32 $0x1, s23  }
0x115: {  	p0 =	sne.s32 s23, s8;
	v0 =	vmax.f32 v0, $0.0e+00  }
.Ltmp1:
0x116: {  	[tilespmem:s24+$0x12810] =	vst v0;
	(pc) =	sbr.rel @p0 .LBB2_1-.Ltmp1, $4  }
0x117: {  	[hbm4b:s7+s2] =	stream.linear.scatter [tilespmem:s22], [sflag:$0x2], $0x1000, $0x38;
	[tilespmem:$0x13800] =	vst v63  }
0x118: {  	_ =	swait.ge [sflag:s9], $0x1000  }
0x119: {  	[sflag:s9] =	ssyncset.done $0x0  }
0x11a: {  	[sflag:s9] =	ssyncadd.s32 $0xFFFFF000  }
0x11b: {  	_ =	sfence.sel $0x180000  }
0x11c: {  	[bflag:$0x0] =	sbarrier.arrive $0xFFFF  }
0x11d: {  	_ =	strace $0x90000047  }
0x11e: {  	s0 =	stileid.u32;
	[bflag:$0x2] =	sbarrier.arrive $0xFFFF  }
0x11f: {  	p0 =	sne.s32 s0, $0x0;
	s0 =	rddreg [dreg:$0x1]  }
0x120: {  	s0 =	sadd.s32 @!p0 $0x100000, s0  }
0x121: {  	[sflag:s0] =	ssyncadd.tile.s32 @!p0 $0x1;
	_ =	shalt  }
.Lfunc_end2:
_tile_overlayer_lowered:
.L_overlay_start_2:
0x122: {  	(tag) =	ssettag $0x2  }
0x123: {  	s0 =	rddreg [dreg:$0x0];
	s2 =	stileid.u32  }
0x124: {  	s1 =	rddreg [dreg:$0x1];
	p0 =	sne.s32 s2, $0x0  }
0x125: {  	s3 =	rddreg [dreg:$0x2];
	[bflag:$0x3] =	sbarrier.arrive $0xFFFF;
	s2 =	simm.s32 @!p0 $0x1C02  }
0x126: {  	[timem:s3], [sflag:s2] =	dma.local @!p0 [hbm:s0], s1  }
0x127: {  	s0 =	simm.s32 @!p0 $0x2  }
0x128: {  	_ =	swait.ge @!p0 [sflag:s0], s1  }
0x129: {  	s1 =	ssub.s32 @!p0 $0x0, s1;
	[sflag:s0] =	ssyncset.done @!p0 $0x0  }
0x12a: {  	[sflag:s0] =	ssyncadd.s32 @!p0 s1  }
0x12b: {  	[bflag:$0x3] =	sbarrier.arrive $0xFFFF  }
0x12c: {  	_ =	shalt  }

// kernel: kernel.13.cloned.1.call-start
scs
__scs_entry_jumppad:
0x0: {  	(pc) =	sbr.rel $0x88, $3  }
0x1: {  	(tag) =	ssettag $0x0;
	lr =	simm.s32 $0x1  }
0x2: {  	[smem:$0x3F9D] =	sst lr;
	_ =	strace $0xD0000000  }
0x3: {  	_ = 	snop  }
0x4: {  	_ = 	snop  }
0x5: {  	_ = 	snop  }
0x6: {  	_ = 	snop  }
0x7: {  	_ = 	snop  }
__scs_overlays_trampoline_lowered:
0x8: {  	[smem:$0x3FAC] =	sst s0  }
0x9: {  	[smem:$0x3FAD] =	sst s1  }
0xa: {  	[smem:$0x3FAE] =	sst s2  }
0xb: {  	[smem:$0x3FAF] =	sst s3  }
0xc: {  	[smem:$0x3FB0] =	sst s4  }
0xd: {  	[smem:$0x3FB1] =	sst s5  }
0xe: {  	[smem:$0x3FB2] =	sst s6  }
0xf: {  	[smem:$0x3FB3] =	sst s7  }
0x10: {  	[smem:$0x3FB4] =	sst s8  }
0x11: {  	[smem:$0x3FB5] =	sst s9;
	s0 =	simm.s32 @!p0 $0x0  }
0x12: {  	s1 =	sld [smem:$0x3F9B];
	s0 =	simm.s32 @p0 $0x1  }
0x13: {  	[smem:$0x3FB6] =	sst s0;
	s0 =	simm.s32 @!p1 $0x0  }
0x14: {  	s2 =	sld [smem:$0x3F9A];
	s0 =	simm.s32 @p1 $0x1  }
0x15: {  	[smem:$0x3FB7] =	sst s0;
	s0 =	simm.s32 @!p2 $0x0  }
0x16: {  	s3 =	sld [smem:$0x3FDB];
	s0 =	simm.s32 @p2 $0x1  }
0x17: {  	s4 =	simm.s32 $0x1BF5;
	[smem:$0x3FB9] =	sst s0  }
0x18: {  	s0 =	sld [smem:$0x3F9C];
	_ =	swait.ge [sflag:s4], $0x0  }
0x19: {  	s7 =	sld [smem:$0x3F9D]  }
0x1a: {  	s8 =	sadd.s32 $0xFFFFE003, lr  }
0x1b: {  	s9 =	sadd.s32 $0xFFFFFEF7, lr;
	s5 =	simm.s32 $0xFFFFFFFF;
	p2 =	slt.u32 s8, $0xFFFFF086  }
0x1c: {  	p1 =	slt.u32 s9, $0xF7A;
	s5 =	simm.s32 @!p2 $0x0  }
0x1d: {  	s5 =	simm.s32 @p1 $0x1;
	p0 =	seq.s32 s7, s2  }
0x1e: {  	s7 =	smul.u32 @!p0 $0xF7A, s2;
	p2 =	seq.s32 @!p0 s5, $0x0  }
0x1f: {  	s9 =	smul.u32 $0xF7A, s1;
	s8 =	simm.s32 @!p0 $0x1BF5;
	p2 =	por !p2, p0  }
0x20: {  	[sflag:s8] =	ssyncset.s32 @!p0 $0xFFFFF086;
	s6 =	sadd.s32 @!p0 s3, s7;
	s7 =	simm.s32 @!p0 $0x108  }
0x21: {  	s3 =	sadd.s32 s3, s9;
	s6 =	sadd.s32 @!p0 $0x88, s6;
	s7 =	simm.s32 @p2 $0x1082  }
0x22: {  	[simem:s7], [sflag:s8] =	dma.local @!p0 [hbm:s6], $0xF7A  }
0x23: {  	s9 =	sor.u32 $0xD0000000, s2;
	s6 =	simm.s32 $0x108;
	_ =	swait.ge @!p0 [sflag:s8], $0x0  }
0x24: {  	s3 =	sadd.s32 $0x88, s3;
	s6 =	simm.s32 @!p1 $0x1082;
	[sflag:s4] =	ssyncset.s32 $0xFFFFF086  }
0x25: {  	[simem:s6], [sflag:s4] =	dma.local [hbm:s3], $0xF7A  }
0x26: {  	[smem:$0x3F9D] =	sst s1;
	(tag) =	ssettag s2;
	_ =	strace s9  }
0x27: {  	s1 =	sld [smem:$0x3FAD]  }
0x28: {  	s2 =	sld [smem:$0x3FAE]  }
0x29: {  	s4 =	sld [smem:$0x3FB0]  }
0x2a: {  	p0 =	seq.s32 s5, $0x0;
	s5 =	sld [smem:$0x3FB1]  }
0x2b: {  	s6 =	sld [smem:$0x3FB2]  }
0x2c: {  	s7 =	sld [smem:$0x3FB3]  }
0x2d: {  	s3 =	simm.s32 $0x108;
	s8 =	sld [smem:$0x3FB4]  }
0x2e: {  	s3 =	simm.s32 @!p0 $0x1082;
	s9 =	sld [smem:$0x3FB5]  }
0x2f: {  	lr =	sadd.s32 s0, s3;
	s0 =	sld [smem:$0x3FAC]  }
0x30: {  	s3 =	sld [smem:$0x3FAF]  }
0x31: {  	[smem:$0x3FB8] =	sst s10  }
0x32: {  	s10 =	sld [smem:$0x3FB6];
	_ =	sdelay $0x3  }
0x33: {  	p0 =	seq.s32 s10, $0x1;
	s10 =	sld [smem:$0x3FB8];
	_ =	sdelay $0x3  }
0x34: {  	[smem:$0x3FB8] =	sst s10  }
0x35: {  	s10 =	sld [smem:$0x3FB7];
	_ =	sdelay $0x3  }
0x36: {  	p1 =	seq.s32 s10, $0x1;
	s10 =	sld [smem:$0x3FB8];
	_ =	sdelay $0x3  }
0x37: {  	[smem:$0x3FB8] =	sst s10  }
0x38: {  	s10 =	sld [smem:$0x3FB9]  }
0x39: {  	_ = 	snop;
	(pc) =	sbr.ind lr, $3  }
0x3a: {  	_ = 	snop  }
0x3b: {  	_ = 	snop  }
0x3c: {  	p2 =	seq.s32 s10, $0x1;
	s10 =	sld [smem:$0x3FB8]  }
0x3d: {  	_ =	shalt  }
0x3e: {  	_ =	shalt  }
0x3f: {  	_ =	shalt  }
0x40: {  	_ =	shalt  }
0x41: {  	_ =	shalt  }
0x42: {  	_ =	shalt  }
0x43: {  	_ =	shalt  }
0x44: {  	_ =	shalt  }
0x45: {  	_ =	shalt  }
0x46: {  	_ =	shalt  }
0x47: {  	_ =	shalt  }
0x48: {  	_ =	shalt  }
0x49: {  	_ =	shalt  }
0x4a: {  	_ =	shalt  }
0x4b: {  	_ =	shalt  }
0x4c: {  	_ =	shalt  }
0x4d: {  	_ =	shalt  }
0x4e: {  	_ =	shalt  }
0x4f: {  	_ =	shalt  }
0x50: {  	_ =	shalt  }
0x51: {  	_ =	shalt  }
0x52: {  	_ =	shalt  }
0x53: {  	_ =	shalt  }
0x54: {  	_ =	shalt  }
0x55: {  	_ =	shalt  }
0x56: {  	_ =	shalt  }
0x57: {  	_ =	shalt  }
0x58: {  	_ =	shalt  }
0x59: {  	_ =	shalt  }
0x5a: {  	_ =	shalt  }
0x5b: {  	_ =	shalt  }
0x5c: {  	_ =	shalt  }
0x5d: {  	_ =	shalt  }
0x5e: {  	_ =	shalt  }
0x5f: {  	_ =	shalt  }
0x60: {  	_ =	shalt  }
0x61: {  	_ =	shalt  }
0x62: {  	_ =	shalt  }
0x63: {  	_ =	shalt  }
0x64: {  	_ =	shalt  }
0x65: {  	_ =	shalt  }
0x66: {  	_ =	shalt  }
0x67: {  	_ =	shalt  }
0x68: {  	_ =	shalt  }
0x69: {  	_ =	shalt  }
0x6a: {  	_ =	shalt  }
0x6b: {  	_ =	shalt  }
0x6c: {  	_ =	shalt  }
0x6d: {  	_ =	shalt  }
0x6e: {  	_ =	shalt  }
0x6f: {  	_ =	shalt  }
0x70: {  	_ =	shalt  }
0x71: {  	_ =	shalt  }
0x72: {  	_ =	shalt  }
0x73: {  	_ =	shalt  }
0x74: {  	_ =	shalt  }
0x75: {  	_ =	shalt  }
0x76: {  	_ =	shalt  }
0x77: {  	_ =	shalt  }
0x78: {  	_ =	shalt  }
0x79: {  	_ =	shalt  }
0x7a: {  	_ =	shalt  }
0x7b: {  	_ =	shalt  }
0x7c: {  	_ =	shalt  }
0x7d: {  	_ =	shalt  }
0x7e: {  	_ =	shalt  }
0x7f: {  	_ =	shalt  }
0x80: {  	_ =	shalt  }
0x81: {  	_ =	shalt  }
0x82: {  	_ =	shalt  }
0x83: {  	_ =	shalt  }
0x84: {  	_ =	shalt  }
0x85: {  	_ =	shalt  }
0x86: {  	_ =	shalt  }
0x87: {  	_ =	shalt  }
.Lfunc_end0:
.L_simem_size_0:
called_computation.1_lowered:
.L_overlay_start_0:
0x88: {  	s2 =	sld [smem:$0x3FD9]  }
0x89: {  	s3 =	sld [smem:$0x3FFE];
	_ =	sdelay $0x1  }
0x8a: {  	s1 =	srdreg.scid  }
0x8b: {  	s0 =	sand.u32 $0x1, s1  }
0x8c: {  	s17 =	sshll.u32 s0, $0xA;
	s2 =	sadd.s32 s3, s2  }
0x8d: {  	s2 =	sadd.s32 s2, s17  }
0x8e: {  	[smem:$0x3FC4] =	sst s2  }
0x8f: {  	_ = 	snop  }
0x90: {  	(tm) =	ssettm $0x1  }
0x91: {  	s18 =	sld [smem:$0x3FFB];
	_ =	sdelay $0x3  }
0x92: {  	_ =	strace s18  }
0x93: {  	s2 =	sld [smem:$0x3FFC];
	_ =	sdelay $0x3  }
0x94: {  	_ =	strace s2  }
0x95: {  	s2 =	sld [smem:$0x3FFD];
	_ =	sdelay $0x3  }
0x96: {  	_ =	strace s2  }
0x97: {  	_ =	strace $0x8FFFFFFF  }
0x98: {  	s19 =	sld [smem:$0x3FDB];
	_ =	sdelay $0x1  }
0x99: {  	s20 =	simm.s32 $_scs_section_size  }
0x9a: {  	s4 =	simm.s32 $_size__tile_overlayer_lowered;
	s5 =	simm.s32 $_tile_overlayer_lowered  }
0x9b: {  	s6 =	simm.s32 $0x1BFF;
	s21 =	sshll.u32 s5, $0x1;
	s3 =	sadd.s32 s20, s19  }
0x9c: {  	s22 =	simm.s32 $0x0;
	s4 =	sshll.u32 s4, $0x1;
	s5 =	sadd.s32 s21, s3  }
0x9d: {  	[timem:s22], [sflag:s6] =	dma.local [hbm:s5], s4  }
0x9e: {  	_ =	swait.ge [sflag:s6], s4  }
0x9f: {  	s4 =	ssub.s32 $0x0, s4;
	[sflag:s6] =	ssyncset.done $0x0  }
0xa0: {  	[sflag:s6] =	ssyncadd.s32 s4;
	_ =	sdelay $0x1  }
0xa1: {  	s23 =	simm.s32 $0x1B8B  }
0xa2: {  	_ =	swait.ge [sflag:s23], $0x1  }
0xa3: {  	[sflag:s23] =	ssyncset.done $0x0  }
0xa4: {  	[sflag:s23] =	ssyncadd.s32 $0xFFFFFFFF  }
0xa5: {  	s4 =	sld [smem:$0x0]  }
0xa6: {  	s5 =	sand.u32 $0xFFFFFFFE, s1  }
0xa7: {  	p0 =	sne.s32 s1, s5  }
0xa8: {  	s5 =	sshll.u32 @p0 s5, $0xE  }
0xa9: {  	s5 =	sadd.s32 @p0 $0x11B8D, s5;
	s6 =	sshll.u32 @p0 s4, $0x11  }
0xaa: {  	s5 =	sor.u32 @p0 s6, s5  }
0xab: {  	[sflag:s5] =	ssyncadd.remote.s32 @p0 $0x1;
	_ =	sdelay $0x1  }
0xac: {  	s5 =	simm.s32 @p0 $0x1B8D  }
0xad: {  	_ =	swait.eq @p0 [sflag:s5], $0x1  }
0xae: {  	[sflag:s5] =	ssyncadd.s32 @p0 $0xFFFFFFFF  }
0xaf: {  	s6 =	sshll.u32 @!p0 s1, $0xE  }
0xb0: {  	s6 =	sor.u32 @!p0 $0x4000, s6;
	s5 =	simm.s32 @!p0 $0x1B8D  }
0xb1: {  	s4 =	sshll.u32 @!p0 s4, $0x11;
	s6 =	sadd.s32 @!p0 $0x11B8D, s6;
	_ =	swait.eq @!p0 [sflag:s5], $0x1  }
0xb2: {  	s4 =	sor.u32 @!p0 s4, s6;
	[sflag:s5] =	ssyncadd.s32 @!p0 $0xFFFFFFFF  }
0xb3: {  	s25 =	simm.s32 $0x1B8E;
	s24 =	sld [smem:$0x3FFE];
	[sflag:s4] =	ssyncadd.remote.s32 @!p0 $0x1  }
0xb4: {  	s26 =	simm.s32 $execute0_lowered;
	[smem:$0x3FD2] =	sst s25  }
0xb5: {  	s5 =	sshll.u32 s26, $0x1;
	_ =	strace $0x80000049;
	[dreg:$0x1] =	wrdreg $0xFFFFFFFF  }
0xb6: {  	s28 =	simm.s32 $_size_execute0_lowered;
	s3 =	sadd.s32 s3, s5;
	[dreg:$0x0] =	wrdreg $0x0  }
0xb7: {  	s5 =	sshll.u32 s28, $0x1;
	[dreg:$0x2] =	wrdreg s3  }
0xb8: {  	[dreg:$0x3] =	wrdreg s5  }
0xb9: {  	[dreg:$0x4] =	wrdreg $0xC0  }
0xba: {  	_ =	task [dreg:s22], $0x5FFFF  }
0xbb: {  	[dreg:$0x1] =	wrdreg $0xFFFFFFFF  }
0xbc: {  	[dreg:$0x0] =	wrdreg $0x60  }
0xbd: {  	[dreg:$0x2] =	wrdreg s24  }
0xbe: {  	[dreg:$0x3] =	wrdreg $0xA  }
0xbf: {  	_ =	task.clear_ibuf [dreg:s22], $0x4FFFF;
	_ =	strace $0x90000049  }
0xc0: {  	s29 =	simm.s32 $0xA;
	_ =	strace $0x8000004B  }
0xc1: {  	_ =	swait.ge [sflag:s29], $0x1  }
0xc2: {  	[sflag:s29] =	ssyncadd.s32 $0xFFFFFFFF  }
0xc3: {  	_ =	strace $0x9000004B  }
0xc4: {  	_ =	sfence  }
0xc5: {  	s30 =	sld [smem:$0x0];
	_ =	sdelay $0x2  }
0xc6: {  	s31 =	sshll.u32 s1, $0xD;
	s1 =	sshrl.u32 s1, $0x2  }
0xc7: {  	s4 =	sand.u32 $0x4000, s31;
	s1 =	sadd.s32 s1, s30  }
0xc8: {  	s0 =	sor.u32 s4, s0;
	s1 =	sshll.u32 s1, $0x11  }
0xc9: {  	s0 =	sor.u32 s1, s0  }
0xca: {  	s0 =	sadd.s32 $0x8F2B, s0  }
0xcb: {  	[sflag:s0] =	ssyncadd.remote.s32 $0x1  }
0xcc: {  	_ =	sfence.sel $0xFFFF  }
0xcd: {  	[dreg:$0x0] =	wrdreg $0xFFFFFFFF;
	(pc) =	sbr.abs _section_cstart, $3  }
0xce: {  	[dreg:$0x1] =	wrdreg $0xFFFFFFFF  }
0xcf: {  	_ =	task.clear_ibuf [dreg:s22], $0x2FFFF;
	_ =	strace $0x9FFFFFFF  }
0xd0: {  	(tm) =	ssettm $0x7FFFFFFF  }
0xd1: {  	_ =	shalt  }
tec
execute0_lowered:
.L_overlay_start_1:
0x0: {  	(tag) =	ssettag $0x1  }
0x1: {  	s0 =	rddreg [dreg:$0x0]  }
0x2: {  	s2 =	simm.s32 $0x0;
	s1 =	srdreg.scid;
	s3 =	stileid.u32  }
0x3: {  	s9 =	simm.s32 $0x2;
	s10 =	simm.s32 $0x80;
	s29 =	simm.s32 $0x9800  }
0x4: {  	s30 =	simm.s32 $0x500;
	s31 =	simm.s32 $0xA800;
	s11 =	simm.s32 $0x600  }
0x5: {  	s12 =	simm.s32 $0xC800;
	s13 =	simm.s32 $0x680;
	s14 =	simm.s32 $0xD800  }
0x6: {  	s15 =	simm.s32 $0x700;
	s16 =	simm.s32 $0xE800;
	s17 =	simm.s32 $0x780  }
0x7: {  	s18 =	simm.s32 $0xF800;
	s19 =	simm.s32 $0x10800;
	s20 =	simm.s32 $0x11800  }
0x8: {  	s21 =	simm.s32 $0x1;
	s22 =	simm.s32 $0x12800;
	s23 =	simm.s32 $0x0  }
0x9: {  	[smem:$0x7FF] =	sst s2;
	s1 =	sand.u32 $0x1, s1;
	s4 =	sshll.u32 s3, $0x8  }
0xa: {  	s3 =	sadd.s32 $0x1C800, s0;
	s5 =	sshll.u32 s1, $0x7;
	s1 =	ssub.s32 $0x2, s1  }
0xb: {  	_ =	strace $0x8000004A;
	s4 =	sor.u32 s5, s4;
	s6 =	sshrl.u32 s1, $0x1  }
0xc: {  	s5 =	sshll.u32 s4, $0x1;
	s4 =	sshll.u32 s4, $0x2;
	s1 =	ssub.s32 s1, s6  }
0xd: {  	s5 =	sadd.s32 s5, s0;
	s0 =	sadd.s32 s4, s0;
	s8 =	smax.u32 s1, $0x1  }
0xe: {  	s1 =	simm.s32 $0xB800;
	s4 =	sadd.s32 $0x20800, s5;
	s5 =	sadd.s32 $0x18800, s0  }
0xf: {  	s6 =	sadd.s32 $0x14800, s0;
	s7 =	sadd.s32 $0x22800, s0;
	s0 =	simm.s32 $0x580  }
.LBB2_1:
0x10: {  	[tilespmem:s2], [sflag:$0x2] =	stream.linear.gather [hbm4b:s4+s2], $0x800, $0x38;
	[tilespmem:$0x13800] =	vst v63  }
0x11: {  	_ =	swait.ge [sflag:s9], $0x800  }
0x12: {  	[sflag:s9] =	ssyncset.done $0x0  }
0x13: {  	s24 =	simm.s32 $0x800;
	[sflag:s9] =	ssyncadd.s32 $0xFFFFF800  }
0x14: {  	[tilespmem:s24], [sflag:$0x1] =	stream.indirect.gather [hbm4b:s3+s10], $0x20, s2, s10, $0xb8;
	[tilespmem:$0x13800] =	vst v63  }
0x15: {  	s26 =	simm.s32 $0x1800  }
0x16: {  	[tilespmem:s26], [sflag:$0x1] =	stream.indirect.gather [hbm4b:s3+s10], $0x20, s10, s10, $0xb8;
	[tilespmem:$0x13800] =	vst v63  }
0x17: {  	s28 =	simm.s32 $0x100;
	s25 =	simm.s32 $0x2800  }
0x18: {  	[tilespmem:s25], [sflag:$0x1] =	stream.indirect.gather [hbm4b:s3+s10], $0x20, s28, s10, $0xb8;
	[tilespmem:$0x13800] =	vst v63  }
0x19: {  	s26 =	simm.s32 $0x180;
	s28 =	simm.s32 $0x3800  }
0x1a: {  	[tilespmem:s28], [sflag:$0x1] =	stream.indirect.gather [hbm4b:s3+s10], $0x20, s26, s10, $0xb8;
	[tilespmem:$0x13800] =	vst v63  }
0x1b: {  	s26 =	simm.s32 $0x200;
	s28 =	simm.s32 $0x4800  }
0x1c: {  	[tilespmem:s28], [sflag:$0x1] =	stream.indirect.gather [hbm4b:s3+s10], $0x20, s26, s10, $0xb8;
	[tilespmem:$0x13800] =	vst v63  }
0x1d: {  	s26 =	simm.s32 $0x280;
	s28 =	simm.s32 $0x5800  }
0x1e: {  	[tilespmem:s28], [sflag:$0x1] =	stream.indirect.gather [hbm4b:s3+s10], $0x20, s26, s10, $0xb8;
	[tilespmem:$0x13800] =	vst v63  }
0x1f: {  	s26 =	simm.s32 $0x300;
	s28 =	simm.s32 $0x6800  }
0x20: {  	[tilespmem:s28], [sflag:$0x1] =	stream.indirect.gather [hbm4b:s3+s10], $0x20, s26, s10, $0xb8;
	[tilespmem:$0x13800] =	vst v63  }
0x21: {  	s26 =	simm.s32 $0x380;
	s28 =	simm.s32 $0x7800  }
0x22: {  	[tilespmem:s28], [sflag:$0x1] =	stream.indirect.gather [hbm4b:s3+s10], $0x20, s26, s10, $0xb8;
	[tilespmem:$0x13800] =	vst v63  }
0x23: {  	s25 =	simm.s32 $0x400;
	s26 =	simm.s32 $0x8800  }
0x24: {  	[tilespmem:s26], [sflag:$0x1] =	stream.indirect.gather [hbm4b:s3+s10], $0x20, s25, s10, $0xb8;
	[tilespmem:$0x13800] =	vst v63  }
0x25: {  	s28 =	simm.s32 $0x480  }
0x26: {  	[tilespmem:s29], [sflag:$0x1] =	stream.indirect.gather [hbm4b:s3+s10], $0x20, s28, s10, $0xb8;
	[tilespmem:$0x13800] =	vst v63  }
0x27: {  	_ = 	snop  }
0x28: {  	[tilespmem:s31], [sflag:$0x1] =	stream.indirect.gather [hbm4b:s3+s10], $0x20, s30, s10, $0xb8;
	[tilespmem:$0x13800] =	vst v63  }
0x29: {  	_ = 	snop  }
0x2a: {  	[tilespmem:s1], [sflag:$0x1] =	stream.indirect.gather [hbm4b:s3+s10], $0x20, s0, s10, $0xb8;
	[tilespmem:$0x13800] =	vst v63  }
0x2b: {  	_ = 	snop  }
0x2c: {  	[tilespmem:s12], [sflag:$0x1] =	stream.indirect.gather [hbm4b:s3+s10], $0x20, s11, s10, $0xb8;
	[tilespmem:$0x13800] =	vst v63  }
0x2d: {  	_ = 	snop  }
0x2e: {  	[tilespmem:s14], [sflag:$0x1] =	stream.indirect.gather [hbm4b:s3+s10], $0x20, s13, s10, $0xb8;
	[tilespmem:$0x13800] =	vst v63  }
0x2f: {  	_ = 	snop  }
0x30: {  	[tilespmem:s16], [sflag:$0x1] =	stream.indirect.gather [hbm4b:s3+s10], $0x20, s15, s10, $0xb8;
	[tilespmem:$0x13800] =	vst v63  }
0x31: {  	_ = 	snop  }
0x32: {  	[tilespmem:s18], [sflag:$0x1] =	stream.indirect.gather [hbm4b:s3+s10], $0x20, s17, s10, $0xb8;
	[tilespmem:$0x13800] =	vst v63  }
0x33: {  	_ = 	snop  }
0x34: {  	[tilespmem:s19], [sflag:$0x2] =	stream.linear.gather [hbm4b:s5+s2], $0x1000, $0x38;
	[tilespmem:$0x13800] =	vst v63  }
0x35: {  	_ =	swait.ge [sflag:s9], $0x1000  }
0x36: {  	[sflag:s9] =	ssyncset.done $0x0  }
0x37: {  	[sflag:s9] =	ssyncadd.s32 $0xFFFFF000  }
0x38: {  	[tilespmem:s20], [sflag:$0x2] =	stream.linear.gather [hbm4b:s6+s2], $0x1000, $0x38;
	[tilespmem:$0x13800] =	vst v63  }
0x39: {  	_ =	swait.ge [sflag:s9], $0x1000  }
0x3a: {  	[sflag:s9] =	ssyncset.done $0x0  }
0x3b: {  	[sflag:s9] =	ssyncadd.s32 $0xFFFFF000  }
0x3c: {  	_ =	swait.ge [sflag:s21], $0x1000  }
0x3d: {  	[sflag:s21] =	ssyncset.done $0x0  }
0x3e: {  	[sflag:s21] =	ssyncadd.s32 $0xFFFFF000  }
0x3f: {  	_ =	swait.ge [sflag:s21], $0x1000  }
0x40: {  	[sflag:s21] =	ssyncset.done $0x0  }
0x41: {  	[sflag:s21] =	ssyncadd.s32 $0xFFFFF000  }
0x42: {  	_ =	swait.ge [sflag:s21], $0x1000  }
0x43: {  	[sflag:s21] =	ssyncset.done $0x0  }
0x44: {  	[sflag:s21] =	ssyncadd.s32 $0xFFFFF000  }
0x45: {  	_ =	swait.ge [sflag:s21], $0x1000  }
0x46: {  	[sflag:s21] =	ssyncset.done $0x0  }
0x47: {  	[sflag:s21] =	ssyncadd.s32 $0xFFFFF000  }
0x48: {  	_ =	swait.ge [sflag:s21], $0x1000  }
0x49: {  	[sflag:s21] =	ssyncset.done $0x0  }
0x4a: {  	[sflag:s21] =	ssyncadd.s32 $0xFFFFF000  }
0x4b: {  	_ =	swait.ge [sflag:s21], $0x1000  }
0x4c: {  	[sflag:s21] =	ssyncset.done $0x0  }
0x4d: {  	[sflag:s21] =	ssyncadd.s32 $0xFFFFF000  }
0x4e: {  	_ =	swait.ge [sflag:s21], $0x1000  }
0x4f: {  	[sflag:s21] =	ssyncset.done $0x0  }
0x50: {  	[sflag:s21] =	ssyncadd.s32 $0xFFFFF000  }
0x51: {  	_ =	swait.ge [sflag:s21], $0x1000  }
0x52: {  	[sflag:s21] =	ssyncset.done $0x0  }
0x53: {  	[sflag:s21] =	ssyncadd.s32 $0xFFFFF000  }
0x54: {  	_ =	swait.ge [sflag:s21], $0x1000  }
0x55: {  	[sflag:s21] =	ssyncset.done $0x0  }
0x56: {  	[sflag:s21] =	ssyncadd.s32 $0xFFFFF000  }
0x57: {  	_ =	swait.ge [sflag:s21], $0x1000  }
0x58: {  	[sflag:s21] =	ssyncset.done $0x0  }
0x59: {  	[sflag:s21] =	ssyncadd.s32 $0xFFFFF000  }
0x5a: {  	_ =	swait.ge [sflag:s21], $0x1000  }
0x5b: {  	[sflag:s21] =	ssyncset.done $0x0  }
0x5c: {  	[sflag:s21] =	ssyncadd.s32 $0xFFFFF000  }
0x5d: {  	_ =	swait.ge [sflag:s21], $0x1000  }
0x5e: {  	[sflag:s21] =	ssyncset.done $0x0  }
0x5f: {  	[sflag:s21] =	ssyncadd.s32 $0xFFFFF000  }
0x60: {  	_ =	swait.ge [sflag:s21], $0x1000  }
0x61: {  	[sflag:s21] =	ssyncset.done $0x0  }
0x62: {  	[sflag:s21] =	ssyncadd.s32 $0xFFFFF000  }
0x63: {  	_ =	swait.ge [sflag:s21], $0x1000  }
0x64: {  	[sflag:s21] =	ssyncset.done $0x0  }
0x65: {  	[sflag:s21] =	ssyncadd.s32 $0xFFFFF000  }
0x66: {  	_ =	swait.ge [sflag:s21], $0x1000  }
0x67: {  	[sflag:s21] =	ssyncset.done $0x0  }
0x68: {  	[sflag:s21] =	ssyncadd.s32 $0xFFFFF000  }
0x69: {  	_ =	swait.ge [sflag:s21], $0x1000  }
0x6a: {  	[sflag:s21] =	ssyncset.done $0x0  }
0x6b: {  	s24 =	simm.s32 $0x0;
	[sflag:s21] =	ssyncadd.s32 $0xFFFFF000  }
0x6c: {  	s25 =	simm.s32 $0x900;
	s26 =	simm.s32 $0x80;
	v0 =	vld [tilespmem:s24+$0x10800]  }
.LBB2_2:
0x6d: {  	p0 =	sne.s32 s26, $0x3F80;
	v1 =	vld [tilespmem:s25+$0xFFFFFF00]  }
0x6e: {  	v2 =	vld [tilespmem:s25+$0xFFFFFF20]  }
0x6f: {  	v3 =	vld [tilespmem:s25+$0xFFFFFF40]  }
0x70: {  	v4 =	vld [tilespmem:s25+$0xFFFFFF60]  }
0x71: {  	v5 =	vld [tilespmem:s25+$0xFFFFFF80]  }
0x72: {  	v1 =	vadd.f32 v1, v0;
	v6 =	vld [tilespmem:s25+$0xFFFFFFA0]  }
0x73: {  	v7 =	vld [tilespmem:s25+$0xFFFFFFC0]  }
0x74: {  	v2 =	vadd.f32 v2, v0;
	v1 =	vmax.f32 v1, $0.0e+00;
	v8 =	vld [tilespmem:s25+$0xFFFFFFE0]  }
0x75: {  	v1 =	vadd.f32 $0.0e+00, v1;
	v9 =	vld [tilespmem:s25+$0x0]  }
0x76: {  	v3 =	vadd.f32 v3, v0;
	v2 =	vmax.f32 v2, $0.0e+00;
	v10 =	vld [tilespmem:s25+$0x20]  }
0x77: {  	v1 =	vadd.f32 v2, v1;
	v2 =	vld [tilespmem:s25+$0x40]  }
0x78: {  	v4 =	vadd.f32 v4, v0;
	v3 =	vmax.f32 v3, $0.0e+00;
	v11 =	vld [tilespmem:s25+$0x60]  }
0x79: {  	v1 =	vadd.f32 v3, v1;
	v3 =	vld [tilespmem:s25+$0x80]  }
0x7a: {  	v5 =	vadd.f32 v5, v0;
	v4 =	vmax.f32 v4, $0.0e+00;
	v12 =	vld [tilespmem:s25+$0xA0]  }
0x7b: {  	v1 =	vadd.f32 v4, v1;
	v4 =	vld [tilespmem:s25+$0xC0]  }
0x7c: {  	v6 =	vadd.f32 v6, v0;
	v5 =	vmax.f32 v5, $0.0e+00;
	v13 =	vld [tilespmem:s25+$0xE0]  }
0x7d: {  	v1 =	vadd.f32 v5, v1  }
0x7e: {  	v5 =	vmax.f32 v6, $0.0e+00;
	v6 =	vadd.f32 v7, v0  }
0x7f: {  	v1 =	vadd.f32 v5, v1  }
0x80: {  	v5 =	vmax.f32 v6, $0.0e+00;
	v6 =	vadd.f32 v8, v0  }
0x81: {  	v1 =	vadd.f32 v5, v1  }
0x82: {  	v5 =	vmax.f32 v6, $0.0e+00;
	v6 =	vadd.f32 v9, v0  }
0x83: {  	v1 =	vadd.f32 v5, v1  }
0x84: {  	v5 =	vmax.f32 v6, $0.0e+00;
	v6 =	vadd.f32 v10, v0  }
0x85: {  	v1 =	vadd.f32 v5, v1  }
0x86: {  	v2 =	vadd.f32 v2, v0;
	v5 =	vmax.f32 v6, $0.0e+00  }
0x87: {  	v1 =	vadd.f32 v5, v1  }
0x88: {  	v2 =	vmax.f32 v2, $0.0e+00;
	v5 =	vadd.f32 v11, v0  }
0x89: {  	v1 =	vadd.f32 v2, v1  }
0x8a: {  	v3 =	vadd.f32 v3, v0;
	v2 =	vmax.f32 v5, $0.0e+00  }
0x8b: {  	v1 =	vadd.f32 v2, v1  }
0x8c: {  	v2 =	vmax.f32 v3, $0.0e+00;
	v3 =	vadd.f32 v12, v0  }
0x8d: {  	v1 =	vadd.f32 v2, v1  }
0x8e: {  	v2 =	vmax.f32 v3, $0.0e+00;
	v3 =	vadd.f32 v4, v0  }
0x8f: {  	v1 =	vadd.f32 v2, v1  }
0x90: {  	v0 =	vadd.f32 v13, v0;
	v2 =	vmax.f32 v3, $0.0e+00  }
0x91: {  	v1 =	vadd.f32 v2, v1  }
0x92: {  	v0 =	vmax.f32 v0, $0.0e+00;
	v2 =	vld [tilespmem:s24+$0x11800]  }
0x93: {  	v0 =	vadd.f32 v0, v1;
	_ =	sdelay $0x1  }
0x94: {  	v0 =	vmul.f32 $6.250000000e-02, v0;
	_ =	sdelay $0x1  }
0x95: {  	v0 =	vadd.f32 v0, v2;
	_ =	sdelay $0x1  }
0x96: {  	v0 =	vmax.f32 v0, $0.0e+00  }
0x97: {  	[tilespmem:s24+$0x12800] =	vst v0;
	v0 =	vld [tilespmem:s24+$0x10810]  }
0x98: {  	v1 =	vld [tilespmem:s25+$0xFFFFFF10]  }
0x99: {  	v2 =	vld [tilespmem:s25+$0xFFFFFF30]  }
0x9a: {  	v3 =	vld [tilespmem:s25+$0xFFFFFF50]  }
0x9b: {  	v4 =	vld [tilespmem:s25+$0xFFFFFF70]  }
0x9c: {  	v5 =	vld [tilespmem:s25+$0xFFFFFF90]  }
0x9d: {  	v1 =	vadd.f32 v1, v0;
	v6 =	vld [tilespmem:s25+$0xFFFFFFB0]  }
0x9e: {  	v7 =	vld [tilespmem:s25+$0xFFFFFFD0]  }
0x9f: {  	v2 =	vadd.f32 v2, v0;
	v1 =	vmax.f32 v1, $0.0e+00;
	v8 =	vld [tilespmem:s25+$0xFFFFFFF0]  }
0xa0: {  	v1 =	vadd.f32 $0.0e+00, v1;
	v9 =	vld [tilespmem:s25+$0x10]  }
0xa1: {  	v3 =	vadd.f32 v3, v0;
	v2 =	vmax.f32 v2, $0.0e+00;
	v10 =	vld [tilespmem:s25+$0x30]  }
0xa2: {  	v1 =	vadd.f32 v2, v1;
	v2 =	vld [tilespmem:s25+$0x50]  }
0xa3: {  	v4 =	vadd.f32 v4, v0;
	v3 =	vmax.f32 v3, $0.0e+00;
	v11 =	vld [tilespmem:s25+$0x70]  }
0xa4: {  	v1 =	vadd.f32 v3, v1;
	v3 =	vld [tilespmem:s25+$0x90]  }
0xa5: {  	v5 =	vadd.f32 v5, v0;
	v4 =	vmax.f32 v4, $0.0e+00;
	v12 =	vld [tilespmem:s25+$0xB0]  }
0xa6: {  	v1 =	vadd.f32 v4, v1;
	v4 =	vld [tilespmem:s25+$0xD0]  }
0xa7: {  	v6 =	vadd.f32 v6, v0;
	v5 =	vmax.f32 v5, $0.0e+00;
	v13 =	vld [tilespmem:s25+$0xF0]  }
0xa8: {  	v1 =	vadd.f32 v5, v1  }
0xa9: {  	v5 =	vmax.f32 v6, $0.0e+00;
	v6 =	vadd.f32 v7, v0  }
0xaa: {  	v1 =	vadd.f32 v5, v1  }
0xab: {  	v5 =	vmax.f32 v6, $0.0e+00;
	v6 =	vadd.f32 v8, v0  }
0xac: {  	v1 =	vadd.f32 v5, v1  }
0xad: {  	v5 =	vmax.f32 v6, $0.0e+00;
	v6 =	vadd.f32 v9, v0  }
0xae: {  	v1 =	vadd.f32 v5, v1  }
0xaf: {  	v5 =	vmax.f32 v6, $0.0e+00;
	v6 =	vadd.f32 v10, v0  }
0xb0: {  	v1 =	vadd.f32 v5, v1  }
0xb1: {  	v2 =	vadd.f32 v2, v0;
	v5 =	vmax.f32 v6, $0.0e+00  }
0xb2: {  	v1 =	vadd.f32 v5, v1  }
0xb3: {  	v2 =	vmax.f32 v2, $0.0e+00;
	v5 =	vadd.f32 v11, v0  }
0xb4: {  	v1 =	vadd.f32 v2, v1  }
0xb5: {  	v3 =	vadd.f32 v3, v0;
	v2 =	vmax.f32 v5, $0.0e+00  }
0xb6: {  	v1 =	vadd.f32 v2, v1  }
0xb7: {  	v2 =	vmax.f32 v3, $0.0e+00;
	v3 =	vadd.f32 v12, v0  }
0xb8: {  	v1 =	vadd.f32 v2, v1  }
0xb9: {  	v2 =	vmax.f32 v3, $0.0e+00;
	v3 =	vadd.f32 v4, v0  }
0xba: {  	v1 =	vadd.f32 v2, v1  }
0xbb: {  	v0 =	vadd.f32 v13, v0;
	v2 =	vmax.f32 v3, $0.0e+00  }
0xbc: {  	v1 =	vadd.f32 v2, v1  }
0xbd: {  	v0 =	vmax.f32 v0, $0.0e+00;
	v2 =	vld [tilespmem:s24+$0x11810]  }
0xbe: {  	v0 =	vadd.f32 v0, v1;
	_ =	sdelay $0x1  }
0xbf: {  	v0 =	vmul.f32 $6.250000000e-02, v0  }
.Ltmp0:
0xc0: {  	(pc) =	sbr.rel @p0 .LBB2_2-.Ltmp0, $3  }
0xc1: {  	v0 =	vadd.f32 v0, v2;
	_ =	sdelay $0x1  }
0xc2: {  	s28 =	sshra.s32 s26, $0x2;
	v1 =	vmax.f32 v0, $0.0e+00  }
0xc3: {  	s26 =	sadd.s32 $0x80, s26;
	s25 =	sadd.s32 $0x200, s25;
	v0 =	vld [tilespmem:s28+$0x10800];
	[tilespmem:s24+$0x12810] =	vst v1;
	s24 =	smov.u32 s28  }
0xc4: {  	v1 =	vld [tilespmem:s25+$0xFFFFFF00];
	_ =	sdelay $0x1  }
0xc5: {  	v2 =	vld [tilespmem:s25+$0xFFFFFF20];
	_ =	sdelay $0x1  }
0xc6: {  	v3 =	vld [tilespmem:s25+$0xFFFFFF40]  }
0xc7: {  	v1 =	vadd.f32 v1, v0  }
0xc8: {  	v4 =	vld [tilespmem:s25+$0xFFFFFF60]  }
0xc9: {  	v2 =	vadd.f32 v2, v0;
	v1 =	vmax.f32 v1, $0.0e+00  }
0xca: {  	v5 =	vld [tilespmem:s25+$0xFFFFFF80];
	v1 =	vadd.f32 $0.0e+00, v1  }
0xcb: {  	v3 =	vadd.f32 v3, v0;
	v2 =	vmax.f32 v2, $0.0e+00  }
0xcc: {  	v6 =	vld [tilespmem:s25+$0xFFFFFFA0];
	v1 =	vadd.f32 v2, v1  }
0xcd: {  	v40 =	vadd.f32 v4, v0;
	v39 =	vmax.f32 v3, $0.0e+00  }
0xce: {  	v41 =	vld [tilespmem:s25+$0xFFFFFFC0];
	v1 =	vadd.f32 v39, v1  }
0xcf: {  	v43 =	vadd.f32 v5, v0;
	v42 =	vmax.f32 v40, $0.0e+00  }
0xd0: {  	v44 =	vld [tilespmem:s25+$0xFFFFFFE0];
	v1 =	vadd.f32 v42, v1  }
0xd1: {  	v46 =	vadd.f32 v6, v0;
	v45 =	vmax.f32 v43, $0.0e+00  }
0xd2: {  	v47 =	vld [tilespmem:s25+$0x0];
	v1 =	vadd.f32 v45, v1  }
0xd3: {  	v49 =	vadd.f32 v41, v0;
	v48 =	vmax.f32 v46, $0.0e+00  }
0xd4: {  	v50 =	vld [tilespmem:s25+$0x20];
	v1 =	vadd.f32 v48, v1  }
0xd5: {  	v52 =	vadd.f32 v44, v0;
	v51 =	vmax.f32 v49, $0.0e+00  }
0xd6: {  	v53 =	vld [tilespmem:s25+$0x40];
	v1 =	vadd.f32 v51, v1  }
0xd7: {  	v55 =	vadd.f32 v47, v0;
	v54 =	vmax.f32 v52, $0.0e+00  }
0xd8: {  	v56 =	vld [tilespmem:s25+$0x60];
	v1 =	vadd.f32 v54, v1  }
0xd9: {  	v58 =	vadd.f32 v50, v0;
	v57 =	vmax.f32 v55, $0.0e+00  }
0xda: {  	v59 =	vld [tilespmem:s25+$0x80];
	v1 =	vadd.f32 v57, v1  }
0xdb: {  	v61 =	vadd.f32 v53, v0;
	v60 =	vmax.f32 v58, $0.0e+00  }
0xdc: {  	v62 =	vld [tilespmem:s25+$0xA0];
	v1 =	vadd.f32 v60, v1  }
0xdd: {  	v9 =	vadd.f32 v56, v0;
	v63 =	vmax.f32 v61, $0.0e+00  }
0xde: {  	v10 =	vld [tilespmem:s25+$0xC0];
	v1 =	vadd.f32 v63, v1  }
0xdf: {  	v12 =	vadd.f32 v59, v0;
	v11 =	vmax.f32 v9, $0.0e+00  }
0xe0: {  	v13 =	vld [tilespmem:s25+$0xE0];
	v1 =	vadd.f32 v11, v1  }
0xe1: {  	v15 =	vadd.f32 v62, v0;
	v14 =	vmax.f32 v12, $0.0e+00  }
0xe2: {  	v1 =	vadd.f32 v14, v1  }
0xe3: {  	v17 =	vadd.f32 v10, v0;
	v16 =	vmax.f32 v15, $0.0e+00  }
0xe4: {  	v1 =	vadd.f32 v16, v1  }
0xe5: {  	v19 =	vadd.f32 v13, v0;
	v18 =	vmax.f32 v17, $0.0e+00  }
0xe6: {  	v1 =	vadd.f32 v18, v1  }
0xe7: {  	v20 =	vld [tilespmem:s24+$0x11800];
	v0 =	vmax.f32 v19, $0.0e+00  }
0xe8: {  	v0 =	vadd.f32 v0, v1;
	_ =	sdelay $0x1  }
0xe9: {  	v0 =	vmul.f32 $6.250000000e-02, v0;
	_ =	sdelay $0x1  }
0xea: {  	v0 =	vadd.f32 v0, v20;
	_ =	sdelay $0x1  }
0xeb: {  	v0 =	vmax.f32 v0, $0.0e+00  }
0xec: {  	v21 =	vld [tilespmem:s24+$0x10810];
	[tilespmem:s24+$0x12800] =	vst v0  }
0xed: {  	v22 =	vld [tilespmem:s25+$0xFFFFFF10];
	_ =	sdelay $0x1  }
0xee: {  	v23 =	vld [tilespmem:s25+$0xFFFFFF30];
	_ =	sdelay $0x1  }
0xef: {  	v24 =	vld [tilespmem:s25+$0xFFFFFF50]  }
0xf0: {  	v1 =	vadd.f32 v22, v21  }
0xf1: {  	v25 =	vld [tilespmem:s25+$0xFFFFFF70]  }
0xf2: {  	v2 =	vadd.f32 v23, v21;
	v1 =	vmax.f32 v1, $0.0e+00  }
0xf3: {  	v26 =	vld [tilespmem:s25+$0xFFFFFF90];
	v1 =	vadd.f32 $0.0e+00, v1  }
0xf4: {  	v3 =	vadd.f32 v24, v21;
	v2 =	vmax.f32 v2, $0.0e+00  }
0xf5: {  	v27 =	vld [tilespmem:s25+$0xFFFFFFB0];
	v1 =	vadd.f32 v2, v1  }
0xf6: {  	v29 =	vadd.f32 v25, v21;
	v28 =	vmax.f32 v3, $0.0e+00  }
0xf7: {  	v30 =	vld [tilespmem:s25+$0xFFFFFFD0];
	v1 =	vadd.f32 v28, v1  }
0xf8: {  	v32 =	vadd.f32 v26, v21;
	v31 =	vmax.f32 v29, $0.0e+00  }
0xf9: {  	v33 =	vld [tilespmem:s25+$0xFFFFFFF0];
	v1 =	vadd.f32 v31, v1  }
0xfa: {  	v35 =	vadd.f32 v27, v21;
	v34 =	vmax.f32 v32, $0.0e+00  }
0xfb: {  	v36 =	vld [tilespmem:s25+$0x10];
	v1 =	vadd.f32 v34, v1  }
0xfc: {  	v38 =	vadd.f32 v30, v21;
	v37 =	vmax.f32 v35, $0.0e+00  }
0xfd: {  	v39 =	vld [tilespmem:s25+$0x30];
	v1 =	vadd.f32 v37, v1  }
0xfe: {  	v41 =	vadd.f32 v33, v21;
	v40 =	vmax.f32 v38, $0.0e+00  }
0xff: {  	v42 =	vld [tilespmem:s25+$0x50];
	v1 =	vadd.f32 v40, v1  }
0x100: {  	v44 =	vadd.f32 v36, v21;
	v43 =	vmax.f32 v41, $0.0e+00  }
0x101: {  	v45 =	vld [tilespmem:s25+$0x70];
	v1 =	vadd.f32 v43, v1  }
0x102: {  	v47 =	vadd.f32 v39, v21;
	v46 =	vmax.f32 v44, $0.0e+00  }
0x103: {  	v48 =	vld [tilespmem:s25+$0x90];
	v1 =	vadd.f32 v46, v1  }
0x104: {  	v50 =	vadd.f32 v42, v21;
	v49 =	vmax.f32 v47, $0.0e+00  }
0x105: {  	v51 =	vld [tilespmem:s25+$0xB0];
	v1 =	vadd.f32 v49, v1  }
0x106: {  	v53 =	vadd.f32 v45, v21;
	v52 =	vmax.f32 v50, $0.0e+00  }
0x107: {  	v54 =	vld [tilespmem:s25+$0xD0];
	v1 =	vadd.f32 v52, v1  }
0x108: {  	v56 =	vadd.f32 v48, v21;
	v55 =	vmax.f32 v53, $0.0e+00  }
0x109: {  	v57 =	vld [tilespmem:s25+$0xF0];
	v1 =	vadd.f32 v55, v1  }
0x10a: {  	v59 =	vadd.f32 v51, v21;
	v58 =	vmax.f32 v56, $0.0e+00  }
0x10b: {  	v1 =	vadd.f32 v58, v1  }
0x10c: {  	v61 =	vadd.f32 v54, v21;
	v60 =	vmax.f32 v59, $0.0e+00  }
0x10d: {  	v1 =	vadd.f32 v60, v1  }
0x10e: {  	v0 =	vadd.f32 v57, v21;
	v62 =	vmax.f32 v61, $0.0e+00  }
0x10f: {  	v1 =	vadd.f32 v62, v1  }
0x110: {  	v63 =	vld [tilespmem:s24+$0x11810];
	v0 =	vmax.f32 v0, $0.0e+00  }
0x111: {  	v0 =	vadd.f32 v0, v1;
	_ =	sdelay $0x1  }
0x112: {  	v0 =	vmul.f32 $6.250000000e-02, v0;
	_ =	sdelay $0x1  }
0x113: {  	v0 =	vadd.f32 v0, v63  }
0x114: {  	s23 =	sadd.s32 $0x1, s23  }
0x115: {  	p0 =	sne.s32 s23, s8;
	v0 =	vmax.f32 v0, $0.0e+00  }
.Ltmp1:
0x116: {  	[tilespmem:s24+$0x12810] =	vst v0;
	(pc) =	sbr.rel @p0 .LBB2_1-.Ltmp1, $4  }
0x117: {  	[hbm4b:s7+s2] =	stream.linear.scatter [tilespmem:s22], [sflag:$0x2], $0x1000, $0x38;
	[tilespmem:$0x13800] =	vst v63  }
0x118: {  	_ =	swait.ge [sflag:s9], $0x1000  }
0x119: {  	[sflag:s9] =	ssyncset.done $0x0  }
0x11a: {  	[sflag:s9] =	ssyncadd.s32 $0xFFFFF000  }
0x11b: {  	_ =	sfence.sel $0x180000  }
0x11c: {  	[bflag:$0x0] =	sbarrier.arrive $0xFFFF  }
0x11d: {  	_ =	strace $0x9000004A  }
0x11e: {  	s0 =	stileid.u32;
	[bflag:$0x2] =	sbarrier.arrive $0xFFFF  }
0x11f: {  	p0 =	sne.s32 s0, $0x0;
	s0 =	rddreg [dreg:$0x1]  }
0x120: {  	s0 =	sadd.s32 @!p0 $0x100000, s0  }
0x121: {  	[sflag:s0] =	ssyncadd.tile.s32 @!p0 $0x1;
	_ =	shalt  }
.Lfunc_end2:
_tile_overlayer_lowered:
.L_overlay_start_2:
0x122: {  	(tag) =	ssettag $0x2  }
0x123: {  	s0 =	rddreg [dreg:$0x0];
	s2 =	stileid.u32  }
0x124: {  	s1 =	rddreg [dreg:$0x1];
	p0 =	sne.s32 s2, $0x0  }
0x125: {  	s3 =	rddreg [dreg:$0x2];
	[bflag:$0x3] =	sbarrier.arrive $0xFFFF;
	s2 =	simm.s32 @!p0 $0x1C02  }
0x126: {  	[timem:s3], [sflag:s2] =	dma.local @!p0 [hbm:s0], s1  }
0x127: {  	s0 =	simm.s32 @!p0 $0x2  }
0x128: {  	_ =	swait.ge @!p0 [sflag:s0], s1  }
0x129: {  	s1 =	ssub.s32 @!p0 $0x0, s1;
	[sflag:s0] =	ssyncset.done @!p0 $0x0  }
0x12a: {  	[sflag:s0] =	ssyncadd.s32 @!p0 s1  }
0x12b: {  	[bflag:$0x3] =	sbarrier.arrive $0xFFFF  }
0x12c: {  	_ =	shalt  }

// kernel: kernel.16.cloned.1.call-start
scs
__scs_entry_jumppad:
0x0: {  	(pc) =	sbr.rel $0x88, $3  }
0x1: {  	(tag) =	ssettag $0x0;
	lr =	simm.s32 $0x1  }
0x2: {  	[smem:$0x3F9D] =	sst lr;
	_ =	strace $0xD0000000  }
0x3: {  	_ = 	snop  }
0x4: {  	_ = 	snop  }
0x5: {  	_ = 	snop  }
0x6: {  	_ = 	snop  }
0x7: {  	_ = 	snop  }
__scs_overlays_trampoline_lowered:
0x8: {  	[smem:$0x3FAC] =	sst s0  }
0x9: {  	[smem:$0x3FAD] =	sst s1  }
0xa: {  	[smem:$0x3FAE] =	sst s2  }
0xb: {  	[smem:$0x3FAF] =	sst s3  }
0xc: {  	[smem:$0x3FB0] =	sst s4  }
0xd: {  	[smem:$0x3FB1] =	sst s5  }
0xe: {  	[smem:$0x3FB2] =	sst s6  }
0xf: {  	[smem:$0x3FB3] =	sst s7  }
0x10: {  	[smem:$0x3FB4] =	sst s8  }
0x11: {  	[smem:$0x3FB5] =	sst s9;
	s0 =	simm.s32 @!p0 $0x0  }
0x12: {  	s1 =	sld [smem:$0x3F9B];
	s0 =	simm.s32 @p0 $0x1  }
0x13: {  	[smem:$0x3FB6] =	sst s0;
	s0 =	simm.s32 @!p1 $0x0  }
0x14: {  	s2 =	sld [smem:$0x3F9A];
	s0 =	simm.s32 @p1 $0x1  }
0x15: {  	[smem:$0x3FB7] =	sst s0;
	s0 =	simm.s32 @!p2 $0x0  }
0x16: {  	s3 =	sld [smem:$0x3FDB];
	s0 =	simm.s32 @p2 $0x1  }
0x17: {  	s4 =	simm.s32 $0x1BF5;
	[smem:$0x3FB9] =	sst s0  }
0x18: {  	s0 =	sld [smem:$0x3F9C];
	_ =	swait.ge [sflag:s4], $0x0  }
0x19: {  	s7 =	sld [smem:$0x3F9D]  }
0x1a: {  	s8 =	sadd.s32 $0xFFFFE003, lr  }
0x1b: {  	s9 =	sadd.s32 $0xFFFFFEF7, lr;
	s5 =	simm.s32 $0xFFFFFFFF;
	p2 =	slt.u32 s8, $0xFFFFF086  }
0x1c: {  	p1 =	slt.u32 s9, $0xF7A;
	s5 =	simm.s32 @!p2 $0x0  }
0x1d: {  	s5 =	simm.s32 @p1 $0x1;
	p0 =	seq.s32 s7, s2  }
0x1e: {  	s7 =	smul.u32 @!p0 $0xF7A, s2;
	p2 =	seq.s32 @!p0 s5, $0x0  }
0x1f: {  	s9 =	smul.u32 $0xF7A, s1;
	s8 =	simm.s32 @!p0 $0x1BF5;
	p2 =	por !p2, p0  }
0x20: {  	[sflag:s8] =	ssyncset.s32 @!p0 $0xFFFFF086;
	s6 =	sadd.s32 @!p0 s3, s7;
	s7 =	simm.s32 @!p0 $0x108  }
0x21: {  	s3 =	sadd.s32 s3, s9;
	s6 =	sadd.s32 @!p0 $0x88, s6;
	s7 =	simm.s32 @p2 $0x1082  }
0x22: {  	[simem:s7], [sflag:s8] =	dma.local @!p0 [hbm:s6], $0xF7A  }
0x23: {  	s9 =	sor.u32 $0xD0000000, s2;
	s6 =	simm.s32 $0x108;
	_ =	swait.ge @!p0 [sflag:s8], $0x0  }
0x24: {  	s3 =	sadd.s32 $0x88, s3;
	s6 =	simm.s32 @!p1 $0x1082;
	[sflag:s4] =	ssyncset.s32 $0xFFFFF086  }
0x25: {  	[simem:s6], [sflag:s4] =	dma.local [hbm:s3], $0xF7A  }
0x26: {  	[smem:$0x3F9D] =	sst s1;
	(tag) =	ssettag s2;
	_ =	strace s9  }
0x27: {  	s1 =	sld [smem:$0x3FAD]  }
0x28: {  	s2 =	sld [smem:$0x3FAE]  }
0x29: {  	s4 =	sld [smem:$0x3FB0]  }
0x2a: {  	p0 =	seq.s32 s5, $0x0;
	s5 =	sld [smem:$0x3FB1]  }
0x2b: {  	s6 =	sld [smem:$0x3FB2]  }
0x2c: {  	s7 =	sld [smem:$0x3FB3]  }
0x2d: {  	s3 =	simm.s32 $0x108;
	s8 =	sld [smem:$0x3FB4]  }
0x2e: {  	s3 =	simm.s32 @!p0 $0x1082;
	s9 =	sld [smem:$0x3FB5]  }
0x2f: {  	lr =	sadd.s32 s0, s3;
	s0 =	sld [smem:$0x3FAC]  }
0x30: {  	s3 =	sld [smem:$0x3FAF]  }
0x31: {  	[smem:$0x3FB8] =	sst s10  }
0x32: {  	s10 =	sld [smem:$0x3FB6];
	_ =	sdelay $0x3  }
0x33: {  	p0 =	seq.s32 s10, $0x1;
	s10 =	sld [smem:$0x3FB8];
	_ =	sdelay $0x3  }
0x34: {  	[smem:$0x3FB8] =	sst s10  }
0x35: {  	s10 =	sld [smem:$0x3FB7];
	_ =	sdelay $0x3  }
0x36: {  	p1 =	seq.s32 s10, $0x1;
	s10 =	sld [smem:$0x3FB8];
	_ =	sdelay $0x3  }
0x37: {  	[smem:$0x3FB8] =	sst s10  }
0x38: {  	s10 =	sld [smem:$0x3FB9]  }
0x39: {  	_ = 	snop;
	(pc) =	sbr.ind lr, $3  }
0x3a: {  	_ = 	snop  }
0x3b: {  	_ = 	snop  }
0x3c: {  	p2 =	seq.s32 s10, $0x1;
	s10 =	sld [smem:$0x3FB8]  }
0x3d: {  	_ =	shalt  }
0x3e: {  	_ =	shalt  }
0x3f: {  	_ =	shalt  }
0x40: {  	_ =	shalt  }
0x41: {  	_ =	shalt  }
0x42: {  	_ =	shalt  }
0x43: {  	_ =	shalt  }
0x44: {  	_ =	shalt  }
0x45: {  	_ =	shalt  }
0x46: {  	_ =	shalt  }
0x47: {  	_ =	shalt  }
0x48: {  	_ =	shalt  }
0x49: {  	_ =	shalt  }
0x4a: {  	_ =	shalt  }
0x4b: {  	_ =	shalt  }
0x4c: {  	_ =	shalt  }
0x4d: {  	_ =	shalt  }
0x4e: {  	_ =	shalt  }
0x4f: {  	_ =	shalt  }
0x50: {  	_ =	shalt  }
0x51: {  	_ =	shalt  }
0x52: {  	_ =	shalt  }
0x53: {  	_ =	shalt  }
0x54: {  	_ =	shalt  }
0x55: {  	_ =	shalt  }
0x56: {  	_ =	shalt  }
0x57: {  	_ =	shalt  }
0x58: {  	_ =	shalt  }
0x59: {  	_ =	shalt  }
0x5a: {  	_ =	shalt  }
0x5b: {  	_ =	shalt  }
0x5c: {  	_ =	shalt  }
0x5d: {  	_ =	shalt  }
0x5e: {  	_ =	shalt  }
0x5f: {  	_ =	shalt  }
0x60: {  	_ =	shalt  }
0x61: {  	_ =	shalt  }
0x62: {  	_ =	shalt  }
0x63: {  	_ =	shalt  }
0x64: {  	_ =	shalt  }
0x65: {  	_ =	shalt  }
0x66: {  	_ =	shalt  }
0x67: {  	_ =	shalt  }
0x68: {  	_ =	shalt  }
0x69: {  	_ =	shalt  }
0x6a: {  	_ =	shalt  }
0x6b: {  	_ =	shalt  }
0x6c: {  	_ =	shalt  }
0x6d: {  	_ =	shalt  }
0x6e: {  	_ =	shalt  }
0x6f: {  	_ =	shalt  }
0x70: {  	_ =	shalt  }
0x71: {  	_ =	shalt  }
0x72: {  	_ =	shalt  }
0x73: {  	_ =	shalt  }
0x74: {  	_ =	shalt  }
0x75: {  	_ =	shalt  }
0x76: {  	_ =	shalt  }
0x77: {  	_ =	shalt  }
0x78: {  	_ =	shalt  }
0x79: {  	_ =	shalt  }
0x7a: {  	_ =	shalt  }
0x7b: {  	_ =	shalt  }
0x7c: {  	_ =	shalt  }
0x7d: {  	_ =	shalt  }
0x7e: {  	_ =	shalt  }
0x7f: {  	_ =	shalt  }
0x80: {  	_ =	shalt  }
0x81: {  	_ =	shalt  }
0x82: {  	_ =	shalt  }
0x83: {  	_ =	shalt  }
0x84: {  	_ =	shalt  }
0x85: {  	_ =	shalt  }
0x86: {  	_ =	shalt  }
0x87: {  	_ =	shalt  }
.Lfunc_end0:
.L_simem_size_0:
called_computation.2_lowered:
.L_overlay_start_0:
0x88: {  	s2 =	sld [smem:$0x3FD9]  }
0x89: {  	s3 =	sld [smem:$0x3FFE];
	_ =	sdelay $0x1  }
0x8a: {  	s1 =	srdreg.scid  }
0x8b: {  	s0 =	sand.u32 $0x1, s1  }
0x8c: {  	s17 =	sshll.u32 s0, $0xA;
	s2 =	sadd.s32 s3, s2  }
0x8d: {  	s2 =	sadd.s32 s2, s17  }
0x8e: {  	[smem:$0x3FC4] =	sst s2  }
0x8f: {  	_ = 	snop  }
0x90: {  	(tm) =	ssettm $0x1  }
0x91: {  	s18 =	sld [smem:$0x3FFB];
	_ =	sdelay $0x3  }
0x92: {  	_ =	strace s18  }
0x93: {  	s2 =	sld [smem:$0x3FFC];
	_ =	sdelay $0x3  }
0x94: {  	_ =	strace s2  }
0x95: {  	s2 =	sld [smem:$0x3FFD];
	_ =	sdelay $0x3  }
0x96: {  	_ =	strace s2  }
0x97: {  	_ =	strace $0x8FFFFFFF  }
0x98: {  	s19 =	sld [smem:$0x3FDB];
	_ =	sdelay $0x1  }
0x99: {  	s20 =	simm.s32 $_scs_section_size  }
0x9a: {  	s4 =	simm.s32 $_size__tile_overlayer_lowered;
	s5 =	simm.s32 $_tile_overlayer_lowered  }
0x9b: {  	s6 =	simm.s32 $0x1BFF;
	s21 =	sshll.u32 s5, $0x1;
	s3 =	sadd.s32 s20, s19  }
0x9c: {  	s22 =	simm.s32 $0x0;
	s4 =	sshll.u32 s4, $0x1;
	s5 =	sadd.s32 s21, s3  }
0x9d: {  	[timem:s22], [sflag:s6] =	dma.local [hbm:s5], s4  }
0x9e: {  	_ =	swait.ge [sflag:s6], s4  }
0x9f: {  	s4 =	ssub.s32 $0x0, s4;
	[sflag:s6] =	ssyncset.done $0x0  }
0xa0: {  	[sflag:s6] =	ssyncadd.s32 s4;
	_ =	sdelay $0x1  }
0xa1: {  	s23 =	simm.s32 $0x1B8B  }
0xa2: {  	_ =	swait.ge [sflag:s23], $0x1  }
0xa3: {  	[sflag:s23] =	ssyncset.done $0x0  }
0xa4: {  	[sflag:s23] =	ssyncadd.s32 $0xFFFFFFFF  }
0xa5: {  	s4 =	sld [smem:$0x0]  }
0xa6: {  	s5 =	sand.u32 $0xFFFFFFFE, s1  }
0xa7: {  	p0 =	sne.s32 s1, s5  }
0xa8: {  	s5 =	sshll.u32 @p0 s5, $0xE  }
0xa9: {  	s5 =	sadd.s32 @p0 $0x11B8D, s5;
	s6 =	sshll.u32 @p0 s4, $0x11  }
0xaa: {  	s5 =	sor.u32 @p0 s6, s5  }
0xab: {  	[sflag:s5] =	ssyncadd.remote.s32 @p0 $0x1;
	_ =	sdelay $0x1  }
0xac: {  	s5 =	simm.s32 @p0 $0x1B8D  }
0xad: {  	_ =	swait.eq @p0 [sflag:s5], $0x1  }
0xae: {  	[sflag:s5] =	ssyncadd.s32 @p0 $0xFFFFFFFF  }
0xaf: {  	s6 =	sshll.u32 @!p0 s1, $0xE  }
0xb0: {  	s6 =	sor.u32 @!p0 $0x4000, s6;
	s5 =	simm.s32 @!p0 $0x1B8D  }
0xb1: {  	s4 =	sshll.u32 @!p0 s4, $0x11;
	s6 =	sadd.s32 @!p0 $0x11B8D, s6;
	_ =	swait.eq @!p0 [sflag:s5], $0x1  }
0xb2: {  	s4 =	sor.u32 @!p0 s4, s6;
	[sflag:s5] =	ssyncadd.s32 @!p0 $0xFFFFFFFF  }
0xb3: {  	s25 =	simm.s32 $0x1B8E;
	s24 =	sld [smem:$0x3FFE];
	[sflag:s4] =	ssyncadd.remote.s32 @!p0 $0x1  }
0xb4: {  	s26 =	simm.s32 $execute0_lowered;
	[smem:$0x3FD2] =	sst s25  }
0xb5: {  	s5 =	sshll.u32 s26, $0x1;
	_ =	strace $0x8000004C;
	[dreg:$0x1] =	wrdreg $0xFFFFFFFF  }
0xb6: {  	s28 =	simm.s32 $_size_execute0_lowered;
	s3 =	sadd.s32 s3, s5;
	[dreg:$0x0] =	wrdreg $0x0  }
0xb7: {  	s5 =	sshll.u32 s28, $0x1;
	[dreg:$0x2] =	wrdreg s3  }
0xb8: {  	[dreg:$0x3] =	wrdreg s5  }
0xb9: {  	[dreg:$0x4] =	wrdreg $0xC0  }
0xba: {  	_ =	task [dreg:s22], $0x5FFFF  }
0xbb: {  	[dreg:$0x1] =	wrdreg $0xFFFFFFFF  }
0xbc: {  	[dreg:$0x0] =	wrdreg $0x60  }
0xbd: {  	[dreg:$0x2] =	wrdreg s24  }
0xbe: {  	[dreg:$0x3] =	wrdreg $0xB  }
0xbf: {  	_ =	task.clear_ibuf [dreg:s22], $0x4FFFF;
	_ =	strace $0x9000004C  }
0xc0: {  	s29 =	simm.s32 $0xB;
	_ =	strace $0x8000004E  }
0xc1: {  	_ =	swait.ge [sflag:s29], $0x1  }
0xc2: {  	[sflag:s29] =	ssyncadd.s32 $0xFFFFFFFF  }
0xc3: {  	_ =	strace $0x9000004E  }
0xc4: {  	_ =	sfence  }
0xc5: {  	s30 =	sld [smem:$0x0];
	_ =	sdelay $0x2  }
0xc6: {  	s31 =	sshll.u32 s1, $0xD;
	s1 =	sshrl.u32 s1, $0x2  }
0xc7: {  	s4 =	sand.u32 $0x4000, s31;
	s1 =	sadd.s32 s1, s30  }
0xc8: {  	s0 =	sor.u32 s4, s0;
	s1 =	sshll.u32 s1, $0x11  }
0xc9: {  	s0 =	sor.u32 s1, s0  }
0xca: {  	s0 =	sadd.s32 $0x8F2B, s0  }
0xcb: {  	[sflag:s0] =	ssyncadd.remote.s32 $0x1  }
0xcc: {  	_ =	sfence.sel $0xFFFF  }
0xcd: {  	[dreg:$0x0] =	wrdreg $0xFFFFFFFF;
	(pc) =	sbr.abs _section_cstart, $3  }
0xce: {  	[dreg:$0x1] =	wrdreg $0xFFFFFFFF  }
0xcf: {  	_ =	task.clear_ibuf [dreg:s22], $0x2FFFF;
	_ =	strace $0x9FFFFFFF  }
0xd0: {  	(tm) =	ssettm $0x7FFFFFFF  }
0xd1: {  	_ =	shalt  }
tec
execute0_lowered:
.L_overlay_start_1:
0x0: {  	(tag) =	ssettag $0x1  }
0x1: {  	s0 =	rddreg [dreg:$0x0]  }
0x2: {  	s2 =	simm.s32 $0x0;
	s1 =	srdreg.scid;
	s3 =	stileid.u32  }
0x3: {  	s9 =	simm.s32 $0x2;
	s10 =	simm.s32 $0x80;
	s29 =	simm.s32 $0x9800  }
0x4: {  	s30 =	simm.s32 $0x500;
	s31 =	simm.s32 $0xA800;
	s11 =	simm.s32 $0x600  }
0x5: {  	s12 =	simm.s32 $0xC800;
	s13 =	simm.s32 $0x680;
	s14 =	simm.s32 $0xD800  }
0x6: {  	s15 =	simm.s32 $0x700;
	s16 =	simm.s32 $0xE800;
	s17 =	simm.s32 $0x780  }
0x7: {  	s18 =	simm.s32 $0xF800;
	s19 =	simm.s32 $0x10800;
	s20 =	simm.s32 $0x11800  }
0x8: {  	s21 =	simm.s32 $0x1;
	s22 =	simm.s32 $0x12800;
	s23 =	simm.s32 $0x0  }
0x9: {  	[smem:$0x7FF] =	sst s2;
	s1 =	sand.u32 $0x1, s1;
	s4 =	sshll.u32 s3, $0x8  }
0xa: {  	s3 =	sadd.s32 $0x2E800, s0;
	s5 =	sshll.u32 s1, $0x7;
	s1 =	ssub.s32 $0x2, s1  }
0xb: {  	_ =	strace $0x8000004D;
	s4 =	sor.u32 s5, s4;
	s6 =	sshrl.u32 s1, $0x1  }
0xc: {  	s5 =	sshll.u32 s4, $0x1;
	s4 =	sshll.u32 s4, $0x2;
	s1 =	ssub.s32 s1, s6  }
0xd: {  	s5 =	sadd.s32 s5, s0;
	s0 =	sadd.s32 s4, s0;
	s8 =	smax.u32 s1, $0x1  }
0xe: {  	s1 =	simm.s32 $0xB800;
	s4 =	sadd.s32 $0x32800, s5;
	s5 =	sadd.s32 $0x2A800, s0  }
0xf: {  	s6 =	sadd.s32 $0x26800, s0;
	s7 =	sadd.s32 $0x34800, s0;
	s0 =	simm.s32 $0x580  }
.LBB2_1:
0x10: {  	[tilespmem:s2], [sflag:$0x2] =	stream.linear.gather [hbm4b:s4+s2], $0x800, $0x38;
	[tilespmem:$0x13800] =	vst v63  }
0x11: {  	_ =	swait.ge [sflag:s9], $0x800  }
0x12: {  	[sflag:s9] =	ssyncset.done $0x0  }
0x13: {  	s24 =	simm.s32 $0x800;
	[sflag:s9] =	ssyncadd.s32 $0xFFFFF800  }
0x14: {  	[tilespmem:s24], [sflag:$0x1] =	stream.indirect.gather [hbm4b:s3+s10], $0x20, s2, s10, $0xb8;
	[tilespmem:$0x13800] =	vst v63  }
0x15: {  	s26 =	simm.s32 $0x1800  }
0x16: {  	[tilespmem:s26], [sflag:$0x1] =	stream.indirect.gather [hbm4b:s3+s10], $0x20, s10, s10, $0xb8;
	[tilespmem:$0x13800] =	vst v63  }
0x17: {  	s28 =	simm.s32 $0x100;
	s25 =	simm.s32 $0x2800  }
0x18: {  	[tilespmem:s25], [sflag:$0x1] =	stream.indirect.gather [hbm4b:s3+s10], $0x20, s28, s10, $0xb8;
	[tilespmem:$0x13800] =	vst v63  }
0x19: {  	s26 =	simm.s32 $0x180;
	s28 =	simm.s32 $0x3800  }
0x1a: {  	[tilespmem:s28], [sflag:$0x1] =	stream.indirect.gather [hbm4b:s3+s10], $0x20, s26, s10, $0xb8;
	[tilespmem:$0x13800] =	vst v63  }
0x1b: {  	s26 =	simm.s32 $0x200;
	s28 =	simm.s32 $0x4800  }
0x1c: {  	[tilespmem:s28], [sflag:$0x1] =	stream.indirect.gather [hbm4b:s3+s10], $0x20, s26, s10, $0xb8;
	[tilespmem:$0x13800] =	vst v63  }
0x1d: {  	s26 =	simm.s32 $0x280;
	s28 =	simm.s32 $0x5800  }
0x1e: {  	[tilespmem:s28], [sflag:$0x1] =	stream.indirect.gather [hbm4b:s3+s10], $0x20, s26, s10, $0xb8;
	[tilespmem:$0x13800] =	vst v63  }
0x1f: {  	s26 =	simm.s32 $0x300;
	s28 =	simm.s32 $0x6800  }
0x20: {  	[tilespmem:s28], [sflag:$0x1] =	stream.indirect.gather [hbm4b:s3+s10], $0x20, s26, s10, $0xb8;
	[tilespmem:$0x13800] =	vst v63  }
0x21: {  	s26 =	simm.s32 $0x380;
	s28 =	simm.s32 $0x7800  }
0x22: {  	[tilespmem:s28], [sflag:$0x1] =	stream.indirect.gather [hbm4b:s3+s10], $0x20, s26, s10, $0xb8;
	[tilespmem:$0x13800] =	vst v63  }
0x23: {  	s25 =	simm.s32 $0x400;
	s26 =	simm.s32 $0x8800  }
0x24: {  	[tilespmem:s26], [sflag:$0x1] =	stream.indirect.gather [hbm4b:s3+s10], $0x20, s25, s10, $0xb8;
	[tilespmem:$0x13800] =	vst v63  }
0x25: {  	s28 =	simm.s32 $0x480  }
0x26: {  	[tilespmem:s29], [sflag:$0x1] =	stream.indirect.gather [hbm4b:s3+s10], $0x20, s28, s10, $0xb8;
	[tilespmem:$0x13800] =	vst v63  }
0x27: {  	_ = 	snop  }
0x28: {  	[tilespmem:s31], [sflag:$0x1] =	stream.indirect.gather [hbm4b:s3+s10], $0x20, s30, s10, $0xb8;
	[tilespmem:$0x13800] =	vst v63  }
0x29: {  	_ = 	snop  }
0x2a: {  	[tilespmem:s1], [sflag:$0x1] =	stream.indirect.gather [hbm4b:s3+s10], $0x20, s0, s10, $0xb8;
	[tilespmem:$0x13800] =	vst v63  }
0x2b: {  	_ = 	snop  }
0x2c: {  	[tilespmem:s12], [sflag:$0x1] =	stream.indirect.gather [hbm4b:s3+s10], $0x20, s11, s10, $0xb8;
	[tilespmem:$0x13800] =	vst v63  }
0x2d: {  	_ = 	snop  }
0x2e: {  	[tilespmem:s14], [sflag:$0x1] =	stream.indirect.gather [hbm4b:s3+s10], $0x20, s13, s10, $0xb8;
	[tilespmem:$0x13800] =	vst v63  }
0x2f: {  	_ = 	snop  }
0x30: {  	[tilespmem:s16], [sflag:$0x1] =	stream.indirect.gather [hbm4b:s3+s10], $0x20, s15, s10, $0xb8;
	[tilespmem:$0x13800] =	vst v63  }
0x31: {  	_ = 	snop  }
0x32: {  	[tilespmem:s18], [sflag:$0x1] =	stream.indirect.gather [hbm4b:s3+s10], $0x20, s17, s10, $0xb8;
	[tilespmem:$0x13800] =	vst v63  }
0x33: {  	_ = 	snop  }
0x34: {  	[tilespmem:s19], [sflag:$0x2] =	stream.linear.gather [hbm4b:s5+s2], $0x1000, $0x38;
	[tilespmem:$0x13800] =	vst v63  }
0x35: {  	_ =	swait.ge [sflag:s9], $0x1000  }
0x36: {  	[sflag:s9] =	ssyncset.done $0x0  }
0x37: {  	[sflag:s9] =	ssyncadd.s32 $0xFFFFF000  }
0x38: {  	[tilespmem:s20], [sflag:$0x2] =	stream.linear.gather [hbm4b:s6+s2], $0x1000, $0x38;
	[tilespmem:$0x13800] =	vst v63  }
0x39: {  	_ =	swait.ge [sflag:s9], $0x1000  }
0x3a: {  	[sflag:s9] =	ssyncset.done $0x0  }
0x3b: {  	[sflag:s9] =	ssyncadd.s32 $0xFFFFF000  }
0x3c: {  	_ =	swait.ge [sflag:s21], $0x1000  }
0x3d: {  	[sflag:s21] =	ssyncset.done $0x0  }
0x3e: {  	[sflag:s21] =	ssyncadd.s32 $0xFFFFF000  }
0x3f: {  	_ =	swait.ge [sflag:s21], $0x1000  }
0x40: {  	[sflag:s21] =	ssyncset.done $0x0  }
0x41: {  	[sflag:s21] =	ssyncadd.s32 $0xFFFFF000  }
0x42: {  	_ =	swait.ge [sflag:s21], $0x1000  }
0x43: {  	[sflag:s21] =	ssyncset.done $0x0  }
0x44: {  	[sflag:s21] =	ssyncadd.s32 $0xFFFFF000  }
0x45: {  	_ =	swait.ge [sflag:s21], $0x1000  }
0x46: {  	[sflag:s21] =	ssyncset.done $0x0  }
0x47: {  	[sflag:s21] =	ssyncadd.s32 $0xFFFFF000  }
0x48: {  	_ =	swait.ge [sflag:s21], $0x1000  }
0x49: {  	[sflag:s21] =	ssyncset.done $0x0  }
0x4a: {  	[sflag:s21] =	ssyncadd.s32 $0xFFFFF000  }
0x4b: {  	_ =	swait.ge [sflag:s21], $0x1000  }
0x4c: {  	[sflag:s21] =	ssyncset.done $0x0  }
0x4d: {  	[sflag:s21] =	ssyncadd.s32 $0xFFFFF000  }
0x4e: {  	_ =	swait.ge [sflag:s21], $0x1000  }
0x4f: {  	[sflag:s21] =	ssyncset.done $0x0  }
0x50: {  	[sflag:s21] =	ssyncadd.s32 $0xFFFFF000  }
0x51: {  	_ =	swait.ge [sflag:s21], $0x1000  }
0x52: {  	[sflag:s21] =	ssyncset.done $0x0  }
0x53: {  	[sflag:s21] =	ssyncadd.s32 $0xFFFFF000  }
0x54: {  	_ =	swait.ge [sflag:s21], $0x1000  }
0x55: {  	[sflag:s21] =	ssyncset.done $0x0  }
0x56: {  	[sflag:s21] =	ssyncadd.s32 $0xFFFFF000  }
0x57: {  	_ =	swait.ge [sflag:s21], $0x1000  }
0x58: {  	[sflag:s21] =	ssyncset.done $0x0  }
0x59: {  	[sflag:s21] =	ssyncadd.s32 $0xFFFFF000  }
0x5a: {  	_ =	swait.ge [sflag:s21], $0x1000  }
0x5b: {  	[sflag:s21] =	ssyncset.done $0x0  }
0x5c: {  	[sflag:s21] =	ssyncadd.s32 $0xFFFFF000  }
0x5d: {  	_ =	swait.ge [sflag:s21], $0x1000  }
0x5e: {  	[sflag:s21] =	ssyncset.done $0x0  }
0x5f: {  	[sflag:s21] =	ssyncadd.s32 $0xFFFFF000  }
0x60: {  	_ =	swait.ge [sflag:s21], $0x1000  }
0x61: {  	[sflag:s21] =	ssyncset.done $0x0  }
0x62: {  	[sflag:s21] =	ssyncadd.s32 $0xFFFFF000  }
0x63: {  	_ =	swait.ge [sflag:s21], $0x1000  }
0x64: {  	[sflag:s21] =	ssyncset.done $0x0  }
0x65: {  	[sflag:s21] =	ssyncadd.s32 $0xFFFFF000  }
0x66: {  	_ =	swait.ge [sflag:s21], $0x1000  }
0x67: {  	[sflag:s21] =	ssyncset.done $0x0  }
0x68: {  	[sflag:s21] =	ssyncadd.s32 $0xFFFFF000  }
0x69: {  	_ =	swait.ge [sflag:s21], $0x1000  }
0x6a: {  	[sflag:s21] =	ssyncset.done $0x0  }
0x6b: {  	s24 =	simm.s32 $0x0;
	[sflag:s21] =	ssyncadd.s32 $0xFFFFF000  }
0x6c: {  	s25 =	simm.s32 $0x900;
	s26 =	simm.s32 $0x80;
	v0 =	vld [tilespmem:s24+$0x10800]  }
.LBB2_2:
0x6d: {  	p0 =	sne.s32 s26, $0x3F80;
	v1 =	vld [tilespmem:s25+$0xFFFFFF00]  }
0x6e: {  	v2 =	vld [tilespmem:s25+$0xFFFFFF20]  }
0x6f: {  	v3 =	vld [tilespmem:s25+$0xFFFFFF40]  }
0x70: {  	v4 =	vld [tilespmem:s25+$0xFFFFFF60]  }
0x71: {  	v5 =	vld [tilespmem:s25+$0xFFFFFF80]  }
0x72: {  	v1 =	vadd.f32 v1, v0;
	v6 =	vld [tilespmem:s25+$0xFFFFFFA0]  }
0x73: {  	v7 =	vld [tilespmem:s25+$0xFFFFFFC0]  }
0x74: {  	v2 =	vadd.f32 v2, v0;
	v1 =	vmax.f32 v1, $0.0e+00;
	v8 =	vld [tilespmem:s25+$0xFFFFFFE0]  }
0x75: {  	v1 =	vadd.f32 $0.0e+00, v1;
	v9 =	vld [tilespmem:s25+$0x0]  }
0x76: {  	v3 =	vadd.f32 v3, v0;
	v2 =	vmax.f32 v2, $0.0e+00;
	v10 =	vld [tilespmem:s25+$0x20]  }
0x77: {  	v1 =	vadd.f32 v2, v1;
	v2 =	vld [tilespmem:s25+$0x40]  }
0x78: {  	v4 =	vadd.f32 v4, v0;
	v3 =	vmax.f32 v3, $0.0e+00;
	v11 =	vld [tilespmem:s25+$0x60]  }
0x79: {  	v1 =	vadd.f32 v3, v1;
	v3 =	vld [tilespmem:s25+$0x80]  }
0x7a: {  	v5 =	vadd.f32 v5, v0;
	v4 =	vmax.f32 v4, $0.0e+00;
	v12 =	vld [tilespmem:s25+$0xA0]  }
0x7b: {  	v1 =	vadd.f32 v4, v1;
	v4 =	vld [tilespmem:s25+$0xC0]  }
0x7c: {  	v6 =	vadd.f32 v6, v0;
	v5 =	vmax.f32 v5, $0.0e+00;
	v13 =	vld [tilespmem:s25+$0xE0]  }
0x7d: {  	v1 =	vadd.f32 v5, v1  }
0x7e: {  	v5 =	vmax.f32 v6, $0.0e+00;
	v6 =	vadd.f32 v7, v0  }
0x7f: {  	v1 =	vadd.f32 v5, v1  }
0x80: {  	v5 =	vmax.f32 v6, $0.0e+00;
	v6 =	vadd.f32 v8, v0  }
0x81: {  	v1 =	vadd.f32 v5, v1  }
0x82: {  	v5 =	vmax.f32 v6, $0.0e+00;
	v6 =	vadd.f32 v9, v0  }
0x83: {  	v1 =	vadd.f32 v5, v1  }
0x84: {  	v5 =	vmax.f32 v6, $0.0e+00;
	v6 =	vadd.f32 v10, v0  }
0x85: {  	v1 =	vadd.f32 v5, v1  }
0x86: {  	v2 =	vadd.f32 v2, v0;
	v5 =	vmax.f32 v6, $0.0e+00  }
0x87: {  	v1 =	vadd.f32 v5, v1  }
0x88: {  	v2 =	vmax.f32 v2, $0.0e+00;
	v5 =	vadd.f32 v11, v0  }
0x89: {  	v1 =	vadd.f32 v2, v1  }
0x8a: {  	v3 =	vadd.f32 v3, v0;
	v2 =	vmax.f32 v5, $0.0e+00  }
0x8b: {  	v1 =	vadd.f32 v2, v1  }
0x8c: {  	v2 =	vmax.f32 v3, $0.0e+00;
	v3 =	vadd.f32 v12, v0  }
0x8d: {  	v1 =	vadd.f32 v2, v1  }
0x8e: {  	v2 =	vmax.f32 v3, $0.0e+00;
	v3 =	vadd.f32 v4, v0  }
0x8f: {  	v1 =	vadd.f32 v2, v1  }
0x90: {  	v0 =	vadd.f32 v13, v0;
	v2 =	vmax.f32 v3, $0.0e+00  }
0x91: {  	v1 =	vadd.f32 v2, v1  }
0x92: {  	v0 =	vmax.f32 v0, $0.0e+00;
	v2 =	vld [tilespmem:s24+$0x11800]  }
0x93: {  	v0 =	vadd.f32 v0, v1;
	_ =	sdelay $0x1  }
0x94: {  	v0 =	vmul.f32 $6.250000000e-02, v0;
	_ =	sdelay $0x1  }
0x95: {  	v0 =	vadd.f32 v0, v2;
	_ =	sdelay $0x1  }
0x96: {  	v0 =	vmax.f32 v0, $0.0e+00  }
0x97: {  	[tilespmem:s24+$0x12800] =	vst v0;
	v0 =	vld [tilespmem:s24+$0x10810]  }
0x98: {  	v1 =	vld [tilespmem:s25+$0xFFFFFF10]  }
0x99: {  	v2 =	vld [tilespmem:s25+$0xFFFFFF30]  }
0x9a: {  	v3 =	vld [tilespmem:s25+$0xFFFFFF50]  }
0x9b: {  	v4 =	vld [tilespmem:s25+$0xFFFFFF70]  }
0x9c: {  	v5 =	vld [tilespmem:s25+$0xFFFFFF90]  }
0x9d: {  	v1 =	vadd.f32 v1, v0;
	v6 =	vld [tilespmem:s25+$0xFFFFFFB0]  }
0x9e: {  	v7 =	vld [tilespmem:s25+$0xFFFFFFD0]  }
0x9f: {  	v2 =	vadd.f32 v2, v0;
	v1 =	vmax.f32 v1, $0.0e+00;
	v8 =	vld [tilespmem:s25+$0xFFFFFFF0]  }
0xa0: {  	v1 =	vadd.f32 $0.0e+00, v1;
	v9 =	vld [tilespmem:s25+$0x10]  }
0xa1: {  	v3 =	vadd.f32 v3, v0;
	v2 =	vmax.f32 v2, $0.0e+00;
	v10 =	vld [tilespmem:s25+$0x30]  }
0xa2: {  	v1 =	vadd.f32 v2, v1;
	v2 =	vld [tilespmem:s25+$0x50]  }
0xa3: {  	v4 =	vadd.f32 v4, v0;
	v3 =	vmax.f32 v3, $0.0e+00;
	v11 =	vld [tilespmem:s25+$0x70]  }
0xa4: {  	v1 =	vadd.f32 v3, v1;
	v3 =	vld [tilespmem:s25+$0x90]  }
0xa5: {  	v5 =	vadd.f32 v5, v0;
	v4 =	vmax.f32 v4, $0.0e+00;
	v12 =	vld [tilespmem:s25+$0xB0]  }
0xa6: {  	v1 =	vadd.f32 v4, v1;
	v4 =	vld [tilespmem:s25+$0xD0]  }
0xa7: {  	v6 =	vadd.f32 v6, v0;
	v5 =	vmax.f32 v5, $0.0e+00;
	v13 =	vld [tilespmem:s25+$0xF0]  }
0xa8: {  	v1 =	vadd.f32 v5, v1  }
0xa9: {  	v5 =	vmax.f32 v6, $0.0e+00;
	v6 =	vadd.f32 v7, v0  }
0xaa: {  	v1 =	vadd.f32 v5, v1  }
0xab: {  	v5 =	vmax.f32 v6, $0.0e+00;
	v6 =	vadd.f32 v8, v0  }
0xac: {  	v1 =	vadd.f32 v5, v1  }
0xad: {  	v5 =	vmax.f32 v6, $0.0e+00;
	v6 =	vadd.f32 v9, v0  }
0xae: {  	v1 =	vadd.f32 v5, v1  }
0xaf: {  	v5 =	vmax.f32 v6, $0.0e+00;
	v6 =	vadd.f32 v10, v0  }
0xb0: {  	v1 =	vadd.f32 v5, v1  }
0xb1: {  	v2 =	vadd.f32 v2, v0;
	v5 =	vmax.f32 v6, $0.0e+00  }
0xb2: {  	v1 =	vadd.f32 v5, v1  }
0xb3: {  	v2 =	vmax.f32 v2, $0.0e+00;
	v5 =	vadd.f32 v11, v0  }
0xb4: {  	v1 =	vadd.f32 v2, v1  }
0xb5: {  	v3 =	vadd.f32 v3, v0;
	v2 =	vmax.f32 v5, $0.0e+00  }
0xb6: {  	v1 =	vadd.f32 v2, v1  }
0xb7: {  	v2 =	vmax.f32 v3, $0.0e+00;
	v3 =	vadd.f32 v12, v0  }
0xb8: {  	v1 =	vadd.f32 v2, v1  }
0xb9: {  	v2 =	vmax.f32 v3, $0.0e+00;
	v3 =	vadd.f32 v4, v0  }
0xba: {  	v1 =	vadd.f32 v2, v1  }
0xbb: {  	v0 =	vadd.f32 v13, v0;
	v2 =	vmax.f32 v3, $0.0e+00  }
0xbc: {  	v1 =	vadd.f32 v2, v1  }
0xbd: {  	v0 =	vmax.f32 v0, $0.0e+00;
	v2 =	vld [tilespmem:s24+$0x11810]  }
0xbe: {  	v0 =	vadd.f32 v0, v1;
	_ =	sdelay $0x1  }
0xbf: {  	v0 =	vmul.f32 $6.250000000e-02, v0  }
.Ltmp0:
0xc0: {  	(pc) =	sbr.rel @p0 .LBB2_2-.Ltmp0, $3  }
0xc1: {  	v0 =	vadd.f32 v0, v2;
	_ =	sdelay $0x1  }
0xc2: {  	s28 =	sshra.s32 s26, $0x2;
	v1 =	vmax.f32 v0, $0.0e+00  }
0xc3: {  	s26 =	sadd.s32 $0x80, s26;
	s25 =	sadd.s32 $0x200, s25;
	v0 =	vld [tilespmem:s28+$0x10800];
	[tilespmem:s24+$0x12810] =	vst v1;
	s24 =	smov.u32 s28  }
0xc4: {  	v1 =	vld [tilespmem:s25+$0xFFFFFF00];
	_ =	sdelay $0x1  }
0xc5: {  	v2 =	vld [tilespmem:s25+$0xFFFFFF20];
	_ =	sdelay $0x1  }
0xc6: {  	v3 =	vld [tilespmem:s25+$0xFFFFFF40]  }
0xc7: {  	v1 =	vadd.f32 v1, v0  }
0xc8: {  	v4 =	vld [tilespmem:s25+$0xFFFFFF60]  }
0xc9: {  	v2 =	vadd.f32 v2, v0;
	v1 =	vmax.f32 v1, $0.0e+00  }
0xca: {  	v5 =	vld [tilespmem:s25+$0xFFFFFF80];
	v1 =	vadd.f32 $0.0e+00, v1  }
0xcb: {  	v3 =	vadd.f32 v3, v0;
	v2 =	vmax.f32 v2, $0.0e+00  }
0xcc: {  	v6 =	vld [tilespmem:s25+$0xFFFFFFA0];
	v1 =	vadd.f32 v2, v1  }
0xcd: {  	v40 =	vadd.f32 v4, v0;
	v39 =	vmax.f32 v3, $0.0e+00  }
0xce: {  	v41 =	vld [tilespmem:s25+$0xFFFFFFC0];
	v1 =	vadd.f32 v39, v1  }
0xcf: {  	v43 =	vadd.f32 v5, v0;
	v42 =	vmax.f32 v40, $0.0e+00  }
0xd0: {  	v44 =	vld [tilespmem:s25+$0xFFFFFFE0];
	v1 =	vadd.f32 v42, v1  }
0xd1: {  	v46 =	vadd.f32 v6, v0;
	v45 =	vmax.f32 v43, $0.0e+00  }
0xd2: {  	v47 =	vld [tilespmem:s25+$0x0];
	v1 =	vadd.f32 v45, v1  }
0xd3: {  	v49 =	vadd.f32 v41, v0;
	v48 =	vmax.f32 v46, $0.0e+00  }
0xd4: {  	v50 =	vld [tilespmem:s25+$0x20];
	v1 =	vadd.f32 v48, v1  }
0xd5: {  	v52 =	vadd.f32 v44, v0;
	v51 =	vmax.f32 v49, $0.0e+00  }
0xd6: {  	v53 =	vld [tilespmem:s25+$0x40];
	v1 =	vadd.f32 v51, v1  }
0xd7: {  	v55 =	vadd.f32 v47, v0;
	v54 =	vmax.f32 v52, $0.0e+00  }
0xd8: {  	v56 =	vld [tilespmem:s25+$0x60];
	v1 =	vadd.f32 v54, v1  }
0xd9: {  	v58 =	vadd.f32 v50, v0;
	v57 =	vmax.f32 v55, $0.0e+00  }
0xda: {  	v59 =	vld [tilespmem:s25+$0x80];
	v1 =	vadd.f32 v57, v1  }
0xdb: {  	v61 =	vadd.f32 v53, v0;
	v60 =	vmax.f32 v58, $0.0e+00  }
0xdc: {  	v62 =	vld [tilespmem:s25+$0xA0];
	v1 =	vadd.f32 v60, v1  }
0xdd: {  	v9 =	vadd.f32 v56, v0;
	v63 =	vmax.f32 v61, $0.0e+00  }
0xde: {  	v10 =	vld [tilespmem:s25+$0xC0];
	v1 =	vadd.f32 v63, v1  }
0xdf: {  	v12 =	vadd.f32 v59, v0;
	v11 =	vmax.f32 v9, $0.0e+00  }
0xe0: {  	v13 =	vld [tilespmem:s25+$0xE0];
	v1 =	vadd.f32 v11, v1  }
0xe1: {  	v15 =	vadd.f32 v62, v0;
	v14 =	vmax.f32 v12, $0.0e+00  }
0xe2: {  	v1 =	vadd.f32 v14, v1  }
0xe3: {  	v17 =	vadd.f32 v10, v0;
	v16 =	vmax.f32 v15, $0.0e+00  }
0xe4: {  	v1 =	vadd.f32 v16, v1  }
0xe5: {  	v19 =	vadd.f32 v13, v0;
	v18 =	vmax.f32 v17, $0.0e+00  }
0xe6: {  	v1 =	vadd.f32 v18, v1  }
0xe7: {  	v20 =	vld [tilespmem:s24+$0x11800];
	v0 =	vmax.f32 v19, $0.0e+00  }
0xe8: {  	v0 =	vadd.f32 v0, v1;
	_ =	sdelay $0x1  }
0xe9: {  	v0 =	vmul.f32 $6.250000000e-02, v0;
	_ =	sdelay $0x1  }
0xea: {  	v0 =	vadd.f32 v0, v20;
	_ =	sdelay $0x1  }
0xeb: {  	v0 =	vmax.f32 v0, $0.0e+00  }
0xec: {  	v21 =	vld [tilespmem:s24+$0x10810];
	[tilespmem:s24+$0x12800] =	vst v0  }
0xed: {  	v22 =	vld [tilespmem:s25+$0xFFFFFF10];
	_ =	sdelay $0x1  }
0xee: {  	v23 =	vld [tilespmem:s25+$0xFFFFFF30];
	_ =	sdelay $0x1  }
0xef: {  	v24 =	vld [tilespmem:s25+$0xFFFFFF50]  }
0xf0: {  	v1 =	vadd.f32 v22, v21  }
0xf1: {  	v25 =	vld [tilespmem:s25+$0xFFFFFF70]  }
0xf2: {  	v2 =	vadd.f32 v23, v21;
	v1 =	vmax.f32 v1, $0.0e+00  }
0xf3: {  	v26 =	vld [tilespmem:s25+$0xFFFFFF90];
	v1 =	vadd.f32 $0.0e+00, v1  }
0xf4: {  	v3 =	vadd.f32 v24, v21;
	v2 =	vmax.f32 v2, $0.0e+00  }
0xf5: {  	v27 =	vld [tilespmem:s25+$0xFFFFFFB0];
	v1 =	vadd.f32 v2, v1  }
0xf6: {  	v29 =	vadd.f32 v25, v21;
	v28 =	vmax.f32 v3, $0.0e+00  }
0xf7: {  	v30 =	vld [tilespmem:s25+$0xFFFFFFD0];
	v1 =	vadd.f32 v28, v1  }
0xf8: {  	v32 =	vadd.f32 v26, v21;
	v31 =	vmax.f32 v29, $0.0e+00  }
0xf9: {  	v33 =	vld [tilespmem:s25+$0xFFFFFFF0];
	v1 =	vadd.f32 v31, v1  }
0xfa: {  	v35 =	vadd.f32 v27, v21;
	v34 =	vmax.f32 v32, $0.0e+00  }
0xfb: {  	v36 =	vld [tilespmem:s25+$0x10];
	v1 =	vadd.f32 v34, v1  }
0xfc: {  	v38 =	vadd.f32 v30, v21;
	v37 =	vmax.f32 v35, $0.0e+00  }
0xfd: {  	v39 =	vld [tilespmem:s25+$0x30];
	v1 =	vadd.f32 v37, v1  }
0xfe: {  	v41 =	vadd.f32 v33, v21;
	v40 =	vmax.f32 v38, $0.0e+00  }
0xff: {  	v42 =	vld [tilespmem:s25+$0x50];
	v1 =	vadd.f32 v40, v1  }
0x100: {  	v44 =	vadd.f32 v36, v21;
	v43 =	vmax.f32 v41, $0.0e+00  }
0x101: {  	v45 =	vld [tilespmem:s25+$0x70];
	v1 =	vadd.f32 v43, v1  }
0x102: {  	v47 =	vadd.f32 v39, v21;
	v46 =	vmax.f32 v44, $0.0e+00  }
0x103: {  	v48 =	vld [tilespmem:s25+$0x90];
	v1 =	vadd.f32 v46, v1  }
0x104: {  	v50 =	vadd.f32 v42, v21;
	v49 =	vmax.f32 v47, $0.0e+00  }
0x105: {  	v51 =	vld [tilespmem:s25+$0xB0];
	v1 =	vadd.f32 v49, v1  }
0x106: {  	v53 =	vadd.f32 v45, v21;
	v52 =	vmax.f32 v50, $0.0e+00  }
0x107: {  	v54 =	vld [tilespmem:s25+$0xD0];
	v1 =	vadd.f32 v52, v1  }
0x108: {  	v56 =	vadd.f32 v48, v21;
	v55 =	vmax.f32 v53, $0.0e+00  }
0x109: {  	v57 =	vld [tilespmem:s25+$0xF0];
	v1 =	vadd.f32 v55, v1  }
0x10a: {  	v59 =	vadd.f32 v51, v21;
	v58 =	vmax.f32 v56, $0.0e+00  }
0x10b: {  	v1 =	vadd.f32 v58, v1  }
0x10c: {  	v61 =	vadd.f32 v54, v21;
	v60 =	vmax.f32 v59, $0.0e+00  }
0x10d: {  	v1 =	vadd.f32 v60, v1  }
0x10e: {  	v0 =	vadd.f32 v57, v21;
	v62 =	vmax.f32 v61, $0.0e+00  }
0x10f: {  	v1 =	vadd.f32 v62, v1  }
0x110: {  	v63 =	vld [tilespmem:s24+$0x11810];
	v0 =	vmax.f32 v0, $0.0e+00  }
0x111: {  	v0 =	vadd.f32 v0, v1;
	_ =	sdelay $0x1  }
0x112: {  	v0 =	vmul.f32 $6.250000000e-02, v0;
	_ =	sdelay $0x1  }
0x113: {  	v0 =	vadd.f32 v0, v63  }
0x114: {  	s23 =	sadd.s32 $0x1, s23  }
0x115: {  	p0 =	sne.s32 s23, s8;
	v0 =	vmax.f32 v0, $0.0e+00  }
.Ltmp1:
0x116: {  	[tilespmem:s24+$0x12810] =	vst v0;
	(pc) =	sbr.rel @p0 .LBB2_1-.Ltmp1, $4  }
0x117: {  	[hbm4b:s7+s2] =	stream.linear.scatter [tilespmem:s22], [sflag:$0x2], $0x1000, $0x38;
	[tilespmem:$0x13800] =	vst v63  }
0x118: {  	_ =	swait.ge [sflag:s9], $0x1000  }
0x119: {  	[sflag:s9] =	ssyncset.done $0x0  }
0x11a: {  	[sflag:s9] =	ssyncadd.s32 $0xFFFFF000  }
0x11b: {  	_ =	sfence.sel $0x180000  }
0x11c: {  	[bflag:$0x0] =	sbarrier.arrive $0xFFFF  }
0x11d: {  	_ =	strace $0x9000004D  }
0x11e: {  	s0 =	stileid.u32;
	[bflag:$0x2] =	sbarrier.arrive $0xFFFF  }
0x11f: {  	p0 =	sne.s32 s0, $0x0;
	s0 =	rddreg [dreg:$0x1]  }
0x120: {  	s0 =	sadd.s32 @!p0 $0x100000, s0  }
0x121: {  	[sflag:s0] =	ssyncadd.tile.s32 @!p0 $0x1;
	_ =	shalt  }
.Lfunc_end2:
_tile_overlayer_lowered:
.L_overlay_start_2:
0x122: {  	(tag) =	ssettag $0x2  }
0x123: {  	s0 =	rddreg [dreg:$0x0];
	s2 =	stileid.u32  }
0x124: {  	s1 =	rddreg [dreg:$0x1];
	p0 =	sne.s32 s2, $0x0  }
0x125: {  	s3 =	rddreg [dreg:$0x2];
	[bflag:$0x3] =	sbarrier.arrive $0xFFFF;
	s2 =	simm.s32 @!p0 $0x1C02  }
0x126: {  	[timem:s3], [sflag:s2] =	dma.local @!p0 [hbm:s0], s1  }
0x127: {  	s0 =	simm.s32 @!p0 $0x2  }
0x128: {  	_ =	swait.ge @!p0 [sflag:s0], s1  }
0x129: {  	s1 =	ssub.s32 @!p0 $0x0, s1;
	[sflag:s0] =	ssyncset.done @!p0 $0x0  }
0x12a: {  	[sflag:s0] =	ssyncadd.s32 @!p0 s1  }
0x12b: {  	[bflag:$0x3] =	sbarrier.arrive $0xFFFF  }
0x12c: {  	_ =	shalt  }

// kernel: kernel.19.cloned.1.call-start
scs
__scs_entry_jumppad:
0x0: {  	(pc) =	sbr.rel $0x88, $3  }
0x1: {  	(tag) =	ssettag $0x0;
	lr =	simm.s32 $0x1  }
0x2: {  	[smem:$0x3F9D] =	sst lr;
	_ =	strace $0xD0000000  }
0x3: {  	_ = 	snop  }
0x4: {  	_ = 	snop  }
0x5: {  	_ = 	snop  }
0x6: {  	_ = 	snop  }
0x7: {  	_ = 	snop  }
__scs_overlays_trampoline_lowered:
0x8: {  	[smem:$0x3FAC] =	sst s0  }
0x9: {  	[smem:$0x3FAD] =	sst s1  }
0xa: {  	[smem:$0x3FAE] =	sst s2  }
0xb: {  	[smem:$0x3FAF] =	sst s3  }
0xc: {  	[smem:$0x3FB0] =	sst s4  }
0xd: {  	[smem:$0x3FB1] =	sst s5  }
0xe: {  	[smem:$0x3FB2] =	sst s6  }
0xf: {  	[smem:$0x3FB3] =	sst s7  }
0x10: {  	[smem:$0x3FB4] =	sst s8  }
0x11: {  	[smem:$0x3FB5] =	sst s9;
	s0 =	simm.s32 @!p0 $0x0  }
0x12: {  	s1 =	sld [smem:$0x3F9B];
	s0 =	simm.s32 @p0 $0x1  }
0x13: {  	[smem:$0x3FB6] =	sst s0;
	s0 =	simm.s32 @!p1 $0x0  }
0x14: {  	s2 =	sld [smem:$0x3F9A];
	s0 =	simm.s32 @p1 $0x1  }
0x15: {  	[smem:$0x3FB7] =	sst s0;
	s0 =	simm.s32 @!p2 $0x0  }
0x16: {  	s3 =	sld [smem:$0x3FDB];
	s0 =	simm.s32 @p2 $0x1  }
0x17: {  	s4 =	simm.s32 $0x1BF5;
	[smem:$0x3FB9] =	sst s0  }
0x18: {  	s0 =	sld [smem:$0x3F9C];
	_ =	swait.ge [sflag:s4], $0x0  }
0x19: {  	s7 =	sld [smem:$0x3F9D]  }
0x1a: {  	s8 =	sadd.s32 $0xFFFFE003, lr  }
0x1b: {  	s9 =	sadd.s32 $0xFFFFFEF7, lr;
	s5 =	simm.s32 $0xFFFFFFFF;
	p2 =	slt.u32 s8, $0xFFFFF086  }
0x1c: {  	p1 =	slt.u32 s9, $0xF7A;
	s5 =	simm.s32 @!p2 $0x0  }
0x1d: {  	s5 =	simm.s32 @p1 $0x1;
	p0 =	seq.s32 s7, s2  }
0x1e: {  	s7 =	smul.u32 @!p0 $0xF7A, s2;
	p2 =	seq.s32 @!p0 s5, $0x0  }
0x1f: {  	s9 =	smul.u32 $0xF7A, s1;
	s8 =	simm.s32 @!p0 $0x1BF5;
	p2 =	por !p2, p0  }
0x20: {  	[sflag:s8] =	ssyncset.s32 @!p0 $0xFFFFF086;
	s6 =	sadd.s32 @!p0 s3, s7;
	s7 =	simm.s32 @!p0 $0x108  }
0x21: {  	s3 =	sadd.s32 s3, s9;
	s6 =	sadd.s32 @!p0 $0x88, s6;
	s7 =	simm.s32 @p2 $0x1082  }
0x22: {  	[simem:s7], [sflag:s8] =	dma.local @!p0 [hbm:s6], $0xF7A  }
0x23: {  	s9 =	sor.u32 $0xD0000000, s2;
	s6 =	simm.s32 $0x108;
	_ =	swait.ge @!p0 [sflag:s8], $0x0  }
0x24: {  	s3 =	sadd.s32 $0x88, s3;
	s6 =	simm.s32 @!p1 $0x1082;
	[sflag:s4] =	ssyncset.s32 $0xFFFFF086  }
0x25: {  	[simem:s6], [sflag:s4] =	dma.local [hbm:s3], $0xF7A  }
0x26: {  	[smem:$0x3F9D] =	sst s1;
	(tag) =	ssettag s2;
	_ =	strace s9  }
0x27: {  	s1 =	sld [smem:$0x3FAD]  }
0x28: {  	s2 =	sld [smem:$0x3FAE]  }
0x29: {  	s4 =	sld [smem:$0x3FB0]  }
0x2a: {  	p0 =	seq.s32 s5, $0x0;
	s5 =	sld [smem:$0x3FB1]  }
0x2b: {  	s6 =	sld [smem:$0x3FB2]  }
0x2c: {  	s7 =	sld [smem:$0x3FB3]  }
0x2d: {  	s3 =	simm.s32 $0x108;
	s8 =	sld [smem:$0x3FB4]  }
0x2e: {  	s3 =	simm.s32 @!p0 $0x1082;
	s9 =	sld [smem:$0x3FB5]  }
0x2f: {  	lr =	sadd.s32 s0, s3;
	s0 =	sld [smem:$0x3FAC]  }
0x30: {  	s3 =	sld [smem:$0x3FAF]  }
0x31: {  	[smem:$0x3FB8] =	sst s10  }
0x32: {  	s10 =	sld [smem:$0x3FB6];
	_ =	sdelay $0x3  }
0x33: {  	p0 =	seq.s32 s10, $0x1;
	s10 =	sld [smem:$0x3FB8];
	_ =	sdelay $0x3  }
0x34: {  	[smem:$0x3FB8] =	sst s10  }
0x35: {  	s10 =	sld [smem:$0x3FB7];
	_ =	sdelay $0x3  }
0x36: {  	p1 =	seq.s32 s10, $0x1;
	s10 =	sld [smem:$0x3FB8];
	_ =	sdelay $0x3  }
0x37: {  	[smem:$0x3FB8] =	sst s10  }
0x38: {  	s10 =	sld [smem:$0x3FB9]  }
0x39: {  	_ = 	snop;
	(pc) =	sbr.ind lr, $3  }
0x3a: {  	_ = 	snop  }
0x3b: {  	_ = 	snop  }
0x3c: {  	p2 =	seq.s32 s10, $0x1;
	s10 =	sld [smem:$0x3FB8]  }
0x3d: {  	_ =	shalt  }
0x3e: {  	_ =	shalt  }
0x3f: {  	_ =	shalt  }
0x40: {  	_ =	shalt  }
0x41: {  	_ =	shalt  }
0x42: {  	_ =	shalt  }
0x43: {  	_ =	shalt  }
0x44: {  	_ =	shalt  }
0x45: {  	_ =	shalt  }
0x46: {  	_ =	shalt  }
0x47: {  	_ =	shalt  }
0x48: {  	_ =	shalt  }
0x49: {  	_ =	shalt  }
0x4a: {  	_ =	shalt  }
0x4b: {  	_ =	shalt  }
0x4c: {  	_ =	shalt  }
0x4d: {  	_ =	shalt  }
0x4e: {  	_ =	shalt  }
0x4f: {  	_ =	shalt  }
0x50: {  	_ =	shalt  }
0x51: {  	_ =	shalt  }
0x52: {  	_ =	shalt  }
0x53: {  	_ =	shalt  }
0x54: {  	_ =	shalt  }
0x55: {  	_ =	shalt  }
0x56: {  	_ =	shalt  }
0x57: {  	_ =	shalt  }
0x58: {  	_ =	shalt  }
0x59: {  	_ =	shalt  }
0x5a: {  	_ =	shalt  }
0x5b: {  	_ =	shalt  }
0x5c: {  	_ =	shalt  }
0x5d: {  	_ =	shalt  }
0x5e: {  	_ =	shalt  }
0x5f: {  	_ =	shalt  }
0x60: {  	_ =	shalt  }
0x61: {  	_ =	shalt  }
0x62: {  	_ =	shalt  }
0x63: {  	_ =	shalt  }
0x64: {  	_ =	shalt  }
0x65: {  	_ =	shalt  }
0x66: {  	_ =	shalt  }
0x67: {  	_ =	shalt  }
0x68: {  	_ =	shalt  }
0x69: {  	_ =	shalt  }
0x6a: {  	_ =	shalt  }
0x6b: {  	_ =	shalt  }
0x6c: {  	_ =	shalt  }
0x6d: {  	_ =	shalt  }
0x6e: {  	_ =	shalt  }
0x6f: {  	_ =	shalt  }
0x70: {  	_ =	shalt  }
0x71: {  	_ =	shalt  }
0x72: {  	_ =	shalt  }
0x73: {  	_ =	shalt  }
0x74: {  	_ =	shalt  }
0x75: {  	_ =	shalt  }
0x76: {  	_ =	shalt  }
0x77: {  	_ =	shalt  }
0x78: {  	_ =	shalt  }
0x79: {  	_ =	shalt  }
0x7a: {  	_ =	shalt  }
0x7b: {  	_ =	shalt  }
0x7c: {  	_ =	shalt  }
0x7d: {  	_ =	shalt  }
0x7e: {  	_ =	shalt  }
0x7f: {  	_ =	shalt  }
0x80: {  	_ =	shalt  }
0x81: {  	_ =	shalt  }
0x82: {  	_ =	shalt  }
0x83: {  	_ =	shalt  }
0x84: {  	_ =	shalt  }
0x85: {  	_ =	shalt  }
0x86: {  	_ =	shalt  }
0x87: {  	_ =	shalt  }
.Lfunc_end0:
.L_simem_size_0:
called_computation.3_lowered:
.L_overlay_start_0:
0x88: {  	s2 =	sld [smem:$0x3FD9]  }
0x89: {  	s3 =	sld [smem:$0x3FFE];
	_ =	sdelay $0x1  }
0x8a: {  	s1 =	srdreg.scid  }
0x8b: {  	s0 =	sand.u32 $0x1, s1  }
0x8c: {  	s17 =	sshll.u32 s0, $0xA;
	s2 =	sadd.s32 s3, s2  }
0x8d: {  	s2 =	sadd.s32 s2, s17  }
0x8e: {  	[smem:$0x3FC4] =	sst s2  }
0x8f: {  	_ = 	snop  }
0x90: {  	s18 =	sld [smem:$0x3FD0];
	(tm) =	ssettm $0x1  }
0x91: {  	s19 =	sld [smem:$0x3FFB];
	_ =	sdelay $0x3  }
0x92: {  	_ =	strace s19  }
0x93: {  	s2 =	sld [smem:$0x3FFC];
	_ =	sdelay $0x3  }
0x94: {  	_ =	strace s2  }
0x95: {  	s2 =	sld [smem:$0x3FFD];
	_ =	sdelay $0x3  }
0x96: {  	_ =	strace s2  }
0x97: {  	_ =	strace $0x8FFFFFFF  }
0x98: {  	s20 =	sld [smem:$0x3FDB];
	_ =	sdelay $0x1  }
0x99: {  	s4 =	simm.s32 $_scs_section_size  }
0x9a: {  	s5 =	simm.s32 $_size__tile_overlayer_lowered;
	s6 =	simm.s32 $_tile_overlayer_lowered  }
0x9b: {  	s7 =	simm.s32 $0x1BFF;
	s21 =	sshll.u32 s6, $0x1;
	s4 =	sadd.s32 s4, s20  }
0x9c: {  	s22 =	simm.s32 $0x0;
	s5 =	sshll.u32 s5, $0x1;
	s6 =	sadd.s32 s21, s4  }
0x9d: {  	[timem:s22], [sflag:s7] =	dma.local [hbm:s6], s5  }
0x9e: {  	_ =	swait.ge [sflag:s7], s5  }
0x9f: {  	s5 =	ssub.s32 $0x0, s5;
	[sflag:s7] =	ssyncset.done $0x0  }
0xa0: {  	[sflag:s7] =	ssyncadd.s32 s5;
	_ =	sdelay $0x1  }
0xa1: {  	s23 =	simm.s32 $0x1B8B  }
0xa2: {  	_ =	swait.ge [sflag:s23], $0x1  }
0xa3: {  	[sflag:s23] =	ssyncset.done $0x0  }
0xa4: {  	[sflag:s23] =	ssyncadd.s32 $0xFFFFFFFF  }
0xa5: {  	s5 =	sld [smem:$0x0]  }
0xa6: {  	s6 =	sand.u32 $0xFFFFFFFE, s1  }
0xa7: {  	p0 =	sne.s32 s1, s6  }
0xa8: {  	s6 =	sshll.u32 @p0 s6, $0xE  }
0xa9: {  	s6 =	sadd.s32 @p0 $0x11B8D, s6;
	s7 =	sshll.u32 @p0 s5, $0x11  }
0xaa: {  	s6 =	sor.u32 @p0 s7, s6  }
0xab: {  	[sflag:s6] =	ssyncadd.remote.s32 @p0 $0x1;
	_ =	sdelay $0x1  }
0xac: {  	s6 =	simm.s32 @p0 $0x1B8D  }
0xad: {  	_ =	swait.eq @p0 [sflag:s6], $0x1  }
0xae: {  	[sflag:s6] =	ssyncadd.s32 @p0 $0xFFFFFFFF  }
0xaf: {  	s7 =	sshll.u32 @!p0 s1, $0xE  }
0xb0: {  	s7 =	sor.u32 @!p0 $0x4000, s7;
	s6 =	simm.s32 @!p0 $0x1B8D  }
0xb1: {  	s5 =	sshll.u32 @!p0 s5, $0x11;
	s7 =	sadd.s32 @!p0 $0x11B8D, s7;
	_ =	swait.eq @!p0 [sflag:s6], $0x1  }
0xb2: {  	s5 =	sor.u32 @!p0 s5, s7;
	[sflag:s6] =	ssyncadd.s32 @!p0 $0xFFFFFFFF  }
0xb3: {  	s25 =	simm.s32 $0x1B8E;
	s24 =	sld [smem:$0x3FFE];
	[sflag:s5] =	ssyncadd.remote.s32 @!p0 $0x1  }
0xb4: {  	s26 =	simm.s32 $execute0_lowered;
	[smem:$0x3FD2] =	sst s25  }
0xb5: {  	s6 =	sshll.u32 s26, $0x1;
	_ =	strace $0x8000004F;
	[dreg:$0x1] =	wrdreg $0xFFFFFFFF  }
0xb6: {  	s28 =	simm.s32 $_size_execute0_lowered;
	s4 =	sadd.s32 s4, s6;
	[dreg:$0x0] =	wrdreg $0x0  }
0xb7: {  	s6 =	sshll.u32 s28, $0x1;
	[dreg:$0x2] =	wrdreg s4  }
0xb8: {  	[dreg:$0x3] =	wrdreg s6  }
0xb9: {  	[dreg:$0x4] =	wrdreg $0xC0  }
0xba: {  	_ =	task [dreg:s22], $0x5FFFF  }
0xbb: {  	[dreg:$0x1] =	wrdreg $0xFFFFFFFF  }
0xbc: {  	[dreg:$0x0] =	wrdreg $0x60  }
0xbd: {  	[dreg:$0x2] =	wrdreg s18  }
0xbe: {  	[dreg:$0x3] =	wrdreg s24  }
0xbf: {  	[dreg:$0x4] =	wrdreg $0xC  }
0xc0: {  	_ =	task.clear_ibuf [dreg:s22], $0x5FFFF;
	_ =	strace $0x9000004F  }
0xc1: {  	s29 =	simm.s32 $0xC;
	_ =	strace $0x80000051  }
0xc2: {  	_ =	swait.ge [sflag:s29], $0x1  }
0xc3: {  	[sflag:s29] =	ssyncadd.s32 $0xFFFFFFFF  }
0xc4: {  	_ =	strace $0x90000051  }
0xc5: {  	_ =	sfence  }
0xc6: {  	s30 =	sld [smem:$0x0];
	_ =	sdelay $0x2  }
0xc7: {  	s31 =	sshll.u32 s1, $0xD;
	s1 =	sshrl.u32 s1, $0x2  }
0xc8: {  	s4 =	sand.u32 $0x4000, s31;
	s1 =	sadd.s32 s1, s30  }
0xc9: {  	s0 =	sor.u32 s4, s0;
	s1 =	sshll.u32 s1, $0x11  }
0xca: {  	s0 =	sor.u32 s1, s0  }
0xcb: {  	s0 =	sadd.s32 $0x8F2B, s0  }
0xcc: {  	[sflag:s0] =	ssyncadd.remote.s32 $0x1  }
0xcd: {  	_ =	sfence.sel $0xFFFF  }
0xce: {  	[dreg:$0x0] =	wrdreg $0xFFFFFFFF;
	(pc) =	sbr.abs _section_cstart, $3  }
0xcf: {  	[dreg:$0x1] =	wrdreg $0xFFFFFFFF  }
0xd0: {  	_ =	task.clear_ibuf [dreg:s22], $0x2FFFF;
	_ =	strace $0x9FFFFFFF  }
0xd1: {  	(tm) =	ssettm $0x7FFFFFFF  }
tec
execute0_lowered:
.L_overlay_start_1:
0x0: {  	(tag) =	ssettag $0x1  }
0x1: {  	s1 =	rddreg [dreg:$0x0]  }
0x2: {  	s0 =	rddreg [dreg:$0x1];
	s2 =	srdreg.scid;
	s3 =	simm.s32 $0x0  }
0x3: {  	s4 =	stileid.u32;
	s9 =	simm.s32 $0x2;
	s10 =	simm.s32 $0x80  }
0x4: {  	s29 =	simm.s32 $0x9800;
	s30 =	simm.s32 $0x500;
	s31 =	simm.s32 $0xA800  }
0x5: {  	s11 =	simm.s32 $0x600;
	s12 =	simm.s32 $0xC800;
	s13 =	simm.s32 $0x680  }
0x6: {  	s14 =	simm.s32 $0xD800;
	s15 =	simm.s32 $0x700;
	s16 =	simm.s32 $0xE800  }
0x7: {  	s17 =	simm.s32 $0x780;
	s18 =	simm.s32 $0xF800;
	s19 =	simm.s32 $0x10800  }
0x8: {  	s20 =	simm.s32 $0x11800;
	s21 =	simm.s32 $0x1;
	s22 =	simm.s32 $0x12800  }
0x9: {  	s23 =	simm.s32 $0x0;
	s2 =	sand.u32 $0x1, s2;
	[smem:$0x7FF] =	sst s3  }
0xa: {  	s4 =	sshll.u32 s4, $0x8;
	s5 =	sshll.u32 s2, $0x7;
	s2 =	ssub.s32 $0x2, s2  }
0xb: {  	_ =	strace $0x80000050;
	s4 =	sor.u32 s5, s4;
	s6 =	sshrl.u32 s2, $0x1  }
0xc: {  	s5 =	sshll.u32 s4, $0x1;
	s4 =	sshll.u32 s4, $0x2;
	s2 =	ssub.s32 s2, s6  }
0xd: {  	s5 =	sadd.s32 s5, s0;
	s0 =	sadd.s32 s4, s0;
	s8 =	smax.u32 s2, $0x1  }
0xe: {  	s2 =	simm.s32 $0xB800;
	s4 =	sadd.s32 $0x40800, s5;
	s5 =	sadd.s32 $0x3C800, s0  }
0xf: {  	s6 =	sadd.s32 $0x38800, s0;
	s7 =	sadd.s32 $0x42800, s0;
	s0 =	simm.s32 $0x580  }
.LBB2_1:
0x10: {  	[tilespmem:s3], [sflag:$0x2] =	stream.linear.gather [hbm4b:s4+s3], $0x800, $0x38;
	[tilespmem:$0x13800] =	vst v63  }
0x11: {  	_ =	swait.ge [sflag:s9], $0x800  }
0x12: {  	[sflag:s9] =	ssyncset.done $0x0  }
0x13: {  	s24 =	simm.s32 $0x800;
	[sflag:s9] =	ssyncadd.s32 $0xFFFFF800  }
0x14: {  	[tilespmem:s24], [sflag:$0x1] =	stream.indirect.gather [hbm4b:s1+s10], $0x20, s3, s10, $0xb8;
	[tilespmem:$0x13800] =	vst v63  }
0x15: {  	s26 =	simm.s32 $0x1800  }
0x16: {  	[tilespmem:s26], [sflag:$0x1] =	stream.indirect.gather [hbm4b:s1+s10], $0x20, s10, s10, $0xb8;
	[tilespmem:$0x13800] =	vst v63  }
0x17: {  	s28 =	simm.s32 $0x100;
	s25 =	simm.s32 $0x2800  }
0x18: {  	[tilespmem:s25], [sflag:$0x1] =	stream.indirect.gather [hbm4b:s1+s10], $0x20, s28, s10, $0xb8;
	[tilespmem:$0x13800] =	vst v63  }
0x19: {  	s26 =	simm.s32 $0x180;
	s28 =	simm.s32 $0x3800  }
0x1a: {  	[tilespmem:s28], [sflag:$0x1] =	stream.indirect.gather [hbm4b:s1+s10], $0x20, s26, s10, $0xb8;
	[tilespmem:$0x13800] =	vst v63  }
0x1b: {  	s26 =	simm.s32 $0x200;
	s28 =	simm.s32 $0x4800  }
0x1c: {  	[tilespmem:s28], [sflag:$0x1] =	stream.indirect.gather [hbm4b:s1+s10], $0x20, s26, s10, $0xb8;
	[tilespmem:$0x13800] =	vst v63  }
0x1d: {  	s26 =	simm.s32 $0x280;
	s28 =	simm.s32 $0x5800  }
0x1e: {  	[tilespmem:s28], [sflag:$0x1] =	stream.indirect.gather [hbm4b:s1+s10], $0x20, s26, s10, $0xb8;
	[tilespmem:$0x13800] =	vst v63  }
0x1f: {  	s26 =	simm.s32 $0x300;
	s28 =	simm.s32 $0x6800  }
0x20: {  	[tilespmem:s28], [sflag:$0x1] =	stream.indirect.gather [hbm4b:s1+s10], $0x20, s26, s10, $0xb8;
	[tilespmem:$0x13800] =	vst v63  }
0x21: {  	s26 =	simm.s32 $0x380;
	s28 =	simm.s32 $0x7800  }
0x22: {  	[tilespmem:s28], [sflag:$0x1] =	stream.indirect.gather [hbm4b:s1+s10], $0x20, s26, s10, $0xb8;
	[tilespmem:$0x13800] =	vst v63  }
0x23: {  	s25 =	simm.s32 $0x400;
	s26 =	simm.s32 $0x8800  }
0x24: {  	[tilespmem:s26], [sflag:$0x1] =	stream.indirect.gather [hbm4b:s1+s10], $0x20, s25, s10, $0xb8;
	[tilespmem:$0x13800] =	vst v63  }
0x25: {  	s28 =	simm.s32 $0x480  }
0x26: {  	[tilespmem:s29], [sflag:$0x1] =	stream.indirect.gather [hbm4b:s1+s10], $0x20, s28, s10, $0xb8;
	[tilespmem:$0x13800] =	vst v63  }
0x27: {  	_ = 	snop  }
0x28: {  	[tilespmem:s31], [sflag:$0x1] =	stream.indirect.gather [hbm4b:s1+s10], $0x20, s30, s10, $0xb8;
	[tilespmem:$0x13800] =	vst v63  }
0x29: {  	_ = 	snop  }
0x2a: {  	[tilespmem:s2], [sflag:$0x1] =	stream.indirect.gather [hbm4b:s1+s10], $0x20, s0, s10, $0xb8;
	[tilespmem:$0x13800] =	vst v63  }
0x2b: {  	_ = 	snop  }
0x2c: {  	[tilespmem:s12], [sflag:$0x1] =	stream.indirect.gather [hbm4b:s1+s10], $0x20, s11, s10, $0xb8;
	[tilespmem:$0x13800] =	vst v63  }
0x2d: {  	_ = 	snop  }
0x2e: {  	[tilespmem:s14], [sflag:$0x1] =	stream.indirect.gather [hbm4b:s1+s10], $0x20, s13, s10, $0xb8;
	[tilespmem:$0x13800] =	vst v63  }
0x2f: {  	_ = 	snop  }
0x30: {  	[tilespmem:s16], [sflag:$0x1] =	stream.indirect.gather [hbm4b:s1+s10], $0x20, s15, s10, $0xb8;
	[tilespmem:$0x13800] =	vst v63  }
0x31: {  	_ = 	snop  }
0x32: {  	[tilespmem:s18], [sflag:$0x1] =	stream.indirect.gather [hbm4b:s1+s10], $0x20, s17, s10, $0xb8;
	[tilespmem:$0x13800] =	vst v63  }
0x33: {  	_ = 	snop  }
0x34: {  	[tilespmem:s19], [sflag:$0x2] =	stream.linear.gather [hbm4b:s5+s3], $0x1000, $0x38;
	[tilespmem:$0x13800] =	vst v63  }
0x35: {  	_ =	swait.ge [sflag:s9], $0x1000  }
0x36: {  	[sflag:s9] =	ssyncset.done $0x0  }
0x37: {  	[sflag:s9] =	ssyncadd.s32 $0xFFFFF000  }
0x38: {  	[tilespmem:s20], [sflag:$0x2] =	stream.linear.gather [hbm4b:s6+s3], $0x1000, $0x38;
	[tilespmem:$0x13800] =	vst v63  }
0x39: {  	_ =	swait.ge [sflag:s9], $0x1000  }
0x3a: {  	[sflag:s9] =	ssyncset.done $0x0  }
0x3b: {  	[sflag:s9] =	ssyncadd.s32 $0xFFFFF000  }
0x3c: {  	_ =	swait.ge [sflag:s21], $0x1000  }
0x3d: {  	[sflag:s21] =	ssyncset.done $0x0  }
0x3e: {  	[sflag:s21] =	ssyncadd.s32 $0xFFFFF000  }
0x3f: {  	_ =	swait.ge [sflag:s21], $0x1000  }
0x40: {  	[sflag:s21] =	ssyncset.done $0x0  }
0x41: {  	[sflag:s21] =	ssyncadd.s32 $0xFFFFF000  }
0x42: {  	_ =	swait.ge [sflag:s21], $0x1000  }
0x43: {  	[sflag:s21] =	ssyncset.done $0x0  }
0x44: {  	[sflag:s21] =	ssyncadd.s32 $0xFFFFF000  }
0x45: {  	_ =	swait.ge [sflag:s21], $0x1000  }
0x46: {  	[sflag:s21] =	ssyncset.done $0x0  }
0x47: {  	[sflag:s21] =	ssyncadd.s32 $0xFFFFF000  }
0x48: {  	_ =	swait.ge [sflag:s21], $0x1000  }
0x49: {  	[sflag:s21] =	ssyncset.done $0x0  }
0x4a: {  	[sflag:s21] =	ssyncadd.s32 $0xFFFFF000  }
0x4b: {  	_ =	swait.ge [sflag:s21], $0x1000  }
0x4c: {  	[sflag:s21] =	ssyncset.done $0x0  }
0x4d: {  	[sflag:s21] =	ssyncadd.s32 $0xFFFFF000  }
0x4e: {  	_ =	swait.ge [sflag:s21], $0x1000  }
0x4f: {  	[sflag:s21] =	ssyncset.done $0x0  }
0x50: {  	[sflag:s21] =	ssyncadd.s32 $0xFFFFF000  }
0x51: {  	_ =	swait.ge [sflag:s21], $0x1000  }
0x52: {  	[sflag:s21] =	ssyncset.done $0x0  }
0x53: {  	[sflag:s21] =	ssyncadd.s32 $0xFFFFF000  }
0x54: {  	_ =	swait.ge [sflag:s21], $0x1000  }
0x55: {  	[sflag:s21] =	ssyncset.done $0x0  }
0x56: {  	[sflag:s21] =	ssyncadd.s32 $0xFFFFF000  }
0x57: {  	_ =	swait.ge [sflag:s21], $0x1000  }
0x58: {  	[sflag:s21] =	ssyncset.done $0x0  }
0x59: {  	[sflag:s21] =	ssyncadd.s32 $0xFFFFF000  }
0x5a: {  	_ =	swait.ge [sflag:s21], $0x1000  }
0x5b: {  	[sflag:s21] =	ssyncset.done $0x0  }
0x5c: {  	[sflag:s21] =	ssyncadd.s32 $0xFFFFF000  }
0x5d: {  	_ =	swait.ge [sflag:s21], $0x1000  }
0x5e: {  	[sflag:s21] =	ssyncset.done $0x0  }
0x5f: {  	[sflag:s21] =	ssyncadd.s32 $0xFFFFF000  }
0x60: {  	_ =	swait.ge [sflag:s21], $0x1000  }
0x61: {  	[sflag:s21] =	ssyncset.done $0x0  }
0x62: {  	[sflag:s21] =	ssyncadd.s32 $0xFFFFF000  }
0x63: {  	_ =	swait.ge [sflag:s21], $0x1000  }
0x64: {  	[sflag:s21] =	ssyncset.done $0x0  }
0x65: {  	[sflag:s21] =	ssyncadd.s32 $0xFFFFF000  }
0x66: {  	_ =	swait.ge [sflag:s21], $0x1000  }
0x67: {  	[sflag:s21] =	ssyncset.done $0x0  }
0x68: {  	[sflag:s21] =	ssyncadd.s32 $0xFFFFF000  }
0x69: {  	_ =	swait.ge [sflag:s21], $0x1000  }
0x6a: {  	[sflag:s21] =	ssyncset.done $0x0  }
0x6b: {  	s24 =	simm.s32 $0x0;
	[sflag:s21] =	ssyncadd.s32 $0xFFFFF000  }
0x6c: {  	s25 =	simm.s32 $0x900;
	s26 =	simm.s32 $0x80;
	v0 =	vld [tilespmem:s24+$0x10800]  }
.LBB2_2:
0x6d: {  	p0 =	sne.s32 s26, $0x3F80;
	v1 =	vld [tilespmem:s25+$0xFFFFFF00]  }
0x6e: {  	v2 =	vld [tilespmem:s25+$0xFFFFFF20]  }
0x6f: {  	v3 =	vld [tilespmem:s25+$0xFFFFFF40]  }
0x70: {  	v4 =	vld [tilespmem:s25+$0xFFFFFF60]  }
0x71: {  	v5 =	vld [tilespmem:s25+$0xFFFFFF80]  }
0x72: {  	v1 =	vadd.f32 v1, v0;
	v6 =	vld [tilespmem:s25+$0xFFFFFFA0]  }
0x73: {  	v7 =	vld [tilespmem:s25+$0xFFFFFFC0]  }
0x74: {  	v2 =	vadd.f32 v2, v0;
	v1 =	vmax.f32 v1, $0.0e+00;
	v8 =	vld [tilespmem:s25+$0xFFFFFFE0]  }
0x75: {  	v1 =	vadd.f32 $0.0e+00, v1;
	v9 =	vld [tilespmem:s25+$0x0]  }
0x76: {  	v3 =	vadd.f32 v3, v0;
	v2 =	vmax.f32 v2, $0.0e+00;
	v10 =	vld [tilespmem:s25+$0x20]  }
0x77: {  	v1 =	vadd.f32 v2, v1;
	v2 =	vld [tilespmem:s25+$0x40]  }
0x78: {  	v4 =	vadd.f32 v4, v0;
	v3 =	vmax.f32 v3, $0.0e+00;
	v11 =	vld [tilespmem:s25+$0x60]  }
0x79: {  	v1 =	vadd.f32 v3, v1;
	v3 =	vld [tilespmem:s25+$0x80]  }
0x7a: {  	v5 =	vadd.f32 v5, v0;
	v4 =	vmax.f32 v4, $0.0e+00;
	v12 =	vld [tilespmem:s25+$0xA0]  }
0x7b: {  	v1 =	vadd.f32 v4, v1;
	v4 =	vld [tilespmem:s25+$0xC0]  }
0x7c: {  	v6 =	vadd.f32 v6, v0;
	v5 =	vmax.f32 v5, $0.0e+00;
	v13 =	vld [tilespmem:s25+$0xE0]  }
0x7d: {  	v1 =	vadd.f32 v5, v1  }
0x7e: {  	v5 =	vmax.f32 v6, $0.0e+00;
	v6 =	vadd.f32 v7, v0  }
0x7f: {  	v1 =	vadd.f32 v5, v1  }
0x80: {  	v5 =	vmax.f32 v6, $0.0e+00;
	v6 =	vadd.f32 v8, v0  }
0x81: {  	v1 =	vadd.f32 v5, v1  }
0x82: {  	v5 =	vmax.f32 v6, $0.0e+00;
	v6 =	vadd.f32 v9, v0  }
0x83: {  	v1 =	vadd.f32 v5, v1  }
0x84: {  	v5 =	vmax.f32 v6, $0.0e+00;
	v6 =	vadd.f32 v10, v0  }
0x85: {  	v1 =	vadd.f32 v5, v1  }
0x86: {  	v2 =	vadd.f32 v2, v0;
	v5 =	vmax.f32 v6, $0.0e+00  }
0x87: {  	v1 =	vadd.f32 v5, v1  }
0x88: {  	v2 =	vmax.f32 v2, $0.0e+00;
	v5 =	vadd.f32 v11, v0  }
0x89: {  	v1 =	vadd.f32 v2, v1  }
0x8a: {  	v3 =	vadd.f32 v3, v0;
	v2 =	vmax.f32 v5, $0.0e+00  }
0x8b: {  	v1 =	vadd.f32 v2, v1  }
0x8c: {  	v2 =	vmax.f32 v3, $0.0e+00;
	v3 =	vadd.f32 v12, v0  }
0x8d: {  	v1 =	vadd.f32 v2, v1  }
0x8e: {  	v2 =	vmax.f32 v3, $0.0e+00;
	v3 =	vadd.f32 v4, v0  }
0x8f: {  	v1 =	vadd.f32 v2, v1  }
0x90: {  	v0 =	vadd.f32 v13, v0;
	v2 =	vmax.f32 v3, $0.0e+00  }
0x91: {  	v1 =	vadd.f32 v2, v1  }
0x92: {  	v0 =	vmax.f32 v0, $0.0e+00;
	v2 =	vld [tilespmem:s24+$0x11800]  }
0x93: {  	v0 =	vadd.f32 v0, v1;
	_ =	sdelay $0x1  }
0x94: {  	v0 =	vmul.f32 $6.250000000e-02, v0;
	_ =	sdelay $0x1  }
0x95: {  	v0 =	vadd.f32 v0, v2;
	_ =	sdelay $0x1  }
0x96: {  	v0 =	vmax.f32 v0, $0.0e+00  }
0x97: {  	[tilespmem:s24+$0x12800] =	vst v0;
	v0 =	vld [tilespmem:s24+$0x10810]  }
0x98: {  	v1 =	vld [tilespmem:s25+$0xFFFFFF10]  }
0x99: {  	v2 =	vld [tilespmem:s25+$0xFFFFFF30]  }
0x9a: {  	v3 =	vld [tilespmem:s25+$0xFFFFFF50]  }
0x9b: {  	v4 =	vld [tilespmem:s25+$0xFFFFFF70]  }
0x9c: {  	v5 =	vld [tilespmem:s25+$0xFFFFFF90]  }
0x9d: {  	v1 =	vadd.f32 v1, v0;
	v6 =	vld [tilespmem:s25+$0xFFFFFFB0]  }
0x9e: {  	v7 =	vld [tilespmem:s25+$0xFFFFFFD0]  }
0x9f: {  	v2 =	vadd.f32 v2, v0;
	v1 =	vmax.f32 v1, $0.0e+00;
	v8 =	vld [tilespmem:s25+$0xFFFFFFF0]  }
0xa0: {  	v1 =	vadd.f32 $0.0e+00, v1;
	v9 =	vld [tilespmem:s25+$0x10]  }
0xa1: {  	v3 =	vadd.f32 v3, v0;
	v2 =	vmax.f32 v2, $0.0e+00;
	v10 =	vld [tilespmem:s25+$0x30]  }
0xa2: {  	v1 =	vadd.f32 v2, v1;
	v2 =	vld [tilespmem:s25+$0x50]  }
0xa3: {  	v4 =	vadd.f32 v4, v0;
	v3 =	vmax.f32 v3, $0.0e+00;
	v11 =	vld [tilespmem:s25+$0x70]  }
0xa4: {  	v1 =	vadd.f32 v3, v1;
	v3 =	vld [tilespmem:s25+$0x90]  }
0xa5: {  	v5 =	vadd.f32 v5, v0;
	v4 =	vmax.f32 v4, $0.0e+00;
	v12 =	vld [tilespmem:s25+$0xB0]  }
0xa6: {  	v1 =	vadd.f32 v4, v1;
	v4 =	vld [tilespmem:s25+$0xD0]  }
0xa7: {  	v6 =	vadd.f32 v6, v0;
	v5 =	vmax.f32 v5, $0.0e+00;
	v13 =	vld [tilespmem:s25+$0xF0]  }
0xa8: {  	v1 =	vadd.f32 v5, v1  }
0xa9: {  	v5 =	vmax.f32 v6, $0.0e+00;
	v6 =	vadd.f32 v7, v0  }
0xaa: {  	v1 =	vadd.f32 v5, v1  }
0xab: {  	v5 =	vmax.f32 v6, $0.0e+00;
	v6 =	vadd.f32 v8, v0  }
0xac: {  	v1 =	vadd.f32 v5, v1  }
0xad: {  	v5 =	vmax.f32 v6, $0.0e+00;
	v6 =	vadd.f32 v9, v0  }
0xae: {  	v1 =	vadd.f32 v5, v1  }
0xaf: {  	v5 =	vmax.f32 v6, $0.0e+00;
	v6 =	vadd.f32 v10, v0  }
0xb0: {  	v1 =	vadd.f32 v5, v1  }
0xb1: {  	v2 =	vadd.f32 v2, v0;
	v5 =	vmax.f32 v6, $0.0e+00  }
0xb2: {  	v1 =	vadd.f32 v5, v1  }
0xb3: {  	v2 =	vmax.f32 v2, $0.0e+00;
	v5 =	vadd.f32 v11, v0  }
0xb4: {  	v1 =	vadd.f32 v2, v1  }
0xb5: {  	v3 =	vadd.f32 v3, v0;
	v2 =	vmax.f32 v5, $0.0e+00  }
0xb6: {  	v1 =	vadd.f32 v2, v1  }
0xb7: {  	v2 =	vmax.f32 v3, $0.0e+00;
	v3 =	vadd.f32 v12, v0  }
0xb8: {  	v1 =	vadd.f32 v2, v1  }
0xb9: {  	v2 =	vmax.f32 v3, $0.0e+00;
	v3 =	vadd.f32 v4, v0  }
0xba: {  	v1 =	vadd.f32 v2, v1  }
0xbb: {  	v0 =	vadd.f32 v13, v0;
	v2 =	vmax.f32 v3, $0.0e+00  }
0xbc: {  	v1 =	vadd.f32 v2, v1  }
0xbd: {  	v0 =	vmax.f32 v0, $0.0e+00;
	v2 =	vld [tilespmem:s24+$0x11810]  }
0xbe: {  	v0 =	vadd.f32 v0, v1;
	_ =	sdelay $0x1  }
0xbf: {  	v0 =	vmul.f32 $6.250000000e-02, v0  }
.Ltmp0:
0xc0: {  	(pc) =	sbr.rel @p0 .LBB2_2-.Ltmp0, $3  }
0xc1: {  	v0 =	vadd.f32 v0, v2;
	_ =	sdelay $0x1  }
0xc2: {  	s28 =	sshra.s32 s26, $0x2;
	v1 =	vmax.f32 v0, $0.0e+00  }
0xc3: {  	s26 =	sadd.s32 $0x80, s26;
	s25 =	sadd.s32 $0x200, s25;
	v0 =	vld [tilespmem:s28+$0x10800];
	[tilespmem:s24+$0x12810] =	vst v1;
	s24 =	smov.u32 s28  }
0xc4: {  	v1 =	vld [tilespmem:s25+$0xFFFFFF00];
	_ =	sdelay $0x1  }
0xc5: {  	v2 =	vld [tilespmem:s25+$0xFFFFFF20];
	_ =	sdelay $0x1  }
0xc6: {  	v3 =	vld [tilespmem:s25+$0xFFFFFF40]  }
0xc7: {  	v1 =	vadd.f32 v1, v0  }
0xc8: {  	v4 =	vld [tilespmem:s25+$0xFFFFFF60]  }
0xc9: {  	v2 =	vadd.f32 v2, v0;
	v1 =	vmax.f32 v1, $0.0e+00  }
0xca: {  	v5 =	vld [tilespmem:s25+$0xFFFFFF80];
	v1 =	vadd.f32 $0.0e+00, v1  }
0xcb: {  	v3 =	vadd.f32 v3, v0;
	v2 =	vmax.f32 v2, $0.0e+00  }
0xcc: {  	v6 =	vld [tilespmem:s25+$0xFFFFFFA0];
	v1 =	vadd.f32 v2, v1  }
0xcd: {  	v40 =	vadd.f32 v4, v0;
	v39 =	vmax.f32 v3, $0.0e+00  }
0xce: {  	v41 =	vld [tilespmem:s25+$0xFFFFFFC0];
	v1 =	vadd.f32 v39, v1  }
0xcf: {  	v43 =	vadd.f32 v5, v0;
	v42 =	vmax.f32 v40, $0.0e+00  }
0xd0: {  	v44 =	vld [tilespmem:s25+$0xFFFFFFE0];
	v1 =	vadd.f32 v42, v1  }
0xd1: {  	v46 =	vadd.f32 v6, v0;
	v45 =	vmax.f32 v43, $0.0e+00  }
0xd2: {  	v47 =	vld [tilespmem:s25+$0x0];
	v1 =	vadd.f32 v45, v1  }
0xd3: {  	v49 =	vadd.f32 v41, v0;
	v48 =	vmax.f32 v46, $0.0e+00  }
0xd4: {  	v50 =	vld [tilespmem:s25+$0x20];
	v1 =	vadd.f32 v48, v1  }
0xd5: {  	v52 =	vadd.f32 v44, v0;
	v51 =	vmax.f32 v49, $0.0e+00  }
0xd6: {  	v53 =	vld [tilespmem:s25+$0x40];
	v1 =	vadd.f32 v51, v1  }
0xd7: {  	v55 =	vadd.f32 v47, v0;
	v54 =	vmax.f32 v52, $0.0e+00  }
0xd8: {  	v56 =	vld [tilespmem:s25+$0x60];
	v1 =	vadd.f32 v54, v1  }
0xd9: {  	v58 =	vadd.f32 v50, v0;
	v57 =	vmax.f32 v55, $0.0e+00  }
0xda: {  	v59 =	vld [tilespmem:s25+$0x80];
	v1 =	vadd.f32 v57, v1  }
0xdb: {  	v61 =	vadd.f32 v53, v0;
	v60 =	vmax.f32 v58, $0.0e+00  }
0xdc: {  	v62 =	vld [tilespmem:s25+$0xA0];
	v1 =	vadd.f32 v60, v1  }
0xdd: {  	v9 =	vadd.f32 v56, v0;
	v63 =	vmax.f32 v61, $0.0e+00  }
0xde: {  	v10 =	vld [tilespmem:s25+$0xC0];
	v1 =	vadd.f32 v63, v1  }
0xdf: {  	v12 =	vadd.f32 v59, v0;
	v11 =	vmax.f32 v9, $0.0e+00  }
0xe0: {  	v13 =	vld [tilespmem:s25+$0xE0];
	v1 =	vadd.f32 v11, v1  }
0xe1: {  	v15 =	vadd.f32 v62, v0;
	v14 =	vmax.f32 v12, $0.0e+00  }
0xe2: {  	v1 =	vadd.f32 v14, v1  }
0xe3: {  	v17 =	vadd.f32 v10, v0;
	v16 =	vmax.f32 v15, $0.0e+00  }
0xe4: {  	v1 =	vadd.f32 v16, v1  }
0xe5: {  	v19 =	vadd.f32 v13, v0;
	v18 =	vmax.f32 v17, $0.0e+00  }
0xe6: {  	v1 =	vadd.f32 v18, v1  }
0xe7: {  	v20 =	vld [tilespmem:s24+$0x11800];
	v0 =	vmax.f32 v19, $0.0e+00  }
0xe8: {  	v0 =	vadd.f32 v0, v1;
	_ =	sdelay $0x1  }
0xe9: {  	v0 =	vmul.f32 $6.250000000e-02, v0;
	_ =	sdelay $0x1  }
0xea: {  	v0 =	vadd.f32 v0, v20;
	_ =	sdelay $0x1  }
0xeb: {  	v0 =	vmax.f32 v0, $0.0e+00  }
0xec: {  	v21 =	vld [tilespmem:s24+$0x10810];
	[tilespmem:s24+$0x12800] =	vst v0  }
0xed: {  	v22 =	vld [tilespmem:s25+$0xFFFFFF10];
	_ =	sdelay $0x1  }
0xee: {  	v23 =	vld [tilespmem:s25+$0xFFFFFF30];
	_ =	sdelay $0x1  }
0xef: {  	v24 =	vld [tilespmem:s25+$0xFFFFFF50]  }
0xf0: {  	v1 =	vadd.f32 v22, v21  }
0xf1: {  	v25 =	vld [tilespmem:s25+$0xFFFFFF70]  }
0xf2: {  	v2 =	vadd.f32 v23, v21;
	v1 =	vmax.f32 v1, $0.0e+00  }
0xf3: {  	v26 =	vld [tilespmem:s25+$0xFFFFFF90];
	v1 =	vadd.f32 $0.0e+00, v1  }
0xf4: {  	v3 =	vadd.f32 v24, v21;
	v2 =	vmax.f32 v2, $0.0e+00  }
0xf5: {  	v27 =	vld [tilespmem:s25+$0xFFFFFFB0];
	v1 =	vadd.f32 v2, v1  }
0xf6: {  	v29 =	vadd.f32 v25, v21;
	v28 =	vmax.f32 v3, $0.0e+00  }
0xf7: {  	v30 =	vld [tilespmem:s25+$0xFFFFFFD0];
	v1 =	vadd.f32 v28, v1  }
0xf8: {  	v32 =	vadd.f32 v26, v21;
	v31 =	vmax.f32 v29, $0.0e+00  }
0xf9: {  	v33 =	vld [tilespmem:s25+$0xFFFFFFF0];
	v1 =	vadd.f32 v31, v1  }
0xfa: {  	v35 =	vadd.f32 v27, v21;
	v34 =	vmax.f32 v32, $0.0e+00  }
0xfb: {  	v36 =	vld [tilespmem:s25+$0x10];
	v1 =	vadd.f32 v34, v1  }
0xfc: {  	v38 =	vadd.f32 v30, v21;
	v37 =	vmax.f32 v35, $0.0e+00  }
0xfd: {  	v39 =	vld [tilespmem:s25+$0x30];
	v1 =	vadd.f32 v37, v1  }
0xfe: {  	v41 =	vadd.f32 v33, v21;
	v40 =	vmax.f32 v38, $0.0e+00  }
0xff: {  	v42 =	vld [tilespmem:s25+$0x50];
	v1 =	vadd.f32 v40, v1  }
0x100: {  	v44 =	vadd.f32 v36, v21;
	v43 =	vmax.f32 v41, $0.0e+00  }
0x101: {  	v45 =	vld [tilespmem:s25+$0x70];
	v1 =	vadd.f32 v43, v1  }
0x102: {  	v47 =	vadd.f32 v39, v21;
	v46 =	vmax.f32 v44, $0.0e+00  }
0x103: {  	v48 =	vld [tilespmem:s25+$0x90];
	v1 =	vadd.f32 v46, v1  }
0x104: {  	v50 =	vadd.f32 v42, v21;
	v49 =	vmax.f32 v47, $0.0e+00  }
0x105: {  	v51 =	vld [tilespmem:s25+$0xB0];
	v1 =	vadd.f32 v49, v1  }
0x106: {  	v53 =	vadd.f32 v45, v21;
	v52 =	vmax.f32 v50, $0.0e+00  }
0x107: {  	v54 =	vld [tilespmem:s25+$0xD0];
	v1 =	vadd.f32 v52, v1  }
0x108: {  	v56 =	vadd.f32 v48, v21;
	v55 =	vmax.f32 v53, $0.0e+00  }
0x109: {  	v57 =	vld [tilespmem:s25+$0xF0];
	v1 =	vadd.f32 v55, v1  }
0x10a: {  	v59 =	vadd.f32 v51, v21;
	v58 =	vmax.f32 v56, $0.0e+00  }
0x10b: {  	v1 =	vadd.f32 v58, v1  }
0x10c: {  	v61 =	vadd.f32 v54, v21;
	v60 =	vmax.f32 v59, $0.0e+00  }
0x10d: {  	v1 =	vadd.f32 v60, v1  }
0x10e: {  	v0 =	vadd.f32 v57, v21;
	v62 =	vmax.f32 v61, $0.0e+00  }
0x10f: {  	v1 =	vadd.f32 v62, v1  }
0x110: {  	v63 =	vld [tilespmem:s24+$0x11810];
	v0 =	vmax.f32 v0, $0.0e+00  }
0x111: {  	v0 =	vadd.f32 v0, v1;
	_ =	sdelay $0x1  }
0x112: {  	v0 =	vmul.f32 $6.250000000e-02, v0;
	_ =	sdelay $0x1  }
0x113: {  	v0 =	vadd.f32 v0, v63  }
0x114: {  	s23 =	sadd.s32 $0x1, s23  }
0x115: {  	p0 =	sne.s32 s23, s8;
	v0 =	vmax.f32 v0, $0.0e+00  }
.Ltmp1:
0x116: {  	[tilespmem:s24+$0x12810] =	vst v0;
	(pc) =	sbr.rel @p0 .LBB2_1-.Ltmp1, $4  }
0x117: {  	[hbm4b:s7+s3] =	stream.linear.scatter [tilespmem:s22], [sflag:$0x2], $0x1000, $0x38;
	[tilespmem:$0x13800] =	vst v63  }
0x118: {  	_ =	swait.ge [sflag:s9], $0x1000  }
0x119: {  	[sflag:s9] =	ssyncset.done $0x0  }
0x11a: {  	[sflag:s9] =	ssyncadd.s32 $0xFFFFF000  }
0x11b: {  	_ =	sfence.sel $0x180000  }
0x11c: {  	[bflag:$0x0] =	sbarrier.arrive $0xFFFF  }
0x11d: {  	_ =	strace $0x90000050  }
0x11e: {  	s0 =	stileid.u32;
	[bflag:$0x2] =	sbarrier.arrive $0xFFFF  }
0x11f: {  	p0 =	sne.s32 s0, $0x0;
	s0 =	rddreg [dreg:$0x2]  }
0x120: {  	s0 =	sadd.s32 @!p0 $0x100000, s0  }
0x121: {  	[sflag:s0] =	ssyncadd.tile.s32 @!p0 $0x1;
	_ =	shalt  }
.Lfunc_end2:
_tile_overlayer_lowered:
.L_overlay_start_2:
0x122: {  	(tag) =	ssettag $0x2  }
0x123: {  	s0 =	rddreg [dreg:$0x0];
	s2 =	stileid.u32  }
0x124: {  	s1 =	rddreg [dreg:$0x1];
	p0 =	sne.s32 s2, $0x0  }
0x125: {  	s3 =	rddreg [dreg:$0x2];
	[bflag:$0x3] =	sbarrier.arrive $0xFFFF;
	s2 =	simm.s32 @!p0 $0x1C02  }
0x126: {  	[timem:s3], [sflag:s2] =	dma.local @!p0 [hbm:s0], s1  }
0x127: {  	s0 =	simm.s32 @!p0 $0x2  }
0x128: {  	_ =	swait.ge @!p0 [sflag:s0], s1  }
0x129: {  	s1 =	ssub.s32 @!p0 $0x0, s1;
	[sflag:s0] =	ssyncset.done @!p0 $0x0  }
0x12a: {  	[sflag:s0] =	ssyncadd.s32 @!p0 s1  }
0x12b: {  	[bflag:$0x3] =	sbarrier.arrive $0xFFFF  }
0x12c: {  	_ =	shalt  }

</sc_bundles>
